<compile_context>
chip_gen: v7x
topology: tpu7x:2x2x1
jax: 0.10.2.dev20260603
libtpu: 0.0.44.dev20260713+nightly
codegen_flags: <defaults>
</compile_context>

<pallas_src>
import functools

import jax
import jax.numpy as jnp
from jax import lax
from jax.experimental import pallas as pl
from jax.experimental.pallas import tpu as pltpu
from jax.experimental.pallas import tpu_sc as plsc

N1 = 10000
E = 320000
F = 128
K1 = 8000
K2 = 6400
BN_EPS = 1e-5

NC, NS = 2, 16
NW = NC * NS
CH = 128

E_PAD = 323584
EPW = E_PAD // NW
ECH = EPW // CH

S1 = 10112
S2 = 8192
NP1 = 12288
NP2 = 8192
XNEW = 8008
HOUT = 6408

@functools.cache
def _mesh():
    return plsc.VectorSubcoreMesh(
        core_axis_name="c", subcore_axis_name="s", num_cores=NC, num_subcores=NS)


def _wid():
    return lax.axis_index("c") * NS + lax.axis_index("s")


def _fill_ones(ref):
    for t in range(CH // 16):
        ref[pl.ds(t * 16, 16)] = jnp.full((16,), 1.0, jnp.float32)



def _make_sc_deg(s_rows):
    wb = s_rows // NS

    @functools.partial(
        pl.kernel,
        out_type=jax.ShapeDtypeStruct((NC * s_rows,), jnp.float32),
        mesh=_mesh(),
        scratch_types=[
            pltpu.VMEM((CH,), jnp.int32),
            pltpu.VMEM((CH,), jnp.float32),
            pltpu.VMEM(((wb + 15) // 16 * 16,), jnp.float32),
            pltpu.VMEM_SHARED((s_rows,), jnp.float32),
        ],
    )
    def k(dst_hbm, out_hbm, didx, ones, stage, acc):
        c = lax.axis_index("c")
        s = lax.axis_index("s")
        _fill_ones(ones)
        for t in range((wb + 15) // 16):
            stage[pl.ds(t * 16, 16)] = jnp.zeros((16,), jnp.float32)
        pltpu.sync_copy(stage.at[pl.ds(0, wb)], acc.at[pl.ds(s * wb, wb)])
        plsc.subcore_barrier()
        base = _wid() * EPW

        def body(j, carry):
            off = base + j * CH
            pltpu.sync_copy(dst_hbm.at[pl.ds(off, CH)], didx)
            pltpu.sync_copy(ones, acc.at[didx], add=True)
            return carry

        lax.fori_loop(0, ECH, body, 0)
        plsc.subcore_barrier()
        pltpu.sync_copy(acc.at[pl.ds(s * wb, wb)], stage.at[pl.ds(0, wb)])
        pltpu.sync_copy(stage.at[pl.ds(0, wb)],
                        out_hbm.at[pl.ds(c * s_rows + s * wb, wb)])

    return k


def _make_sc_edge_rows(n_rows, s_rows):
    wb = s_rows // NS

    @functools.partial(
        pl.kernel,
        out_type=jax.ShapeDtypeStruct((NC, s_rows, F), jnp.float32),
        mesh=_mesh(),
        scratch_types=[
            pltpu.VMEM((CH,), jnp.int32),
            pltpu.VMEM((CH,), jnp.int32),
            pltpu.VMEM((CH, F), jnp.float32),
            pltpu.VMEM_SHARED((s_rows, F), jnp.float32),
            pltpu.SemaphoreType.DMA,
        ],
    )
    def k(y_hbm, src_hbm, dst_hbm, zero_hbm, out_hbm, sidx, didx, rows, acc, sem):
        c = lax.axis_index("c")
        s = lax.axis_index("s")
        lo = s * wb
        nfull = wb // CH
        for i in range(nfull):
            pltpu.sync_copy(zero_hbm, acc.at[pl.ds(lo + i * CH, CH), :])
        rem = wb - nfull * CH
        if rem:
            pltpu.sync_copy(zero_hbm.at[pl.ds(0, rem), :],
                            acc.at[pl.ds(lo + nfull * CH, rem), :])
        plsc.subcore_barrier()
        base = _wid() * EPW

        def body(j, carry):
            off = base + j * CH
            pltpu.sync_copy(src_hbm.at[pl.ds(off, CH)], sidx)
            pltpu.sync_copy(dst_hbm.at[pl.ds(off, CH)], didx)
            pltpu.async_copy(y_hbm.at[sidx], rows, sem).wait()
            pltpu.sync_copy(rows, acc.at[didx], add=True)
            return carry

        lax.fori_loop(0, ECH, body, 0)
        plsc.subcore_barrier()
        pltpu.sync_copy(acc.at[pl.ds(s * wb, wb), :],
                        out_hbm.at[c, pl.ds(s * wb, wb), :])

    return k


def _make_sc_edge_scal(n_rows, s_rows):
    wb = s_rows // NS

    @functools.partial(
        pl.kernel,
        out_type=jax.ShapeDtypeStruct((NC * s_rows,), jnp.float32),
        mesh=_mesh(),
        scratch_types=[
            pltpu.VMEM((CH,), jnp.int32),
            pltpu.VMEM((CH,), jnp.int32),
            pltpu.VMEM((CH,), jnp.float32),
            pltpu.VMEM(((wb + 15) // 16 * 16,), jnp.float32),
            pltpu.VMEM_SHARED((s_rows,), jnp.float32),
            pltpu.SemaphoreType.DMA,
        ],
    )
    def k(u_hbm, src_hbm, dst_hbm, out_hbm,
          sidx, didx, vals, stage, acc, sem):
        c = lax.axis_index("c")
        s = lax.axis_index("s")
        for t in range((wb + 15) // 16):
            stage[pl.ds(t * 16, 16)] = jnp.zeros((16,), jnp.float32)
        pltpu.sync_copy(stage.at[pl.ds(0, wb)], acc.at[pl.ds(s * wb, wb)])
        plsc.subcore_barrier()
        base = _wid() * EPW

        def body(j, carry):
            off = base + j * CH
            pltpu.sync_copy(src_hbm.at[pl.ds(off, CH)], sidx)
            pltpu.sync_copy(dst_hbm.at[pl.ds(off, CH)], didx)
            pltpu.async_copy(u_hbm.at[sidx], vals, sem).wait()
            pltpu.sync_copy(vals, acc.at[didx], add=True)
            return carry

        lax.fori_loop(0, ECH, body, 0)
        plsc.subcore_barrier()
        pltpu.sync_copy(acc.at[pl.ds(s * wb, wb)], stage.at[pl.ds(0, wb)])
        pltpu.sync_copy(stage.at[pl.ds(0, wb)],
                        out_hbm.at[pl.ds(c * s_rows + s * wb, wb)])

    return k


def _make_sc_pool_remap():
    wb2 = S2 // NS
    nch = NP1 // NW // CH

    @functools.partial(
        pl.kernel,
        out_type=(
            jax.ShapeDtypeStruct((XNEW, F), jnp.float32),
            jax.ShapeDtypeStruct((E_PAD,), jnp.int32),
            jax.ShapeDtypeStruct((E_PAD,), jnp.int32),
            jax.ShapeDtypeStruct((NC * S2,), jnp.float32),
        ),
        mesh=_mesh(),
        scratch_types=[
            pltpu.VMEM((CH,), jnp.int32),
            pltpu.VMEM((CH,), jnp.int32),
            pltpu.VMEM((CH,), jnp.int32),
            pltpu.VMEM((CH,), jnp.int32),
            pltpu.VMEM((CH,), jnp.int32),
            pltpu.VMEM((CH,), jnp.int32),
            pltpu.VMEM((CH, F), jnp.float32),
            pltpu.VMEM((CH,), jnp.float32),
            pltpu.VMEM((wb2,), jnp.float32),
            pltpu.VMEM_SHARED((S2,), jnp.float32),
            pltpu.SemaphoreType.DMA,
            pltpu.SemaphoreType.DMA,
        ],
    )
    def k(xs_hbm, dpool_hbm, nidx_hbm, src1_hbm, dst1_hbm,
          xnew_hbm, src2_hbm, dst2_hbm, dg_hbm,
          sidx, didx, nrow, ncol, s2b, d2b, rows, ones, stage, acc, sem, sem2):
        c = lax.axis_index("c")
        s = lax.axis_index("s")
        _fill_ones(ones)
        for t in range(wb2 // 16):
            stage[pl.ds(t * 16, 16)] = jnp.zeros((16,), jnp.float32)
        pltpu.sync_copy(stage, acc.at[pl.ds(s * wb2, wb2)])
        plsc.subcore_barrier()
        w = _wid()

        nbase = w * (NP1 // NW)

        def nbody(j, carry):
            off = nbase + j * CH
            pltpu.sync_copy(dpool_hbm.at[pl.ds(off, CH)], didx)
            pltpu.sync_copy(xs_hbm.at[pl.ds(off, CH), :], rows)
            pltpu.async_copy(rows, xnew_hbm.at[didx], sem).wait()
            return carry

        lax.fori_loop(0, nch, nbody, 0)

        base = w * EPW

        def ebody(j, carry):
            off = base + j * CH
            pltpu.sync_copy(src1_hbm.at[pl.ds(off, CH)], sidx)
            pltpu.sync_copy(dst1_hbm.at[pl.ds(off, CH)], didx)
            pltpu.async_copy(nidx_hbm.at[sidx], nrow, sem).wait()
            pltpu.async_copy(nidx_hbm.at[didx], ncol, sem2).wait()
            for t in range(CH // 16):
                dd = pl.ds(t * 16, 16)
                nr = nrow[dd]
                nc2 = ncol[dd]
                ok = (nr >= 0) & (nc2 >= 0)
                s2b[dd] = jnp.where(ok, nr, 0)
                d2b[dd] = jnp.where(ok, nc2, K1)
            pltpu.sync_copy(s2b, src2_hbm.at[pl.ds(off, CH)])
            pltpu.sync_copy(d2b, dst2_hbm.at[pl.ds(off, CH)])
            pltpu.sync_copy(ones, acc.at[d2b], add=True)
            return carry

        lax.fori_loop(0, ECH, ebody, 0)
        plsc.subcore_barrier()
        pltpu.sync_copy(acc.at[pl.ds(s * wb2, wb2)], stage)
        pltpu.sync_copy(stage, dg_hbm.at[pl.ds(c * S2 + s * wb2, wb2)])

    return k


def _make_sc_pool(np_dom, out_rows):
    nch = np_dom // NW // CH

    @functools.partial(
        pl.kernel,
        out_type=jax.ShapeDtypeStruct((out_rows, F), jnp.float32),
        mesh=_mesh(),
        scratch_types=[
            pltpu.VMEM((CH,), jnp.int32),
            pltpu.VMEM((CH, F), jnp.float32),
            pltpu.SemaphoreType.DMA,
        ],
    )
    def k(xs_hbm, dpool_hbm, out_hbm, didx, rows, sem):
        base = _wid() * (np_dom // NW)

        def body(j, carry):
            off = base + j * CH
            pltpu.sync_copy(dpool_hbm.at[pl.ds(off, CH)], didx)
            pltpu.sync_copy(xs_hbm.at[pl.ds(off, CH), :], rows)
            pltpu.async_copy(rows, out_hbm.at[didx], sem).wait()
            return carry

        lax.fori_loop(0, nch, body, 0)

    return k



def _tc_dense(x, W, degT, n):

    def body(x_ref, w_ref, d_ref, y_ref, dinv_ref):
        p = d_ref[...]
        dinv = lax.rsqrt(p[:, 0:1] + p[:, 1:2] + 1.0)
        y_ref[...] = jnp.dot(x_ref[...], w_ref[...],
                             preferred_element_type=jnp.float32,
                             precision=lax.Precision.HIGHEST) * dinv
        dinv_ref[...] = dinv

    return pl.pallas_call(
        body,
        grid=(1,),
        in_specs=[
            pl.BlockSpec((n, F), lambda i: (0, 0)),
            pl.BlockSpec((F, F), lambda i: (0, 0)),
            pl.BlockSpec((n, 2), lambda i: (0, 0)),
        ],
        out_specs=[
            pl.BlockSpec((n, F), lambda i: (0, 0)),
            pl.BlockSpec((n, 1), lambda i: (0, 0)),
        ],
        out_shape=[
            jax.ShapeDtypeStruct((n, F), jnp.float32),
            jax.ShapeDtypeStruct((n, 1), jnp.float32),
        ],
    )(x, W, degT)


def _tc_bn(sp, y, dinv, b, g, be, a, pw, n, s_rows):

    def body(sp_ref, y_ref, dv_ref, b_ref, g_ref, be_ref, a_ref, pw_ref,
             hp_ref, u_ref):
        S = sp_ref[0] + sp_ref[1]
        h = (S + y_ref[...]) * dv_ref[...] + b_ref[...]
        mu = jnp.mean(h, axis=0, keepdims=True)
        xc = h - mu
        var = jnp.mean(xc * xc, axis=0, keepdims=True)
        hb = g_ref[...] * xc * lax.rsqrt(var + BN_EPS) + be_ref[...]
        hp = jnp.where(hb >= 0.0, hb, a_ref[...] * hb)
        hp_ref[...] = hp
        u_ref[...] = jnp.dot(hp, pw_ref[...],
                             preferred_element_type=jnp.float32) * dv_ref[...]

    return pl.pallas_call(
        body,
        grid=(1,),
        in_specs=[
            pl.BlockSpec((NC, n, F), lambda i: (0, 0, 0)),
            pl.BlockSpec((n, F), lambda i: (0, 0)),
            pl.BlockSpec((n, 1), lambda i: (0, 0)),
            pl.BlockSpec((1, F), lambda i: (0, 0)),
            pl.BlockSpec((1, F), lambda i: (0, 0)),
            pl.BlockSpec((1, F), lambda i: (0, 0)),
            pl.BlockSpec((1, 1), lambda i: (0, 0)),
            pl.BlockSpec((F, 1), lambda i: (0, 0)),
        ],
        out_specs=[
            pl.BlockSpec((n, F), lambda i: (0, 0)),
            pl.BlockSpec((n, 1), lambda i: (0, 0)),
        ],
        out_shape=[
            jax.ShapeDtypeStruct((n, F), jnp.float32),
            jax.ShapeDtypeStruct((n, 1), jnp.float32),
        ],
    )(sp, y, dinv, b, g, be, a, pw)


def _tc_rank(ssT, u_col, dinv_col, ssR, u_row, dinv_row, pb, hp, n, k, trash,
             s_rows):
    B = 256
    grid = (n + B - 1) // B

    def body(ssT_ref, u_ref, dv_ref, ssR_ref, uR_ref, dvR_ref, pb_ref, hp_ref,
             xs_ref, ni_ref, dp_ref):
        bi = pl.program_id(0)
        s_col = (ssT_ref[:, 0:1] + ssT_ref[:, 1:2] + u_ref[...]) * dv_ref[...] \
            + pb_ref[...]
        s_row = (ssR_ref[0:1, 0:n] + ssR_ref[1:2, 0:n] + uR_ref[...]) \
            * dvR_ref[...] + pb_ref[...]
        gt = s_row > s_col
        eq = s_row == s_col
        jj = lax.broadcasted_iota(jnp.int32, (1, n), 1)
        ii = bi * B + lax.broadcasted_iota(jnp.int32, (B, 1), 0)
        beat = (gt | (eq & (jj < ii))).astype(jnp.int32)
        rank = jnp.sum(beat, axis=1, keepdims=True)
        keep = rank < k
        ni_ref[...] = jnp.where(keep, rank, -1)
        dp_ref[...] = jnp.where(keep, rank, trash)
        coef = jnp.where(keep, jnp.tanh(s_col), 0.0)
        xs_ref[...] = hp_ref[...] * coef

    return pl.pallas_call(
        body,
        grid=(grid,),
        in_specs=[
            pl.BlockSpec((B, 2), lambda i: (i, 0)),
            pl.BlockSpec((B, 1), lambda i: (i, 0)),
            pl.BlockSpec((B, 1), lambda i: (i, 0)),
            pl.BlockSpec((NC, s_rows), lambda i: (0, 0)),
            pl.BlockSpec((1, n), lambda i: (0, 0)),
            pl.BlockSpec((1, n), lambda i: (0, 0)),
            pl.BlockSpec((1, 1), lambda i: (0, 0)),
            pl.BlockSpec((B, F), lambda i: (i, 0)),
        ],
        out_specs=[
            pl.BlockSpec((B, F), lambda i: (i, 0)),
            pl.BlockSpec((B, 1), lambda i: (i, 0)),
            pl.BlockSpec((B, 1), lambda i: (i, 0)),
        ],
        out_shape=[
            jax.ShapeDtypeStruct((n, F), jnp.float32),
            jax.ShapeDtypeStruct((n, 1), jnp.int32),
            jax.ShapeDtypeStruct((n, 1), jnp.int32),
        ],
    )(ssT, u_col, dinv_col, ssR, u_row, dinv_row, pb, hp)


def _tc_mean(hout):
    def body(h_ref, z_ref):
        z_ref[...] = jnp.mean(h_ref[0:K2, :], axis=0, keepdims=True)

    return pl.pallas_call(
        body,
        grid=(1,),
        in_specs=[pl.BlockSpec((HOUT, F), lambda i: (0, 0))],
        out_specs=pl.BlockSpec((1, F), lambda i: (0, 0)),
        out_shape=jax.ShapeDtypeStruct((1, F), jnp.float32),
    )(hout)



@functools.cache
def _built():
    return {
        "deg1": _make_sc_deg(S1),
        "rows1": _make_sc_edge_rows(N1, S1),
        "rows2": _make_sc_edge_rows(K1, S2),
        "scal1": _make_sc_edge_scal(N1, S1),
        "scal2": _make_sc_edge_scal(K1, S2),
        "pool_remap": _make_sc_pool_remap(),
        "pool2": _make_sc_pool(NP2, HOUT),
    }


def _sc_deg1(*a):
    return _built()["deg1"](*a)


def _sc_edge_rows1(*a):
    return _built()["rows1"](*a)


def _sc_edge_rows2(*a):
    return _built()["rows2"](*a)


def _sc_edge_scal1(*a):
    return _built()["scal1"](*a)


def _sc_edge_scal2(*a):
    return _built()["scal2"](*a)


def _sc_pool_remap(*a):
    return _built()["pool_remap"](*a)


def _sc_pool2(*a):
    return _built()["pool2"](*a)


def kernel(x, edge_index, W1, b1, g1, be1, a1, p1W, p1b,
           W2, b2, g2, be2, a2, p2W, p2b):
    f32 = jnp.float32
    i32 = jnp.int32
    src = edge_index[0]
    dst = edge_index[1]
    pad = E_PAD - E
    src1p = jnp.concatenate([src, jnp.zeros((pad,), i32)])
    dst1p = jnp.concatenate([dst, jnp.full((pad,), N1, i32)])

    zch = jnp.zeros((CH, F), f32)

    b1r = jnp.reshape(b1, (1, F))
    g1r = jnp.reshape(g1, (1, F))
    be1r = jnp.reshape(be1, (1, F))
    a1r = jnp.reshape(a1, (1, 1))
    p1br = jnp.reshape(p1b, (1, 1))
    b2r = jnp.reshape(b2, (1, F))
    g2r = jnp.reshape(g2, (1, F))
    be2r = jnp.reshape(be2, (1, F))
    a2r = jnp.reshape(a2, (1, 1))
    p2br = jnp.reshape(p2b, (1, 1))

    dg1 = jnp.reshape(_sc_deg1(dst1p), (NC, S1))
    y1, dinv1 = _tc_dense(x, W1, jnp.transpose(dg1), N1)
    sp1 = _sc_edge_rows1(y1, src1p, dst1p, zch)
    hp1, u1 = _tc_bn(sp1, y1, dinv1, b1r, g1r, be1r, a1r, p1W, N1, S1)
    ss1 = jnp.reshape(_sc_edge_scal1(jnp.reshape(u1, (N1,)), src1p, dst1p),
                      (NC, S1))
    xs1, ni1, dp1 = _tc_rank(
        jnp.transpose(ss1), u1, dinv1, ss1,
        jnp.reshape(u1, (1, N1)), jnp.reshape(dinv1, (1, N1)),
        p1br, hp1, N1, K1, K1, S1)
    xs1p = jnp.concatenate([xs1, jnp.zeros((NP1 - N1, F), f32)])
    dp1p = jnp.concatenate([jnp.reshape(dp1, (N1,)), jnp.full((NP1 - N1,), K1, i32)])
    ni1p = jnp.concatenate([jnp.reshape(ni1, (N1,)), jnp.full((S1 - N1,), -1, i32)])
    xnewp, src2p, dst2p, dg2f = _sc_pool_remap(
        xs1p, dp1p, ni1p, src1p, dst1p)
    xnew = xnewp[:K1]
    dg2 = jnp.reshape(dg2f, (NC, S2))

    y2, dinv2 = _tc_dense(xnew, W2, jnp.transpose(dg2), K1)
    sp2 = _sc_edge_rows2(y2, src2p, dst2p, zch)
    hp2, u2 = _tc_bn(sp2, y2, dinv2, b2r, g2r, be2r, a2r, p2W, K1, S2)
    ss2 = jnp.reshape(_sc_edge_scal2(jnp.reshape(u2, (K1,)), src2p, dst2p),
                      (NC, S2))
    xs2, _, dp2 = _tc_rank(
        jnp.transpose(ss2), u2, dinv2, ss2,
        jnp.reshape(u2, (1, K1)), jnp.reshape(dinv2, (1, K1)),
        p2br, hp2, K1, K2, K2, S2)
    xs2p = jnp.concatenate([xs2, jnp.zeros((NP2 - K1, F), f32)])
    dp2p = jnp.concatenate([jnp.reshape(dp2, (K1,)), jnp.full((NP2 - K1,), K2, i32)])
    hout = _sc_pool2(xs2p, dp2p)

    h = hout[:K2]
    z = _tc_mean(hout)
    return (h, z)

# --- scband reference (transcript-rebuilt; emitter-appended) ---
"""Pipeline reference for scband-gcnencoder-87557203296803 (READ-ONLY COPY).

The authoritative reference and input builder live on the scoring server;
editing this copy changes nothing except your own understanding.
"""

import jax, jax.numpy as jnp
import numpy as np

N_NODES = 10000
N_EDGES = 320000
NFEAT = 128
NHID = 128
NOUT = 128
RATIO = 0.8
BN_EPS = 1e-5


def gcn_conv(x, src, dst, edge_weight, W, b, num_nodes):
    # PyG GCNConv: add self-loops, symmetric normalization D^-1/2 (A+I) D^-1/2 X W + b
    loop = jnp.arange(num_nodes)
    src_all = jnp.concatenate([src, loop])
    dst_all = jnp.concatenate([dst, loop])
    ew_all = jnp.concatenate([edge_weight, jnp.ones((num_nodes,), x.dtype)])
    deg = jnp.zeros((num_nodes,), x.dtype).at[dst_all].add(ew_all)
    deg_safe = jnp.where(deg > 0, deg, 1.0)
    dinv = jnp.where(deg > 0, jax.lax.rsqrt(deg_safe), 0.0)
    norm = dinv[src_all] * ew_all * dinv[dst_all]
    xw = x @ W
    msg = jnp.take(xw, src_all, axis=0) * norm[:, None]
    out = jnp.zeros((num_nodes, W.shape[1]), x.dtype).at[dst_all].add(msg)
    return out + b


def batch_norm_train(x, gamma, beta):
    mu = jnp.mean(x, axis=0)
    var = jnp.mean((x - mu) ** 2, axis=0)
    return gamma * (x - mu) * jax.lax.rsqrt(var + BN_EPS) + beta


def prelu(x, a):
    return jnp.where(x >= 0, x, a * x)


def sag_pool(x, src, dst, edge_weight, num_nodes, k, Ws, bs):
    # score via GCNConv(in_channels, 1); select top-k nodes; scale by tanh(score);
    # filter_adj done with static shapes: invalid edges are remapped to node 0 with weight 0
    score = gcn_conv(x, src, dst, edge_weight, Ws, bs, num_nodes)[:, 0]
    _, perm = jax.lax.top_k(score, k)
    x_new = jnp.take(x, perm, axis=0) * jnp.tanh(jnp.take(score, perm))[:, None]
    node_idx = jnp.full((num_nodes,), -1, dtype=jnp.int32).at[perm].set(jnp.arange(k, dtype=jnp.int32))
    nrow = jnp.take(node_idx, src)
    ncol = jnp.take(node_idx, dst)
    valid = (nrow >= 0) & (ncol >= 0)
    new_src = jnp.where(valid, nrow, 0)
    new_dst = jnp.where(valid, ncol, 0)
    new_ew = edge_weight * valid.astype(x.dtype)
    return x_new, new_src, new_dst, new_ew


def forward(x, edge_index, W1, b1, g1, be1, a1, p1W, p1b, W2, b2, g2, be2, a2, p2W, p2b):
    n0 = x.shape[0]
    src = edge_index[0]
    dst = edge_index[1]
    ew = jnp.ones((src.shape[0],), x.dtype)
    h = gcn_conv(x, src, dst, ew, W1, b1, n0)
    h = batch_norm_train(h, g1, be1)
    h = prelu(h, a1)
    k1 = int(np.ceil(RATIO * n0))
    h, src, dst, ew = sag_pool(h, src, dst, ew, n0, k1, p1W, p1b)
    # dropout: identity in reference (eval)
    h = gcn_conv(h, src, dst, ew, W2, b2, k1)
    h = batch_norm_train(h, g2, be2)
    h = prelu(h, a2)
    k2 = int(np.ceil(RATIO * k1))
    h, src, dst, ew = sag_pool(h, src, dst, ew, k1, k2, p2W, p2b)
    z = jnp.mean(h, axis=0, keepdims=True)  # global_mean_pool, single graph
    return (h, z)


def setup_inputs(seed: int = 0):
    key = jax.random.key(seed)
    ks = jax.random.split(key, 8)
    x = jax.random.normal(ks[0], (N_NODES, NFEAT), jnp.float32)
    edge_index = jax.random.randint(ks[1], (2, N_EDGES), 0, N_NODES, dtype=jnp.int32)

    def glorot(k, shape):
        lim = float(np.sqrt(6.0 / (shape[0] + shape[1])))
        return jax.random.uniform(k, shape, jnp.float32, -lim, lim)

    return {
        'x': x,
        'edge_index': edge_index,
        'W1': glorot(ks[2], (NFEAT, NHID)),
        'b1': jnp.zeros((NHID,), jnp.float32),
        'g1': jnp.ones((NHID,), jnp.float32),
        'be1': jnp.zeros((NHID,), jnp.float32),
        'a1': jnp.array(0.25, jnp.float32),
        'p1W': glorot(ks[3], (NHID, 1)),
        'p1b': jnp.zeros((1,), jnp.float32),
        'W2': glorot(ks[4], (NHID, NOUT)),
        'b2': jnp.zeros((NOUT,), jnp.float32),
        'g2': jnp.ones((NOUT,), jnp.float32),
        'be2': jnp.zeros((NOUT,), jnp.float32),
        'a2': jnp.array(0.25, jnp.float32),
        'p2W': glorot(ks[5], (NOUT, 1)),
        'p2b': jnp.zeros((1,), jnp.float32),
    }


def reference(x, edge_index, W1, b1, g1, be1, a1, p1W, p1b, W2, b2, g2, be2, a2, p2W, p2b):
    return forward(x, edge_index, W1, b1, g1, be1, a1, p1W, p1b, W2, b2, g2, be2, a2, p2W, p2b)

if __name__ == "__main__":
    import jax
    _d = setup_inputs()
    print(jax.jit(kernel)(*tuple(_d.values())))

</pallas_src>

<mosaic_0001>
#map = affine_map<(d0, d1) -> (0)>
module attributes {stable_mosaic.version = 14 : i64} {
  func.func @k(%arg0: i32, %arg1: i32, %arg2: memref<323584xi32, #tpu.memory_space<hbm>>, %arg3: memref<20224xf32, #tpu.memory_space<hbm>>, %arg4: memref<128xi32, #tpu.memory_space<vmem>>, %arg5: memref<128xf32, #tpu.memory_space<vmem>>, %arg6: memref<640xf32, #tpu.memory_space<vmem>>, %arg7: memref<10112xf32, #tpu.memory_space<vmem_shared>>) attributes {dimension_semantics = [#tpu.dimension_semantics<core_parallel>, #tpu.dimension_semantics<subcore_parallel>], iteration_bounds = array<i64: 2, 16>, scalar_prefetch = 0 : i64, scratch_operands = 4 : i64, tpu.core_type = #tpu.core_type<sc_vector_subcore>, window_params = [{transform_indices = #map}, {transform_indices = #map}]} {
    %broadcast_in_dim3A = arith.constant 1.000000e+00 : f32
    %broadcast_in_dim3A_0 = vector.broadcast %broadcast_in_dim3A : f32 to vector<16xf32>
    %swap3A = arith.constant 0 : index
    %swap3A_1 = tpu.vector_load %arg5[%swap3A] {strides = array<i32>} : memref<128xf32, #tpu.memory_space<vmem>>, vector<16xf32>,
    %swap3A_2 = vector.shape_cast %swap3A_1 : vector<16xf32> to vector<16xf32>
    %swap3A_3 = vector.shape_cast %broadcast_in_dim3A_0 : vector<16xf32> to vector<16xf32>
    tpu.vector_store %arg5[%swap3A], %swap3A_3 {strides = array<i32>} : memref<128xf32, #tpu.memory_space<vmem>>, vector<16xf32>,
    %broadcast_in_dim3A_4 = arith.constant 1.000000e+00 : f32
    %broadcast_in_dim3A_5 = vector.broadcast %broadcast_in_dim3A_4 : f32 to vector<16xf32>
    %swap3A_6 = arith.constant 16 : index
    %swap3A_7 = tpu.vector_load %arg5[%swap3A_6] {strides = array<i32>} : memref<128xf32, #tpu.memory_space<vmem>>, vector<16xf32>,
    %swap3A_8 = vector.shape_cast %swap3A_7 : vector<16xf32> to vector<16xf32>
    %swap3A_9 = vector.shape_cast %broadcast_in_dim3A_5 : vector<16xf32> to vector<16xf32>
    tpu.vector_store %arg5[%swap3A_6], %swap3A_9 {strides = array<i32>} : memref<128xf32, #tpu.memory_space<vmem>>, vector<16xf32>,
    %broadcast_in_dim3A_10 = arith.constant 1.000000e+00 : f32
    %broadcast_in_dim3A_11 = vector.broadcast %broadcast_in_dim3A_10 : f32 to vector<16xf32>
    %swap3A_12 = arith.constant 32 : index
    %swap3A_13 = tpu.vector_load %arg5[%swap3A_12] {strides = array<i32>} : memref<128xf32, #tpu.memory_space<vmem>>, vector<16xf32>,
    %swap3A_14 = vector.shape_cast %swap3A_13 : vector<16xf32> to vector<16xf32>
    %swap3A_15 = vector.shape_cast %broadcast_in_dim3A_11 : vector<16xf32> to vector<16xf32>
    tpu.vector_store %arg5[%swap3A_12], %swap3A_15 {strides = array<i32>} : memref<128xf32, #tpu.memory_space<vmem>>, vector<16xf32>,
    %broadcast_in_dim3A_16 = arith.constant 1.000000e+00 : f32
    %broadcast_in_dim3A_17 = vector.broadcast %broadcast_in_dim3A_16 : f32 to vector<16xf32>
    %swap3A_18 = arith.constant 48 : index
    %swap3A_19 = tpu.vector_load %arg5[%swap3A_18] {strides = array<i32>} : memref<128xf32, #tpu.memory_space<vmem>>, vector<16xf32>,
    %swap3A_20 = vector.shape_cast %swap3A_19 : vector<16xf32> to vector<16xf32>
    %swap3A_21 = vector.shape_cast %broadcast_in_dim3A_17 : vector<16xf32> to vector<16xf32>
    tpu.vector_store %arg5[%swap3A_18], %swap3A_21 {strides = array<i32>} : memref<128xf32, #tpu.memory_space<vmem>>, vector<16xf32>,
    %broadcast_in_dim3A_22 = arith.constant 1.000000e+00 : f32
    %broadcast_in_dim3A_23 = vector.broadcast %broadcast_in_dim3A_22 : f32 to vector<16xf32>
    %swap3A_24 = arith.constant 64 : index
    %swap3A_25 = tpu.vector_load %arg5[%swap3A_24] {strides = array<i32>} : memref<128xf32, #tpu.memory_space<vmem>>, vector<16xf32>,
    %swap3A_26 = vector.shape_cast %swap3A_25 : vector<16xf32> to vector<16xf32>
    %swap3A_27 = vector.shape_cast %broadcast_in_dim3A_23 : vector<16xf32> to vector<16xf32>
    tpu.vector_store %arg5[%swap3A_24], %swap3A_27 {strides = array<i32>} : memref<128xf32, #tpu.memory_space<vmem>>, vector<16xf32>,
    %broadcast_in_dim3A_28 = arith.constant 1.000000e+00 : f32
    %broadcast_in_dim3A_29 = vector.broadcast %broadcast_in_dim3A_28 : f32 to vector<16xf32>
    %swap3A_30 = arith.constant 80 : index
    %swap3A_31 = tpu.vector_load %arg5[%swap3A_30] {strides = array<i32>} : memref<128xf32, #tpu.memory_space<vmem>>, vector<16xf32>,
    %swap3A_32 = vector.shape_cast %swap3A_31 : vector<16xf32> to vector<16xf32>
    %swap3A_33 = vector.shape_cast %broadcast_in_dim3A_29 : vector<16xf32> to vector<16xf32>
    tpu.vector_store %arg5[%swap3A_30], %swap3A_33 {strides = array<i32>} : memref<128xf32, #tpu.memory_space<vmem>>, vector<16xf32>,
    %broadcast_in_dim3A_34 = arith.constant 1.000000e+00 : f32
    %broadcast_in_dim3A_35 = vector.broadcast %broadcast_in_dim3A_34 : f32 to vector<16xf32>
    %swap3A_36 = arith.constant 96 : index
    %swap3A_37 = tpu.vector_load %arg5[%swap3A_36] {strides = array<i32>} : memref<128xf32, #tpu.memory_space<vmem>>, vector<16xf32>,
    %swap3A_38 = vector.shape_cast %swap3A_37 : vector<16xf32> to vector<16xf32>
    %swap3A_39 = vector.shape_cast %broadcast_in_dim3A_35 : vector<16xf32> to vector<16xf32>
    tpu.vector_store %arg5[%swap3A_36], %swap3A_39 {strides = array<i32>} : memref<128xf32, #tpu.memory_space<vmem>>, vector<16xf32>,
    %broadcast_in_dim3A_40 = arith.constant 1.000000e+00 : f32
    %broadcast_in_dim3A_41 = vector.broadcast %broadcast_in_dim3A_40 : f32 to vector<16xf32>
    %swap3A_42 = arith.constant 112 : index
    %swap3A_43 = tpu.vector_load %arg5[%swap3A_42] {strides = array<i32>} : memref<128xf32, #tpu.memory_space<vmem>>, vector<16xf32>,
    %swap3A_44 = vector.shape_cast %swap3A_43 : vector<16xf32> to vector<16xf32>
    %swap3A_45 = vector.shape_cast %broadcast_in_dim3A_41 : vector<16xf32> to vector<16xf32>
    tpu.vector_store %arg5[%swap3A_42], %swap3A_45 {strides = array<i32>} : memref<128xf32, #tpu.memory_space<vmem>>, vector<16xf32>,
    %broadcast_in_dim3A_46 = arith.constant 0.000000e+00 : f32
    %broadcast_in_dim3A_47 = vector.broadcast %broadcast_in_dim3A_46 : f32 to vector<16xf32>
    %swap3A_48 = arith.constant 0 : index
    %swap3A_49 = tpu.vector_load %arg6[%swap3A_48] {strides = array<i32>} : memref<640xf32, #tpu.memory_space<vmem>>, vector<16xf32>,
    %swap3A_50 = vector.shape_cast %swap3A_49 : vector<16xf32> to vector<16xf32>
    %swap3A_51 = vector.shape_cast %broadcast_in_dim3A_47 : vector<16xf32> to vector<16xf32>
    tpu.vector_store %arg6[%swap3A_48], %swap3A_51 {strides = array<i32>} : memref<640xf32, #tpu.memory_space<vmem>>, vector<16xf32>,
    %broadcast_in_dim3A_52 = arith.constant 0.000000e+00 : f32
    %broadcast_in_dim3A_53 = vector.broadcast %broadcast_in_dim3A_52 : f32 to vector<16xf32>
    %swap3A_54 = arith.constant 16 : index
    %swap3A_55 = tpu.vector_load %arg6[%swap3A_54] {strides = array<i32>} : memref<640xf32, #tpu.memory_space<vmem>>, vector<16xf32>,
    %swap3A_56 = vector.shape_cast %swap3A_55 : vector<16xf32> to vector<16xf32>
    %swap3A_57 = vector.shape_cast %broadcast_in_dim3A_53 : vector<16xf32> to vector<16xf32>
    tpu.vector_store %arg6[%swap3A_54], %swap3A_57 {strides = array<i32>} : memref<640xf32, #tpu.memory_space<vmem>>, vector<16xf32>,
    %broadcast_in_dim3A_58 = arith.constant 0.000000e+00 : f32
    %broadcast_in_dim3A_59 = vector.broadcast %broadcast_in_dim3A_58 : f32 to vector<16xf32>
    %swap3A_60 = arith.constant 32 : index
    %swap3A_61 = tpu.vector_load %arg6[%swap3A_60] {strides = array<i32>} : memref<640xf32, #tpu.memory_space<vmem>>, vector<16xf32>,
    %swap3A_62 = vector.shape_cast %swap3A_61 : vector<16xf32> to vector<16xf32>
    %swap3A_63 = vector.shape_cast %broadcast_in_dim3A_59 : vector<16xf32> to vector<16xf32>
    tpu.vector_store %arg6[%swap3A_60], %swap3A_63 {strides = array<i32>} : memref<640xf32, #tpu.memory_space<vmem>>, vector<16xf32>,
    %broadcast_in_dim3A_64 = arith.constant 0.000000e+00 : f32
    %broadcast_in_dim3A_65 = vector.broadcast %broadcast_in_dim3A_64 : f32 to vector<16xf32>
    %swap3A_66 = arith.constant 48 : index
    %swap3A_67 = tpu.vector_load %arg6[%swap3A_66] {strides = array<i32>} : memref<640xf32, #tpu.memory_space<vmem>>, vector<16xf32>,
    %swap3A_68 = vector.shape_cast %swap3A_67 : vector<16xf32> to vector<16xf32>
    %swap3A_69 = vector.shape_cast %broadcast_in_dim3A_65 : vector<16xf32> to vector<16xf32>
    tpu.vector_store %arg6[%swap3A_66], %swap3A_69 {strides = array<i32>} : memref<640xf32, #tpu.memory_space<vmem>>, vector<16xf32>,
    %broadcast_in_dim3A_70 = arith.constant 0.000000e+00 : f32
    %broadcast_in_dim3A_71 = vector.broadcast %broadcast_in_dim3A_70 : f32 to vector<16xf32>
    %swap3A_72 = arith.constant 64 : index
    %swap3A_73 = tpu.vector_load %arg6[%swap3A_72] {strides = array<i32>} : memref<640xf32, #tpu.memory_space<vmem>>, vector<16xf32>,
    %swap3A_74 = vector.shape_cast %swap3A_73 : vector<16xf32> to vector<16xf32>
    %swap3A_75 = vector.shape_cast %broadcast_in_dim3A_71 : vector<16xf32> to vector<16xf32>
    tpu.vector_store %arg6[%swap3A_72], %swap3A_75 {strides = array<i32>} : memref<640xf32, #tpu.memory_space<vmem>>, vector<16xf32>,
    %broadcast_in_dim3A_76 = arith.constant 0.000000e+00 : f32
    %broadcast_in_dim3A_77 = vector.broadcast %broadcast_in_dim3A_76 : f32 to vector<16xf32>
    %swap3A_78 = arith.constant 80 : index
    %swap3A_79 = tpu.vector_load %arg6[%swap3A_78] {strides = array<i32>} : memref<640xf32, #tpu.memory_space<vmem>>, vector<16xf32>,
    %swap3A_80 = vector.shape_cast %swap3A_79 : vector<16xf32> to vector<16xf32>
    %swap3A_81 = vector.shape_cast %broadcast_in_dim3A_77 : vector<16xf32> to vector<16xf32>
    tpu.vector_store %arg6[%swap3A_78], %swap3A_81 {strides = array<i32>} : memref<640xf32, #tpu.memory_space<vmem>>, vector<16xf32>,
    %broadcast_in_dim3A_82 = arith.constant 0.000000e+00 : f32
    %broadcast_in_dim3A_83 = vector.broadcast %broadcast_in_dim3A_82 : f32 to vector<16xf32>
    %swap3A_84 = arith.constant 96 : index
    %swap3A_85 = tpu.vector_load %arg6[%swap3A_84] {strides = array<i32>} : memref<640xf32, #tpu.memory_space<vmem>>, vector<16xf32>,
    %swap3A_86 = vector.shape_cast %swap3A_85 : vector<16xf32> to vector<16xf32>
    %swap3A_87 = vector.shape_cast %broadcast_in_dim3A_83 : vector<16xf32> to vector<16xf32>
    tpu.vector_store %arg6[%swap3A_84], %swap3A_87 {strides = array<i32>} : memref<640xf32, #tpu.memory_space<vmem>>, vector<16xf32>,
    %broadcast_in_dim3A_88 = arith.constant 0.000000e+00 : f32
    %broadcast_in_dim3A_89 = vector.broadcast %broadcast_in_dim3A_88 : f32 to vector<16xf32>
    %swap3A_90 = arith.constant 112 : index
    %swap3A_91 = tpu.vector_load %arg6[%swap3A_90] {strides = array<i32>} : memref<640xf32, #tpu.memory_space<vmem>>, vector<16xf32>,
    %swap3A_92 = vector.shape_cast %swap3A_91 : vector<16xf32> to vector<16xf32>
    %swap3A_93 = vector.shape_cast %broadcast_in_dim3A_89 : vector<16xf32> to vector<16xf32>
    tpu.vector_store %arg6[%swap3A_90], %swap3A_93 {strides = array<i32>} : memref<640xf32, #tpu.memory_space<vmem>>, vector<16xf32>,
    %broadcast_in_dim3A_94 = arith.constant 0.000000e+00 : f32
    %broadcast_in_dim3A_95 = vector.broadcast %broadcast_in_dim3A_94 : f32 to vector<16xf32>
    %swap3A_96 = arith.constant 128 : index
    %swap3A_97 = tpu.vector_load %arg6[%swap3A_96] {strides = array<i32>} : memref<640xf32, #tpu.memory_space<vmem>>, vector<16xf32>,
    %swap3A_98 = vector.shape_cast %swap3A_97 : vector<16xf32> to vector<16xf32>
    %swap3A_99 = vector.shape_cast %broadcast_in_dim3A_95 : vector<16xf32> to vector<16xf32>
    tpu.vector_store %arg6[%swap3A_96], %swap3A_99 {strides = array<i32>} : memref<640xf32, #tpu.memory_space<vmem>>, vector<16xf32>,
    %broadcast_in_dim3A_100 = arith.constant 0.000000e+00 : f32
    %broadcast_in_dim3A_101 = vector.broadcast %broadcast_in_dim3A_100 : f32 to vector<16xf32>
    %swap3A_102 = arith.constant 144 : index
    %swap3A_103 = tpu.vector_load %arg6[%swap3A_102] {strides = array<i32>} : memref<640xf32, #tpu.memory_space<vmem>>, vector<16xf32>,
    %swap3A_104 = vector.shape_cast %swap3A_103 : vector<16xf32> to vector<16xf32>
    %swap3A_105 = vector.shape_cast %broadcast_in_dim3A_101 : vector<16xf32> to vector<16xf32>
    tpu.vector_store %arg6[%swap3A_102], %swap3A_105 {strides = array<i32>} : memref<640xf32, #tpu.memory_space<vmem>>, vector<16xf32>,
    %broadcast_in_dim3A_106 = arith.constant 0.000000e+00 : f32
    %broadcast_in_dim3A_107 = vector.broadcast %broadcast_in_dim3A_106 : f32 to vector<16xf32>
    %swap3A_108 = arith.constant 160 : index
    %swap3A_109 = tpu.vector_load %arg6[%swap3A_108] {strides = array<i32>} : memref<640xf32, #tpu.memory_space<vmem>>, vector<16xf32>,
    %swap3A_110 = vector.shape_cast %swap3A_109 : vector<16xf32> to vector<16xf32>
    %swap3A_111 = vector.shape_cast %broadcast_in_dim3A_107 : vector<16xf32> to vector<16xf32>
    tpu.vector_store %arg6[%swap3A_108], %swap3A_111 {strides = array<i32>} : memref<640xf32, #tpu.memory_space<vmem>>, vector<16xf32>,
    %broadcast_in_dim3A_112 = arith.constant 0.000000e+00 : f32
    %broadcast_in_dim3A_113 = vector.broadcast %broadcast_in_dim3A_112 : f32 to vector<16xf32>
    %swap3A_114 = arith.constant 176 : index
    %swap3A_115 = tpu.vector_load %arg6[%swap3A_114] {strides = array<i32>} : memref<640xf32, #tpu.memory_space<vmem>>, vector<16xf32>,
    %swap3A_116 = vector.shape_cast %swap3A_115 : vector<16xf32> to vector<16xf32>
    %swap3A_117 = vector.shape_cast %broadcast_in_dim3A_113 : vector<16xf32> to vector<16xf32>
    tpu.vector_store %arg6[%swap3A_114], %swap3A_117 {strides = array<i32>} : memref<640xf32, #tpu.memory_space<vmem>>, vector<16xf32>,
    %broadcast_in_dim3A_118 = arith.constant 0.000000e+00 : f32
    %broadcast_in_dim3A_119 = vector.broadcast %broadcast_in_dim3A_118 : f32 to vector<16xf32>
    %swap3A_120 = arith.constant 192 : index
    %swap3A_121 = tpu.vector_load %arg6[%swap3A_120] {strides = array<i32>} : memref<640xf32, #tpu.memory_space<vmem>>, vector<16xf32>,
    %swap3A_122 = vector.shape_cast %swap3A_121 : vector<16xf32> to vector<16xf32>
    %swap3A_123 = vector.shape_cast %broadcast_in_dim3A_119 : vector<16xf32> to vector<16xf32>
    tpu.vector_store %arg6[%swap3A_120], %swap3A_123 {strides = array<i32>} : memref<640xf32, #tpu.memory_space<vmem>>, vector<16xf32>,
    %broadcast_in_dim3A_124 = arith.constant 0.000000e+00 : f32
    %broadcast_in_dim3A_125 = vector.broadcast %broadcast_in_dim3A_124 : f32 to vector<16xf32>
    %swap3A_126 = arith.constant 208 : index
    %swap3A_127 = tpu.vector_load %arg6[%swap3A_126] {strides = array<i32>} : memref<640xf32, #tpu.memory_space<vmem>>, vector<16xf32>,
    %swap3A_128 = vector.shape_cast %swap3A_127 : vector<16xf32> to vector<16xf32>
    %swap3A_129 = vector.shape_cast %broadcast_in_dim3A_125 : vector<16xf32> to vector<16xf32>
    tpu.vector_store %arg6[%swap3A_126], %swap3A_129 {strides = array<i32>} : memref<640xf32, #tpu.memory_space<vmem>>, vector<16xf32>,
    %broadcast_in_dim3A_130 = arith.constant 0.000000e+00 : f32
    %broadcast_in_dim3A_131 = vector.broadcast %broadcast_in_dim3A_130 : f32 to vector<16xf32>
    %swap3A_132 = arith.constant 224 : index
    %swap3A_133 = tpu.vector_load %arg6[%swap3A_132] {strides = array<i32>} : memref<640xf32, #tpu.memory_space<vmem>>, vector<16xf32>,
    %swap3A_134 = vector.shape_cast %swap3A_133 : vector<16xf32> to vector<16xf32>
    %swap3A_135 = vector.shape_cast %broadcast_in_dim3A_131 : vector<16xf32> to vector<16xf32>
    tpu.vector_store %arg6[%swap3A_132], %swap3A_135 {strides = array<i32>} : memref<640xf32, #tpu.memory_space<vmem>>, vector<16xf32>,
    %broadcast_in_dim3A_136 = arith.constant 0.000000e+00 : f32
    %broadcast_in_dim3A_137 = vector.broadcast %broadcast_in_dim3A_136 : f32 to vector<16xf32>
    %swap3A_138 = arith.constant 240 : index
    %swap3A_139 = tpu.vector_load %arg6[%swap3A_138] {strides = array<i32>} : memref<640xf32, #tpu.memory_space<vmem>>, vector<16xf32>,
    %swap3A_140 = vector.shape_cast %swap3A_139 : vector<16xf32> to vector<16xf32>
    %swap3A_141 = vector.shape_cast %broadcast_in_dim3A_137 : vector<16xf32> to vector<16xf32>
    tpu.vector_store %arg6[%swap3A_138], %swap3A_141 {strides = array<i32>} : memref<640xf32, #tpu.memory_space<vmem>>, vector<16xf32>,
    %broadcast_in_dim3A_142 = arith.constant 0.000000e+00 : f32
    %broadcast_in_dim3A_143 = vector.broadcast %broadcast_in_dim3A_142 : f32 to vector<16xf32>
    %swap3A_144 = arith.constant 256 : index
    %swap3A_145 = tpu.vector_load %arg6[%swap3A_144] {strides = array<i32>} : memref<640xf32, #tpu.memory_space<vmem>>, vector<16xf32>,
    %swap3A_146 = vector.shape_cast %swap3A_145 : vector<16xf32> to vector<16xf32>
    %swap3A_147 = vector.shape_cast %broadcast_in_dim3A_143 : vector<16xf32> to vector<16xf32>
    tpu.vector_store %arg6[%swap3A_144], %swap3A_147 {strides = array<i32>} : memref<640xf32, #tpu.memory_space<vmem>>, vector<16xf32>,
    %broadcast_in_dim3A_148 = arith.constant 0.000000e+00 : f32
    %broadcast_in_dim3A_149 = vector.broadcast %broadcast_in_dim3A_148 : f32 to vector<16xf32>
    %swap3A_150 = arith.constant 272 : index
    %swap3A_151 = tpu.vector_load %arg6[%swap3A_150] {strides = array<i32>} : memref<640xf32, #tpu.memory_space<vmem>>, vector<16xf32>,
    %swap3A_152 = vector.shape_cast %swap3A_151 : vector<16xf32> to vector<16xf32>
    %swap3A_153 = vector.shape_cast %broadcast_in_dim3A_149 : vector<16xf32> to vector<16xf32>
    tpu.vector_store %arg6[%swap3A_150], %swap3A_153 {strides = array<i32>} : memref<640xf32, #tpu.memory_space<vmem>>, vector<16xf32>,
    %broadcast_in_dim3A_154 = arith.constant 0.000000e+00 : f32
    %broadcast_in_dim3A_155 = vector.broadcast %broadcast_in_dim3A_154 : f32 to vector<16xf32>
    %swap3A_156 = arith.constant 288 : index
    %swap3A_157 = tpu.vector_load %arg6[%swap3A_156] {strides = array<i32>} : memref<640xf32, #tpu.memory_space<vmem>>, vector<16xf32>,
    %swap3A_158 = vector.shape_cast %swap3A_157 : vector<16xf32> to vector<16xf32>
    %swap3A_159 = vector.shape_cast %broadcast_in_dim3A_155 : vector<16xf32> to vector<16xf32>
    tpu.vector_store %arg6[%swap3A_156], %swap3A_159 {strides = array<i32>} : memref<640xf32, #tpu.memory_space<vmem>>, vector<16xf32>,
    %broadcast_in_dim3A_160 = arith.constant 0.000000e+00 : f32
    %broadcast_in_dim3A_161 = vector.broadcast %broadcast_in_dim3A_160 : f32 to vector<16xf32>
    %swap3A_162 = arith.constant 304 : index
    %swap3A_163 = tpu.vector_load %arg6[%swap3A_162] {strides = array<i32>} : memref<640xf32, #tpu.memory_space<vmem>>, vector<16xf32>,
    %swap3A_164 = vector.shape_cast %swap3A_163 : vector<16xf32> to vector<16xf32>
    %swap3A_165 = vector.shape_cast %broadcast_in_dim3A_161 : vector<16xf32> to vector<16xf32>
    tpu.vector_store %arg6[%swap3A_162], %swap3A_165 {strides = array<i32>} : memref<640xf32, #tpu.memory_space<vmem>>, vector<16xf32>,
    %broadcast_in_dim3A_166 = arith.constant 0.000000e+00 : f32
    %broadcast_in_dim3A_167 = vector.broadcast %broadcast_in_dim3A_166 : f32 to vector<16xf32>
    %swap3A_168 = arith.constant 320 : index
    %swap3A_169 = tpu.vector_load %arg6[%swap3A_168] {strides = array<i32>} : memref<640xf32, #tpu.memory_space<vmem>>, vector<16xf32>,
    %swap3A_170 = vector.shape_cast %swap3A_169 : vector<16xf32> to vector<16xf32>
    %swap3A_171 = vector.shape_cast %broadcast_in_dim3A_167 : vector<16xf32> to vector<16xf32>
    tpu.vector_store %arg6[%swap3A_168], %swap3A_171 {strides = array<i32>} : memref<640xf32, #tpu.memory_space<vmem>>, vector<16xf32>,
    %broadcast_in_dim3A_172 = arith.constant 0.000000e+00 : f32
    %broadcast_in_dim3A_173 = vector.broadcast %broadcast_in_dim3A_172 : f32 to vector<16xf32>
    %swap3A_174 = arith.constant 336 : index
    %swap3A_175 = tpu.vector_load %arg6[%swap3A_174] {strides = array<i32>} : memref<640xf32, #tpu.memory_space<vmem>>, vector<16xf32>,
    %swap3A_176 = vector.shape_cast %swap3A_175 : vector<16xf32> to vector<16xf32>
    %swap3A_177 = vector.shape_cast %broadcast_in_dim3A_173 : vector<16xf32> to vector<16xf32>
    tpu.vector_store %arg6[%swap3A_174], %swap3A_177 {strides = array<i32>} : memref<640xf32, #tpu.memory_space<vmem>>, vector<16xf32>,
    %broadcast_in_dim3A_178 = arith.constant 0.000000e+00 : f32
    %broadcast_in_dim3A_179 = vector.broadcast %broadcast_in_dim3A_178 : f32 to vector<16xf32>
    %swap3A_180 = arith.constant 352 : index
    %swap3A_181 = tpu.vector_load %arg6[%swap3A_180] {strides = array<i32>} : memref<640xf32, #tpu.memory_space<vmem>>, vector<16xf32>,
    %swap3A_182 = vector.shape_cast %swap3A_181 : vector<16xf32> to vector<16xf32>
    %swap3A_183 = vector.shape_cast %broadcast_in_dim3A_179 : vector<16xf32> to vector<16xf32>
    tpu.vector_store %arg6[%swap3A_180], %swap3A_183 {strides = array<i32>} : memref<640xf32, #tpu.memory_space<vmem>>, vector<16xf32>,
    %broadcast_in_dim3A_184 = arith.constant 0.000000e+00 : f32
    %broadcast_in_dim3A_185 = vector.broadcast %broadcast_in_dim3A_184 : f32 to vector<16xf32>
    %swap3A_186 = arith.constant 368 : index
    %swap3A_187 = tpu.vector_load %arg6[%swap3A_186] {strides = array<i32>} : memref<640xf32, #tpu.memory_space<vmem>>, vector<16xf32>,
    %swap3A_188 = vector.shape_cast %swap3A_187 : vector<16xf32> to vector<16xf32>
    %swap3A_189 = vector.shape_cast %broadcast_in_dim3A_185 : vector<16xf32> to vector<16xf32>
    tpu.vector_store %arg6[%swap3A_186], %swap3A_189 {strides = array<i32>} : memref<640xf32, #tpu.memory_space<vmem>>, vector<16xf32>,
    %broadcast_in_dim3A_190 = arith.constant 0.000000e+00 : f32
    %broadcast_in_dim3A_191 = vector.broadcast %broadcast_in_dim3A_190 : f32 to vector<16xf32>
    %swap3A_192 = arith.constant 384 : index
    %swap3A_193 = tpu.vector_load %arg6[%swap3A_192] {strides = array<i32>} : memref<640xf32, #tpu.memory_space<vmem>>, vector<16xf32>,
    %swap3A_194 = vector.shape_cast %swap3A_193 : vector<16xf32> to vector<16xf32>
    %swap3A_195 = vector.shape_cast %broadcast_in_dim3A_191 : vector<16xf32> to vector<16xf32>
    tpu.vector_store %arg6[%swap3A_192], %swap3A_195 {strides = array<i32>} : memref<640xf32, #tpu.memory_space<vmem>>, vector<16xf32>,
    %broadcast_in_dim3A_196 = arith.constant 0.000000e+00 : f32
    %broadcast_in_dim3A_197 = vector.broadcast %broadcast_in_dim3A_196 : f32 to vector<16xf32>
    %swap3A_198 = arith.constant 400 : index
    %swap3A_199 = tpu.vector_load %arg6[%swap3A_198] {strides = array<i32>} : memref<640xf32, #tpu.memory_space<vmem>>, vector<16xf32>,
    %swap3A_200 = vector.shape_cast %swap3A_199 : vector<16xf32> to vector<16xf32>
    %swap3A_201 = vector.shape_cast %broadcast_in_dim3A_197 : vector<16xf32> to vector<16xf32>
    tpu.vector_store %arg6[%swap3A_198], %swap3A_201 {strides = array<i32>} : memref<640xf32, #tpu.memory_space<vmem>>, vector<16xf32>,
    %broadcast_in_dim3A_202 = arith.constant 0.000000e+00 : f32
    %broadcast_in_dim3A_203 = vector.broadcast %broadcast_in_dim3A_202 : f32 to vector<16xf32>
    %swap3A_204 = arith.constant 416 : index
    %swap3A_205 = tpu.vector_load %arg6[%swap3A_204] {strides = array<i32>} : memref<640xf32, #tpu.memory_space<vmem>>, vector<16xf32>,
    %swap3A_206 = vector.shape_cast %swap3A_205 : vector<16xf32> to vector<16xf32>
    %swap3A_207 = vector.shape_cast %broadcast_in_dim3A_203 : vector<16xf32> to vector<16xf32>
    tpu.vector_store %arg6[%swap3A_204], %swap3A_207 {strides = array<i32>} : memref<640xf32, #tpu.memory_space<vmem>>, vector<16xf32>,
    %broadcast_in_dim3A_208 = arith.constant 0.000000e+00 : f32
    %broadcast_in_dim3A_209 = vector.broadcast %broadcast_in_dim3A_208 : f32 to vector<16xf32>
    %swap3A_210 = arith.constant 432 : index
    %swap3A_211 = tpu.vector_load %arg6[%swap3A_210] {strides = array<i32>} : memref<640xf32, #tpu.memory_space<vmem>>, vector<16xf32>,
    %swap3A_212 = vector.shape_cast %swap3A_211 : vector<16xf32> to vector<16xf32>
    %swap3A_213 = vector.shape_cast %broadcast_in_dim3A_209 : vector<16xf32> to vector<16xf32>
    tpu.vector_store %arg6[%swap3A_210], %swap3A_213 {strides = array<i32>} : memref<640xf32, #tpu.memory_space<vmem>>, vector<16xf32>,
    %broadcast_in_dim3A_214 = arith.constant 0.000000e+00 : f32
    %broadcast_in_dim3A_215 = vector.broadcast %broadcast_in_dim3A_214 : f32 to vector<16xf32>
    %swap3A_216 = arith.constant 448 : index
    %swap3A_217 = tpu.vector_load %arg6[%swap3A_216] {strides = array<i32>} : memref<640xf32, #tpu.memory_space<vmem>>, vector<16xf32>,
    %swap3A_218 = vector.shape_cast %swap3A_217 : vector<16xf32> to vector<16xf32>
    %swap3A_219 = vector.shape_cast %broadcast_in_dim3A_215 : vector<16xf32> to vector<16xf32>
    tpu.vector_store %arg6[%swap3A_216], %swap3A_219 {strides = array<i32>} : memref<640xf32, #tpu.memory_space<vmem>>, vector<16xf32>,
    %broadcast_in_dim3A_220 = arith.constant 0.000000e+00 : f32
    %broadcast_in_dim3A_221 = vector.broadcast %broadcast_in_dim3A_220 : f32 to vector<16xf32>
    %swap3A_222 = arith.constant 464 : index
    %swap3A_223 = tpu.vector_load %arg6[%swap3A_222] {strides = array<i32>} : memref<640xf32, #tpu.memory_space<vmem>>, vector<16xf32>,
    %swap3A_224 = vector.shape_cast %swap3A_223 : vector<16xf32> to vector<16xf32>
    %swap3A_225 = vector.shape_cast %broadcast_in_dim3A_221 : vector<16xf32> to vector<16xf32>
    tpu.vector_store %arg6[%swap3A_222], %swap3A_225 {strides = array<i32>} : memref<640xf32, #tpu.memory_space<vmem>>, vector<16xf32>,
    %broadcast_in_dim3A_226 = arith.constant 0.000000e+00 : f32
    %broadcast_in_dim3A_227 = vector.broadcast %broadcast_in_dim3A_226 : f32 to vector<16xf32>
    %swap3A_228 = arith.constant 480 : index
    %swap3A_229 = tpu.vector_load %arg6[%swap3A_228] {strides = array<i32>} : memref<640xf32, #tpu.memory_space<vmem>>, vector<16xf32>,
    %swap3A_230 = vector.shape_cast %swap3A_229 : vector<16xf32> to vector<16xf32>
    %swap3A_231 = vector.shape_cast %broadcast_in_dim3A_227 : vector<16xf32> to vector<16xf32>
    tpu.vector_store %arg6[%swap3A_228], %swap3A_231 {strides = array<i32>} : memref<640xf32, #tpu.memory_space<vmem>>, vector<16xf32>,
    %broadcast_in_dim3A_232 = arith.constant 0.000000e+00 : f32
    %broadcast_in_dim3A_233 = vector.broadcast %broadcast_in_dim3A_232 : f32 to vector<16xf32>
    %swap3A_234 = arith.constant 496 : index
    %swap3A_235 = tpu.vector_load %arg6[%swap3A_234] {strides = array<i32>} : memref<640xf32, #tpu.memory_space<vmem>>, vector<16xf32>,
    %swap3A_236 = vector.shape_cast %swap3A_235 : vector<16xf32> to vector<16xf32>
    %swap3A_237 = vector.shape_cast %broadcast_in_dim3A_233 : vector<16xf32> to vector<16xf32>
    tpu.vector_store %arg6[%swap3A_234], %swap3A_237 {strides = array<i32>} : memref<640xf32, #tpu.memory_space<vmem>>, vector<16xf32>,
    %broadcast_in_dim3A_238 = arith.constant 0.000000e+00 : f32
    %broadcast_in_dim3A_239 = vector.broadcast %broadcast_in_dim3A_238 : f32 to vector<16xf32>
    %swap3A_240 = arith.constant 512 : index
    %swap3A_241 = tpu.vector_load %arg6[%swap3A_240] {strides = array<i32>} : memref<640xf32, #tpu.memory_space<vmem>>, vector<16xf32>,
    %swap3A_242 = vector.shape_cast %swap3A_241 : vector<16xf32> to vector<16xf32>
    %swap3A_243 = vector.shape_cast %broadcast_in_dim3A_239 : vector<16xf32> to vector<16xf32>
    tpu.vector_store %arg6[%swap3A_240], %swap3A_243 {strides = array<i32>} : memref<640xf32, #tpu.memory_space<vmem>>, vector<16xf32>,
    %broadcast_in_dim3A_244 = arith.constant 0.000000e+00 : f32
    %broadcast_in_dim3A_245 = vector.broadcast %broadcast_in_dim3A_244 : f32 to vector<16xf32>
    %swap3A_246 = arith.constant 528 : index
    %swap3A_247 = tpu.vector_load %arg6[%swap3A_246] {strides = array<i32>} : memref<640xf32, #tpu.memory_space<vmem>>, vector<16xf32>,
    %swap3A_248 = vector.shape_cast %swap3A_247 : vector<16xf32> to vector<16xf32>
    %swap3A_249 = vector.shape_cast %broadcast_in_dim3A_245 : vector<16xf32> to vector<16xf32>
    tpu.vector_store %arg6[%swap3A_246], %swap3A_249 {strides = array<i32>} : memref<640xf32, #tpu.memory_space<vmem>>, vector<16xf32>,
    %broadcast_in_dim3A_250 = arith.constant 0.000000e+00 : f32
    %broadcast_in_dim3A_251 = vector.broadcast %broadcast_in_dim3A_250 : f32 to vector<16xf32>
    %swap3A_252 = arith.constant 544 : index
    %swap3A_253 = tpu.vector_load %arg6[%swap3A_252] {strides = array<i32>} : memref<640xf32, #tpu.memory_space<vmem>>, vector<16xf32>,
    %swap3A_254 = vector.shape_cast %swap3A_253 : vector<16xf32> to vector<16xf32>
    %swap3A_255 = vector.shape_cast %broadcast_in_dim3A_251 : vector<16xf32> to vector<16xf32>
    tpu.vector_store %arg6[%swap3A_252], %swap3A_255 {strides = array<i32>} : memref<640xf32, #tpu.memory_space<vmem>>, vector<16xf32>,
    %broadcast_in_dim3A_256 = arith.constant 0.000000e+00 : f32
    %broadcast_in_dim3A_257 = vector.broadcast %broadcast_in_dim3A_256 : f32 to vector<16xf32>
    %swap3A_258 = arith.constant 560 : index
    %swap3A_259 = tpu.vector_load %arg6[%swap3A_258] {strides = array<i32>} : memref<640xf32, #tpu.memory_space<vmem>>, vector<16xf32>,
    %swap3A_260 = vector.shape_cast %swap3A_259 : vector<16xf32> to vector<16xf32>
    %swap3A_261 = vector.shape_cast %broadcast_in_dim3A_257 : vector<16xf32> to vector<16xf32>
    tpu.vector_store %arg6[%swap3A_258], %swap3A_261 {strides = array<i32>} : memref<640xf32, #tpu.memory_space<vmem>>, vector<16xf32>,
    %broadcast_in_dim3A_262 = arith.constant 0.000000e+00 : f32
    %broadcast_in_dim3A_263 = vector.broadcast %broadcast_in_dim3A_262 : f32 to vector<16xf32>
    %swap3A_264 = arith.constant 576 : index
    %swap3A_265 = tpu.vector_load %arg6[%swap3A_264] {strides = array<i32>} : memref<640xf32, #tpu.memory_space<vmem>>, vector<16xf32>,
    %swap3A_266 = vector.shape_cast %swap3A_265 : vector<16xf32> to vector<16xf32>
    %swap3A_267 = vector.shape_cast %broadcast_in_dim3A_263 : vector<16xf32> to vector<16xf32>
    tpu.vector_store %arg6[%swap3A_264], %swap3A_267 {strides = array<i32>} : memref<640xf32, #tpu.memory_space<vmem>>, vector<16xf32>,
    %broadcast_in_dim3A_268 = arith.constant 0.000000e+00 : f32
    %broadcast_in_dim3A_269 = vector.broadcast %broadcast_in_dim3A_268 : f32 to vector<16xf32>
    %swap3A_270 = arith.constant 592 : index
    %swap3A_271 = tpu.vector_load %arg6[%swap3A_270] {strides = array<i32>} : memref<640xf32, #tpu.memory_space<vmem>>, vector<16xf32>,
    %swap3A_272 = vector.shape_cast %swap3A_271 : vector<16xf32> to vector<16xf32>
    %swap3A_273 = vector.shape_cast %broadcast_in_dim3A_269 : vector<16xf32> to vector<16xf32>
    tpu.vector_store %arg6[%swap3A_270], %swap3A_273 {strides = array<i32>} : memref<640xf32, #tpu.memory_space<vmem>>, vector<16xf32>,
    %broadcast_in_dim3A_274 = arith.constant 0.000000e+00 : f32
    %broadcast_in_dim3A_275 = vector.broadcast %broadcast_in_dim3A_274 : f32 to vector<16xf32>
    %swap3A_276 = arith.constant 608 : index
    %swap3A_277 = tpu.vector_load %arg6[%swap3A_276] {strides = array<i32>} : memref<640xf32, #tpu.memory_space<vmem>>, vector<16xf32>,
    %swap3A_278 = vector.shape_cast %swap3A_277 : vector<16xf32> to vector<16xf32>
    %swap3A_279 = vector.shape_cast %broadcast_in_dim3A_275 : vector<16xf32> to vector<16xf32>
    tpu.vector_store %arg6[%swap3A_276], %swap3A_279 {strides = array<i32>} : memref<640xf32, #tpu.memory_space<vmem>>, vector<16xf32>,
    %broadcast_in_dim3A_280 = arith.constant 0.000000e+00 : f32
    %broadcast_in_dim3A_281 = vector.broadcast %broadcast_in_dim3A_280 : f32 to vector<16xf32>
    %swap3A_282 = arith.constant 624 : index
    %swap3A_283 = tpu.vector_load %arg6[%swap3A_282] {strides = array<i32>} : memref<640xf32, #tpu.memory_space<vmem>>, vector<16xf32>,
    %swap3A_284 = vector.shape_cast %swap3A_283 : vector<16xf32> to vector<16xf32>
    %swap3A_285 = vector.shape_cast %broadcast_in_dim3A_281 : vector<16xf32> to vector<16xf32>
    tpu.vector_store %arg6[%swap3A_282], %swap3A_285 {strides = array<i32>} : memref<640xf32, #tpu.memory_space<vmem>>, vector<16xf32>,
    %mul3A = arith.constant 632 : i32
    %mul3A_286 = arith.muli %arg1, %mul3A : i32
    "tpu.region"() ({
      %run_scoped3A = tpu.sem_alloc : memref<!tpu.dma_semaphore, #tpu.memory_space<semaphore_mem>>
      %dma_start3A = arith.constant 0 : i32
      %dma_start3A_304 = tpu.memref_slice %arg6[%dma_start3A] : memref<640xf32, #tpu.memory_space<vmem>> -> memref<632xf32, #tpu.memory_space<vmem>>
      %dma_start3A_305 = tpu.memref_slice %arg7[%mul3A_286] : memref<10112xf32, #tpu.memory_space<vmem_shared>> -> memref<632xf32, #tpu.memory_space<vmem_shared>>
      %dma_start3A_306 = tpu.memref_slice %arg7[%mul3A_286] : memref<10112xf32, #tpu.memory_space<vmem_shared>> -> memref<632xf32, #tpu.memory_space<vmem_shared>>
      %dma_start3A_307 = arith.constant 0 : i32
      %dma_start3A_308 = tpu.memref_slice %arg6[%dma_start3A_307] : memref<640xf32, #tpu.memory_space<vmem>> -> memref<632xf32, #tpu.memory_space<vmem>>
      tpu.enqueue_dma source(%dma_start3A_308 : memref<632xf32, #tpu.memory_space<vmem>>) target(%dma_start3A_306 : memref<632xf32, #tpu.memory_space<vmem_shared>>) target_semaphore(%run_scoped3A : memref<!tpu.dma_semaphore, #tpu.memory_space<semaphore_mem>>)
      %dma_wait3A = arith.constant 0 : i32
      %dma_wait3A_309 = tpu.memref_slice %arg6[%dma_wait3A] : memref<640xf32, #tpu.memory_space<vmem>> -> memref<632xf32, #tpu.memory_space<vmem>>
      %dma_wait3A_310 = tpu.memref_slice %arg7[%mul3A_286] : memref<10112xf32, #tpu.memory_space<vmem_shared>> -> memref<632xf32, #tpu.memory_space<vmem_shared>>
      %dma_wait3A_311 = tpu.memref_slice %arg7[%mul3A_286] : memref<10112xf32, #tpu.memory_space<vmem_shared>> -> memref<632xf32, #tpu.memory_space<vmem_shared>>
      %dma_wait3A_312 = arith.constant 0 : i32
      %dma_wait3A_313 = tpu.memref_slice %arg6[%dma_wait3A_312] : memref<640xf32, #tpu.memory_space<vmem>> -> memref<632xf32, #tpu.memory_space<vmem>>
      tpu.wait_dma2 semaphore(%run_scoped3A : memref<!tpu.dma_semaphore, #tpu.memory_space<semaphore_mem>>) src(%dma_wait3A_313 : memref<632xf32, #tpu.memory_space<vmem>>) dst(%dma_wait3A_311 : memref<632xf32, #tpu.memory_space<vmem_shared>>)
      tpu.yield
    }) : () -> ()
    %barrier3A = arith.constant 0 : index
    tpu.barrier barrier_id(%barrier3A)
    %mul3A_287 = arith.constant 16 : i32
    %mul3A_288 = arith.muli %arg0, %mul3A_287 : i32
    %add3A = arith.addi %mul3A_288, %arg1 : i32
    %mul3A_289 = arith.constant 10112 : i32
    %mul3A_290 = arith.muli %add3A, %mul3A_289 : i32
    %scan3A = arith.constant 0 : i32
    %scan3A_291 = arith.constant 0 : i32
    %scan3A_292 = arith.constant 79 : i32
    %scan3A_293 = arith.addi %scan3A_291, %scan3A_292 : i32
    %scan3A_294 = arith.constant 1 : i32
    scf.for %scan3A_304 = %scan3A_291 to %scan3A_293 step %scan3A_294  : i32 {
      %mul3A_305 = arith.constant 128 : i32
      %mul3A_306 = arith.muli %scan3A_304, %mul3A_305 : i32
      %add3A_307 = arith.addi %mul3A_290, %mul3A_306 : i32
      "tpu.region"() ({
        %run_scoped3A = tpu.sem_alloc : memref<!tpu.dma_semaphore, #tpu.memory_space<semaphore_mem>>
        %dma_start3A = tpu.memref_slice %arg2[%add3A_307] : memref<323584xi32, #tpu.memory_space<hbm>> -> memref<128xi32, #tpu.memory_space<hbm>>
        %dma_start3A_308 = tpu.memref_slice %arg2[%add3A_307] : memref<323584xi32, #tpu.memory_space<hbm>> -> memref<128xi32, #tpu.memory_space<hbm>>
        tpu.enqueue_dma source(%dma_start3A_308 : memref<128xi32, #tpu.memory_space<hbm>>) target(%arg4 : memref<128xi32, #tpu.memory_space<vmem>>) target_semaphore(%run_scoped3A : memref<!tpu.dma_semaphore, #tpu.memory_space<semaphore_mem>>)
        %dma_wait3A = tpu.memref_slice %arg2[%add3A_307] : memref<323584xi32, #tpu.memory_space<hbm>> -> memref<128xi32, #tpu.memory_space<hbm>>
        %dma_wait3A_309 = tpu.memref_slice %arg2[%add3A_307] : memref<323584xi32, #tpu.memory_space<hbm>> -> memref<128xi32, #tpu.memory_space<hbm>>
        tpu.wait_dma2 semaphore(%run_scoped3A : memref<!tpu.dma_semaphore, #tpu.memory_space<semaphore_mem>>) src(%dma_wait3A_309 : memref<128xi32, #tpu.memory_space<hbm>>) dst(%arg4 : memref<128xi32, #tpu.memory_space<vmem>>)
        tpu.yield
      }) : () -> ()
      "tpu.region"() ({
        %run_scoped3A = tpu.sem_alloc : memref<!tpu.dma_semaphore, #tpu.memory_space<semaphore_mem>>
        %dma_start3A = arith.constant 0 : i32
        %dma_start3A_308 = tpu.memref_slice %arg7[%dma_start3A] : memref<10112xf32, #tpu.memory_space<vmem_shared>> -> memref<10112xf32, #tpu.memory_space<vmem_shared>>
        tpu.enqueue_indirect_dma source(%arg5 : memref<128xf32, #tpu.memory_space<vmem>>) target(%dma_start3A_308 : memref<10112xf32, #tpu.memory_space<vmem_shared>>) offsets(%arg4 : memref<128xi32, #tpu.memory_space<vmem>>) semaphore(%run_scoped3A : memref<!tpu.dma_semaphore, #tpu.memory_space<semaphore_mem>>) {add = true}
        %dma_wait3A = arith.constant 0 : i32
        %dma_wait3A_309 = tpu.memref_slice %arg7[%dma_wait3A] : memref<10112xf32, #tpu.memory_space<vmem_shared>> -> memref<10112xf32, #tpu.memory_space<vmem_shared>>
        tpu.wait_indirect_dma semaphore(%run_scoped3A : memref<!tpu.dma_semaphore, #tpu.memory_space<semaphore_mem>>) src(%arg5 : memref<128xf32, #tpu.memory_space<vmem>>) dst(%dma_wait3A_309 : memref<10112xf32, #tpu.memory_space<vmem_shared>>)
        tpu.yield
      }) : () -> ()
    }
    %scan3A_295 = arith.constant 79 : i32
    %barrier3A_296 = arith.constant 0 : index
    tpu.barrier barrier_id(%barrier3A_296)
    %mul3A_297 = arith.constant 632 : i32
    %mul3A_298 = arith.muli %arg1, %mul3A_297 : i32
    "tpu.region"() ({
      %run_scoped3A = tpu.sem_alloc : memref<!tpu.dma_semaphore, #tpu.memory_space<semaphore_mem>>
      %dma_start3A = arith.constant 0 : i32
      %dma_start3A_304 = tpu.memref_slice %arg6[%dma_start3A] : memref<640xf32, #tpu.memory_space<vmem>> -> memref<632xf32, #tpu.memory_space<vmem>>
      %dma_start3A_305 = tpu.memref_slice %arg7[%mul3A_298] : memref<10112xf32, #tpu.memory_space<vmem_shared>> -> memref<632xf32, #tpu.memory_space<vmem_shared>>
      %dma_start3A_306 = arith.constant 0 : i32
      %dma_start3A_307 = tpu.memref_slice %arg6[%dma_start3A_306] : memref<640xf32, #tpu.memory_space<vmem>> -> memref<632xf32, #tpu.memory_space<vmem>>
      %dma_start3A_308 = tpu.memref_slice %arg7[%mul3A_298] : memref<10112xf32, #tpu.memory_space<vmem_shared>> -> memref<632xf32, #tpu.memory_space<vmem_shared>>
      tpu.enqueue_dma source(%dma_start3A_308 : memref<632xf32, #tpu.memory_space<vmem_shared>>) target(%dma_start3A_307 : memref<632xf32, #tpu.memory_space<vmem>>) target_semaphore(%run_scoped3A : memref<!tpu.dma_semaphore, #tpu.memory_space<semaphore_mem>>)
      %dma_wait3A = arith.constant 0 : i32
      %dma_wait3A_309 = tpu.memref_slice %arg6[%dma_wait3A] : memref<640xf32, #tpu.memory_space<vmem>> -> memref<632xf32, #tpu.memory_space<vmem>>
      %dma_wait3A_310 = tpu.memref_slice %arg7[%mul3A_298] : memref<10112xf32, #tpu.memory_space<vmem_shared>> -> memref<632xf32, #tpu.memory_space<vmem_shared>>
      %dma_wait3A_311 = arith.constant 0 : i32
      %dma_wait3A_312 = tpu.memref_slice %arg6[%dma_wait3A_311] : memref<640xf32, #tpu.memory_space<vmem>> -> memref<632xf32, #tpu.memory_space<vmem>>
      %dma_wait3A_313 = tpu.memref_slice %arg7[%mul3A_298] : memref<10112xf32, #tpu.memory_space<vmem_shared>> -> memref<632xf32, #tpu.memory_space<vmem_shared>>
      tpu.wait_dma2 semaphore(%run_scoped3A : memref<!tpu.dma_semaphore, #tpu.memory_space<semaphore_mem>>) src(%dma_wait3A_313 : memref<632xf32, #tpu.memory_space<vmem_shared>>) dst(%dma_wait3A_312 : memref<632xf32, #tpu.memory_space<vmem>>)
      tpu.yield
    }) : () -> ()
    %mul3A_299 = arith.constant 10112 : i32
    %mul3A_300 = arith.muli %arg0, %mul3A_299 : i32
    %mul3A_301 = arith.constant 632 : i32
    %mul3A_302 = arith.muli %arg1, %mul3A_301 : i32
    %add3A_303 = arith.addi %mul3A_300, %mul3A_302 : i32
    "tpu.region"() ({
      %run_scoped3A = tpu.sem_alloc : memref<!tpu.dma_semaphore, #tpu.memory_space<semaphore_mem>>
      %dma_start3A = arith.constant 0 : i32
      %dma_start3A_304 = tpu.memref_slice %arg6[%dma_start3A] : memref<640xf32, #tpu.memory_space<vmem>> -> memref<632xf32, #tpu.memory_space<vmem>>
      %dma_start3A_305 = tpu.memref_slice %arg3[%add3A_303] : memref<20224xf32, #tpu.memory_space<hbm>> -> memref<632xf32, #tpu.memory_space<hbm>>
      %dma_start3A_306 = tpu.memref_slice %arg3[%add3A_303] : memref<20224xf32, #tpu.memory_space<hbm>> -> memref<632xf32, #tpu.memory_space<hbm>>
      %dma_start3A_307 = arith.constant 0 : i32
      %dma_start3A_308 = tpu.memref_slice %arg6[%dma_start3A_307] : memref<640xf32, #tpu.memory_space<vmem>> -> memref<632xf32, #tpu.memory_space<vmem>>
      tpu.enqueue_dma source(%dma_start3A_308 : memref<632xf32, #tpu.memory_space<vmem>>) target(%dma_start3A_306 : memref<632xf32, #tpu.memory_space<hbm>>) target_semaphore(%run_scoped3A : memref<!tpu.dma_semaphore, #tpu.memory_space<semaphore_mem>>)
      %dma_wait3A = arith.constant 0 : i32
      %dma_wait3A_309 = tpu.memref_slice %arg6[%dma_wait3A] : memref<640xf32, #tpu.memory_space<vmem>> -> memref<632xf32, #tpu.memory_space<vmem>>
      %dma_wait3A_310 = tpu.memref_slice %arg3[%add3A_303] : memref<20224xf32, #tpu.memory_space<hbm>> -> memref<632xf32, #tpu.memory_space<hbm>>
      %dma_wait3A_311 = tpu.memref_slice %arg3[%add3A_303] : memref<20224xf32, #tpu.memory_space<hbm>> -> memref<632xf32, #tpu.memory_space<hbm>>
      %dma_wait3A_312 = arith.constant 0 : i32
      %dma_wait3A_313 = tpu.memref_slice %arg6[%dma_wait3A_312] : memref<640xf32, #tpu.memory_space<vmem>> -> memref<632xf32, #tpu.memory_space<vmem>>
      tpu.wait_dma2 semaphore(%run_scoped3A : memref<!tpu.dma_semaphore, #tpu.memory_space<semaphore_mem>>) src(%dma_wait3A_313 : memref<632xf32, #tpu.memory_space<vmem>>) dst(%dma_wait3A_311 : memref<632xf32, #tpu.memory_space<hbm>>)
      tpu.yield
    }) : () -> ()
    return
  }
}

#map = affine_map<(d0, d1) -> (0, 0)>
#map1 = affine_map<(d0, d1) -> (0)>
#map2 = affine_map<(d0, d1) -> (0, 0, 0)>
module attributes {stable_mosaic.version = 14 : i64} {
  func.func @k(%arg0: i32, %arg1: i32, %arg2: memref<10000x128xf32, #tpu.memory_space<hbm>>, %arg3: memref<323584xi32, #tpu.memory_space<hbm>>, %arg4: memref<323584xi32, #tpu.memory_space<hbm>>, %arg5: memref<128x128xf32, #tpu.memory_space<hbm>>, %arg6: memref<2x10112x128xf32, #tpu.memory_space<hbm>>, %arg7: memref<128xi32, #tpu.memory_space<vmem>>, %arg8: memref<128xi32, #tpu.memory_space<vmem>>, %arg9: memref<128x128xf32, #tpu.memory_space<vmem>>, %arg10: memref<10112x128xf32, #tpu.memory_space<vmem_shared>>, %arg11: memref<!tpu.dma_semaphore, #tpu.memory_space<semaphore_mem>>) attributes {dimension_semantics = [#tpu.dimension_semantics<core_parallel>, #tpu.dimension_semantics<subcore_parallel>], iteration_bounds = array<i64: 2, 16>, scalar_prefetch = 0 : i64, scratch_operands = 5 : i64, tpu.core_type = #tpu.core_type<sc_vector_subcore>, window_params = [{transform_indices = #map}, {transform_indices = #map1}, {transform_indices = #map1}, {transform_indices = #map}, {transform_indices = #map2}]} {
    %mul3A = arith.constant 632 : i32
    %mul3A_0 = arith.muli %arg1, %mul3A : i32
    %add3A = arith.constant 0 : i32
    %add3A_1 = arith.addi %mul3A_0, %add3A : i32
    "tpu.region"() ({
      %run_scoped3A = tpu.sem_alloc : memref<!tpu.dma_semaphore, #tpu.memory_space<semaphore_mem>>
      %dma_start3A = arith.constant 0 : i32
      %dma_start3A_25 = tpu.memref_slice %arg10[%add3A_1, %dma_start3A] : memref<10112x128xf32, #tpu.memory_space<vmem_shared>> -> memref<128x128xf32, #tpu.memory_space<vmem_shared>>
      tpu.enqueue_dma source(%arg5 : memref<128x128xf32, #tpu.memory_space<hbm>>) target(%dma_start3A_25 : memref<128x128xf32, #tpu.memory_space<vmem_shared>>) target_semaphore(%run_scoped3A : memref<!tpu.dma_semaphore, #tpu.memory_space<semaphore_mem>>)
      %dma_wait3A = arith.constant 0 : i32
      %dma_wait3A_26 = tpu.memref_slice %arg10[%add3A_1, %dma_wait3A] : memref<10112x128xf32, #tpu.memory_space<vmem_shared>> -> memref<128x128xf32, #tpu.memory_space<vmem_shared>>
      tpu.wait_dma2 semaphore(%run_scoped3A : memref<!tpu.dma_semaphore, #tpu.memory_space<semaphore_mem>>) src(%arg5 : memref<128x128xf32, #tpu.memory_space<hbm>>) dst(%dma_wait3A_26 : memref<128x128xf32, #tpu.memory_space<vmem_shared>>)
      tpu.yield
    }) : () -> ()
    %add3A_2 = arith.constant 128 : i32
    %add3A_3 = arith.addi %mul3A_0, %add3A_2 : i32
    "tpu.region"() ({
      %run_scoped3A = tpu.sem_alloc : memref<!tpu.dma_semaphore, #tpu.memory_space<semaphore_mem>>
      %dma_start3A = arith.constant 0 : i32
      %dma_start3A_25 = tpu.memref_slice %arg10[%add3A_3, %dma_start3A] : memref<10112x128xf32, #tpu.memory_space<vmem_shared>> -> memref<128x128xf32, #tpu.memory_space<vmem_shared>>
      tpu.enqueue_dma source(%arg5 : memref<128x128xf32, #tpu.memory_space<hbm>>) target(%dma_start3A_25 : memref<128x128xf32, #tpu.memory_space<vmem_shared>>) target_semaphore(%run_scoped3A : memref<!tpu.dma_semaphore, #tpu.memory_space<semaphore_mem>>)
      %dma_wait3A = arith.constant 0 : i32
      %dma_wait3A_26 = tpu.memref_slice %arg10[%add3A_3, %dma_wait3A] : memref<10112x128xf32, #tpu.memory_space<vmem_shared>> -> memref<128x128xf32, #tpu.memory_space<vmem_shared>>
      tpu.wait_dma2 semaphore(%run_scoped3A : memref<!tpu.dma_semaphore, #tpu.memory_space<semaphore_mem>>) src(%arg5 : memref<128x128xf32, #tpu.memory_space<hbm>>) dst(%dma_wait3A_26 : memref<128x128xf32, #tpu.memory_space<vmem_shared>>)
      tpu.yield
    }) : () -> ()
    %add3A_4 = arith.constant 256 : i32
    %add3A_5 = arith.addi %mul3A_0, %add3A_4 : i32
    "tpu.region"() ({
      %run_scoped3A = tpu.sem_alloc : memref<!tpu.dma_semaphore, #tpu.memory_space<semaphore_mem>>
      %dma_start3A = arith.constant 0 : i32
      %dma_start3A_25 = tpu.memref_slice %arg10[%add3A_5, %dma_start3A] : memref<10112x128xf32, #tpu.memory_space<vmem_shared>> -> memref<128x128xf32, #tpu.memory_space<vmem_shared>>
      tpu.enqueue_dma source(%arg5 : memref<128x128xf32, #tpu.memory_space<hbm>>) target(%dma_start3A_25 : memref<128x128xf32, #tpu.memory_space<vmem_shared>>) target_semaphore(%run_scoped3A : memref<!tpu.dma_semaphore, #tpu.memory_space<semaphore_mem>>)
      %dma_wait3A = arith.constant 0 : i32
      %dma_wait3A_26 = tpu.memref_slice %arg10[%add3A_5, %dma_wait3A] : memref<10112x128xf32, #tpu.memory_space<vmem_shared>> -> memref<128x128xf32, #tpu.memory_space<vmem_shared>>
      tpu.wait_dma2 semaphore(%run_scoped3A : memref<!tpu.dma_semaphore, #tpu.memory_space<semaphore_mem>>) src(%arg5 : memref<128x128xf32, #tpu.memory_space<hbm>>) dst(%dma_wait3A_26 : memref<128x128xf32, #tpu.memory_space<vmem_shared>>)
      tpu.yield
    }) : () -> ()
    %add3A_6 = arith.constant 384 : i32
    %add3A_7 = arith.addi %mul3A_0, %add3A_6 : i32
    "tpu.region"() ({
      %run_scoped3A = tpu.sem_alloc : memref<!tpu.dma_semaphore, #tpu.memory_space<semaphore_mem>>
      %dma_start3A = arith.constant 0 : i32
      %dma_start3A_25 = tpu.memref_slice %arg10[%add3A_7, %dma_start3A] : memref<10112x128xf32, #tpu.memory_space<vmem_shared>> -> memref<128x128xf32, #tpu.memory_space<vmem_shared>>
      tpu.enqueue_dma source(%arg5 : memref<128x128xf32, #tpu.memory_space<hbm>>) target(%dma_start3A_25 : memref<128x128xf32, #tpu.memory_space<vmem_shared>>) target_semaphore(%run_scoped3A : memref<!tpu.dma_semaphore, #tpu.memory_space<semaphore_mem>>)
      %dma_wait3A = arith.constant 0 : i32
      %dma_wait3A_26 = tpu.memref_slice %arg10[%add3A_7, %dma_wait3A] : memref<10112x128xf32, #tpu.memory_space<vmem_shared>> -> memref<128x128xf32, #tpu.memory_space<vmem_shared>>
      tpu.wait_dma2 semaphore(%run_scoped3A : memref<!tpu.dma_semaphore, #tpu.memory_space<semaphore_mem>>) src(%arg5 : memref<128x128xf32, #tpu.memory_space<hbm>>) dst(%dma_wait3A_26 : memref<128x128xf32, #tpu.memory_space<vmem_shared>>)
      tpu.yield
    }) : () -> ()
    %add3A_8 = arith.constant 512 : i32
    %add3A_9 = arith.addi %mul3A_0, %add3A_8 : i32
    "tpu.region"() ({
      %run_scoped3A = tpu.sem_alloc : memref<!tpu.dma_semaphore, #tpu.memory_space<semaphore_mem>>
      %dma_start3A = arith.constant 0 : i32
      %dma_start3A_25 = tpu.memref_slice %arg10[%add3A_9, %dma_start3A] : memref<10112x128xf32, #tpu.memory_space<vmem_shared>> -> memref<120x128xf32, #tpu.memory_space<vmem_shared>>
      %dma_start3A_26 = arith.constant 0 : i32
      %dma_start3A_27 = arith.constant 0 : i32
      %dma_start3A_28 = tpu.memref_slice %arg5[%dma_start3A_26, %dma_start3A_27] : memref<128x128xf32, #tpu.memory_space<hbm>> -> memref<120x128xf32, #tpu.memory_space<hbm>>
      tpu.enqueue_dma source(%dma_start3A_28 : memref<120x128xf32, #tpu.memory_space<hbm>>) target(%dma_start3A_25 : memref<120x128xf32, #tpu.memory_space<vmem_shared>>) target_semaphore(%run_scoped3A : memref<!tpu.dma_semaphore, #tpu.memory_space<semaphore_mem>>)
      %dma_wait3A = arith.constant 0 : i32
      %dma_wait3A_29 = tpu.memref_slice %arg10[%add3A_9, %dma_wait3A] : memref<10112x128xf32, #tpu.memory_space<vmem_shared>> -> memref<120x128xf32, #tpu.memory_space<vmem_shared>>
      %dma_wait3A_30 = arith.constant 0 : i32
      %dma_wait3A_31 = arith.constant 0 : i32
      %dma_wait3A_32 = tpu.memref_slice %arg5[%dma_wait3A_30, %dma_wait3A_31] : memref<128x128xf32, #tpu.memory_space<hbm>> -> memref<120x128xf32, #tpu.memory_space<hbm>>
      tpu.wait_dma2 semaphore(%run_scoped3A : memref<!tpu.dma_semaphore, #tpu.memory_space<semaphore_mem>>) src(%dma_wait3A_32 : memref<120x128xf32, #tpu.memory_space<hbm>>) dst(%dma_wait3A_29 : memref<120x128xf32, #tpu.memory_space<vmem_shared>>)
      tpu.yield
    }) : () -> ()
    %barrier3A = arith.constant 0 : index
    tpu.barrier barrier_id(%barrier3A)
    %mul3A_10 = arith.constant 16 : i32
    %mul3A_11 = arith.muli %arg0, %mul3A_10 : i32
    %add3A_12 = arith.addi %mul3A_11, %arg1 : i32
    %mul3A_13 = arith.constant 10112 : i32
    %mul3A_14 = arith.muli %add3A_12, %mul3A_13 : i32
    %scan3A = arith.constant 0 : i32
    %scan3A_15 = arith.constant 0 : i32
    %scan3A_16 = arith.constant 79 : i32
    %scan3A_17 = arith.addi %scan3A_15, %scan3A_16 : i32
    %scan3A_18 = arith.constant 1 : i32
    scf.for %scan3A_25 = %scan3A_15 to %scan3A_17 step %scan3A_18  : i32 {
      %mul3A_26 = arith.constant 128 : i32
      %mul3A_27 = arith.muli %scan3A_25, %mul3A_26 : i32
      %add3A_28 = arith.addi %mul3A_14, %mul3A_27 : i32
      "tpu.region"() ({
        %run_scoped3A = tpu.sem_alloc : memref<!tpu.dma_semaphore, #tpu.memory_space<semaphore_mem>>
        %dma_start3A_33 = tpu.memref_slice %arg3[%add3A_28] : memref<323584xi32, #tpu.memory_space<hbm>> -> memref<128xi32, #tpu.memory_space<hbm>>
        %dma_start3A_34 = tpu.memref_slice %arg3[%add3A_28] : memref<323584xi32, #tpu.memory_space<hbm>> -> memref<128xi32, #tpu.memory_space<hbm>>
        tpu.enqueue_dma source(%dma_start3A_34 : memref<128xi32, #tpu.memory_space<hbm>>) target(%arg7 : memref<128xi32, #tpu.memory_space<vmem>>) target_semaphore(%run_scoped3A : memref<!tpu.dma_semaphore, #tpu.memory_space<semaphore_mem>>)
        %dma_wait3A_35 = tpu.memref_slice %arg3[%add3A_28] : memref<323584xi32, #tpu.memory_space<hbm>> -> memref<128xi32, #tpu.memory_space<hbm>>
        %dma_wait3A_36 = tpu.memref_slice %arg3[%add3A_28] : memref<323584xi32, #tpu.memory_space<hbm>> -> memref<128xi32, #tpu.memory_space<hbm>>
        tpu.wait_dma2 semaphore(%run_scoped3A : memref<!tpu.dma_semaphore, #tpu.memory_space<semaphore_mem>>) src(%dma_wait3A_36 : memref<128xi32, #tpu.memory_space<hbm>>) dst(%arg7 : memref<128xi32, #tpu.memory_space<vmem>>)
        tpu.yield
      }) : () -> ()
      "tpu.region"() ({
        %run_scoped3A = tpu.sem_alloc : memref<!tpu.dma_semaphore, #tpu.memory_space<semaphore_mem>>
        %dma_start3A_33 = tpu.memref_slice %arg4[%add3A_28] : memref<323584xi32, #tpu.memory_space<hbm>> -> memref<128xi32, #tpu.memory_space<hbm>>
        %dma_start3A_34 = tpu.memref_slice %arg4[%add3A_28] : memref<323584xi32, #tpu.memory_space<hbm>> -> memref<128xi32, #tpu.memory_space<hbm>>
        tpu.enqueue_dma source(%dma_start3A_34 : memref<128xi32, #tpu.memory_space<hbm>>) target(%arg8 : memref<128xi32, #tpu.memory_space<vmem>>) target_semaphore(%run_scoped3A : memref<!tpu.dma_semaphore, #tpu.memory_space<semaphore_mem>>)
        %dma_wait3A_35 = tpu.memref_slice %arg4[%add3A_28] : memref<323584xi32, #tpu.memory_space<hbm>> -> memref<128xi32, #tpu.memory_space<hbm>>
        %dma_wait3A_36 = tpu.memref_slice %arg4[%add3A_28] : memref<323584xi32, #tpu.memory_space<hbm>> -> memref<128xi32, #tpu.memory_space<hbm>>
        tpu.wait_dma2 semaphore(%run_scoped3A : memref<!tpu.dma_semaphore, #tpu.memory_space<semaphore_mem>>) src(%dma_wait3A_36 : memref<128xi32, #tpu.memory_space<hbm>>) dst(%arg8 : memref<128xi32, #tpu.memory_space<vmem>>)
        tpu.yield
      }) : () -> ()
      %dma_start3A = arith.constant 0 : i32
      %dma_start3A_29 = arith.constant 0 : i32
      %dma_start3A_30 = tpu.memref_slice %arg2[%dma_start3A, %dma_start3A_29] : memref<10000x128xf32, #tpu.memory_space<hbm>> -> memref<10000x128xf32, #tpu.memory_space<hbm>>
      tpu.enqueue_indirect_dma source(%dma_start3A_30 : memref<10000x128xf32, #tpu.memory_space<hbm>>) target(%arg9 : memref<128x128xf32, #tpu.memory_space<vmem>>) offsets(%arg7 : memref<128xi32, #tpu.memory_space<vmem>>) semaphore(%arg11 : memref<!tpu.dma_semaphore, #tpu.memory_space<semaphore_mem>>)
      %dma_wait3A = arith.constant 0 : i32
      %dma_wait3A_31 = arith.constant 0 : i32
      %dma_wait3A_32 = tpu.memref_slice %arg2[%dma_wait3A, %dma_wait3A_31] : memref<10000x128xf32, #tpu.memory_space<hbm>> -> memref<10000x128xf32, #tpu.memory_space<hbm>>
      tpu.wait_indirect_dma semaphore(%arg11 : memref<!tpu.dma_semaphore, #tpu.memory_space<semaphore_mem>>) src(%dma_wait3A_32 : memref<10000x128xf32, #tpu.memory_space<hbm>>) dst(%arg9 : memref<128x128xf32, #tpu.memory_space<vmem>>)
      "tpu.region"() ({
        %run_scoped3A = tpu.sem_alloc : memref<!tpu.dma_semaphore, #tpu.memory_space<semaphore_mem>>
        %dma_start3A_33 = arith.constant 0 : i32
        %dma_start3A_34 = arith.constant 0 : i32
        %dma_start3A_35 = tpu.memref_slice %arg10[%dma_start3A_33, %dma_start3A_34] : memref<10112x128xf32, #tpu.memory_space<vmem_shared>> -> memref<10112x128xf32, #tpu.memory_space<vmem_shared>>
        tpu.enqueue_indirect_dma source(%arg9 : memref<128x128xf32, #tpu.memory_space<vmem>>) target(%dma_start3A_35 : memref<10112x128xf32, #tpu.memory_space<vmem_shared>>) offsets(%arg8 : memref<128xi32, #tpu.memory_space<vmem>>) semaphore(%run_scoped3A : memref<!tpu.dma_semaphore, #tpu.memory_space<semaphore_mem>>) {add = true}
        %dma_wait3A_36 = arith.constant 0 : i32
        %dma_wait3A_37 = arith.constant 0 : i32
        %dma_wait3A_38 = tpu.memref_slice %arg10[%dma_wait3A_36, %dma_wait3A_37] : memref<10112x128xf32, #tpu.memory_space<vmem_shared>> -> memref<10112x128xf32, #tpu.memory_space<vmem_shared>>
        tpu.wait_indirect_dma semaphore(%run_scoped3A : memref<!tpu.dma_semaphore, #tpu.memory_space<semaphore_mem>>) src(%arg9 : memref<128x128xf32, #tpu.memory_space<vmem>>) dst(%dma_wait3A_38 : memref<10112x128xf32, #tpu.memory_space<vmem_shared>>)
        tpu.yield
      }) : () -> ()
    }
    %scan3A_19 = arith.constant 79 : i32
    %barrier3A_20 = arith.constant 0 : index
    tpu.barrier barrier_id(%barrier3A_20)
    %mul3A_21 = arith.constant 632 : i32
    %mul3A_22 = arith.muli %arg1, %mul3A_21 : i32
    %mul3A_23 = arith.constant 632 : i32
    %mul3A_24 = arith.muli %arg1, %mul3A_23 : i32
    "tpu.region"() ({
      %run_scoped3A = tpu.sem_alloc : memref<!tpu.dma_semaphore, #tpu.memory_space<semaphore_mem>>
      %dma_start3A = arith.constant 0 : i32
      %dma_start3A_25 = tpu.memref_slice %arg6[%arg0, %mul3A_24, %dma_start3A] : memref<2x10112x128xf32, #tpu.memory_space<hbm>> -> memref<1x632x128xf32, #tpu.memory_space<hbm>>
      %dma_start3A_26 = tpu.memref_squeeze %dma_start3A_25 : memref<1x632x128xf32, #tpu.memory_space<hbm>> -> memref<632x128xf32, #tpu.memory_space<hbm>>
      %dma_start3A_27 = arith.constant 0 : i32
      %dma_start3A_28 = tpu.memref_slice %arg10[%mul3A_22, %dma_start3A_27] : memref<10112x128xf32, #tpu.memory_space<vmem_shared>> -> memref<632x128xf32, #tpu.memory_space<vmem_shared>>
      tpu.enqueue_dma source(%dma_start3A_28 : memref<632x128xf32, #tpu.memory_space<vmem_shared>>) target(%dma_start3A_26 : memref<632x128xf32, #tpu.memory_space<hbm>>) target_semaphore(%run_scoped3A : memref<!tpu.dma_semaphore, #tpu.memory_space<semaphore_mem>>)
      %dma_wait3A = arith.constant 0 : i32
      %dma_wait3A_29 = tpu.memref_slice %arg6[%arg0, %mul3A_24, %dma_wait3A] : memref<2x10112x128xf32, #tpu.memory_space<hbm>> -> memref<1x632x128xf32, #tpu.memory_space<hbm>>
      %dma_wait3A_30 = tpu.memref_squeeze %dma_wait3A_29 : memref<1x632x128xf32, #tpu.memory_space<hbm>> -> memref<632x128xf32, #tpu.memory_space<hbm>>
      %dma_wait3A_31 = arith.constant 0 : i32
      %dma_wait3A_32 = tpu.memref_slice %arg10[%mul3A_22, %dma_wait3A_31] : memref<10112x128xf32, #tpu.memory_space<vmem_shared>> -> memref<632x128xf32, #tpu.memory_space<vmem_shared>>
      tpu.wait_dma2 semaphore(%run_scoped3A : memref<!tpu.dma_semaphore, #tpu.memory_space<semaphore_mem>>) src(%dma_wait3A_32 : memref<632x128xf32, #tpu.memory_space<vmem_shared>>) dst(%dma_wait3A_30 : memref<632x128xf32, #tpu.memory_space<hbm>>)
      tpu.yield
    }) : () -> ()
    return
  }
}

#map = affine_map<(d0, d1) -> (0)>
module attributes {stable_mosaic.version = 14 : i64} {
  func.func @k(%arg0: i32, %arg1: i32, %arg2: memref<10000xf32, #tpu.memory_space<hbm>>, %arg3: memref<323584xi32, #tpu.memory_space<hbm>>, %arg4: memref<323584xi32, #tpu.memory_space<hbm>>, %arg5: memref<20224xf32, #tpu.memory_space<hbm>>, %arg6: memref<128xi32, #tpu.memory_space<vmem>>, %arg7: memref<128xi32, #tpu.memory_space<vmem>>, %arg8: memref<128xf32, #tpu.memory_space<vmem>>, %arg9: memref<640xf32, #tpu.memory_space<vmem>>, %arg10: memref<10112xf32, #tpu.memory_space<vmem_shared>>, %arg11: memref<!tpu.dma_semaphore, #tpu.memory_space<semaphore_mem>>) attributes {dimension_semantics = [#tpu.dimension_semantics<core_parallel>, #tpu.dimension_semantics<subcore_parallel>], iteration_bounds = array<i64: 2, 16>, scalar_prefetch = 0 : i64, scratch_operands = 6 : i64, tpu.core_type = #tpu.core_type<sc_vector_subcore>, window_params = [{transform_indices = #map}, {transform_indices = #map}, {transform_indices = #map}, {transform_indices = #map}]} {
    %broadcast_in_dim3A = arith.constant 0.000000e+00 : f32
    %broadcast_in_dim3A_0 = vector.broadcast %broadcast_in_dim3A : f32 to vector<16xf32>
    %swap3A = arith.constant 0 : index
    %swap3A_1 = tpu.vector_load %arg9[%swap3A] {strides = array<i32>} : memref<640xf32, #tpu.memory_space<vmem>>, vector<16xf32>,
    %swap3A_2 = vector.shape_cast %swap3A_1 : vector<16xf32> to vector<16xf32>
    %swap3A_3 = vector.shape_cast %broadcast_in_dim3A_0 : vector<16xf32> to vector<16xf32>
    tpu.vector_store %arg9[%swap3A], %swap3A_3 {strides = array<i32>} : memref<640xf32, #tpu.memory_space<vmem>>, vector<16xf32>,
    %broadcast_in_dim3A_4 = arith.constant 0.000000e+00 : f32
    %broadcast_in_dim3A_5 = vector.broadcast %broadcast_in_dim3A_4 : f32 to vector<16xf32>
    %swap3A_6 = arith.constant 16 : index
    %swap3A_7 = tpu.vector_load %arg9[%swap3A_6] {strides = array<i32>} : memref<640xf32, #tpu.memory_space<vmem>>, vector<16xf32>,
    %swap3A_8 = vector.shape_cast %swap3A_7 : vector<16xf32> to vector<16xf32>
    %swap3A_9 = vector.shape_cast %broadcast_in_dim3A_5 : vector<16xf32> to vector<16xf32>
    tpu.vector_store %arg9[%swap3A_6], %swap3A_9 {strides = array<i32>} : memref<640xf32, #tpu.memory_space<vmem>>, vector<16xf32>,
    %broadcast_in_dim3A_10 = arith.constant 0.000000e+00 : f32
    %broadcast_in_dim3A_11 = vector.broadcast %broadcast_in_dim3A_10 : f32 to vector<16xf32>
    %swap3A_12 = arith.constant 32 : index
    %swap3A_13 = tpu.vector_load %arg9[%swap3A_12] {strides = array<i32>} : memref<640xf32, #tpu.memory_space<vmem>>, vector<16xf32>,
    %swap3A_14 = vector.shape_cast %swap3A_13 : vector<16xf32> to vector<16xf32>
    %swap3A_15 = vector.shape_cast %broadcast_in_dim3A_11 : vector<16xf32> to vector<16xf32>
    tpu.vector_store %arg9[%swap3A_12], %swap3A_15 {strides = array<i32>} : memref<640xf32, #tpu.memory_space<vmem>>, vector<16xf32>,
    %broadcast_in_dim3A_16 = arith.constant 0.000000e+00 : f32
    %broadcast_in_dim3A_17 = vector.broadcast %broadcast_in_dim3A_16 : f32 to vector<16xf32>
    %swap3A_18 = arith.constant 48 : index
    %swap3A_19 = tpu.vector_load %arg9[%swap3A_18] {strides = array<i32>} : memref<640xf32, #tpu.memory_space<vmem>>, vector<16xf32>,
    %swap3A_20 = vector.shape_cast %swap3A_19 : vector<16xf32> to vector<16xf32>
    %swap3A_21 = vector.shape_cast %broadcast_in_dim3A_17 : vector<16xf32> to vector<16xf32>
    tpu.vector_store %arg9[%swap3A_18], %swap3A_21 {strides = array<i32>} : memref<640xf32, #tpu.memory_space<vmem>>, vector<16xf32>,
    %broadcast_in_dim3A_22 = arith.constant 0.000000e+00 : f32
    %broadcast_in_dim3A_23 = vector.broadcast %broadcast_in_dim3A_22 : f32 to vector<16xf32>
    %swap3A_24 = arith.constant 64 : index
    %swap3A_25 = tpu.vector_load %arg9[%swap3A_24] {strides = array<i32>} : memref<640xf32, #tpu.memory_space<vmem>>, vector<16xf32>,
    %swap3A_26 = vector.shape_cast %swap3A_25 : vector<16xf32> to vector<16xf32>
    %swap3A_27 = vector.shape_cast %broadcast_in_dim3A_23 : vector<16xf32> to vector<16xf32>
    tpu.vector_store %arg9[%swap3A_24], %swap3A_27 {strides = array<i32>} : memref<640xf32, #tpu.memory_space<vmem>>, vector<16xf32>,
    %broadcast_in_dim3A_28 = arith.constant 0.000000e+00 : f32
    %broadcast_in_dim3A_29 = vector.broadcast %broadcast_in_dim3A_28 : f32 to vector<16xf32>
    %swap3A_30 = arith.constant 80 : index
    %swap3A_31 = tpu.vector_load %arg9[%swap3A_30] {strides = array<i32>} : memref<640xf32, #tpu.memory_space<vmem>>, vector<16xf32>,
    %swap3A_32 = vector.shape_cast %swap3A_31 : vector<16xf32> to vector<16xf32>
    %swap3A_33 = vector.shape_cast %broadcast_in_dim3A_29 : vector<16xf32> to vector<16xf32>
    tpu.vector_store %arg9[%swap3A_30], %swap3A_33 {strides = array<i32>} : memref<640xf32, #tpu.memory_space<vmem>>, vector<16xf32>,
    %broadcast_in_dim3A_34 = arith.constant 0.000000e+00 : f32
    %broadcast_in_dim3A_35 = vector.broadcast %broadcast_in_dim3A_34 : f32 to vector<16xf32>
    %swap3A_36 = arith.constant 96 : index
    %swap3A_37 = tpu.vector_load %arg9[%swap3A_36] {strides = array<i32>} : memref<640xf32, #tpu.memory_space<vmem>>, vector<16xf32>,
    %swap3A_38 = vector.shape_cast %swap3A_37 : vector<16xf32> to vector<16xf32>
    %swap3A_39 = vector.shape_cast %broadcast_in_dim3A_35 : vector<16xf32> to vector<16xf32>
    tpu.vector_store %arg9[%swap3A_36], %swap3A_39 {strides = array<i32>} : memref<640xf32, #tpu.memory_space<vmem>>, vector<16xf32>,
    %broadcast_in_dim3A_40 = arith.constant 0.000000e+00 : f32
    %broadcast_in_dim3A_41 = vector.broadcast %broadcast_in_dim3A_40 : f32 to vector<16xf32>
    %swap3A_42 = arith.constant 112 : index
    %swap3A_43 = tpu.vector_load %arg9[%swap3A_42] {strides = array<i32>} : memref<640xf32, #tpu.memory_space<vmem>>, vector<16xf32>,
    %swap3A_44 = vector.shape_cast %swap3A_43 : vector<16xf32> to vector<16xf32>
    %swap3A_45 = vector.shape_cast %broadcast_in_dim3A_41 : vector<16xf32> to vector<16xf32>
    tpu.vector_store %arg9[%swap3A_42], %swap3A_45 {strides = array<i32>} : memref<640xf32, #tpu.memory_space<vmem>>, vector<16xf32>,
    %broadcast_in_dim3A_46 = arith.constant 0.000000e+00 : f32
    %broadcast_in_dim3A_47 = vector.broadcast %broadcast_in_dim3A_46 : f32 to vector<16xf32>
    %swap3A_48 = arith.constant 128 : index
    %swap3A_49 = tpu.vector_load %arg9[%swap3A_48] {strides = array<i32>} : memref<640xf32, #tpu.memory_space<vmem>>, vector<16xf32>,
    %swap3A_50 = vector.shape_cast %swap3A_49 : vector<16xf32> to vector<16xf32>
    %swap3A_51 = vector.shape_cast %broadcast_in_dim3A_47 : vector<16xf32> to vector<16xf32>
    tpu.vector_store %arg9[%swap3A_48], %swap3A_51 {strides = array<i32>} : memref<640xf32, #tpu.memory_space<vmem>>, vector<16xf32>,
    %broadcast_in_dim3A_52 = arith.constant 0.000000e+00 : f32
    %broadcast_in_dim3A_53 = vector.broadcast %broadcast_in_dim3A_52 : f32 to vector<16xf32>
    %swap3A_54 = arith.constant 144 : index
    %swap3A_55 = tpu.vector_load %arg9[%swap3A_54] {strides = array<i32>} : memref<640xf32, #tpu.memory_space<vmem>>, vector<16xf32>,
    %swap3A_56 = vector.shape_cast %swap3A_55 : vector<16xf32> to vector<16xf32>
    %swap3A_57 = vector.shape_cast %broadcast_in_dim3A_53 : vector<16xf32> to vector<16xf32>
    tpu.vector_store %arg9[%swap3A_54], %swap3A_57 {strides = array<i32>} : memref<640xf32, #tpu.memory_space<vmem>>, vector<16xf32>,
    %broadcast_in_dim3A_58 = arith.constant 0.000000e+00 : f32
    %broadcast_in_dim3A_59 = vector.broadcast %broadcast_in_dim3A_58 : f32 to vector<16xf32>
    %swap3A_60 = arith.constant 160 : index
    %swap3A_61 = tpu.vector_load %arg9[%swap3A_60] {strides = array<i32>} : memref<640xf32, #tpu.memory_space<vmem>>, vector<16xf32>,
    %swap3A_62 = vector.shape_cast %swap3A_61 : vector<16xf32> to vector<16xf32>
    %swap3A_63 = vector.shape_cast %broadcast_in_dim3A_59 : vector<16xf32> to vector<16xf32>
    tpu.vector_store %arg9[%swap3A_60], %swap3A_63 {strides = array<i32>} : memref<640xf32, #tpu.memory_space<vmem>>, vector<16xf32>,
    %broadcast_in_dim3A_64 = arith.constant 0.000000e+00 : f32
    %broadcast_in_dim3A_65 = vector.broadcast %broadcast_in_dim3A_64 : f32 to vector<16xf32>
    %swap3A_66 = arith.constant 176 : index
    %swap3A_67 = tpu.vector_load %arg9[%swap3A_66] {strides = array<i32>} : memref<640xf32, #tpu.memory_space<vmem>>, vector<16xf32>,
    %swap3A_68 = vector.shape_cast %swap3A_67 : vector<16xf32> to vector<16xf32>
    %swap3A_69 = vector.shape_cast %broadcast_in_dim3A_65 : vector<16xf32> to vector<16xf32>
    tpu.vector_store %arg9[%swap3A_66], %swap3A_69 {strides = array<i32>} : memref<640xf32, #tpu.memory_space<vmem>>, vector<16xf32>,
    %broadcast_in_dim3A_70 = arith.constant 0.000000e+00 : f32
    %broadcast_in_dim3A_71 = vector.broadcast %broadcast_in_dim3A_70 : f32 to vector<16xf32>
    %swap3A_72 = arith.constant 192 : index
    %swap3A_73 = tpu.vector_load %arg9[%swap3A_72] {strides = array<i32>} : memref<640xf32, #tpu.memory_space<vmem>>, vector<16xf32>,
    %swap3A_74 = vector.shape_cast %swap3A_73 : vector<16xf32> to vector<16xf32>
    %swap3A_75 = vector.shape_cast %broadcast_in_dim3A_71 : vector<16xf32> to vector<16xf32>
    tpu.vector_store %arg9[%swap3A_72], %swap3A_75 {strides = array<i32>} : memref<640xf32, #tpu.memory_space<vmem>>, vector<16xf32>,
    %broadcast_in_dim3A_76 = arith.constant 0.000000e+00 : f32
    %broadcast_in_dim3A_77 = vector.broadcast %broadcast_in_dim3A_76 : f32 to vector<16xf32>
    %swap3A_78 = arith.constant 208 : index
    %swap3A_79 = tpu.vector_load %arg9[%swap3A_78] {strides = array<i32>} : memref<640xf32, #tpu.memory_space<vmem>>, vector<16xf32>,
    %swap3A_80 = vector.shape_cast %swap3A_79 : vector<16xf32> to vector<16xf32>
    %swap3A_81 = vector.shape_cast %broadcast_in_dim3A_77 : vector<16xf32> to vector<16xf32>
    tpu.vector_store %arg9[%swap3A_78], %swap3A_81 {strides = array<i32>} : memref<640xf32, #tpu.memory_space<vmem>>, vector<16xf32>,
    %broadcast_in_dim3A_82 = arith.constant 0.000000e+00 : f32
    %broadcast_in_dim3A_83 = vector.broadcast %broadcast_in_dim3A_82 : f32 to vector<16xf32>
    %swap3A_84 = arith.constant 224 : index
    %swap3A_85 = tpu.vector_load %arg9[%swap3A_84] {strides = array<i32>} : memref<640xf32, #tpu.memory_space<vmem>>, vector<16xf32>,
    %swap3A_86 = vector.shape_cast %swap3A_85 : vector<16xf32> to vector<16xf32>
    %swap3A_87 = vector.shape_cast %broadcast_in_dim3A_83 : vector<16xf32> to vector<16xf32>
    tpu.vector_store %arg9[%swap3A_84], %swap3A_87 {strides = array<i32>} : memref<640xf32, #tpu.memory_space<vmem>>, vector<16xf32>,
    %broadcast_in_dim3A_88 = arith.constant 0.000000e+00 : f32
    %broadcast_in_dim3A_89 = vector.broadcast %broadcast_in_dim3A_88 : f32 to vector<16xf32>
    %swap3A_90 = arith.constant 240 : index
    %swap3A_91 = tpu.vector_load %arg9[%swap3A_90] {strides = array<i32>} : memref<640xf32, #tpu.memory_space<vmem>>, vector<16xf32>,
    %swap3A_92 = vector.shape_cast %swap3A_91 : vector<16xf32> to vector<16xf32>
    %swap3A_93 = vector.shape_cast %broadcast_in_dim3A_89 : vector<16xf32> to vector<16xf32>
    tpu.vector_store %arg9[%swap3A_90], %swap3A_93 {strides = array<i32>} : memref<640xf32, #tpu.memory_space<vmem>>, vector<16xf32>,
    %broadcast_in_dim3A_94 = arith.constant 0.000000e+00 : f32
    %broadcast_in_dim3A_95 = vector.broadcast %broadcast_in_dim3A_94 : f32 to vector<16xf32>
    %swap3A_96 = arith.constant 256 : index
    %swap3A_97 = tpu.vector_load %arg9[%swap3A_96] {strides = array<i32>} : memref<640xf32, #tpu.memory_space<vmem>>, vector<16xf32>,
    %swap3A_98 = vector.shape_cast %swap3A_97 : vector<16xf32> to vector<16xf32>
    %swap3A_99 = vector.shape_cast %broadcast_in_dim3A_95 : vector<16xf32> to vector<16xf32>
    tpu.vector_store %arg9[%swap3A_96], %swap3A_99 {strides = array<i32>} : memref<640xf32, #tpu.memory_space<vmem>>, vector<16xf32>,
    %broadcast_in_dim3A_100 = arith.constant 0.000000e+00 : f32
    %broadcast_in_dim3A_101 = vector.broadcast %broadcast_in_dim3A_100 : f32 to vector<16xf32>
    %swap3A_102 = arith.constant 272 : index
    %swap3A_103 = tpu.vector_load %arg9[%swap3A_102] {strides = array<i32>} : memref<640xf32, #tpu.memory_space<vmem>>, vector<16xf32>,
    %swap3A_104 = vector.shape_cast %swap3A_103 : vector<16xf32> to vector<16xf32>
    %swap3A_105 = vector.shape_cast %broadcast_in_dim3A_101 : vector<16xf32> to vector<16xf32>
    tpu.vector_store %arg9[%swap3A_102], %swap3A_105 {strides = array<i32>} : memref<640xf32, #tpu.memory_space<vmem>>, vector<16xf32>,
    %broadcast_in_dim3A_106 = arith.constant 0.000000e+00 : f32
    %broadcast_in_dim3A_107 = vector.broadcast %broadcast_in_dim3A_106 : f32 to vector<16xf32>
    %swap3A_108 = arith.constant 288 : index
    %swap3A_109 = tpu.vector_load %arg9[%swap3A_108] {strides = array<i32>} : memref<640xf32, #tpu.memory_space<vmem>>, vector<16xf32>,
    %swap3A_110 = vector.shape_cast %swap3A_109 : vector<16xf32> to vector<16xf32>
    %swap3A_111 = vector.shape_cast %broadcast_in_dim3A_107 : vector<16xf32> to vector<16xf32>
    tpu.vector_store %arg9[%swap3A_108], %swap3A_111 {strides = array<i32>} : memref<640xf32, #tpu.memory_space<vmem>>, vector<16xf32>,
    %broadcast_in_dim3A_112 = arith.constant 0.000000e+00 : f32
    %broadcast_in_dim3A_113 = vector.broadcast %broadcast_in_dim3A_112 : f32 to vector<16xf32>
    %swap3A_114 = arith.constant 304 : index
    %swap3A_115 = tpu.vector_load %arg9[%swap3A_114] {strides = array<i32>} : memref<640xf32, #tpu.memory_space<vmem>>, vector<16xf32>,
    %swap3A_116 = vector.shape_cast %swap3A_115 : vector<16xf32> to vector<16xf32>
    %swap3A_117 = vector.shape_cast %broadcast_in_dim3A_113 : vector<16xf32> to vector<16xf32>
    tpu.vector_store %arg9[%swap3A_114], %swap3A_117 {strides = array<i32>} : memref<640xf32, #tpu.memory_space<vmem>>, vector<16xf32>,
    %broadcast_in_dim3A_118 = arith.constant 0.000000e+00 : f32
    %broadcast_in_dim3A_119 = vector.broadcast %broadcast_in_dim3A_118 : f32 to vector<16xf32>
    %swap3A_120 = arith.constant 320 : index
    %swap3A_121 = tpu.vector_load %arg9[%swap3A_120] {strides = array<i32>} : memref<640xf32, #tpu.memory_space<vmem>>, vector<16xf32>,
    %swap3A_122 = vector.shape_cast %swap3A_121 : vector<16xf32> to vector<16xf32>
    %swap3A_123 = vector.shape_cast %broadcast_in_dim3A_119 : vector<16xf32> to vector<16xf32>
    tpu.vector_store %arg9[%swap3A_120], %swap3A_123 {strides = array<i32>} : memref<640xf32, #tpu.memory_space<vmem>>, vector<16xf32>,
    %broadcast_in_dim3A_124 = arith.constant 0.000000e+00 : f32
    %broadcast_in_dim3A_125 = vector.broadcast %broadcast_in_dim3A_124 : f32 to vector<16xf32>
    %swap3A_126 = arith.constant 336 : index
    %swap3A_127 = tpu.vector_load %arg9[%swap3A_126] {strides = array<i32>} : memref<640xf32, #tpu.memory_space<vmem>>, vector<16xf32>,
    %swap3A_128 = vector.shape_cast %swap3A_127 : vector<16xf32> to vector<16xf32>
    %swap3A_129 = vector.shape_cast %broadcast_in_dim3A_125 : vector<16xf32> to vector<16xf32>
    tpu.vector_store %arg9[%swap3A_126], %swap3A_129 {strides = array<i32>} : memref<640xf32, #tpu.memory_space<vmem>>, vector<16xf32>,
    %broadcast_in_dim3A_130 = arith.constant 0.000000e+00 : f32
    %broadcast_in_dim3A_131 = vector.broadcast %broadcast_in_dim3A_130 : f32 to vector<16xf32>
    %swap3A_132 = arith.constant 352 : index
    %swap3A_133 = tpu.vector_load %arg9[%swap3A_132] {strides = array<i32>} : memref<640xf32, #tpu.memory_space<vmem>>, vector<16xf32>,
    %swap3A_134 = vector.shape_cast %swap3A_133 : vector<16xf32> to vector<16xf32>
    %swap3A_135 = vector.shape_cast %broadcast_in_dim3A_131 : vector<16xf32> to vector<16xf32>
    tpu.vector_store %arg9[%swap3A_132], %swap3A_135 {strides = array<i32>} : memref<640xf32, #tpu.memory_space<vmem>>, vector<16xf32>,
    %broadcast_in_dim3A_136 = arith.constant 0.000000e+00 : f32
    %broadcast_in_dim3A_137 = vector.broadcast %broadcast_in_dim3A_136 : f32 to vector<16xf32>
    %swap3A_138 = arith.constant 368 : index
    %swap3A_139 = tpu.vector_load %arg9[%swap3A_138] {strides = array<i32>} : memref<640xf32, #tpu.memory_space<vmem>>, vector<16xf32>,
    %swap3A_140 = vector.shape_cast %swap3A_139 : vector<16xf32> to vector<16xf32>
    %swap3A_141 = vector.shape_cast %broadcast_in_dim3A_137 : vector<16xf32> to vector<16xf32>
    tpu.vector_store %arg9[%swap3A_138], %swap3A_141 {strides = array<i32>} : memref<640xf32, #tpu.memory_space<vmem>>, vector<16xf32>,
    %broadcast_in_dim3A_142 = arith.constant 0.000000e+00 : f32
    %broadcast_in_dim3A_143 = vector.broadcast %broadcast_in_dim3A_142 : f32 to vector<16xf32>
    %swap3A_144 = arith.constant 384 : index
    %swap3A_145 = tpu.vector_load %arg9[%swap3A_144] {strides = array<i32>} : memref<640xf32, #tpu.memory_space<vmem>>, vector<16xf32>,
    %swap3A_146 = vector.shape_cast %swap3A_145 : vector<16xf32> to vector<16xf32>
    %swap3A_147 = vector.shape_cast %broadcast_in_dim3A_143 : vector<16xf32> to vector<16xf32>
    tpu.vector_store %arg9[%swap3A_144], %swap3A_147 {strides = array<i32>} : memref<640xf32, #tpu.memory_space<vmem>>, vector<16xf32>,
    %broadcast_in_dim3A_148 = arith.constant 0.000000e+00 : f32
    %broadcast_in_dim3A_149 = vector.broadcast %broadcast_in_dim3A_148 : f32 to vector<16xf32>
    %swap3A_150 = arith.constant 400 : index
    %swap3A_151 = tpu.vector_load %arg9[%swap3A_150] {strides = array<i32>} : memref<640xf32, #tpu.memory_space<vmem>>, vector<16xf32>,
    %swap3A_152 = vector.shape_cast %swap3A_151 : vector<16xf32> to vector<16xf32>
    %swap3A_153 = vector.shape_cast %broadcast_in_dim3A_149 : vector<16xf32> to vector<16xf32>
    tpu.vector_store %arg9[%swap3A_150], %swap3A_153 {strides = array<i32>} : memref<640xf32, #tpu.memory_space<vmem>>, vector<16xf32>,
    %broadcast_in_dim3A_154 = arith.constant 0.000000e+00 : f32
    %broadcast_in_dim3A_155 = vector.broadcast %broadcast_in_dim3A_154 : f32 to vector<16xf32>
    %swap3A_156 = arith.constant 416 : index
    %swap3A_157 = tpu.vector_load %arg9[%swap3A_156] {strides = array<i32>} : memref<640xf32, #tpu.memory_space<vmem>>, vector<16xf32>,
    %swap3A_158 = vector.shape_cast %swap3A_157 : vector<16xf32> to vector<16xf32>
    %swap3A_159 = vector.shape_cast %broadcast_in_dim3A_155 : vector<16xf32> to vector<16xf32>
    tpu.vector_store %arg9[%swap3A_156], %swap3A_159 {strides = array<i32>} : memref<640xf32, #tpu.memory_space<vmem>>, vector<16xf32>,
    %broadcast_in_dim3A_160 = arith.constant 0.000000e+00 : f32
    %broadcast_in_dim3A_161 = vector.broadcast %broadcast_in_dim3A_160 : f32 to vector<16xf32>
    %swap3A_162 = arith.constant 432 : index
    %swap3A_163 = tpu.vector_load %arg9[%swap3A_162] {strides = array<i32>} : memref<640xf32, #tpu.memory_space<vmem>>, vector<16xf32>,
    %swap3A_164 = vector.shape_cast %swap3A_163 : vector<16xf32> to vector<16xf32>
    %swap3A_165 = vector.shape_cast %broadcast_in_dim3A_161 : vector<16xf32> to vector<16xf32>
    tpu.vector_store %arg9[%swap3A_162], %swap3A_165 {strides = array<i32>} : memref<640xf32, #tpu.memory_space<vmem>>, vector<16xf32>,
    %broadcast_in_dim3A_166 = arith.constant 0.000000e+00 : f32
    %broadcast_in_dim3A_167 = vector.broadcast %broadcast_in_dim3A_166 : f32 to vector<16xf32>
    %swap3A_168 = arith.constant 448 : index
    %swap3A_169 = tpu.vector_load %arg9[%swap3A_168] {strides = array<i32>} : memref<640xf32, #tpu.memory_space<vmem>>, vector<16xf32>,
    %swap3A_170 = vector.shape_cast %swap3A_169 : vector<16xf32> to vector<16xf32>
    %swap3A_171 = vector.shape_cast %broadcast_in_dim3A_167 : vector<16xf32> to vector<16xf32>
    tpu.vector_store %arg9[%swap3A_168], %swap3A_171 {strides = array<i32>} : memref<640xf32, #tpu.memory_space<vmem>>, vector<16xf32>,
    %broadcast_in_dim3A_172 = arith.constant 0.000000e+00 : f32
    %broadcast_in_dim3A_173 = vector.broadcast %broadcast_in_dim3A_172 : f32 to vector<16xf32>
    %swap3A_174 = arith.constant 464 : index
    %swap3A_175 = tpu.vector_load %arg9[%swap3A_174] {strides = array<i32>} : memref<640xf32, #tpu.memory_space<vmem>>, vector<16xf32>,
    %swap3A_176 = vector.shape_cast %swap3A_175 : vector<16xf32> to vector<16xf32>
    %swap3A_177 = vector.shape_cast %broadcast_in_dim3A_173 : vector<16xf32> to vector<16xf32>
    tpu.vector_store %arg9[%swap3A_174], %swap3A_177 {strides = array<i32>} : memref<640xf32, #tpu.memory_space<vmem>>, vector<16xf32>,
    %broadcast_in_dim3A_178 = arith.constant 0.000000e+00 : f32
    %broadcast_in_dim3A_179 = vector.broadcast %broadcast_in_dim3A_178 : f32 to vector<16xf32>
    %swap3A_180 = arith.constant 480 : index
    %swap3A_181 = tpu.vector_load %arg9[%swap3A_180] {strides = array<i32>} : memref<640xf32, #tpu.memory_space<vmem>>, vector<16xf32>,
    %swap3A_182 = vector.shape_cast %swap3A_181 : vector<16xf32> to vector<16xf32>
    %swap3A_183 = vector.shape_cast %broadcast_in_dim3A_179 : vector<16xf32> to vector<16xf32>
    tpu.vector_store %arg9[%swap3A_180], %swap3A_183 {strides = array<i32>} : memref<640xf32, #tpu.memory_space<vmem>>, vector<16xf32>,
    %broadcast_in_dim3A_184 = arith.constant 0.000000e+00 : f32
    %broadcast_in_dim3A_185 = vector.broadcast %broadcast_in_dim3A_184 : f32 to vector<16xf32>
    %swap3A_186 = arith.constant 496 : index
    %swap3A_187 = tpu.vector_load %arg9[%swap3A_186] {strides = array<i32>} : memref<640xf32, #tpu.memory_space<vmem>>, vector<16xf32>,
    %swap3A_188 = vector.shape_cast %swap3A_187 : vector<16xf32> to vector<16xf32>
    %swap3A_189 = vector.shape_cast %broadcast_in_dim3A_185 : vector<16xf32> to vector<16xf32>
    tpu.vector_store %arg9[%swap3A_186], %swap3A_189 {strides = array<i32>} : memref<640xf32, #tpu.memory_space<vmem>>, vector<16xf32>,
    %broadcast_in_dim3A_190 = arith.constant 0.000000e+00 : f32
    %broadcast_in_dim3A_191 = vector.broadcast %broadcast_in_dim3A_190 : f32 to vector<16xf32>
    %swap3A_192 = arith.constant 512 : index
    %swap3A_193 = tpu.vector_load %arg9[%swap3A_192] {strides = array<i32>} : memref<640xf32, #tpu.memory_space<vmem>>, vector<16xf32>,
    %swap3A_194 = vector.shape_cast %swap3A_193 : vector<16xf32> to vector<16xf32>
    %swap3A_195 = vector.shape_cast %broadcast_in_dim3A_191 : vector<16xf32> to vector<16xf32>
    tpu.vector_store %arg9[%swap3A_192], %swap3A_195 {strides = array<i32>} : memref<640xf32, #tpu.memory_space<vmem>>, vector<16xf32>,
    %broadcast_in_dim3A_196 = arith.constant 0.000000e+00 : f32
    %broadcast_in_dim3A_197 = vector.broadcast %broadcast_in_dim3A_196 : f32 to vector<16xf32>
    %swap3A_198 = arith.constant 528 : index
    %swap3A_199 = tpu.vector_load %arg9[%swap3A_198] {strides = array<i32>} : memref<640xf32, #tpu.memory_space<vmem>>, vector<16xf32>,
    %swap3A_200 = vector.shape_cast %swap3A_199 : vector<16xf32> to vector<16xf32>
    %swap3A_201 = vector.shape_cast %broadcast_in_dim3A_197 : vector<16xf32> to vector<16xf32>
    tpu.vector_store %arg9[%swap3A_198], %swap3A_201 {strides = array<i32>} : memref<640xf32, #tpu.memory_space<vmem>>, vector<16xf32>,
    %broadcast_in_dim3A_202 = arith.constant 0.000000e+00 : f32
    %broadcast_in_dim3A_203 = vector.broadcast %broadcast_in_dim3A_202 : f32 to vector<16xf32>
    %swap3A_204 = arith.constant 544 : index
    %swap3A_205 = tpu.vector_load %arg9[%swap3A_204] {strides = array<i32>} : memref<640xf32, #tpu.memory_space<vmem>>, vector<16xf32>,
    %swap3A_206 = vector.shape_cast %swap3A_205 : vector<16xf32> to vector<16xf32>
    %swap3A_207 = vector.shape_cast %broadcast_in_dim3A_203 : vector<16xf32> to vector<16xf32>
    tpu.vector_store %arg9[%swap3A_204], %swap3A_207 {strides = array<i32>} : memref<640xf32, #tpu.memory_space<vmem>>, vector<16xf32>,
    %broadcast_in_dim3A_208 = arith.constant 0.000000e+00 : f32
    %broadcast_in_dim3A_209 = vector.broadcast %broadcast_in_dim3A_208 : f32 to vector<16xf32>
    %swap3A_210 = arith.constant 560 : index
    %swap3A_211 = tpu.vector_load %arg9[%swap3A_210] {strides = array<i32>} : memref<640xf32, #tpu.memory_space<vmem>>, vector<16xf32>,
    %swap3A_212 = vector.shape_cast %swap3A_211 : vector<16xf32> to vector<16xf32>
    %swap3A_213 = vector.shape_cast %broadcast_in_dim3A_209 : vector<16xf32> to vector<16xf32>
    tpu.vector_store %arg9[%swap3A_210], %swap3A_213 {strides = array<i32>} : memref<640xf32, #tpu.memory_space<vmem>>, vector<16xf32>,
    %broadcast_in_dim3A_214 = arith.constant 0.000000e+00 : f32
    %broadcast_in_dim3A_215 = vector.broadcast %broadcast_in_dim3A_214 : f32 to vector<16xf32>
    %swap3A_216 = arith.constant 576 : index
    %swap3A_217 = tpu.vector_load %arg9[%swap3A_216] {strides = array<i32>} : memref<640xf32, #tpu.memory_space<vmem>>, vector<16xf32>,
    %swap3A_218 = vector.shape_cast %swap3A_217 : vector<16xf32> to vector<16xf32>
    %swap3A_219 = vector.shape_cast %broadcast_in_dim3A_215 : vector<16xf32> to vector<16xf32>
    tpu.vector_store %arg9[%swap3A_216], %swap3A_219 {strides = array<i32>} : memref<640xf32, #tpu.memory_space<vmem>>, vector<16xf32>,
    %broadcast_in_dim3A_220 = arith.constant 0.000000e+00 : f32
    %broadcast_in_dim3A_221 = vector.broadcast %broadcast_in_dim3A_220 : f32 to vector<16xf32>
    %swap3A_222 = arith.constant 592 : index
    %swap3A_223 = tpu.vector_load %arg9[%swap3A_222] {strides = array<i32>} : memref<640xf32, #tpu.memory_space<vmem>>, vector<16xf32>,
    %swap3A_224 = vector.shape_cast %swap3A_223 : vector<16xf32> to vector<16xf32>
    %swap3A_225 = vector.shape_cast %broadcast_in_dim3A_221 : vector<16xf32> to vector<16xf32>
    tpu.vector_store %arg9[%swap3A_222], %swap3A_225 {strides = array<i32>} : memref<640xf32, #tpu.memory_space<vmem>>, vector<16xf32>,
    %broadcast_in_dim3A_226 = arith.constant 0.000000e+00 : f32
    %broadcast_in_dim3A_227 = vector.broadcast %broadcast_in_dim3A_226 : f32 to vector<16xf32>
    %swap3A_228 = arith.constant 608 : index
    %swap3A_229 = tpu.vector_load %arg9[%swap3A_228] {strides = array<i32>} : memref<640xf32, #tpu.memory_space<vmem>>, vector<16xf32>,
    %swap3A_230 = vector.shape_cast %swap3A_229 : vector<16xf32> to vector<16xf32>
    %swap3A_231 = vector.shape_cast %broadcast_in_dim3A_227 : vector<16xf32> to vector<16xf32>
    tpu.vector_store %arg9[%swap3A_228], %swap3A_231 {strides = array<i32>} : memref<640xf32, #tpu.memory_space<vmem>>, vector<16xf32>,
    %broadcast_in_dim3A_232 = arith.constant 0.000000e+00 : f32
    %broadcast_in_dim3A_233 = vector.broadcast %broadcast_in_dim3A_232 : f32 to vector<16xf32>
    %swap3A_234 = arith.constant 624 : index
    %swap3A_235 = tpu.vector_load %arg9[%swap3A_234] {strides = array<i32>} : memref<640xf32, #tpu.memory_space<vmem>>, vector<16xf32>,
    %swap3A_236 = vector.shape_cast %swap3A_235 : vector<16xf32> to vector<16xf32>
    %swap3A_237 = vector.shape_cast %broadcast_in_dim3A_233 : vector<16xf32> to vector<16xf32>
    tpu.vector_store %arg9[%swap3A_234], %swap3A_237 {strides = array<i32>} : memref<640xf32, #tpu.memory_space<vmem>>, vector<16xf32>,
    %mul3A = arith.constant 632 : i32
    %mul3A_238 = arith.muli %arg1, %mul3A : i32
    "tpu.region"() ({
      %run_scoped3A = tpu.sem_alloc : memref<!tpu.dma_semaphore, #tpu.memory_space<semaphore_mem>>
      %dma_start3A = arith.constant 0 : i32
      %dma_start3A_256 = tpu.memref_slice %arg9[%dma_start3A] : memref<640xf32, #tpu.memory_space<vmem>> -> memref<632xf32, #tpu.memory_space<vmem>>
      %dma_start3A_257 = tpu.memref_slice %arg10[%mul3A_238] : memref<10112xf32, #tpu.memory_space<vmem_shared>> -> memref<632xf32, #tpu.memory_space<vmem_shared>>
      %dma_start3A_258 = tpu.memref_slice %arg10[%mul3A_238] : memref<10112xf32, #tpu.memory_space<vmem_shared>> -> memref<632xf32, #tpu.memory_space<vmem_shared>>
      %dma_start3A_259 = arith.constant 0 : i32
      %dma_start3A_260 = tpu.memref_slice %arg9[%dma_start3A_259] : memref<640xf32, #tpu.memory_space<vmem>> -> memref<632xf32, #tpu.memory_space<vmem>>
      tpu.enqueue_dma source(%dma_start3A_260 : memref<632xf32, #tpu.memory_space<vmem>>) target(%dma_start3A_258 : memref<632xf32, #tpu.memory_space<vmem_shared>>) target_semaphore(%run_scoped3A : memref<!tpu.dma_semaphore, #tpu.memory_space<semaphore_mem>>)
      %dma_wait3A = arith.constant 0 : i32
      %dma_wait3A_261 = tpu.memref_slice %arg9[%dma_wait3A] : memref<640xf32, #tpu.memory_space<vmem>> -> memref<632xf32, #tpu.memory_space<vmem>>
      %dma_wait3A_262 = tpu.memref_slice %arg10[%mul3A_238] : memref<10112xf32, #tpu.memory_space<vmem_shared>> -> memref<632xf32, #tpu.memory_space<vmem_shared>>
      %dma_wait3A_263 = tpu.memref_slice %arg10[%mul3A_238] : memref<10112xf32, #tpu.memory_space<vmem_shared>> -> memref<632xf32, #tpu.memory_space<vmem_shared>>
      %dma_wait3A_264 = arith.constant 0 : i32
      %dma_wait3A_265 = tpu.memref_slice %arg9[%dma_wait3A_264] : memref<640xf32, #tpu.memory_space<vmem>> -> memref<632xf32, #tpu.memory_space<vmem>>
      tpu.wait_dma2 semaphore(%run_scoped3A : memref<!tpu.dma_semaphore, #tpu.memory_space<semaphore_mem>>) src(%dma_wait3A_265 : memref<632xf32, #tpu.memory_space<vmem>>) dst(%dma_wait3A_263 : memref<632xf32, #tpu.memory_space<vmem_shared>>)
      tpu.yield
    }) : () -> ()
    %barrier3A = arith.constant 0 : index
    tpu.barrier barrier_id(%barrier3A)
    %mul3A_239 = arith.constant 16 : i32
    %mul3A_240 = arith.muli %arg0, %mul3A_239 : i32
    %add3A = arith.addi %mul3A_240, %arg1 : i32
    %mul3A_241 = arith.constant 10112 : i32
    %mul3A_242 = arith.muli %add3A, %mul3A_241 : i32
    %scan3A = arith.constant 0 : i32
    %scan3A_243 = arith.constant 0 : i32
    %scan3A_244 = arith.constant 79 : i32
    %scan3A_245 = arith.addi %scan3A_243, %scan3A_244 : i32
    %scan3A_246 = arith.constant 1 : i32
    scf.for %scan3A_256 = %scan3A_243 to %scan3A_245 step %scan3A_246  : i32 {
      %mul3A_257 = arith.constant 128 : i32
      %mul3A_258 = arith.muli %scan3A_256, %mul3A_257 : i32
      %add3A_259 = arith.addi %mul3A_242, %mul3A_258 : i32
      "tpu.region"() ({
        %run_scoped3A = tpu.sem_alloc : memref<!tpu.dma_semaphore, #tpu.memory_space<semaphore_mem>>
        %dma_start3A_262 = tpu.memref_slice %arg3[%add3A_259] : memref<323584xi32, #tpu.memory_space<hbm>> -> memref<128xi32, #tpu.memory_space<hbm>>
        %dma_start3A_263 = tpu.memref_slice %arg3[%add3A_259] : memref<323584xi32, #tpu.memory_space<hbm>> -> memref<128xi32, #tpu.memory_space<hbm>>
        tpu.enqueue_dma source(%dma_start3A_263 : memref<128xi32, #tpu.memory_space<hbm>>) target(%arg6 : memref<128xi32, #tpu.memory_space<vmem>>) target_semaphore(%run_scoped3A : memref<!tpu.dma_semaphore, #tpu.memory_space<semaphore_mem>>)
        %dma_wait3A_264 = tpu.memref_slice %arg3[%add3A_259] : memref<323584xi32, #tpu.memory_space<hbm>> -> memref<128xi32, #tpu.memory_space<hbm>>
        %dma_wait3A_265 = tpu.memref_slice %arg3[%add3A_259] : memref<323584xi32, #tpu.memory_space<hbm>> -> memref<128xi32, #tpu.memory_space<hbm>>
        tpu.wait_dma2 semaphore(%run_scoped3A : memref<!tpu.dma_semaphore, #tpu.memory_space<semaphore_mem>>) src(%dma_wait3A_265 : memref<128xi32, #tpu.memory_space<hbm>>) dst(%arg6 : memref<128xi32, #tpu.memory_space<vmem>>)
        tpu.yield
      }) : () -> ()
      "tpu.region"() ({
        %run_scoped3A = tpu.sem_alloc : memref<!tpu.dma_semaphore, #tpu.memory_space<semaphore_mem>>
        %dma_start3A_262 = tpu.memref_slice %arg4[%add3A_259] : memref<323584xi32, #tpu.memory_space<hbm>> -> memref<128xi32, #tpu.memory_space<hbm>>
        %dma_start3A_263 = tpu.memref_slice %arg4[%add3A_259] : memref<323584xi32, #tpu.memory_space<hbm>> -> memref<128xi32, #tpu.memory_space<hbm>>
        tpu.enqueue_dma source(%dma_start3A_263 : memref<128xi32, #tpu.memory_space<hbm>>) target(%arg7 : memref<128xi32, #tpu.memory_space<vmem>>) target_semaphore(%run_scoped3A : memref<!tpu.dma_semaphore, #tpu.memory_space<semaphore_mem>>)
        %dma_wait3A_264 = tpu.memref_slice %arg4[%add3A_259] : memref<323584xi32, #tpu.memory_space<hbm>> -> memref<128xi32, #tpu.memory_space<hbm>>
        %dma_wait3A_265 = tpu.memref_slice %arg4[%add3A_259] : memref<323584xi32, #tpu.memory_space<hbm>> -> memref<128xi32, #tpu.memory_space<hbm>>
        tpu.wait_dma2 semaphore(%run_scoped3A : memref<!tpu.dma_semaphore, #tpu.memory_space<semaphore_mem>>) src(%dma_wait3A_265 : memref<128xi32, #tpu.memory_space<hbm>>) dst(%arg7 : memref<128xi32, #tpu.memory_space<vmem>>)
        tpu.yield
      }) : () -> ()
      %dma_start3A = arith.constant 0 : i32
      %dma_start3A_260 = tpu.memref_slice %arg2[%dma_start3A] : memref<10000xf32, #tpu.memory_space<hbm>> -> memref<10000xf32, #tpu.memory_space<hbm>>
      tpu.enqueue_indirect_dma source(%dma_start3A_260 : memref<10000xf32, #tpu.memory_space<hbm>>) target(%arg8 : memref<128xf32, #tpu.memory_space<vmem>>) offsets(%arg6 : memref<128xi32, #tpu.memory_space<vmem>>) semaphore(%arg11 : memref<!tpu.dma_semaphore, #tpu.memory_space<semaphore_mem>>)
      %dma_wait3A = arith.constant 0 : i32
      %dma_wait3A_261 = tpu.memref_slice %arg2[%dma_wait3A] : memref<10000xf32, #tpu.memory_space<hbm>> -> memref<10000xf32, #tpu.memory_space<hbm>>
      tpu.wait_indirect_dma semaphore(%arg11 : memref<!tpu.dma_semaphore, #tpu.memory_space<semaphore_mem>>) src(%dma_wait3A_261 : memref<10000xf32, #tpu.memory_space<hbm>>) dst(%arg8 : memref<128xf32, #tpu.memory_space<vmem>>)
      "tpu.region"() ({
        %run_scoped3A = tpu.sem_alloc : memref<!tpu.dma_semaphore, #tpu.memory_space<semaphore_mem>>
        %dma_start3A_262 = arith.constant 0 : i32
        %dma_start3A_263 = tpu.memref_slice %arg10[%dma_start3A_262] : memref<10112xf32, #tpu.memory_space<vmem_shared>> -> memref<10112xf32, #tpu.memory_space<vmem_shared>>
        tpu.enqueue_indirect_dma source(%arg8 : memref<128xf32, #tpu.memory_space<vmem>>) target(%dma_start3A_263 : memref<10112xf32, #tpu.memory_space<vmem_shared>>) offsets(%arg7 : memref<128xi32, #tpu.memory_space<vmem>>) semaphore(%run_scoped3A : memref<!tpu.dma_semaphore, #tpu.memory_space<semaphore_mem>>) {add = true}
        %dma_wait3A_264 = arith.constant 0 : i32
        %dma_wait3A_265 = tpu.memref_slice %arg10[%dma_wait3A_264] : memref<10112xf32, #tpu.memory_space<vmem_shared>> -> memref<10112xf32, #tpu.memory_space<vmem_shared>>
        tpu.wait_indirect_dma semaphore(%run_scoped3A : memref<!tpu.dma_semaphore, #tpu.memory_space<semaphore_mem>>) src(%arg8 : memref<128xf32, #tpu.memory_space<vmem>>) dst(%dma_wait3A_265 : memref<10112xf32, #tpu.memory_space<vmem_shared>>)
        tpu.yield
      }) : () -> ()
    }
    %scan3A_247 = arith.constant 79 : i32
    %barrier3A_248 = arith.constant 0 : index
    tpu.barrier barrier_id(%barrier3A_248)
    %mul3A_249 = arith.constant 632 : i32
    %mul3A_250 = arith.muli %arg1, %mul3A_249 : i32
    "tpu.region"() ({
      %run_scoped3A = tpu.sem_alloc : memref<!tpu.dma_semaphore, #tpu.memory_space<semaphore_mem>>
      %dma_start3A = arith.constant 0 : i32
      %dma_start3A_256 = tpu.memref_slice %arg9[%dma_start3A] : memref<640xf32, #tpu.memory_space<vmem>> -> memref<632xf32, #tpu.memory_space<vmem>>
      %dma_start3A_257 = tpu.memref_slice %arg10[%mul3A_250] : memref<10112xf32, #tpu.memory_space<vmem_shared>> -> memref<632xf32, #tpu.memory_space<vmem_shared>>
      %dma_start3A_258 = arith.constant 0 : i32
      %dma_start3A_259 = tpu.memref_slice %arg9[%dma_start3A_258] : memref<640xf32, #tpu.memory_space<vmem>> -> memref<632xf32, #tpu.memory_space<vmem>>
      %dma_start3A_260 = tpu.memref_slice %arg10[%mul3A_250] : memref<10112xf32, #tpu.memory_space<vmem_shared>> -> memref<632xf32, #tpu.memory_space<vmem_shared>>
      tpu.enqueue_dma source(%dma_start3A_260 : memref<632xf32, #tpu.memory_space<vmem_shared>>) target(%dma_start3A_259 : memref<632xf32, #tpu.memory_space<vmem>>) target_semaphore(%run_scoped3A : memref<!tpu.dma_semaphore, #tpu.memory_space<semaphore_mem>>)
      %dma_wait3A = arith.constant 0 : i32
      %dma_wait3A_261 = tpu.memref_slice %arg9[%dma_wait3A] : memref<640xf32, #tpu.memory_space<vmem>> -> memref<632xf32, #tpu.memory_space<vmem>>
      %dma_wait3A_262 = tpu.memref_slice %arg10[%mul3A_250] : memref<10112xf32, #tpu.memory_space<vmem_shared>> -> memref<632xf32, #tpu.memory_space<vmem_shared>>
      %dma_wait3A_263 = arith.constant 0 : i32
      %dma_wait3A_264 = tpu.memref_slice %arg9[%dma_wait3A_263] : memref<640xf32, #tpu.memory_space<vmem>> -> memref<632xf32, #tpu.memory_space<vmem>>
      %dma_wait3A_265 = tpu.memref_slice %arg10[%mul3A_250] : memref<10112xf32, #tpu.memory_space<vmem_shared>> -> memref<632xf32, #tpu.memory_space<vmem_shared>>
      tpu.wait_dma2 semaphore(%run_scoped3A : memref<!tpu.dma_semaphore, #tpu.memory_space<semaphore_mem>>) src(%dma_wait3A_265 : memref<632xf32, #tpu.memory_space<vmem_shared>>) dst(%dma_wait3A_264 : memref<632xf32, #tpu.memory_space<vmem>>)
      tpu.yield
    }) : () -> ()
    %mul3A_251 = arith.constant 10112 : i32
    %mul3A_252 = arith.muli %arg0, %mul3A_251 : i32
    %mul3A_253 = arith.constant 632 : i32
    %mul3A_254 = arith.muli %arg1, %mul3A_253 : i32
    %add3A_255 = arith.addi %mul3A_252, %mul3A_254 : i32
    "tpu.region"() ({
      %run_scoped3A = tpu.sem_alloc : memref<!tpu.dma_semaphore, #tpu.memory_space<semaphore_mem>>
      %dma_start3A = arith.constant 0 : i32
      %dma_start3A_256 = tpu.memref_slice %arg9[%dma_start3A] : memref<640xf32, #tpu.memory_space<vmem>> -> memref<632xf32, #tpu.memory_space<vmem>>
      %dma_start3A_257 = tpu.memref_slice %arg5[%add3A_255] : memref<20224xf32, #tpu.memory_space<hbm>> -> memref<632xf32, #tpu.memory_space<hbm>>
      %dma_start3A_258 = tpu.memref_slice %arg5[%add3A_255] : memref<20224xf32, #tpu.memory_space<hbm>> -> memref<632xf32, #tpu.memory_space<hbm>>
      %dma_start3A_259 = arith.constant 0 : i32
      %dma_start3A_260 = tpu.memref_slice %arg9[%dma_start3A_259] : memref<640xf32, #tpu.memory_space<vmem>> -> memref<632xf32, #tpu.memory_space<vmem>>
      tpu.enqueue_dma source(%dma_start3A_260 : memref<632xf32, #tpu.memory_space<vmem>>) target(%dma_start3A_258 : memref<632xf32, #tpu.memory_space<hbm>>) target_semaphore(%run_scoped3A : memref<!tpu.dma_semaphore, #tpu.memory_space<semaphore_mem>>)
      %dma_wait3A = arith.constant 0 : i32
      %dma_wait3A_261 = tpu.memref_slice %arg9[%dma_wait3A] : memref<640xf32, #tpu.memory_space<vmem>> -> memref<632xf32, #tpu.memory_space<vmem>>
      %dma_wait3A_262 = tpu.memref_slice %arg5[%add3A_255] : memref<20224xf32, #tpu.memory_space<hbm>> -> memref<632xf32, #tpu.memory_space<hbm>>
      %dma_wait3A_263 = tpu.memref_slice %arg5[%add3A_255] : memref<20224xf32, #tpu.memory_space<hbm>> -> memref<632xf32, #tpu.memory_space<hbm>>
      %dma_wait3A_264 = arith.constant 0 : i32
      %dma_wait3A_265 = tpu.memref_slice %arg9[%dma_wait3A_264] : memref<640xf32, #tpu.memory_space<vmem>> -> memref<632xf32, #tpu.memory_space<vmem>>
      tpu.wait_dma2 semaphore(%run_scoped3A : memref<!tpu.dma_semaphore, #tpu.memory_space<semaphore_mem>>) src(%dma_wait3A_265 : memref<632xf32, #tpu.memory_space<vmem>>) dst(%dma_wait3A_263 : memref<632xf32, #tpu.memory_space<hbm>>)
      tpu.yield
    }) : () -> ()
    return
  }
}

#map = affine_map<(d0, d1) -> (0, 0)>
#map1 = affine_map<(d0, d1) -> (0)>
module attributes {stable_mosaic.version = 14 : i64} {
  func.func @k(%arg0: i32, %arg1: i32, %arg2: memref<12288x128xf32, #tpu.memory_space<hbm>>, %arg3: memref<12288xi32, #tpu.memory_space<hbm>>, %arg4: memref<10112xi32, #tpu.memory_space<hbm>>, %arg5: memref<323584xi32, #tpu.memory_space<hbm>>, %arg6: memref<323584xi32, #tpu.memory_space<hbm>>, %arg7: memref<8008x128xf32, #tpu.memory_space<hbm>>, %arg8: memref<323584xi32, #tpu.memory_space<hbm>>, %arg9: memref<323584xi32, #tpu.memory_space<hbm>>, %arg10: memref<16384xf32, #tpu.memory_space<hbm>>, %arg11: memref<128xi32, #tpu.memory_space<vmem>>, %arg12: memref<128xi32, #tpu.memory_space<vmem>>, %arg13: memref<128xi32, #tpu.memory_space<vmem>>, %arg14: memref<128xi32, #tpu.memory_space<vmem>>, %arg15: memref<128xi32, #tpu.memory_space<vmem>>, %arg16: memref<128xi32, #tpu.memory_space<vmem>>, %arg17: memref<128x128xf32, #tpu.memory_space<vmem>>, %arg18: memref<128xf32, #tpu.memory_space<vmem>>, %arg19: memref<512xf32, #tpu.memory_space<vmem>>, %arg20: memref<8192xf32, #tpu.memory_space<vmem_shared>>, %arg21: memref<!tpu.dma_semaphore, #tpu.memory_space<semaphore_mem>>, %arg22: memref<!tpu.dma_semaphore, #tpu.memory_space<semaphore_mem>>) attributes {dimension_semantics = [#tpu.dimension_semantics<core_parallel>, #tpu.dimension_semantics<subcore_parallel>], iteration_bounds = array<i64: 2, 16>, scalar_prefetch = 0 : i64, scratch_operands = 12 : i64, tpu.core_type = #tpu.core_type<sc_vector_subcore>, window_params = [{transform_indices = #map}, {transform_indices = #map1}, {transform_indices = #map1}, {transform_indices = #map1}, {transform_indices = #map1}, {transform_indices = #map}, {transform_indices = #map1}, {transform_indices = #map1}, {transform_indices = #map1}]} {
    %broadcast_in_dim3A = arith.constant 1.000000e+00 : f32
    %broadcast_in_dim3A_0 = vector.broadcast %broadcast_in_dim3A : f32 to vector<16xf32>
    %swap3A = arith.constant 0 : index
    %swap3A_1 = tpu.vector_load %arg18[%swap3A] {strides = array<i32>} : memref<128xf32, #tpu.memory_space<vmem>>, vector<16xf32>,
    %swap3A_2 = vector.shape_cast %swap3A_1 : vector<16xf32> to vector<16xf32>
    %swap3A_3 = vector.shape_cast %broadcast_in_dim3A_0 : vector<16xf32> to vector<16xf32>
    tpu.vector_store %arg18[%swap3A], %swap3A_3 {strides = array<i32>} : memref<128xf32, #tpu.memory_space<vmem>>, vector<16xf32>,
    %broadcast_in_dim3A_4 = arith.constant 1.000000e+00 : f32
    %broadcast_in_dim3A_5 = vector.broadcast %broadcast_in_dim3A_4 : f32 to vector<16xf32>
    %swap3A_6 = arith.constant 16 : index
    %swap3A_7 = tpu.vector_load %arg18[%swap3A_6] {strides = array<i32>} : memref<128xf32, #tpu.memory_space<vmem>>, vector<16xf32>,
    %swap3A_8 = vector.shape_cast %swap3A_7 : vector<16xf32> to vector<16xf32>
    %swap3A_9 = vector.shape_cast %broadcast_in_dim3A_5 : vector<16xf32> to vector<16xf32>
    tpu.vector_store %arg18[%swap3A_6], %swap3A_9 {strides = array<i32>} : memref<128xf32, #tpu.memory_space<vmem>>, vector<16xf32>,
    %broadcast_in_dim3A_10 = arith.constant 1.000000e+00 : f32
    %broadcast_in_dim3A_11 = vector.broadcast %broadcast_in_dim3A_10 : f32 to vector<16xf32>
    %swap3A_12 = arith.constant 32 : index
    %swap3A_13 = tpu.vector_load %arg18[%swap3A_12] {strides = array<i32>} : memref<128xf32, #tpu.memory_space<vmem>>, vector<16xf32>,
    %swap3A_14 = vector.shape_cast %swap3A_13 : vector<16xf32> to vector<16xf32>
    %swap3A_15 = vector.shape_cast %broadcast_in_dim3A_11 : vector<16xf32> to vector<16xf32>
    tpu.vector_store %arg18[%swap3A_12], %swap3A_15 {strides = array<i32>} : memref<128xf32, #tpu.memory_space<vmem>>, vector<16xf32>,
    %broadcast_in_dim3A_16 = arith.constant 1.000000e+00 : f32
    %broadcast_in_dim3A_17 = vector.broadcast %broadcast_in_dim3A_16 : f32 to vector<16xf32>
    %swap3A_18 = arith.constant 48 : index
    %swap3A_19 = tpu.vector_load %arg18[%swap3A_18] {strides = array<i32>} : memref<128xf32, #tpu.memory_space<vmem>>, vector<16xf32>,
    %swap3A_20 = vector.shape_cast %swap3A_19 : vector<16xf32> to vector<16xf32>
    %swap3A_21 = vector.shape_cast %broadcast_in_dim3A_17 : vector<16xf32> to vector<16xf32>
    tpu.vector_store %arg18[%swap3A_18], %swap3A_21 {strides = array<i32>} : memref<128xf32, #tpu.memory_space<vmem>>, vector<16xf32>,
    %broadcast_in_dim3A_22 = arith.constant 1.000000e+00 : f32
    %broadcast_in_dim3A_23 = vector.broadcast %broadcast_in_dim3A_22 : f32 to vector<16xf32>
    %swap3A_24 = arith.constant 64 : index
    %swap3A_25 = tpu.vector_load %arg18[%swap3A_24] {strides = array<i32>} : memref<128xf32, #tpu.memory_space<vmem>>, vector<16xf32>,
    %swap3A_26 = vector.shape_cast %swap3A_25 : vector<16xf32> to vector<16xf32>
    %swap3A_27 = vector.shape_cast %broadcast_in_dim3A_23 : vector<16xf32> to vector<16xf32>
    tpu.vector_store %arg18[%swap3A_24], %swap3A_27 {strides = array<i32>} : memref<128xf32, #tpu.memory_space<vmem>>, vector<16xf32>,
    %broadcast_in_dim3A_28 = arith.constant 1.000000e+00 : f32
    %broadcast_in_dim3A_29 = vector.broadcast %broadcast_in_dim3A_28 : f32 to vector<16xf32>
    %swap3A_30 = arith.constant 80 : index
    %swap3A_31 = tpu.vector_load %arg18[%swap3A_30] {strides = array<i32>} : memref<128xf32, #tpu.memory_space<vmem>>, vector<16xf32>,
    %swap3A_32 = vector.shape_cast %swap3A_31 : vector<16xf32> to vector<16xf32>
    %swap3A_33 = vector.shape_cast %broadcast_in_dim3A_29 : vector<16xf32> to vector<16xf32>
    tpu.vector_store %arg18[%swap3A_30], %swap3A_33 {strides = array<i32>} : memref<128xf32, #tpu.memory_space<vmem>>, vector<16xf32>,
    %broadcast_in_dim3A_34 = arith.constant 1.000000e+00 : f32
    %broadcast_in_dim3A_35 = vector.broadcast %broadcast_in_dim3A_34 : f32 to vector<16xf32>
    %swap3A_36 = arith.constant 96 : index
    %swap3A_37 = tpu.vector_load %arg18[%swap3A_36] {strides = array<i32>} : memref<128xf32, #tpu.memory_space<vmem>>, vector<16xf32>,
    %swap3A_38 = vector.shape_cast %swap3A_37 : vector<16xf32> to vector<16xf32>
    %swap3A_39 = vector.shape_cast %broadcast_in_dim3A_35 : vector<16xf32> to vector<16xf32>
    tpu.vector_store %arg18[%swap3A_36], %swap3A_39 {strides = array<i32>} : memref<128xf32, #tpu.memory_space<vmem>>, vector<16xf32>,
    %broadcast_in_dim3A_40 = arith.constant 1.000000e+00 : f32
    %broadcast_in_dim3A_41 = vector.broadcast %broadcast_in_dim3A_40 : f32 to vector<16xf32>
    %swap3A_42 = arith.constant 112 : index
    %swap3A_43 = tpu.vector_load %arg18[%swap3A_42] {strides = array<i32>} : memref<128xf32, #tpu.memory_space<vmem>>, vector<16xf32>,
    %swap3A_44 = vector.shape_cast %swap3A_43 : vector<16xf32> to vector<16xf32>
    %swap3A_45 = vector.shape_cast %broadcast_in_dim3A_41 : vector<16xf32> to vector<16xf32>
    tpu.vector_store %arg18[%swap3A_42], %swap3A_45 {strides = array<i32>} : memref<128xf32, #tpu.memory_space<vmem>>, vector<16xf32>,
    %broadcast_in_dim3A_46 = arith.constant 0.000000e+00 : f32
    %broadcast_in_dim3A_47 = vector.broadcast %broadcast_in_dim3A_46 : f32 to vector<16xf32>
    %swap3A_48 = arith.constant 0 : index
    %swap3A_49 = tpu.vector_load %arg19[%swap3A_48] {strides = array<i32>} : memref<512xf32, #tpu.memory_space<vmem>>, vector<16xf32>,
    %swap3A_50 = vector.shape_cast %swap3A_49 : vector<16xf32> to vector<16xf32>
    %swap3A_51 = vector.shape_cast %broadcast_in_dim3A_47 : vector<16xf32> to vector<16xf32>
    tpu.vector_store %arg19[%swap3A_48], %swap3A_51 {strides = array<i32>} : memref<512xf32, #tpu.memory_space<vmem>>, vector<16xf32>,
    %broadcast_in_dim3A_52 = arith.constant 0.000000e+00 : f32
    %broadcast_in_dim3A_53 = vector.broadcast %broadcast_in_dim3A_52 : f32 to vector<16xf32>
    %swap3A_54 = arith.constant 16 : index
    %swap3A_55 = tpu.vector_load %arg19[%swap3A_54] {strides = array<i32>} : memref<512xf32, #tpu.memory_space<vmem>>, vector<16xf32>,
    %swap3A_56 = vector.shape_cast %swap3A_55 : vector<16xf32> to vector<16xf32>
    %swap3A_57 = vector.shape_cast %broadcast_in_dim3A_53 : vector<16xf32> to vector<16xf32>
    tpu.vector_store %arg19[%swap3A_54], %swap3A_57 {strides = array<i32>} : memref<512xf32, #tpu.memory_space<vmem>>, vector<16xf32>,
    %broadcast_in_dim3A_58 = arith.constant 0.000000e+00 : f32
    %broadcast_in_dim3A_59 = vector.broadcast %broadcast_in_dim3A_58 : f32 to vector<16xf32>
    %swap3A_60 = arith.constant 32 : index
    %swap3A_61 = tpu.vector_load %arg19[%swap3A_60] {strides = array<i32>} : memref<512xf32, #tpu.memory_space<vmem>>, vector<16xf32>,
    %swap3A_62 = vector.shape_cast %swap3A_61 : vector<16xf32> to vector<16xf32>
    %swap3A_63 = vector.shape_cast %broadcast_in_dim3A_59 : vector<16xf32> to vector<16xf32>
    tpu.vector_store %arg19[%swap3A_60], %swap3A_63 {strides = array<i32>} : memref<512xf32, #tpu.memory_space<vmem>>, vector<16xf32>,
    %broadcast_in_dim3A_64 = arith.constant 0.000000e+00 : f32
    %broadcast_in_dim3A_65 = vector.broadcast %broadcast_in_dim3A_64 : f32 to vector<16xf32>
    %swap3A_66 = arith.constant 48 : index
    %swap3A_67 = tpu.vector_load %arg19[%swap3A_66] {strides = array<i32>} : memref<512xf32, #tpu.memory_space<vmem>>, vector<16xf32>,
    %swap3A_68 = vector.shape_cast %swap3A_67 : vector<16xf32> to vector<16xf32>
    %swap3A_69 = vector.shape_cast %broadcast_in_dim3A_65 : vector<16xf32> to vector<16xf32>
    tpu.vector_store %arg19[%swap3A_66], %swap3A_69 {strides = array<i32>} : memref<512xf32, #tpu.memory_space<vmem>>, vector<16xf32>,
    %broadcast_in_dim3A_70 = arith.constant 0.000000e+00 : f32
    %broadcast_in_dim3A_71 = vector.broadcast %broadcast_in_dim3A_70 : f32 to vector<16xf32>
    %swap3A_72 = arith.constant 64 : index
    %swap3A_73 = tpu.vector_load %arg19[%swap3A_72] {strides = array<i32>} : memref<512xf32, #tpu.memory_space<vmem>>, vector<16xf32>,
    %swap3A_74 = vector.shape_cast %swap3A_73 : vector<16xf32> to vector<16xf32>
    %swap3A_75 = vector.shape_cast %broadcast_in_dim3A_71 : vector<16xf32> to vector<16xf32>
    tpu.vector_store %arg19[%swap3A_72], %swap3A_75 {strides = array<i32>} : memref<512xf32, #tpu.memory_space<vmem>>, vector<16xf32>,
    %broadcast_in_dim3A_76 = arith.constant 0.000000e+00 : f32
    %broadcast_in_dim3A_77 = vector.broadcast %broadcast_in_dim3A_76 : f32 to vector<16xf32>
    %swap3A_78 = arith.constant 80 : index
    %swap3A_79 = tpu.vector_load %arg19[%swap3A_78] {strides = array<i32>} : memref<512xf32, #tpu.memory_space<vmem>>, vector<16xf32>,
    %swap3A_80 = vector.shape_cast %swap3A_79 : vector<16xf32> to vector<16xf32>
    %swap3A_81 = vector.shape_cast %broadcast_in_dim3A_77 : vector<16xf32> to vector<16xf32>
    tpu.vector_store %arg19[%swap3A_78], %swap3A_81 {strides = array<i32>} : memref<512xf32, #tpu.memory_space<vmem>>, vector<16xf32>,
    %broadcast_in_dim3A_82 = arith.constant 0.000000e+00 : f32
    %broadcast_in_dim3A_83 = vector.broadcast %broadcast_in_dim3A_82 : f32 to vector<16xf32>
    %swap3A_84 = arith.constant 96 : index
    %swap3A_85 = tpu.vector_load %arg19[%swap3A_84] {strides = array<i32>} : memref<512xf32, #tpu.memory_space<vmem>>, vector<16xf32>,
    %swap3A_86 = vector.shape_cast %swap3A_85 : vector<16xf32> to vector<16xf32>
    %swap3A_87 = vector.shape_cast %broadcast_in_dim3A_83 : vector<16xf32> to vector<16xf32>
    tpu.vector_store %arg19[%swap3A_84], %swap3A_87 {strides = array<i32>} : memref<512xf32, #tpu.memory_space<vmem>>, vector<16xf32>,
    %broadcast_in_dim3A_88 = arith.constant 0.000000e+00 : f32
    %broadcast_in_dim3A_89 = vector.broadcast %broadcast_in_dim3A_88 : f32 to vector<16xf32>
    %swap3A_90 = arith.constant 112 : index
    %swap3A_91 = tpu.vector_load %arg19[%swap3A_90] {strides = array<i32>} : memref<512xf32, #tpu.memory_space<vmem>>, vector<16xf32>,
    %swap3A_92 = vector.shape_cast %swap3A_91 : vector<16xf32> to vector<16xf32>
    %swap3A_93 = vector.shape_cast %broadcast_in_dim3A_89 : vector<16xf32> to vector<16xf32>
    tpu.vector_store %arg19[%swap3A_90], %swap3A_93 {strides = array<i32>} : memref<512xf32, #tpu.memory_space<vmem>>, vector<16xf32>,
    %broadcast_in_dim3A_94 = arith.constant 0.000000e+00 : f32
    %broadcast_in_dim3A_95 = vector.broadcast %broadcast_in_dim3A_94 : f32 to vector<16xf32>
    %swap3A_96 = arith.constant 128 : index
    %swap3A_97 = tpu.vector_load %arg19[%swap3A_96] {strides = array<i32>} : memref<512xf32, #tpu.memory_space<vmem>>, vector<16xf32>,
    %swap3A_98 = vector.shape_cast %swap3A_97 : vector<16xf32> to vector<16xf32>
    %swap3A_99 = vector.shape_cast %broadcast_in_dim3A_95 : vector<16xf32> to vector<16xf32>
    tpu.vector_store %arg19[%swap3A_96], %swap3A_99 {strides = array<i32>} : memref<512xf32, #tpu.memory_space<vmem>>, vector<16xf32>,
    %broadcast_in_dim3A_100 = arith.constant 0.000000e+00 : f32
    %broadcast_in_dim3A_101 = vector.broadcast %broadcast_in_dim3A_100 : f32 to vector<16xf32>
    %swap3A_102 = arith.constant 144 : index
    %swap3A_103 = tpu.vector_load %arg19[%swap3A_102] {strides = array<i32>} : memref<512xf32, #tpu.memory_space<vmem>>, vector<16xf32>,
    %swap3A_104 = vector.shape_cast %swap3A_103 : vector<16xf32> to vector<16xf32>
    %swap3A_105 = vector.shape_cast %broadcast_in_dim3A_101 : vector<16xf32> to vector<16xf32>
    tpu.vector_store %arg19[%swap3A_102], %swap3A_105 {strides = array<i32>} : memref<512xf32, #tpu.memory_space<vmem>>, vector<16xf32>,
    %broadcast_in_dim3A_106 = arith.constant 0.000000e+00 : f32
    %broadcast_in_dim3A_107 = vector.broadcast %broadcast_in_dim3A_106 : f32 to vector<16xf32>
    %swap3A_108 = arith.constant 160 : index
    %swap3A_109 = tpu.vector_load %arg19[%swap3A_108] {strides = array<i32>} : memref<512xf32, #tpu.memory_space<vmem>>, vector<16xf32>,
    %swap3A_110 = vector.shape_cast %swap3A_109 : vector<16xf32> to vector<16xf32>
    %swap3A_111 = vector.shape_cast %broadcast_in_dim3A_107 : vector<16xf32> to vector<16xf32>
    tpu.vector_store %arg19[%swap3A_108], %swap3A_111 {strides = array<i32>} : memref<512xf32, #tpu.memory_space<vmem>>, vector<16xf32>,
    %broadcast_in_dim3A_112 = arith.constant 0.000000e+00 : f32
    %broadcast_in_dim3A_113 = vector.broadcast %broadcast_in_dim3A_112 : f32 to vector<16xf32>
    %swap3A_114 = arith.constant 176 : index
    %swap3A_115 = tpu.vector_load %arg19[%swap3A_114] {strides = array<i32>} : memref<512xf32, #tpu.memory_space<vmem>>, vector<16xf32>,
    %swap3A_116 = vector.shape_cast %swap3A_115 : vector<16xf32> to vector<16xf32>
    %swap3A_117 = vector.shape_cast %broadcast_in_dim3A_113 : vector<16xf32> to vector<16xf32>
    tpu.vector_store %arg19[%swap3A_114], %swap3A_117 {strides = array<i32>} : memref<512xf32, #tpu.memory_space<vmem>>, vector<16xf32>,
    %broadcast_in_dim3A_118 = arith.constant 0.000000e+00 : f32
    %broadcast_in_dim3A_119 = vector.broadcast %broadcast_in_dim3A_118 : f32 to vector<16xf32>
    %swap3A_120 = arith.constant 192 : index
    %swap3A_121 = tpu.vector_load %arg19[%swap3A_120] {strides = array<i32>} : memref<512xf32, #tpu.memory_space<vmem>>, vector<16xf32>,
    %swap3A_122 = vector.shape_cast %swap3A_121 : vector<16xf32> to vector<16xf32>
    %swap3A_123 = vector.shape_cast %broadcast_in_dim3A_119 : vector<16xf32> to vector<16xf32>
    tpu.vector_store %arg19[%swap3A_120], %swap3A_123 {strides = array<i32>} : memref<512xf32, #tpu.memory_space<vmem>>, vector<16xf32>,
    %broadcast_in_dim3A_124 = arith.constant 0.000000e+00 : f32
    %broadcast_in_dim3A_125 = vector.broadcast %broadcast_in_dim3A_124 : f32 to vector<16xf32>
    %swap3A_126 = arith.constant 208 : index
    %swap3A_127 = tpu.vector_load %arg19[%swap3A_126] {strides = array<i32>} : memref<512xf32, #tpu.memory_space<vmem>>, vector<16xf32>,
    %swap3A_128 = vector.shape_cast %swap3A_127 : vector<16xf32> to vector<16xf32>
    %swap3A_129 = vector.shape_cast %broadcast_in_dim3A_125 : vector<16xf32> to vector<16xf32>
    tpu.vector_store %arg19[%swap3A_126], %swap3A_129 {strides = array<i32>} : memref<512xf32, #tpu.memory_space<vmem>>, vector<16xf32>,
    %broadcast_in_dim3A_130 = arith.constant 0.000000e+00 : f32
    %broadcast_in_dim3A_131 = vector.broadcast %broadcast_in_dim3A_130 : f32 to vector<16xf32>
    %swap3A_132 = arith.constant 224 : index
    %swap3A_133 = tpu.vector_load %arg19[%swap3A_132] {strides = array<i32>} : memref<512xf32, #tpu.memory_space<vmem>>, vector<16xf32>,
    %swap3A_134 = vector.shape_cast %swap3A_133 : vector<16xf32> to vector<16xf32>
    %swap3A_135 = vector.shape_cast %broadcast_in_dim3A_131 : vector<16xf32> to vector<16xf32>
    tpu.vector_store %arg19[%swap3A_132], %swap3A_135 {strides = array<i32>} : memref<512xf32, #tpu.memory_space<vmem>>, vector<16xf32>,
    %broadcast_in_dim3A_136 = arith.constant 0.000000e+00 : f32
    %broadcast_in_dim3A_137 = vector.broadcast %broadcast_in_dim3A_136 : f32 to vector<16xf32>
    %swap3A_138 = arith.constant 240 : index
    %swap3A_139 = tpu.vector_load %arg19[%swap3A_138] {strides = array<i32>} : memref<512xf32, #tpu.memory_space<vmem>>, vector<16xf32>,
    %swap3A_140 = vector.shape_cast %swap3A_139 : vector<16xf32> to vector<16xf32>
    %swap3A_141 = vector.shape_cast %broadcast_in_dim3A_137 : vector<16xf32> to vector<16xf32>
    tpu.vector_store %arg19[%swap3A_138], %swap3A_141 {strides = array<i32>} : memref<512xf32, #tpu.memory_space<vmem>>, vector<16xf32>,
    %broadcast_in_dim3A_142 = arith.constant 0.000000e+00 : f32
    %broadcast_in_dim3A_143 = vector.broadcast %broadcast_in_dim3A_142 : f32 to vector<16xf32>
    %swap3A_144 = arith.constant 256 : index
    %swap3A_145 = tpu.vector_load %arg19[%swap3A_144] {strides = array<i32>} : memref<512xf32, #tpu.memory_space<vmem>>, vector<16xf32>,
    %swap3A_146 = vector.shape_cast %swap3A_145 : vector<16xf32> to vector<16xf32>
    %swap3A_147 = vector.shape_cast %broadcast_in_dim3A_143 : vector<16xf32> to vector<16xf32>
    tpu.vector_store %arg19[%swap3A_144], %swap3A_147 {strides = array<i32>} : memref<512xf32, #tpu.memory_space<vmem>>, vector<16xf32>,
    %broadcast_in_dim3A_148 = arith.constant 0.000000e+00 : f32
    %broadcast_in_dim3A_149 = vector.broadcast %broadcast_in_dim3A_148 : f32 to vector<16xf32>
    %swap3A_150 = arith.constant 272 : index
    %swap3A_151 = tpu.vector_load %arg19[%swap3A_150] {strides = array<i32>} : memref<512xf32, #tpu.memory_space<vmem>>, vector<16xf32>,
    %swap3A_152 = vector.shape_cast %swap3A_151 : vector<16xf32> to vector<16xf32>
    %swap3A_153 = vector.shape_cast %broadcast_in_dim3A_149 : vector<16xf32> to vector<16xf32>
    tpu.vector_store %arg19[%swap3A_150], %swap3A_153 {strides = array<i32>} : memref<512xf32, #tpu.memory_space<vmem>>, vector<16xf32>,
    %broadcast_in_dim3A_154 = arith.constant 0.000000e+00 : f32
    %broadcast_in_dim3A_155 = vector.broadcast %broadcast_in_dim3A_154 : f32 to vector<16xf32>
    %swap3A_156 = arith.constant 288 : index
    %swap3A_157 = tpu.vector_load %arg19[%swap3A_156] {strides = array<i32>} : memref<512xf32, #tpu.memory_space<vmem>>, vector<16xf32>,
    %swap3A_158 = vector.shape_cast %swap3A_157 : vector<16xf32> to vector<16xf32>
    %swap3A_159 = vector.shape_cast %broadcast_in_dim3A_155 : vector<16xf32> to vector<16xf32>
    tpu.vector_store %arg19[%swap3A_156], %swap3A_159 {strides = array<i32>} : memref<512xf32, #tpu.memory_space<vmem>>, vector<16xf32>,
    %broadcast_in_dim3A_160 = arith.constant 0.000000e+00 : f32
    %broadcast_in_dim3A_161 = vector.broadcast %broadcast_in_dim3A_160 : f32 to vector<16xf32>
    %swap3A_162 = arith.constant 304 : index
    %swap3A_163 = tpu.vector_load %arg19[%swap3A_162] {strides = array<i32>} : memref<512xf32, #tpu.memory_space<vmem>>, vector<16xf32>,
    %swap3A_164 = vector.shape_cast %swap3A_163 : vector<16xf32> to vector<16xf32>
    %swap3A_165 = vector.shape_cast %broadcast_in_dim3A_161 : vector<16xf32> to vector<16xf32>
    tpu.vector_store %arg19[%swap3A_162], %swap3A_165 {strides = array<i32>} : memref<512xf32, #tpu.memory_space<vmem>>, vector<16xf32>,
    %broadcast_in_dim3A_166 = arith.constant 0.000000e+00 : f32
    %broadcast_in_dim3A_167 = vector.broadcast %broadcast_in_dim3A_166 : f32 to vector<16xf32>
    %swap3A_168 = arith.constant 320 : index
    %swap3A_169 = tpu.vector_load %arg19[%swap3A_168] {strides = array<i32>} : memref<512xf32, #tpu.memory_space<vmem>>, vector<16xf32>,
    %swap3A_170 = vector.shape_cast %swap3A_169 : vector<16xf32> to vector<16xf32>
    %swap3A_171 = vector.shape_cast %broadcast_in_dim3A_167 : vector<16xf32> to vector<16xf32>
    tpu.vector_store %arg19[%swap3A_168], %swap3A_171 {strides = array<i32>} : memref<512xf32, #tpu.memory_space<vmem>>, vector<16xf32>,
    %broadcast_in_dim3A_172 = arith.constant 0.000000e+00 : f32
    %broadcast_in_dim3A_173 = vector.broadcast %broadcast_in_dim3A_172 : f32 to vector<16xf32>
    %swap3A_174 = arith.constant 336 : index
    %swap3A_175 = tpu.vector_load %arg19[%swap3A_174] {strides = array<i32>} : memref<512xf32, #tpu.memory_space<vmem>>, vector<16xf32>,
    %swap3A_176 = vector.shape_cast %swap3A_175 : vector<16xf32> to vector<16xf32>
    %swap3A_177 = vector.shape_cast %broadcast_in_dim3A_173 : vector<16xf32> to vector<16xf32>
    tpu.vector_store %arg19[%swap3A_174], %swap3A_177 {strides = array<i32>} : memref<512xf32, #tpu.memory_space<vmem>>, vector<16xf32>,
    %broadcast_in_dim3A_178 = arith.constant 0.000000e+00 : f32
    %broadcast_in_dim3A_179 = vector.broadcast %broadcast_in_dim3A_178 : f32 to vector<16xf32>
    %swap3A_180 = arith.constant 352 : index
    %swap3A_181 = tpu.vector_load %arg19[%swap3A_180] {strides = array<i32>} : memref<512xf32, #tpu.memory_space<vmem>>, vector<16xf32>,
    %swap3A_182 = vector.shape_cast %swap3A_181 : vector<16xf32> to vector<16xf32>
    %swap3A_183 = vector.shape_cast %broadcast_in_dim3A_179 : vector<16xf32> to vector<16xf32>
    tpu.vector_store %arg19[%swap3A_180], %swap3A_183 {strides = array<i32>} : memref<512xf32, #tpu.memory_space<vmem>>, vector<16xf32>,
    %broadcast_in_dim3A_184 = arith.constant 0.000000e+00 : f32
    %broadcast_in_dim3A_185 = vector.broadcast %broadcast_in_dim3A_184 : f32 to vector<16xf32>
    %swap3A_186 = arith.constant 368 : index
    %swap3A_187 = tpu.vector_load %arg19[%swap3A_186] {strides = array<i32>} : memref<512xf32, #tpu.memory_space<vmem>>, vector<16xf32>,
    %swap3A_188 = vector.shape_cast %swap3A_187 : vector<16xf32> to vector<16xf32>
    %swap3A_189 = vector.shape_cast %broadcast_in_dim3A_185 : vector<16xf32> to vector<16xf32>
    tpu.vector_store %arg19[%swap3A_186], %swap3A_189 {strides = array<i32>} : memref<512xf32, #tpu.memory_space<vmem>>, vector<16xf32>,
    %broadcast_in_dim3A_190 = arith.constant 0.000000e+00 : f32
    %broadcast_in_dim3A_191 = vector.broadcast %broadcast_in_dim3A_190 : f32 to vector<16xf32>
    %swap3A_192 = arith.constant 384 : index
    %swap3A_193 = tpu.vector_load %arg19[%swap3A_192] {strides = array<i32>} : memref<512xf32, #tpu.memory_space<vmem>>, vector<16xf32>,
    %swap3A_194 = vector.shape_cast %swap3A_193 : vector<16xf32> to vector<16xf32>
    %swap3A_195 = vector.shape_cast %broadcast_in_dim3A_191 : vector<16xf32> to vector<16xf32>
    tpu.vector_store %arg19[%swap3A_192], %swap3A_195 {strides = array<i32>} : memref<512xf32, #tpu.memory_space<vmem>>, vector<16xf32>,
    %broadcast_in_dim3A_196 = arith.constant 0.000000e+00 : f32
    %broadcast_in_dim3A_197 = vector.broadcast %broadcast_in_dim3A_196 : f32 to vector<16xf32>
    %swap3A_198 = arith.constant 400 : index
    %swap3A_199 = tpu.vector_load %arg19[%swap3A_198] {strides = array<i32>} : memref<512xf32, #tpu.memory_space<vmem>>, vector<16xf32>,
    %swap3A_200 = vector.shape_cast %swap3A_199 : vector<16xf32> to vector<16xf32>
    %swap3A_201 = vector.shape_cast %broadcast_in_dim3A_197 : vector<16xf32> to vector<16xf32>
    tpu.vector_store %arg19[%swap3A_198], %swap3A_201 {strides = array<i32>} : memref<512xf32, #tpu.memory_space<vmem>>, vector<16xf32>,
    %broadcast_in_dim3A_202 = arith.constant 0.000000e+00 : f32
    %broadcast_in_dim3A_203 = vector.broadcast %broadcast_in_dim3A_202 : f32 to vector<16xf32>
    %swap3A_204 = arith.constant 416 : index
    %swap3A_205 = tpu.vector_load %arg19[%swap3A_204] {strides = array<i32>} : memref<512xf32, #tpu.memory_space<vmem>>, vector<16xf32>,
    %swap3A_206 = vector.shape_cast %swap3A_205 : vector<16xf32> to vector<16xf32>
    %swap3A_207 = vector.shape_cast %broadcast_in_dim3A_203 : vector<16xf32> to vector<16xf32>
    tpu.vector_store %arg19[%swap3A_204], %swap3A_207 {strides = array<i32>} : memref<512xf32, #tpu.memory_space<vmem>>, vector<16xf32>,
    %broadcast_in_dim3A_208 = arith.constant 0.000000e+00 : f32
    %broadcast_in_dim3A_209 = vector.broadcast %broadcast_in_dim3A_208 : f32 to vector<16xf32>
    %swap3A_210 = arith.constant 432 : index
    %swap3A_211 = tpu.vector_load %arg19[%swap3A_210] {strides = array<i32>} : memref<512xf32, #tpu.memory_space<vmem>>, vector<16xf32>,
    %swap3A_212 = vector.shape_cast %swap3A_211 : vector<16xf32> to vector<16xf32>
    %swap3A_213 = vector.shape_cast %broadcast_in_dim3A_209 : vector<16xf32> to vector<16xf32>
    tpu.vector_store %arg19[%swap3A_210], %swap3A_213 {strides = array<i32>} : memref<512xf32, #tpu.memory_space<vmem>>, vector<16xf32>,
    %broadcast_in_dim3A_214 = arith.constant 0.000000e+00 : f32
    %broadcast_in_dim3A_215 = vector.broadcast %broadcast_in_dim3A_214 : f32 to vector<16xf32>
    %swap3A_216 = arith.constant 448 : index
    %swap3A_217 = tpu.vector_load %arg19[%swap3A_216] {strides = array<i32>} : memref<512xf32, #tpu.memory_space<vmem>>, vector<16xf32>,
    %swap3A_218 = vector.shape_cast %swap3A_217 : vector<16xf32> to vector<16xf32>
    %swap3A_219 = vector.shape_cast %broadcast_in_dim3A_215 : vector<16xf32> to vector<16xf32>
    tpu.vector_store %arg19[%swap3A_216], %swap3A_219 {strides = array<i32>} : memref<512xf32, #tpu.memory_space<vmem>>, vector<16xf32>,
    %broadcast_in_dim3A_220 = arith.constant 0.000000e+00 : f32
    %broadcast_in_dim3A_221 = vector.broadcast %broadcast_in_dim3A_220 : f32 to vector<16xf32>
    %swap3A_222 = arith.constant 464 : index
    %swap3A_223 = tpu.vector_load %arg19[%swap3A_222] {strides = array<i32>} : memref<512xf32, #tpu.memory_space<vmem>>, vector<16xf32>,
    %swap3A_224 = vector.shape_cast %swap3A_223 : vector<16xf32> to vector<16xf32>
    %swap3A_225 = vector.shape_cast %broadcast_in_dim3A_221 : vector<16xf32> to vector<16xf32>
    tpu.vector_store %arg19[%swap3A_222], %swap3A_225 {strides = array<i32>} : memref<512xf32, #tpu.memory_space<vmem>>, vector<16xf32>,
    %broadcast_in_dim3A_226 = arith.constant 0.000000e+00 : f32
    %broadcast_in_dim3A_227 = vector.broadcast %broadcast_in_dim3A_226 : f32 to vector<16xf32>
    %swap3A_228 = arith.constant 480 : index
    %swap3A_229 = tpu.vector_load %arg19[%swap3A_228] {strides = array<i32>} : memref<512xf32, #tpu.memory_space<vmem>>, vector<16xf32>,
    %swap3A_230 = vector.shape_cast %swap3A_229 : vector<16xf32> to vector<16xf32>
    %swap3A_231 = vector.shape_cast %broadcast_in_dim3A_227 : vector<16xf32> to vector<16xf32>
    tpu.vector_store %arg19[%swap3A_228], %swap3A_231 {strides = array<i32>} : memref<512xf32, #tpu.memory_space<vmem>>, vector<16xf32>,
    %broadcast_in_dim3A_232 = arith.constant 0.000000e+00 : f32
    %broadcast_in_dim3A_233 = vector.broadcast %broadcast_in_dim3A_232 : f32 to vector<16xf32>
    %swap3A_234 = arith.constant 496 : index
    %swap3A_235 = tpu.vector_load %arg19[%swap3A_234] {strides = array<i32>} : memref<512xf32, #tpu.memory_space<vmem>>, vector<16xf32>,
    %swap3A_236 = vector.shape_cast %swap3A_235 : vector<16xf32> to vector<16xf32>
    %swap3A_237 = vector.shape_cast %broadcast_in_dim3A_233 : vector<16xf32> to vector<16xf32>
    tpu.vector_store %arg19[%swap3A_234], %swap3A_237 {strides = array<i32>} : memref<512xf32, #tpu.memory_space<vmem>>, vector<16xf32>,
    %mul3A = arith.constant 512 : i32
    %mul3A_238 = arith.muli %arg1, %mul3A : i32
    "tpu.region"() ({
      %run_scoped3A = tpu.sem_alloc : memref<!tpu.dma_semaphore, #tpu.memory_space<semaphore_mem>>
      %dma_start3A = tpu.memref_slice %arg20[%mul3A_238] : memref<8192xf32, #tpu.memory_space<vmem_shared>> -> memref<512xf32, #tpu.memory_space<vmem_shared>>
      %dma_start3A_264 = tpu.memref_slice %arg20[%mul3A_238] : memref<8192xf32, #tpu.memory_space<vmem_shared>> -> memref<512xf32, #tpu.memory_space<vmem_shared>>
      tpu.enqueue_dma source(%arg19 : memref<512xf32, #tpu.memory_space<vmem>>) target(%dma_start3A_264 : memref<512xf32, #tpu.memory_space<vmem_shared>>) target_semaphore(%run_scoped3A : memref<!tpu.dma_semaphore, #tpu.memory_space<semaphore_mem>>)
      %dma_wait3A = tpu.memref_slice %arg20[%mul3A_238] : memref<8192xf32, #tpu.memory_space<vmem_shared>> -> memref<512xf32, #tpu.memory_space<vmem_shared>>
      %dma_wait3A_265 = tpu.memref_slice %arg20[%mul3A_238] : memref<8192xf32, #tpu.memory_space<vmem_shared>> -> memref<512xf32, #tpu.memory_space<vmem_shared>>
      tpu.wait_dma2 semaphore(%run_scoped3A : memref<!tpu.dma_semaphore, #tpu.memory_space<semaphore_mem>>) src(%arg19 : memref<512xf32, #tpu.memory_space<vmem>>) dst(%dma_wait3A_265 : memref<512xf32, #tpu.memory_space<vmem_shared>>)
      tpu.yield
    }) : () -> ()
    %barrier3A = arith.constant 0 : index
    tpu.barrier barrier_id(%barrier3A)
    %mul3A_239 = arith.constant 16 : i32
    %mul3A_240 = arith.muli %arg0, %mul3A_239 : i32
    %add3A = arith.addi %mul3A_240, %arg1 : i32
    %mul3A_241 = arith.constant 384 : i32
    %mul3A_242 = arith.muli %add3A, %mul3A_241 : i32
    %scan3A = arith.constant 0 : i32
    %scan3A_243 = arith.constant 0 : i32
    %scan3A_244 = arith.constant 3 : i32
    %scan3A_245 = arith.addi %scan3A_243, %scan3A_244 : i32
    %scan3A_246 = arith.constant 1 : i32
    scf.for %scan3A_264 = %scan3A_243 to %scan3A_245 step %scan3A_246  : i32 {
      %mul3A_265 = arith.constant 128 : i32
      %mul3A_266 = arith.muli %scan3A_264, %mul3A_265 : i32
      %add3A_267 = arith.addi %mul3A_242, %mul3A_266 : i32
      "tpu.region"() ({
        %run_scoped3A = tpu.sem_alloc : memref<!tpu.dma_semaphore, #tpu.memory_space<semaphore_mem>>
        %dma_start3A_272 = tpu.memref_slice %arg3[%add3A_267] : memref<12288xi32, #tpu.memory_space<hbm>> -> memref<128xi32, #tpu.memory_space<hbm>>
        %dma_start3A_273 = tpu.memref_slice %arg3[%add3A_267] : memref<12288xi32, #tpu.memory_space<hbm>> -> memref<128xi32, #tpu.memory_space<hbm>>
        tpu.enqueue_dma source(%dma_start3A_273 : memref<128xi32, #tpu.memory_space<hbm>>) target(%arg12 : memref<128xi32, #tpu.memory_space<vmem>>) target_semaphore(%run_scoped3A : memref<!tpu.dma_semaphore, #tpu.memory_space<semaphore_mem>>)
        %dma_wait3A_274 = tpu.memref_slice %arg3[%add3A_267] : memref<12288xi32, #tpu.memory_space<hbm>> -> memref<128xi32, #tpu.memory_space<hbm>>
        %dma_wait3A_275 = tpu.memref_slice %arg3[%add3A_267] : memref<12288xi32, #tpu.memory_space<hbm>> -> memref<128xi32, #tpu.memory_space<hbm>>
        tpu.wait_dma2 semaphore(%run_scoped3A : memref<!tpu.dma_semaphore, #tpu.memory_space<semaphore_mem>>) src(%dma_wait3A_275 : memref<128xi32, #tpu.memory_space<hbm>>) dst(%arg12 : memref<128xi32, #tpu.memory_space<vmem>>)
        tpu.yield
      }) : () -> ()
      "tpu.region"() ({
        %run_scoped3A = tpu.sem_alloc : memref<!tpu.dma_semaphore, #tpu.memory_space<semaphore_mem>>
        %dma_start3A_272 = arith.constant 0 : i32
        %dma_start3A_273 = tpu.memref_slice %arg2[%add3A_267, %dma_start3A_272] : memref<12288x128xf32, #tpu.memory_space<hbm>> -> memref<128x128xf32, #tpu.memory_space<hbm>>
        %dma_start3A_274 = arith.constant 0 : i32
        %dma_start3A_275 = tpu.memref_slice %arg2[%add3A_267, %dma_start3A_274] : memref<12288x128xf32, #tpu.memory_space<hbm>> -> memref<128x128xf32, #tpu.memory_space<hbm>>
        tpu.enqueue_dma source(%dma_start3A_275 : memref<128x128xf32, #tpu.memory_space<hbm>>) target(%arg17 : memref<128x128xf32, #tpu.memory_space<vmem>>) target_semaphore(%run_scoped3A : memref<!tpu.dma_semaphore, #tpu.memory_space<semaphore_mem>>)
        %dma_wait3A_276 = arith.constant 0 : i32
        %dma_wait3A_277 = tpu.memref_slice %arg2[%add3A_267, %dma_wait3A_276] : memref<12288x128xf32, #tpu.memory_space<hbm>> -> memref<128x128xf32, #tpu.memory_space<hbm>>
        %dma_wait3A_278 = arith.constant 0 : i32
        %dma_wait3A_279 = tpu.memref_slice %arg2[%add3A_267, %dma_wait3A_278] : memref<12288x128xf32, #tpu.memory_space<hbm>> -> memref<128x128xf32, #tpu.memory_space<hbm>>
        tpu.wait_dma2 semaphore(%run_scoped3A : memref<!tpu.dma_semaphore, #tpu.memory_space<semaphore_mem>>) src(%dma_wait3A_279 : memref<128x128xf32, #tpu.memory_space<hbm>>) dst(%arg17 : memref<128x128xf32, #tpu.memory_space<vmem>>)
        tpu.yield
      }) : () -> ()
      %dma_start3A = arith.constant 0 : i32
      %dma_start3A_268 = arith.constant 0 : i32
      %dma_start3A_269 = tpu.memref_slice %arg7[%dma_start3A, %dma_start3A_268] : memref<8008x128xf32, #tpu.memory_space<hbm>> -> memref<8008x128xf32, #tpu.memory_space<hbm>>
      tpu.enqueue_indirect_dma source(%arg17 : memref<128x128xf32, #tpu.memory_space<vmem>>) target(%dma_start3A_269 : memref<8008x128xf32, #tpu.memory_space<hbm>>) offsets(%arg12 : memref<128xi32, #tpu.memory_space<vmem>>) semaphore(%arg21 : memref<!tpu.dma_semaphore, #tpu.memory_space<semaphore_mem>>)
      %dma_wait3A = arith.constant 0 : i32
      %dma_wait3A_270 = arith.constant 0 : i32
      %dma_wait3A_271 = tpu.memref_slice %arg7[%dma_wait3A, %dma_wait3A_270] : memref<8008x128xf32, #tpu.memory_space<hbm>> -> memref<8008x128xf32, #tpu.memory_space<hbm>>
      tpu.wait_indirect_dma semaphore(%arg21 : memref<!tpu.dma_semaphore, #tpu.memory_space<semaphore_mem>>) src(%arg17 : memref<128x128xf32, #tpu.memory_space<vmem>>) dst(%dma_wait3A_271 : memref<8008x128xf32, #tpu.memory_space<hbm>>)
    }
    %scan3A_247 = arith.constant 3 : i32
    %mul3A_248 = arith.constant 10112 : i32
    %mul3A_249 = arith.muli %add3A, %mul3A_248 : i32
    %scan3A_250 = arith.constant 0 : i32
    %scan3A_251 = arith.constant 0 : i32
    %scan3A_252 = arith.constant 79 : i32
    %scan3A_253 = arith.addi %scan3A_251, %scan3A_252 : i32
    %scan3A_254 = arith.constant 1 : i32
    scf.for %scan3A_264 = %scan3A_251 to %scan3A_253 step %scan3A_254  : i32 {
      %mul3A_265 = arith.constant 128 : i32
      %mul3A_266 = arith.muli %scan3A_264, %mul3A_265 : i32
      %add3A_267 = arith.addi %mul3A_249, %mul3A_266 : i32
      "tpu.region"() ({
        %run_scoped3A = tpu.sem_alloc : memref<!tpu.dma_semaphore, #tpu.memory_space<semaphore_mem>>
        %dma_start3A_485 = tpu.memref_slice %arg5[%add3A_267] : memref<323584xi32, #tpu.memory_space<hbm>> -> memref<128xi32, #tpu.memory_space<hbm>>
        %dma_start3A_486 = tpu.memref_slice %arg5[%add3A_267] : memref<323584xi32, #tpu.memory_space<hbm>> -> memref<128xi32, #tpu.memory_space<hbm>>
        tpu.enqueue_dma source(%dma_start3A_486 : memref<128xi32, #tpu.memory_space<hbm>>) target(%arg11 : memref<128xi32, #tpu.memory_space<vmem>>) target_semaphore(%run_scoped3A : memref<!tpu.dma_semaphore, #tpu.memory_space<semaphore_mem>>)
        %dma_wait3A_487 = tpu.memref_slice %arg5[%add3A_267] : memref<323584xi32, #tpu.memory_space<hbm>> -> memref<128xi32, #tpu.memory_space<hbm>>
        %dma_wait3A_488 = tpu.memref_slice %arg5[%add3A_267] : memref<323584xi32, #tpu.memory_space<hbm>> -> memref<128xi32, #tpu.memory_space<hbm>>
        tpu.wait_dma2 semaphore(%run_scoped3A : memref<!tpu.dma_semaphore, #tpu.memory_space<semaphore_mem>>) src(%dma_wait3A_488 : memref<128xi32, #tpu.memory_space<hbm>>) dst(%arg11 : memref<128xi32, #tpu.memory_space<vmem>>)
        tpu.yield
      }) : () -> ()
      "tpu.region"() ({
        %run_scoped3A = tpu.sem_alloc : memref<!tpu.dma_semaphore, #tpu.memory_space<semaphore_mem>>
        %dma_start3A_485 = tpu.memref_slice %arg6[%add3A_267] : memref<323584xi32, #tpu.memory_space<hbm>> -> memref<128xi32, #tpu.memory_space<hbm>>
        %dma_start3A_486 = tpu.memref_slice %arg6[%add3A_267] : memref<323584xi32, #tpu.memory_space<hbm>> -> memref<128xi32, #tpu.memory_space<hbm>>
        tpu.enqueue_dma source(%dma_start3A_486 : memref<128xi32, #tpu.memory_space<hbm>>) target(%arg12 : memref<128xi32, #tpu.memory_space<vmem>>) target_semaphore(%run_scoped3A : memref<!tpu.dma_semaphore, #tpu.memory_space<semaphore_mem>>)
        %dma_wait3A_487 = tpu.memref_slice %arg6[%add3A_267] : memref<323584xi32, #tpu.memory_space<hbm>> -> memref<128xi32, #tpu.memory_space<hbm>>
        %dma_wait3A_488 = tpu.memref_slice %arg6[%add3A_267] : memref<323584xi32, #tpu.memory_space<hbm>> -> memref<128xi32, #tpu.memory_space<hbm>>
        tpu.wait_dma2 semaphore(%run_scoped3A : memref<!tpu.dma_semaphore, #tpu.memory_space<semaphore_mem>>) src(%dma_wait3A_488 : memref<128xi32, #tpu.memory_space<hbm>>) dst(%arg12 : memref<128xi32, #tpu.memory_space<vmem>>)
        tpu.yield
      }) : () -> ()
      %dma_start3A = arith.constant 0 : i32
      %dma_start3A_268 = tpu.memref_slice %arg4[%dma_start3A] : memref<10112xi32, #tpu.memory_space<hbm>> -> memref<10112xi32, #tpu.memory_space<hbm>>
      tpu.enqueue_indirect_dma source(%dma_start3A_268 : memref<10112xi32, #tpu.memory_space<hbm>>) target(%arg13 : memref<128xi32, #tpu.memory_space<vmem>>) offsets(%arg11 : memref<128xi32, #tpu.memory_space<vmem>>) semaphore(%arg21 : memref<!tpu.dma_semaphore, #tpu.memory_space<semaphore_mem>>)
      %dma_wait3A = arith.constant 0 : i32
      %dma_wait3A_269 = tpu.memref_slice %arg4[%dma_wait3A] : memref<10112xi32, #tpu.memory_space<hbm>> -> memref<10112xi32, #tpu.memory_space<hbm>>
      tpu.wait_indirect_dma semaphore(%arg21 : memref<!tpu.dma_semaphore, #tpu.memory_space<semaphore_mem>>) src(%dma_wait3A_269 : memref<10112xi32, #tpu.memory_space<hbm>>) dst(%arg13 : memref<128xi32, #tpu.memory_space<vmem>>)
      %dma_start3A_270 = arith.constant 0 : i32
      %dma_start3A_271 = tpu.memref_slice %arg4[%dma_start3A_270] : memref<10112xi32, #tpu.memory_space<hbm>> -> memref<10112xi32, #tpu.memory_space<hbm>>
      tpu.enqueue_indirect_dma source(%dma_start3A_271 : memref<10112xi32, #tpu.memory_space<hbm>>) target(%arg14 : memref<128xi32, #tpu.memory_space<vmem>>) offsets(%arg12 : memref<128xi32, #tpu.memory_space<vmem>>) semaphore(%arg22 : memref<!tpu.dma_semaphore, #tpu.memory_space<semaphore_mem>>)
      %dma_wait3A_272 = arith.constant 0 : i32
      %dma_wait3A_273 = tpu.memref_slice %arg4[%dma_wait3A_272] : memref<10112xi32, #tpu.memory_space<hbm>> -> memref<10112xi32, #tpu.memory_space<hbm>>
      tpu.wait_indirect_dma semaphore(%arg22 : memref<!tpu.dma_semaphore, #tpu.memory_space<semaphore_mem>>) src(%dma_wait3A_273 : memref<10112xi32, #tpu.memory_space<hbm>>) dst(%arg14 : memref<128xi32, #tpu.memory_space<vmem>>)
      %get3A = arith.constant 0 : index
      %get3A_274 = tpu.vector_load %arg13[%get3A] {strides = array<i32>} : memref<128xi32, #tpu.memory_space<vmem>>, vector<16xi32>,
      %get3A_275 = vector.shape_cast %get3A_274 : vector<16xi32> to vector<16xi32>
      %get3A_276 = arith.constant 0 : index
      %get3A_277 = tpu.vector_load %arg14[%get3A_276] {strides = array<i32>} : memref<128xi32, #tpu.memory_space<vmem>>, vector<16xi32>,
      %get3A_278 = vector.shape_cast %get3A_277 : vector<16xi32> to vector<16xi32>
      %ge3A = arith.constant 0 : i32
      %ge3A_279 = vector.broadcast %ge3A : i32 to vector<16xi32>
      %ge3A_280 = arith.cmpi sge, %get3A_275, %ge3A_279 : vector<16xi32>
      %ge3A_281 = arith.constant 0 : i32
      %ge3A_282 = vector.broadcast %ge3A_281 : i32 to vector<16xi32>
      %ge3A_283 = arith.cmpi sge, %get3A_278, %ge3A_282 : vector<16xi32>
      %and3A = arith.andi %ge3A_280, %ge3A_283 : vector<16xi1>
      %jit3A = arith.constant 0 : i32
      %broadcast_in_dim3A_284 = vector.broadcast %jit3A : i32 to vector<16xi32>
      %select_n3A = arith.select %and3A, %get3A_275, %broadcast_in_dim3A_284 : vector<16xi1>, vector<16xi32>
      %swap3A_285 = arith.constant 0 : index
      %swap3A_286 = tpu.vector_load %arg15[%swap3A_285] {strides = array<i32>} : memref<128xi32, #tpu.memory_space<vmem>>, vector<16xi32>,
      %swap3A_287 = vector.shape_cast %swap3A_286 : vector<16xi32> to vector<16xi32>
      %swap3A_288 = vector.shape_cast %select_n3A : vector<16xi32> to vector<16xi32>
      tpu.vector_store %arg15[%swap3A_285], %swap3A_288 {strides = array<i32>} : memref<128xi32, #tpu.memory_space<vmem>>, vector<16xi32>,
      %jit3A_289 = arith.constant 8000 : i32
      %broadcast_in_dim3A_290 = vector.broadcast %jit3A_289 : i32 to vector<16xi32>
      %select_n3A_291 = arith.select %and3A, %get3A_278, %broadcast_in_dim3A_290 : vector<16xi1>, vector<16xi32>
      %swap3A_292 = arith.constant 0 : index
      %swap3A_293 = tpu.vector_load %arg16[%swap3A_292] {strides = array<i32>} : memref<128xi32, #tpu.memory_space<vmem>>, vector<16xi32>,
      %swap3A_294 = vector.shape_cast %swap3A_293 : vector<16xi32> to vector<16xi32>
      %swap3A_295 = vector.shape_cast %select_n3A_291 : vector<16xi32> to vector<16xi32>
      tpu.vector_store %arg16[%swap3A_292], %swap3A_295 {strides = array<i32>} : memref<128xi32, #tpu.memory_space<vmem>>, vector<16xi32>,
      %get3A_296 = arith.constant 16 : index
      %get3A_297 = tpu.vector_load %arg13[%get3A_296] {strides = array<i32>} : memref<128xi32, #tpu.memory_space<vmem>>, vector<16xi32>,
      %get3A_298 = vector.shape_cast %get3A_297 : vector<16xi32> to vector<16xi32>
      %get3A_299 = arith.constant 16 : index
      %get3A_300 = tpu.vector_load %arg14[%get3A_299] {strides = array<i32>} : memref<128xi32, #tpu.memory_space<vmem>>, vector<16xi32>,
      %get3A_301 = vector.shape_cast %get3A_300 : vector<16xi32> to vector<16xi32>
      %ge3A_302 = arith.constant 0 : i32
      %ge3A_303 = vector.broadcast %ge3A_302 : i32 to vector<16xi32>
      %ge3A_304 = arith.cmpi sge, %get3A_298, %ge3A_303 : vector<16xi32>
      %ge3A_305 = arith.constant 0 : i32
      %ge3A_306 = vector.broadcast %ge3A_305 : i32 to vector<16xi32>
      %ge3A_307 = arith.cmpi sge, %get3A_301, %ge3A_306 : vector<16xi32>
      %and3A_308 = arith.andi %ge3A_304, %ge3A_307 : vector<16xi1>
      %jit3A_309 = arith.constant 0 : i32
      %broadcast_in_dim3A_310 = vector.broadcast %jit3A_309 : i32 to vector<16xi32>
      %select_n3A_311 = arith.select %and3A_308, %get3A_298, %broadcast_in_dim3A_310 : vector<16xi1>, vector<16xi32>
      %swap3A_312 = arith.constant 16 : index
      %swap3A_313 = tpu.vector_load %arg15[%swap3A_312] {strides = array<i32>} : memref<128xi32, #tpu.memory_space<vmem>>, vector<16xi32>,
      %swap3A_314 = vector.shape_cast %swap3A_313 : vector<16xi32> to vector<16xi32>
      %swap3A_315 = vector.shape_cast %select_n3A_311 : vector<16xi32> to vector<16xi32>
      tpu.vector_store %arg15[%swap3A_312], %swap3A_315 {strides = array<i32>} : memref<128xi32, #tpu.memory_space<vmem>>, vector<16xi32>,
      %jit3A_316 = arith.constant 8000 : i32
      %broadcast_in_dim3A_317 = vector.broadcast %jit3A_316 : i32 to vector<16xi32>
      %select_n3A_318 = arith.select %and3A_308, %get3A_301, %broadcast_in_dim3A_317 : vector<16xi1>, vector<16xi32>
      %swap3A_319 = arith.constant 16 : index
      %swap3A_320 = tpu.vector_load %arg16[%swap3A_319] {strides = array<i32>} : memref<128xi32, #tpu.memory_space<vmem>>, vector<16xi32>,
      %swap3A_321 = vector.shape_cast %swap3A_320 : vector<16xi32> to vector<16xi32>
      %swap3A_322 = vector.shape_cast %select_n3A_318 : vector<16xi32> to vector<16xi32>
      tpu.vector_store %arg16[%swap3A_319], %swap3A_322 {strides = array<i32>} : memref<128xi32, #tpu.memory_space<vmem>>, vector<16xi32>,
      %get3A_323 = arith.constant 32 : index
      %get3A_324 = tpu.vector_load %arg13[%get3A_323] {strides = array<i32>} : memref<128xi32, #tpu.memory_space<vmem>>, vector<16xi32>,
      %get3A_325 = vector.shape_cast %get3A_324 : vector<16xi32> to vector<16xi32>
      %get3A_326 = arith.constant 32 : index
      %get3A_327 = tpu.vector_load %arg14[%get3A_326] {strides = array<i32>} : memref<128xi32, #tpu.memory_space<vmem>>, vector<16xi32>,
      %get3A_328 = vector.shape_cast %get3A_327 : vector<16xi32> to vector<16xi32>
      %ge3A_329 = arith.constant 0 : i32
      %ge3A_330 = vector.broadcast %ge3A_329 : i32 to vector<16xi32>
      %ge3A_331 = arith.cmpi sge, %get3A_325, %ge3A_330 : vector<16xi32>
      %ge3A_332 = arith.constant 0 : i32
      %ge3A_333 = vector.broadcast %ge3A_332 : i32 to vector<16xi32>
      %ge3A_334 = arith.cmpi sge, %get3A_328, %ge3A_333 : vector<16xi32>
      %and3A_335 = arith.andi %ge3A_331, %ge3A_334 : vector<16xi1>
      %jit3A_336 = arith.constant 0 : i32
      %broadcast_in_dim3A_337 = vector.broadcast %jit3A_336 : i32 to vector<16xi32>
      %select_n3A_338 = arith.select %and3A_335, %get3A_325, %broadcast_in_dim3A_337 : vector<16xi1>, vector<16xi32>
      %swap3A_339 = arith.constant 32 : index
      %swap3A_340 = tpu.vector_load %arg15[%swap3A_339] {strides = array<i32>} : memref<128xi32, #tpu.memory_space<vmem>>, vector<16xi32>,
      %swap3A_341 = vector.shape_cast %swap3A_340 : vector<16xi32> to vector<16xi32>
      %swap3A_342 = vector.shape_cast %select_n3A_338 : vector<16xi32> to vector<16xi32>
      tpu.vector_store %arg15[%swap3A_339], %swap3A_342 {strides = array<i32>} : memref<128xi32, #tpu.memory_space<vmem>>, vector<16xi32>,
      %jit3A_343 = arith.constant 8000 : i32
      %broadcast_in_dim3A_344 = vector.broadcast %jit3A_343 : i32 to vector<16xi32>
      %select_n3A_345 = arith.select %and3A_335, %get3A_328, %broadcast_in_dim3A_344 : vector<16xi1>, vector<16xi32>
      %swap3A_346 = arith.constant 32 : index
      %swap3A_347 = tpu.vector_load %arg16[%swap3A_346] {strides = array<i32>} : memref<128xi32, #tpu.memory_space<vmem>>, vector<16xi32>,
      %swap3A_348 = vector.shape_cast %swap3A_347 : vector<16xi32> to vector<16xi32>
      %swap3A_349 = vector.shape_cast %select_n3A_345 : vector<16xi32> to vector<16xi32>
      tpu.vector_store %arg16[%swap3A_346], %swap3A_349 {strides = array<i32>} : memref<128xi32, #tpu.memory_space<vmem>>, vector<16xi32>,
      %get3A_350 = arith.constant 48 : index
      %get3A_351 = tpu.vector_load %arg13[%get3A_350] {strides = array<i32>} : memref<128xi32, #tpu.memory_space<vmem>>, vector<16xi32>,
      %get3A_352 = vector.shape_cast %get3A_351 : vector<16xi32> to vector<16xi32>
      %get3A_353 = arith.constant 48 : index
      %get3A_354 = tpu.vector_load %arg14[%get3A_353] {strides = array<i32>} : memref<128xi32, #tpu.memory_space<vmem>>, vector<16xi32>,
      %get3A_355 = vector.shape_cast %get3A_354 : vector<16xi32> to vector<16xi32>
      %ge3A_356 = arith.constant 0 : i32
      %ge3A_357 = vector.broadcast %ge3A_356 : i32 to vector<16xi32>
      %ge3A_358 = arith.cmpi sge, %get3A_352, %ge3A_357 : vector<16xi32>
      %ge3A_359 = arith.constant 0 : i32
      %ge3A_360 = vector.broadcast %ge3A_359 : i32 to vector<16xi32>
      %ge3A_361 = arith.cmpi sge, %get3A_355, %ge3A_360 : vector<16xi32>
      %and3A_362 = arith.andi %ge3A_358, %ge3A_361 : vector<16xi1>
      %jit3A_363 = arith.constant 0 : i32
      %broadcast_in_dim3A_364 = vector.broadcast %jit3A_363 : i32 to vector<16xi32>
      %select_n3A_365 = arith.select %and3A_362, %get3A_352, %broadcast_in_dim3A_364 : vector<16xi1>, vector<16xi32>
      %swap3A_366 = arith.constant 48 : index
      %swap3A_367 = tpu.vector_load %arg15[%swap3A_366] {strides = array<i32>} : memref<128xi32, #tpu.memory_space<vmem>>, vector<16xi32>,
      %swap3A_368 = vector.shape_cast %swap3A_367 : vector<16xi32> to vector<16xi32>
      %swap3A_369 = vector.shape_cast %select_n3A_365 : vector<16xi32> to vector<16xi32>
      tpu.vector_store %arg15[%swap3A_366], %swap3A_369 {strides = array<i32>} : memref<128xi32, #tpu.memory_space<vmem>>, vector<16xi32>,
      %jit3A_370 = arith.constant 8000 : i32
      %broadcast_in_dim3A_371 = vector.broadcast %jit3A_370 : i32 to vector<16xi32>
      %select_n3A_372 = arith.select %and3A_362, %get3A_355, %broadcast_in_dim3A_371 : vector<16xi1>, vector<16xi32>
      %swap3A_373 = arith.constant 48 : index
      %swap3A_374 = tpu.vector_load %arg16[%swap3A_373] {strides = array<i32>} : memref<128xi32, #tpu.memory_space<vmem>>, vector<16xi32>,
      %swap3A_375 = vector.shape_cast %swap3A_374 : vector<16xi32> to vector<16xi32>
      %swap3A_376 = vector.shape_cast %select_n3A_372 : vector<16xi32> to vector<16xi32>
      tpu.vector_store %arg16[%swap3A_373], %swap3A_376 {strides = array<i32>} : memref<128xi32, #tpu.memory_space<vmem>>, vector<16xi32>,
      %get3A_377 = arith.constant 64 : index
      %get3A_378 = tpu.vector_load %arg13[%get3A_377] {strides = array<i32>} : memref<128xi32, #tpu.memory_space<vmem>>, vector<16xi32>,
      %get3A_379 = vector.shape_cast %get3A_378 : vector<16xi32> to vector<16xi32>
      %get3A_380 = arith.constant 64 : index
      %get3A_381 = tpu.vector_load %arg14[%get3A_380] {strides = array<i32>} : memref<128xi32, #tpu.memory_space<vmem>>, vector<16xi32>,
      %get3A_382 = vector.shape_cast %get3A_381 : vector<16xi32> to vector<16xi32>
      %ge3A_383 = arith.constant 0 : i32
      %ge3A_384 = vector.broadcast %ge3A_383 : i32 to vector<16xi32>
      %ge3A_385 = arith.cmpi sge, %get3A_379, %ge3A_384 : vector<16xi32>
      %ge3A_386 = arith.constant 0 : i32
      %ge3A_387 = vector.broadcast %ge3A_386 : i32 to vector<16xi32>
      %ge3A_388 = arith.cmpi sge, %get3A_382, %ge3A_387 : vector<16xi32>
      %and3A_389 = arith.andi %ge3A_385, %ge3A_388 : vector<16xi1>
      %jit3A_390 = arith.constant 0 : i32
      %broadcast_in_dim3A_391 = vector.broadcast %jit3A_390 : i32 to vector<16xi32>
      %select_n3A_392 = arith.select %and3A_389, %get3A_379, %broadcast_in_dim3A_391 : vector<16xi1>, vector<16xi32>
      %swap3A_393 = arith.constant 64 : index
      %swap3A_394 = tpu.vector_load %arg15[%swap3A_393] {strides = array<i32>} : memref<128xi32, #tpu.memory_space<vmem>>, vector<16xi32>,
      %swap3A_395 = vector.shape_cast %swap3A_394 : vector<16xi32> to vector<16xi32>
      %swap3A_396 = vector.shape_cast %select_n3A_392 : vector<16xi32> to vector<16xi32>
      tpu.vector_store %arg15[%swap3A_393], %swap3A_396 {strides = array<i32>} : memref<128xi32, #tpu.memory_space<vmem>>, vector<16xi32>,
      %jit3A_397 = arith.constant 8000 : i32
      %broadcast_in_dim3A_398 = vector.broadcast %jit3A_397 : i32 to vector<16xi32>
      %select_n3A_399 = arith.select %and3A_389, %get3A_382, %broadcast_in_dim3A_398 : vector<16xi1>, vector<16xi32>
      %swap3A_400 = arith.constant 64 : index
      %swap3A_401 = tpu.vector_load %arg16[%swap3A_400] {strides = array<i32>} : memref<128xi32, #tpu.memory_space<vmem>>, vector<16xi32>,
      %swap3A_402 = vector.shape_cast %swap3A_401 : vector<16xi32> to vector<16xi32>
      %swap3A_403 = vector.shape_cast %select_n3A_399 : vector<16xi32> to vector<16xi32>
      tpu.vector_store %arg16[%swap3A_400], %swap3A_403 {strides = array<i32>} : memref<128xi32, #tpu.memory_space<vmem>>, vector<16xi32>,
      %get3A_404 = arith.constant 80 : index
      %get3A_405 = tpu.vector_load %arg13[%get3A_404] {strides = array<i32>} : memref<128xi32, #tpu.memory_space<vmem>>, vector<16xi32>,
      %get3A_406 = vector.shape_cast %get3A_405 : vector<16xi32> to vector<16xi32>
      %get3A_407 = arith.constant 80 : index
      %get3A_408 = tpu.vector_load %arg14[%get3A_407] {strides = array<i32>} : memref<128xi32, #tpu.memory_space<vmem>>, vector<16xi32>,
      %get3A_409 = vector.shape_cast %get3A_408 : vector<16xi32> to vector<16xi32>
      %ge3A_410 = arith.constant 0 : i32
      %ge3A_411 = vector.broadcast %ge3A_410 : i32 to vector<16xi32>
      %ge3A_412 = arith.cmpi sge, %get3A_406, %ge3A_411 : vector<16xi32>
      %ge3A_413 = arith.constant 0 : i32
      %ge3A_414 = vector.broadcast %ge3A_413 : i32 to vector<16xi32>
      %ge3A_415 = arith.cmpi sge, %get3A_409, %ge3A_414 : vector<16xi32>
      %and3A_416 = arith.andi %ge3A_412, %ge3A_415 : vector<16xi1>
      %jit3A_417 = arith.constant 0 : i32
      %broadcast_in_dim3A_418 = vector.broadcast %jit3A_417 : i32 to vector<16xi32>
      %select_n3A_419 = arith.select %and3A_416, %get3A_406, %broadcast_in_dim3A_418 : vector<16xi1>, vector<16xi32>
      %swap3A_420 = arith.constant 80 : index
      %swap3A_421 = tpu.vector_load %arg15[%swap3A_420] {strides = array<i32>} : memref<128xi32, #tpu.memory_space<vmem>>, vector<16xi32>,
      %swap3A_422 = vector.shape_cast %swap3A_421 : vector<16xi32> to vector<16xi32>
      %swap3A_423 = vector.shape_cast %select_n3A_419 : vector<16xi32> to vector<16xi32>
      tpu.vector_store %arg15[%swap3A_420], %swap3A_423 {strides = array<i32>} : memref<128xi32, #tpu.memory_space<vmem>>, vector<16xi32>,
      %jit3A_424 = arith.constant 8000 : i32
      %broadcast_in_dim3A_425 = vector.broadcast %jit3A_424 : i32 to vector<16xi32>
      %select_n3A_426 = arith.select %and3A_416, %get3A_409, %broadcast_in_dim3A_425 : vector<16xi1>, vector<16xi32>
      %swap3A_427 = arith.constant 80 : index
      %swap3A_428 = tpu.vector_load %arg16[%swap3A_427] {strides = array<i32>} : memref<128xi32, #tpu.memory_space<vmem>>, vector<16xi32>,
      %swap3A_429 = vector.shape_cast %swap3A_428 : vector<16xi32> to vector<16xi32>
      %swap3A_430 = vector.shape_cast %select_n3A_426 : vector<16xi32> to vector<16xi32>
      tpu.vector_store %arg16[%swap3A_427], %swap3A_430 {strides = array<i32>} : memref<128xi32, #tpu.memory_space<vmem>>, vector<16xi32>,
      %get3A_431 = arith.constant 96 : index
      %get3A_432 = tpu.vector_load %arg13[%get3A_431] {strides = array<i32>} : memref<128xi32, #tpu.memory_space<vmem>>, vector<16xi32>,
      %get3A_433 = vector.shape_cast %get3A_432 : vector<16xi32> to vector<16xi32>
      %get3A_434 = arith.constant 96 : index
      %get3A_435 = tpu.vector_load %arg14[%get3A_434] {strides = array<i32>} : memref<128xi32, #tpu.memory_space<vmem>>, vector<16xi32>,
      %get3A_436 = vector.shape_cast %get3A_435 : vector<16xi32> to vector<16xi32>
      %ge3A_437 = arith.constant 0 : i32
      %ge3A_438 = vector.broadcast %ge3A_437 : i32 to vector<16xi32>
      %ge3A_439 = arith.cmpi sge, %get3A_433, %ge3A_438 : vector<16xi32>
      %ge3A_440 = arith.constant 0 : i32
      %ge3A_441 = vector.broadcast %ge3A_440 : i32 to vector<16xi32>
      %ge3A_442 = arith.cmpi sge, %get3A_436, %ge3A_441 : vector<16xi32>
      %and3A_443 = arith.andi %ge3A_439, %ge3A_442 : vector<16xi1>
      %jit3A_444 = arith.constant 0 : i32
      %broadcast_in_dim3A_445 = vector.broadcast %jit3A_444 : i32 to vector<16xi32>
      %select_n3A_446 = arith.select %and3A_443, %get3A_433, %broadcast_in_dim3A_445 : vector<16xi1>, vector<16xi32>
      %swap3A_447 = arith.constant 96 : index
      %swap3A_448 = tpu.vector_load %arg15[%swap3A_447] {strides = array<i32>} : memref<128xi32, #tpu.memory_space<vmem>>, vector<16xi32>,
      %swap3A_449 = vector.shape_cast %swap3A_448 : vector<16xi32> to vector<16xi32>
      %swap3A_450 = vector.shape_cast %select_n3A_446 : vector<16xi32> to vector<16xi32>
      tpu.vector_store %arg15[%swap3A_447], %swap3A_450 {strides = array<i32>} : memref<128xi32, #tpu.memory_space<vmem>>, vector<16xi32>,
      %jit3A_451 = arith.constant 8000 : i32
      %broadcast_in_dim3A_452 = vector.broadcast %jit3A_451 : i32 to vector<16xi32>
      %select_n3A_453 = arith.select %and3A_443, %get3A_436, %broadcast_in_dim3A_452 : vector<16xi1>, vector<16xi32>
      %swap3A_454 = arith.constant 96 : index
      %swap3A_455 = tpu.vector_load %arg16[%swap3A_454] {strides = array<i32>} : memref<128xi32, #tpu.memory_space<vmem>>, vector<16xi32>,
      %swap3A_456 = vector.shape_cast %swap3A_455 : vector<16xi32> to vector<16xi32>
      %swap3A_457 = vector.shape_cast %select_n3A_453 : vector<16xi32> to vector<16xi32>
      tpu.vector_store %arg16[%swap3A_454], %swap3A_457 {strides = array<i32>} : memref<128xi32, #tpu.memory_space<vmem>>, vector<16xi32>,
      %get3A_458 = arith.constant 112 : index
      %get3A_459 = tpu.vector_load %arg13[%get3A_458] {strides = array<i32>} : memref<128xi32, #tpu.memory_space<vmem>>, vector<16xi32>,
      %get3A_460 = vector.shape_cast %get3A_459 : vector<16xi32> to vector<16xi32>
      %get3A_461 = arith.constant 112 : index
      %get3A_462 = tpu.vector_load %arg14[%get3A_461] {strides = array<i32>} : memref<128xi32, #tpu.memory_space<vmem>>, vector<16xi32>,
      %get3A_463 = vector.shape_cast %get3A_462 : vector<16xi32> to vector<16xi32>
      %ge3A_464 = arith.constant 0 : i32
      %ge3A_465 = vector.broadcast %ge3A_464 : i32 to vector<16xi32>
      %ge3A_466 = arith.cmpi sge, %get3A_460, %ge3A_465 : vector<16xi32>
      %ge3A_467 = arith.constant 0 : i32
      %ge3A_468 = vector.broadcast %ge3A_467 : i32 to vector<16xi32>
      %ge3A_469 = arith.cmpi sge, %get3A_463, %ge3A_468 : vector<16xi32>
      %and3A_470 = arith.andi %ge3A_466, %ge3A_469 : vector<16xi1>
      %jit3A_471 = arith.constant 0 : i32
      %broadcast_in_dim3A_472 = vector.broadcast %jit3A_471 : i32 to vector<16xi32>
      %select_n3A_473 = arith.select %and3A_470, %get3A_460, %broadcast_in_dim3A_472 : vector<16xi1>, vector<16xi32>
      %swap3A_474 = arith.constant 112 : index
      %swap3A_475 = tpu.vector_load %arg15[%swap3A_474] {strides = array<i32>} : memref<128xi32, #tpu.memory_space<vmem>>, vector<16xi32>,
      %swap3A_476 = vector.shape_cast %swap3A_475 : vector<16xi32> to vector<16xi32>
      %swap3A_477 = vector.shape_cast %select_n3A_473 : vector<16xi32> to vector<16xi32>
      tpu.vector_store %arg15[%swap3A_474], %swap3A_477 {strides = array<i32>} : memref<128xi32, #tpu.memory_space<vmem>>, vector<16xi32>,
      %jit3A_478 = arith.constant 8000 : i32
      %broadcast_in_dim3A_479 = vector.broadcast %jit3A_478 : i32 to vector<16xi32>
      %select_n3A_480 = arith.select %and3A_470, %get3A_463, %broadcast_in_dim3A_479 : vector<16xi1>, vector<16xi32>
      %swap3A_481 = arith.constant 112 : index
      %swap3A_482 = tpu.vector_load %arg16[%swap3A_481] {strides = array<i32>} : memref<128xi32, #tpu.memory_space<vmem>>, vector<16xi32>,
      %swap3A_483 = vector.shape_cast %swap3A_482 : vector<16xi32> to vector<16xi32>
      %swap3A_484 = vector.shape_cast %select_n3A_480 : vector<16xi32> to vector<16xi32>
      tpu.vector_store %arg16[%swap3A_481], %swap3A_484 {strides = array<i32>} : memref<128xi32, #tpu.memory_space<vmem>>, vector<16xi32>,
      "tpu.region"() ({
        %run_scoped3A = tpu.sem_alloc : memref<!tpu.dma_semaphore, #tpu.memory_space<semaphore_mem>>
        %dma_start3A_485 = tpu.memref_slice %arg8[%add3A_267] : memref<323584xi32, #tpu.memory_space<hbm>> -> memref<128xi32, #tpu.memory_space<hbm>>
        %dma_start3A_486 = tpu.memref_slice %arg8[%add3A_267] : memref<323584xi32, #tpu.memory_space<hbm>> -> memref<128xi32, #tpu.memory_space<hbm>>
        tpu.enqueue_dma source(%arg15 : memref<128xi32, #tpu.memory_space<vmem>>) target(%dma_start3A_486 : memref<128xi32, #tpu.memory_space<hbm>>) target_semaphore(%run_scoped3A : memref<!tpu.dma_semaphore, #tpu.memory_space<semaphore_mem>>)
        %dma_wait3A_487 = tpu.memref_slice %arg8[%add3A_267] : memref<323584xi32, #tpu.memory_space<hbm>> -> memref<128xi32, #tpu.memory_space<hbm>>
        %dma_wait3A_488 = tpu.memref_slice %arg8[%add3A_267] : memref<323584xi32, #tpu.memory_space<hbm>> -> memref<128xi32, #tpu.memory_space<hbm>>
        tpu.wait_dma2 semaphore(%run_scoped3A : memref<!tpu.dma_semaphore, #tpu.memory_space<semaphore_mem>>) src(%arg15 : memref<128xi32, #tpu.memory_space<vmem>>) dst(%dma_wait3A_488 : memref<128xi32, #tpu.memory_space<hbm>>)
        tpu.yield
      }) : () -> ()
      "tpu.region"() ({
        %run_scoped3A = tpu.sem_alloc : memref<!tpu.dma_semaphore, #tpu.memory_space<semaphore_mem>>
        %dma_start3A_485 = tpu.memref_slice %arg9[%add3A_267] : memref<323584xi32, #tpu.memory_space<hbm>> -> memref<128xi32, #tpu.memory_space<hbm>>
        %dma_start3A_486 = tpu.memref_slice %arg9[%add3A_267] : memref<323584xi32, #tpu.memory_space<hbm>> -> memref<128xi32, #tpu.memory_space<hbm>>
        tpu.enqueue_dma source(%arg16 : memref<128xi32, #tpu.memory_space<vmem>>) target(%dma_start3A_486 : memref<128xi32, #tpu.memory_space<hbm>>) target_semaphore(%run_scoped3A : memref<!tpu.dma_semaphore, #tpu.memory_space<semaphore_mem>>)
        %dma_wait3A_487 = tpu.memref_slice %arg9[%add3A_267] : memref<323584xi32, #tpu.memory_space<hbm>> -> memref<128xi32, #tpu.memory_space<hbm>>
        %dma_wait3A_488 = tpu.memref_slice %arg9[%add3A_267] : memref<323584xi32, #tpu.memory_space<hbm>> -> memref<128xi32, #tpu.memory_space<hbm>>
        tpu.wait_dma2 semaphore(%run_scoped3A : memref<!tpu.dma_semaphore, #tpu.memory_space<semaphore_mem>>) src(%arg16 : memref<128xi32, #tpu.memory_space<vmem>>) dst(%dma_wait3A_488 : memref<128xi32, #tpu.memory_space<hbm>>)
        tpu.yield
      }) : () -> ()
      "tpu.region"() ({
        %run_scoped3A = tpu.sem_alloc : memref<!tpu.dma_semaphore, #tpu.memory_space<semaphore_mem>>
        %dma_start3A_485 = arith.constant 0 : i32
        %dma_start3A_486 = tpu.memref_slice %arg20[%dma_start3A_485] : memref<8192xf32, #tpu.memory_space<vmem_shared>> -> memref<8192xf32, #tpu.memory_space<vmem_shared>>
        tpu.enqueue_indirect_dma source(%arg18 : memref<128xf32, #tpu.memory_space<vmem>>) target(%dma_start3A_486 : memref<8192xf32, #tpu.memory_space<vmem_shared>>) offsets(%arg16 : memref<128xi32, #tpu.memory_space<vmem>>) semaphore(%run_scoped3A : memref<!tpu.dma_semaphore, #tpu.memory_space<semaphore_mem>>) {add = true}
        %dma_wait3A_487 = arith.constant 0 : i32
        %dma_wait3A_488 = tpu.memref_slice %arg20[%dma_wait3A_487] : memref<8192xf32, #tpu.memory_space<vmem_shared>> -> memref<8192xf32, #tpu.memory_space<vmem_shared>>
        tpu.wait_indirect_dma semaphore(%run_scoped3A : memref<!tpu.dma_semaphore, #tpu.memory_space<semaphore_mem>>) src(%arg18 : memref<128xf32, #tpu.memory_space<vmem>>) dst(%dma_wait3A_488 : memref<8192xf32, #tpu.memory_space<vmem_shared>>)
        tpu.yield
      }) : () -> ()
    }
    %scan3A_255 = arith.constant 79 : i32
    %barrier3A_256 = arith.constant 0 : index
    tpu.barrier barrier_id(%barrier3A_256)
    %mul3A_257 = arith.constant 512 : i32
    %mul3A_258 = arith.muli %arg1, %mul3A_257 : i32
    "tpu.region"() ({
      %run_scoped3A = tpu.sem_alloc : memref<!tpu.dma_semaphore, #tpu.memory_space<semaphore_mem>>
      %dma_start3A = tpu.memref_slice %arg20[%mul3A_258] : memref<8192xf32, #tpu.memory_space<vmem_shared>> -> memref<512xf32, #tpu.memory_space<vmem_shared>>
      %dma_start3A_264 = tpu.memref_slice %arg20[%mul3A_258] : memref<8192xf32, #tpu.memory_space<vmem_shared>> -> memref<512xf32, #tpu.memory_space<vmem_shared>>
      tpu.enqueue_dma source(%dma_start3A_264 : memref<512xf32, #tpu.memory_space<vmem_shared>>) target(%arg19 : memref<512xf32, #tpu.memory_space<vmem>>) target_semaphore(%run_scoped3A : memref<!tpu.dma_semaphore, #tpu.memory_space<semaphore_mem>>)
      %dma_wait3A = tpu.memref_slice %arg20[%mul3A_258] : memref<8192xf32, #tpu.memory_space<vmem_shared>> -> memref<512xf32, #tpu.memory_space<vmem_shared>>
      %dma_wait3A_265 = tpu.memref_slice %arg20[%mul3A_258] : memref<8192xf32, #tpu.memory_space<vmem_shared>> -> memref<512xf32, #tpu.memory_space<vmem_shared>>
      tpu.wait_dma2 semaphore(%run_scoped3A : memref<!tpu.dma_semaphore, #tpu.memory_space<semaphore_mem>>) src(%dma_wait3A_265 : memref<512xf32, #tpu.memory_space<vmem_shared>>) dst(%arg19 : memref<512xf32, #tpu.memory_space<vmem>>)
      tpu.yield
    }) : () -> ()
    %mul3A_259 = arith.constant 8192 : i32
    %mul3A_260 = arith.muli %arg0, %mul3A_259 : i32
    %mul3A_261 = arith.constant 512 : i32
    %mul3A_262 = arith.muli %arg1, %mul3A_261 : i32
    %add3A_263 = arith.addi %mul3A_260, %mul3A_262 : i32
    "tpu.region"() ({
      %run_scoped3A = tpu.sem_alloc : memref<!tpu.dma_semaphore, #tpu.memory_space<semaphore_mem>>
      %dma_start3A = tpu.memref_slice %arg10[%add3A_263] : memref<16384xf32, #tpu.memory_space<hbm>> -> memref<512xf32, #tpu.memory_space<hbm>>
      %dma_start3A_264 = tpu.memref_slice %arg10[%add3A_263] : memref<16384xf32, #tpu.memory_space<hbm>> -> memref<512xf32, #tpu.memory_space<hbm>>
      tpu.enqueue_dma source(%arg19 : memref<512xf32, #tpu.memory_space<vmem>>) target(%dma_start3A_264 : memref<512xf32, #tpu.memory_space<hbm>>) target_semaphore(%run_scoped3A : memref<!tpu.dma_semaphore, #tpu.memory_space<semaphore_mem>>)
      %dma_wait3A = tpu.memref_slice %arg10[%add3A_263] : memref<16384xf32, #tpu.memory_space<hbm>> -> memref<512xf32, #tpu.memory_space<hbm>>
      %dma_wait3A_265 = tpu.memref_slice %arg10[%add3A_263] : memref<16384xf32, #tpu.memory_space<hbm>> -> memref<512xf32, #tpu.memory_space<hbm>>
      tpu.wait_dma2 semaphore(%run_scoped3A : memref<!tpu.dma_semaphore, #tpu.memory_space<semaphore_mem>>) src(%arg19 : memref<512xf32, #tpu.memory_space<vmem>>) dst(%dma_wait3A_265 : memref<512xf32, #tpu.memory_space<hbm>>)
      tpu.yield
    }) : () -> ()
    return
  }
}

#map = affine_map<(d0, d1) -> (0, 0)>
#map1 = affine_map<(d0, d1) -> (0)>
#map2 = affine_map<(d0, d1) -> (0, 0, 0)>
module attributes {stable_mosaic.version = 14 : i64} {
  func.func @k(%arg0: i32, %arg1: i32, %arg2: memref<8000x128xf32, #tpu.memory_space<hbm>>, %arg3: memref<323584xi32, #tpu.memory_space<hbm>>, %arg4: memref<323584xi32, #tpu.memory_space<hbm>>, %arg5: memref<128x128xf32, #tpu.memory_space<hbm>>, %arg6: memref<2x8192x128xf32, #tpu.memory_space<hbm>>, %arg7: memref<128xi32, #tpu.memory_space<vmem>>, %arg8: memref<128xi32, #tpu.memory_space<vmem>>, %arg9: memref<128x128xf32, #tpu.memory_space<vmem>>, %arg10: memref<8192x128xf32, #tpu.memory_space<vmem_shared>>, %arg11: memref<!tpu.dma_semaphore, #tpu.memory_space<semaphore_mem>>) attributes {dimension_semantics = [#tpu.dimension_semantics<core_parallel>, #tpu.dimension_semantics<subcore_parallel>], iteration_bounds = array<i64: 2, 16>, scalar_prefetch = 0 : i64, scratch_operands = 5 : i64, tpu.core_type = #tpu.core_type<sc_vector_subcore>, window_params = [{transform_indices = #map}, {transform_indices = #map1}, {transform_indices = #map1}, {transform_indices = #map}, {transform_indices = #map2}]} {
    %mul3A = arith.constant 512 : i32
    %mul3A_0 = arith.muli %arg1, %mul3A : i32
    %add3A = arith.constant 0 : i32
    %add3A_1 = arith.addi %mul3A_0, %add3A : i32
    "tpu.region"() ({
      %run_scoped3A = tpu.sem_alloc : memref<!tpu.dma_semaphore, #tpu.memory_space<semaphore_mem>>
      %dma_start3A = arith.constant 0 : i32
      %dma_start3A_23 = tpu.memref_slice %arg10[%add3A_1, %dma_start3A] : memref<8192x128xf32, #tpu.memory_space<vmem_shared>> -> memref<128x128xf32, #tpu.memory_space<vmem_shared>>
      tpu.enqueue_dma source(%arg5 : memref<128x128xf32, #tpu.memory_space<hbm>>) target(%dma_start3A_23 : memref<128x128xf32, #tpu.memory_space<vmem_shared>>) target_semaphore(%run_scoped3A : memref<!tpu.dma_semaphore, #tpu.memory_space<semaphore_mem>>)
      %dma_wait3A = arith.constant 0 : i32
      %dma_wait3A_24 = tpu.memref_slice %arg10[%add3A_1, %dma_wait3A] : memref<8192x128xf32, #tpu.memory_space<vmem_shared>> -> memref<128x128xf32, #tpu.memory_space<vmem_shared>>
      tpu.wait_dma2 semaphore(%run_scoped3A : memref<!tpu.dma_semaphore, #tpu.memory_space<semaphore_mem>>) src(%arg5 : memref<128x128xf32, #tpu.memory_space<hbm>>) dst(%dma_wait3A_24 : memref<128x128xf32, #tpu.memory_space<vmem_shared>>)
      tpu.yield
    }) : () -> ()
    %add3A_2 = arith.constant 128 : i32
    %add3A_3 = arith.addi %mul3A_0, %add3A_2 : i32
    "tpu.region"() ({
      %run_scoped3A = tpu.sem_alloc : memref<!tpu.dma_semaphore, #tpu.memory_space<semaphore_mem>>
      %dma_start3A = arith.constant 0 : i32
      %dma_start3A_23 = tpu.memref_slice %arg10[%add3A_3, %dma_start3A] : memref<8192x128xf32, #tpu.memory_space<vmem_shared>> -> memref<128x128xf32, #tpu.memory_space<vmem_shared>>
      tpu.enqueue_dma source(%arg5 : memref<128x128xf32, #tpu.memory_space<hbm>>) target(%dma_start3A_23 : memref<128x128xf32, #tpu.memory_space<vmem_shared>>) target_semaphore(%run_scoped3A : memref<!tpu.dma_semaphore, #tpu.memory_space<semaphore_mem>>)
      %dma_wait3A = arith.constant 0 : i32
      %dma_wait3A_24 = tpu.memref_slice %arg10[%add3A_3, %dma_wait3A] : memref<8192x128xf32, #tpu.memory_space<vmem_shared>> -> memref<128x128xf32, #tpu.memory_space<vmem_shared>>
      tpu.wait_dma2 semaphore(%run_scoped3A : memref<!tpu.dma_semaphore, #tpu.memory_space<semaphore_mem>>) src(%arg5 : memref<128x128xf32, #tpu.memory_space<hbm>>) dst(%dma_wait3A_24 : memref<128x128xf32, #tpu.memory_space<vmem_shared>>)
      tpu.yield
    }) : () -> ()
    %add3A_4 = arith.constant 256 : i32
    %add3A_5 = arith.addi %mul3A_0, %add3A_4 : i32
    "tpu.region"() ({
      %run_scoped3A = tpu.sem_alloc : memref<!tpu.dma_semaphore, #tpu.memory_space<semaphore_mem>>
      %dma_start3A = arith.constant 0 : i32
      %dma_start3A_23 = tpu.memref_slice %arg10[%add3A_5, %dma_start3A] : memref<8192x128xf32, #tpu.memory_space<vmem_shared>> -> memref<128x128xf32, #tpu.memory_space<vmem_shared>>
      tpu.enqueue_dma source(%arg5 : memref<128x128xf32, #tpu.memory_space<hbm>>) target(%dma_start3A_23 : memref<128x128xf32, #tpu.memory_space<vmem_shared>>) target_semaphore(%run_scoped3A : memref<!tpu.dma_semaphore, #tpu.memory_space<semaphore_mem>>)
      %dma_wait3A = arith.constant 0 : i32
      %dma_wait3A_24 = tpu.memref_slice %arg10[%add3A_5, %dma_wait3A] : memref<8192x128xf32, #tpu.memory_space<vmem_shared>> -> memref<128x128xf32, #tpu.memory_space<vmem_shared>>
      tpu.wait_dma2 semaphore(%run_scoped3A : memref<!tpu.dma_semaphore, #tpu.memory_space<semaphore_mem>>) src(%arg5 : memref<128x128xf32, #tpu.memory_space<hbm>>) dst(%dma_wait3A_24 : memref<128x128xf32, #tpu.memory_space<vmem_shared>>)
      tpu.yield
    }) : () -> ()
    %add3A_6 = arith.constant 384 : i32
    %add3A_7 = arith.addi %mul3A_0, %add3A_6 : i32
    "tpu.region"() ({
      %run_scoped3A = tpu.sem_alloc : memref<!tpu.dma_semaphore, #tpu.memory_space<semaphore_mem>>
      %dma_start3A = arith.constant 0 : i32
      %dma_start3A_23 = tpu.memref_slice %arg10[%add3A_7, %dma_start3A] : memref<8192x128xf32, #tpu.memory_space<vmem_shared>> -> memref<128x128xf32, #tpu.memory_space<vmem_shared>>
      tpu.enqueue_dma source(%arg5 : memref<128x128xf32, #tpu.memory_space<hbm>>) target(%dma_start3A_23 : memref<128x128xf32, #tpu.memory_space<vmem_shared>>) target_semaphore(%run_scoped3A : memref<!tpu.dma_semaphore, #tpu.memory_space<semaphore_mem>>)
      %dma_wait3A = arith.constant 0 : i32
      %dma_wait3A_24 = tpu.memref_slice %arg10[%add3A_7, %dma_wait3A] : memref<8192x128xf32, #tpu.memory_space<vmem_shared>> -> memref<128x128xf32, #tpu.memory_space<vmem_shared>>
      tpu.wait_dma2 semaphore(%run_scoped3A : memref<!tpu.dma_semaphore, #tpu.memory_space<semaphore_mem>>) src(%arg5 : memref<128x128xf32, #tpu.memory_space<hbm>>) dst(%dma_wait3A_24 : memref<128x128xf32, #tpu.memory_space<vmem_shared>>)
      tpu.yield
    }) : () -> ()
    %barrier3A = arith.constant 0 : index
    tpu.barrier barrier_id(%barrier3A)
    %mul3A_8 = arith.constant 16 : i32
    %mul3A_9 = arith.muli %arg0, %mul3A_8 : i32
    %add3A_10 = arith.addi %mul3A_9, %arg1 : i32
    %mul3A_11 = arith.constant 10112 : i32
    %mul3A_12 = arith.muli %add3A_10, %mul3A_11 : i32
    %scan3A = arith.constant 0 : i32
    %scan3A_13 = arith.constant 0 : i32
    %scan3A_14 = arith.constant 79 : i32
    %scan3A_15 = arith.addi %scan3A_13, %scan3A_14 : i32
    %scan3A_16 = arith.constant 1 : i32
    scf.for %scan3A_23 = %scan3A_13 to %scan3A_15 step %scan3A_16  : i32 {
      %mul3A_24 = arith.constant 128 : i32
      %mul3A_25 = arith.muli %scan3A_23, %mul3A_24 : i32
      %add3A_26 = arith.addi %mul3A_12, %mul3A_25 : i32
      "tpu.region"() ({
        %run_scoped3A = tpu.sem_alloc : memref<!tpu.dma_semaphore, #tpu.memory_space<semaphore_mem>>
        %dma_start3A_31 = tpu.memref_slice %arg3[%add3A_26] : memref<323584xi32, #tpu.memory_space<hbm>> -> memref<128xi32, #tpu.memory_space<hbm>>
        %dma_start3A_32 = tpu.memref_slice %arg3[%add3A_26] : memref<323584xi32, #tpu.memory_space<hbm>> -> memref<128xi32, #tpu.memory_space<hbm>>
        tpu.enqueue_dma source(%dma_start3A_32 : memref<128xi32, #tpu.memory_space<hbm>>) target(%arg7 : memref<128xi32, #tpu.memory_space<vmem>>) target_semaphore(%run_scoped3A : memref<!tpu.dma_semaphore, #tpu.memory_space<semaphore_mem>>)
        %dma_wait3A_33 = tpu.memref_slice %arg3[%add3A_26] : memref<323584xi32, #tpu.memory_space<hbm>> -> memref<128xi32, #tpu.memory_space<hbm>>
        %dma_wait3A_34 = tpu.memref_slice %arg3[%add3A_26] : memref<323584xi32, #tpu.memory_space<hbm>> -> memref<128xi32, #tpu.memory_space<hbm>>
        tpu.wait_dma2 semaphore(%run_scoped3A : memref<!tpu.dma_semaphore, #tpu.memory_space<semaphore_mem>>) src(%dma_wait3A_34 : memref<128xi32, #tpu.memory_space<hbm>>) dst(%arg7 : memref<128xi32, #tpu.memory_space<vmem>>)
        tpu.yield
      }) : () -> ()
      "tpu.region"() ({
        %run_scoped3A = tpu.sem_alloc : memref<!tpu.dma_semaphore, #tpu.memory_space<semaphore_mem>>
        %dma_start3A_31 = tpu.memref_slice %arg4[%add3A_26] : memref<323584xi32, #tpu.memory_space<hbm>> -> memref<128xi32, #tpu.memory_space<hbm>>
        %dma_start3A_32 = tpu.memref_slice %arg4[%add3A_26] : memref<323584xi32, #tpu.memory_space<hbm>> -> memref<128xi32, #tpu.memory_space<hbm>>
        tpu.enqueue_dma source(%dma_start3A_32 : memref<128xi32, #tpu.memory_space<hbm>>) target(%arg8 : memref<128xi32, #tpu.memory_space<vmem>>) target_semaphore(%run_scoped3A : memref<!tpu.dma_semaphore, #tpu.memory_space<semaphore_mem>>)
        %dma_wait3A_33 = tpu.memref_slice %arg4[%add3A_26] : memref<323584xi32, #tpu.memory_space<hbm>> -> memref<128xi32, #tpu.memory_space<hbm>>
        %dma_wait3A_34 = tpu.memref_slice %arg4[%add3A_26] : memref<323584xi32, #tpu.memory_space<hbm>> -> memref<128xi32, #tpu.memory_space<hbm>>
        tpu.wait_dma2 semaphore(%run_scoped3A : memref<!tpu.dma_semaphore, #tpu.memory_space<semaphore_mem>>) src(%dma_wait3A_34 : memref<128xi32, #tpu.memory_space<hbm>>) dst(%arg8 : memref<128xi32, #tpu.memory_space<vmem>>)
        tpu.yield
      }) : () -> ()
      %dma_start3A = arith.constant 0 : i32
      %dma_start3A_27 = arith.constant 0 : i32
      %dma_start3A_28 = tpu.memref_slice %arg2[%dma_start3A, %dma_start3A_27] : memref<8000x128xf32, #tpu.memory_space<hbm>> -> memref<8000x128xf32, #tpu.memory_space<hbm>>
      tpu.enqueue_indirect_dma source(%dma_start3A_28 : memref<8000x128xf32, #tpu.memory_space<hbm>>) target(%arg9 : memref<128x128xf32, #tpu.memory_space<vmem>>) offsets(%arg7 : memref<128xi32, #tpu.memory_space<vmem>>) semaphore(%arg11 : memref<!tpu.dma_semaphore, #tpu.memory_space<semaphore_mem>>)
      %dma_wait3A = arith.constant 0 : i32
      %dma_wait3A_29 = arith.constant 0 : i32
      %dma_wait3A_30 = tpu.memref_slice %arg2[%dma_wait3A, %dma_wait3A_29] : memref<8000x128xf32, #tpu.memory_space<hbm>> -> memref<8000x128xf32, #tpu.memory_space<hbm>>
      tpu.wait_indirect_dma semaphore(%arg11 : memref<!tpu.dma_semaphore, #tpu.memory_space<semaphore_mem>>) src(%dma_wait3A_30 : memref<8000x128xf32, #tpu.memory_space<hbm>>) dst(%arg9 : memref<128x128xf32, #tpu.memory_space<vmem>>)
      "tpu.region"() ({
        %run_scoped3A = tpu.sem_alloc : memref<!tpu.dma_semaphore, #tpu.memory_space<semaphore_mem>>
        %dma_start3A_31 = arith.constant 0 : i32
        %dma_start3A_32 = arith.constant 0 : i32
        %dma_start3A_33 = tpu.memref_slice %arg10[%dma_start3A_31, %dma_start3A_32] : memref<8192x128xf32, #tpu.memory_space<vmem_shared>> -> memref<8192x128xf32, #tpu.memory_space<vmem_shared>>
        tpu.enqueue_indirect_dma source(%arg9 : memref<128x128xf32, #tpu.memory_space<vmem>>) target(%dma_start3A_33 : memref<8192x128xf32, #tpu.memory_space<vmem_shared>>) offsets(%arg8 : memref<128xi32, #tpu.memory_space<vmem>>) semaphore(%run_scoped3A : memref<!tpu.dma_semaphore, #tpu.memory_space<semaphore_mem>>) {add = true}
        %dma_wait3A_34 = arith.constant 0 : i32
        %dma_wait3A_35 = arith.constant 0 : i32
        %dma_wait3A_36 = tpu.memref_slice %arg10[%dma_wait3A_34, %dma_wait3A_35] : memref<8192x128xf32, #tpu.memory_space<vmem_shared>> -> memref<8192x128xf32, #tpu.memory_space<vmem_shared>>
        tpu.wait_indirect_dma semaphore(%run_scoped3A : memref<!tpu.dma_semaphore, #tpu.memory_space<semaphore_mem>>) src(%arg9 : memref<128x128xf32, #tpu.memory_space<vmem>>) dst(%dma_wait3A_36 : memref<8192x128xf32, #tpu.memory_space<vmem_shared>>)
        tpu.yield
      }) : () -> ()
    }
    %scan3A_17 = arith.constant 79 : i32
    %barrier3A_18 = arith.constant 0 : index
    tpu.barrier barrier_id(%barrier3A_18)
    %mul3A_19 = arith.constant 512 : i32
    %mul3A_20 = arith.muli %arg1, %mul3A_19 : i32
    %mul3A_21 = arith.constant 512 : i32
    %mul3A_22 = arith.muli %arg1, %mul3A_21 : i32
    "tpu.region"() ({
      %run_scoped3A = tpu.sem_alloc : memref<!tpu.dma_semaphore, #tpu.memory_space<semaphore_mem>>
      %dma_start3A = arith.constant 0 : i32
      %dma_start3A_23 = tpu.memref_slice %arg6[%arg0, %mul3A_22, %dma_start3A] : memref<2x8192x128xf32, #tpu.memory_space<hbm>> -> memref<1x512x128xf32, #tpu.memory_space<hbm>>
      %dma_start3A_24 = tpu.memref_squeeze %dma_start3A_23 : memref<1x512x128xf32, #tpu.memory_space<hbm>> -> memref<512x128xf32, #tpu.memory_space<hbm>>
      %dma_start3A_25 = arith.constant 0 : i32
      %dma_start3A_26 = tpu.memref_slice %arg10[%mul3A_20, %dma_start3A_25] : memref<8192x128xf32, #tpu.memory_space<vmem_shared>> -> memref<512x128xf32, #tpu.memory_space<vmem_shared>>
      tpu.enqueue_dma source(%dma_start3A_26 : memref<512x128xf32, #tpu.memory_space<vmem_shared>>) target(%dma_start3A_24 : memref<512x128xf32, #tpu.memory_space<hbm>>) target_semaphore(%run_scoped3A : memref<!tpu.dma_semaphore, #tpu.memory_space<semaphore_mem>>)
      %dma_wait3A = arith.constant 0 : i32
      %dma_wait3A_27 = tpu.memref_slice %arg6[%arg0, %mul3A_22, %dma_wait3A] : memref<2x8192x128xf32, #tpu.memory_space<hbm>> -> memref<1x512x128xf32, #tpu.memory_space<hbm>>
      %dma_wait3A_28 = tpu.memref_squeeze %dma_wait3A_27 : memref<1x512x128xf32, #tpu.memory_space<hbm>> -> memref<512x128xf32, #tpu.memory_space<hbm>>
      %dma_wait3A_29 = arith.constant 0 : i32
      %dma_wait3A_30 = tpu.memref_slice %arg10[%mul3A_20, %dma_wait3A_29] : memref<8192x128xf32, #tpu.memory_space<vmem_shared>> -> memref<512x128xf32, #tpu.memory_space<vmem_shared>>
      tpu.wait_dma2 semaphore(%run_scoped3A : memref<!tpu.dma_semaphore, #tpu.memory_space<semaphore_mem>>) src(%dma_wait3A_30 : memref<512x128xf32, #tpu.memory_space<vmem_shared>>) dst(%dma_wait3A_28 : memref<512x128xf32, #tpu.memory_space<hbm>>)
      tpu.yield
    }) : () -> ()
    return
  }
}

#map = affine_map<(d0, d1) -> (0)>
module attributes {stable_mosaic.version = 14 : i64} {
  func.func @k(%arg0: i32, %arg1: i32, %arg2: memref<8000xf32, #tpu.memory_space<hbm>>, %arg3: memref<323584xi32, #tpu.memory_space<hbm>>, %arg4: memref<323584xi32, #tpu.memory_space<hbm>>, %arg5: memref<16384xf32, #tpu.memory_space<hbm>>, %arg6: memref<128xi32, #tpu.memory_space<vmem>>, %arg7: memref<128xi32, #tpu.memory_space<vmem>>, %arg8: memref<128xf32, #tpu.memory_space<vmem>>, %arg9: memref<512xf32, #tpu.memory_space<vmem>>, %arg10: memref<8192xf32, #tpu.memory_space<vmem_shared>>, %arg11: memref<!tpu.dma_semaphore, #tpu.memory_space<semaphore_mem>>) attributes {dimension_semantics = [#tpu.dimension_semantics<core_parallel>, #tpu.dimension_semantics<subcore_parallel>], iteration_bounds = array<i64: 2, 16>, scalar_prefetch = 0 : i64, scratch_operands = 6 : i64, tpu.core_type = #tpu.core_type<sc_vector_subcore>, window_params = [{transform_indices = #map}, {transform_indices = #map}, {transform_indices = #map}, {transform_indices = #map}]} {
    %broadcast_in_dim3A = arith.constant 0.000000e+00 : f32
    %broadcast_in_dim3A_0 = vector.broadcast %broadcast_in_dim3A : f32 to vector<16xf32>
    %swap3A = arith.constant 0 : index
    %swap3A_1 = tpu.vector_load %arg9[%swap3A] {strides = array<i32>} : memref<512xf32, #tpu.memory_space<vmem>>, vector<16xf32>,
    %swap3A_2 = vector.shape_cast %swap3A_1 : vector<16xf32> to vector<16xf32>
    %swap3A_3 = vector.shape_cast %broadcast_in_dim3A_0 : vector<16xf32> to vector<16xf32>
    tpu.vector_store %arg9[%swap3A], %swap3A_3 {strides = array<i32>} : memref<512xf32, #tpu.memory_space<vmem>>, vector<16xf32>,
    %broadcast_in_dim3A_4 = arith.constant 0.000000e+00 : f32
    %broadcast_in_dim3A_5 = vector.broadcast %broadcast_in_dim3A_4 : f32 to vector<16xf32>
    %swap3A_6 = arith.constant 16 : index
    %swap3A_7 = tpu.vector_load %arg9[%swap3A_6] {strides = array<i32>} : memref<512xf32, #tpu.memory_space<vmem>>, vector<16xf32>,
    %swap3A_8 = vector.shape_cast %swap3A_7 : vector<16xf32> to vector<16xf32>
    %swap3A_9 = vector.shape_cast %broadcast_in_dim3A_5 : vector<16xf32> to vector<16xf32>
    tpu.vector_store %arg9[%swap3A_6], %swap3A_9 {strides = array<i32>} : memref<512xf32, #tpu.memory_space<vmem>>, vector<16xf32>,
    %broadcast_in_dim3A_10 = arith.constant 0.000000e+00 : f32
    %broadcast_in_dim3A_11 = vector.broadcast %broadcast_in_dim3A_10 : f32 to vector<16xf32>
    %swap3A_12 = arith.constant 32 : index
    %swap3A_13 = tpu.vector_load %arg9[%swap3A_12] {strides = array<i32>} : memref<512xf32, #tpu.memory_space<vmem>>, vector<16xf32>,
    %swap3A_14 = vector.shape_cast %swap3A_13 : vector<16xf32> to vector<16xf32>
    %swap3A_15 = vector.shape_cast %broadcast_in_dim3A_11 : vector<16xf32> to vector<16xf32>
    tpu.vector_store %arg9[%swap3A_12], %swap3A_15 {strides = array<i32>} : memref<512xf32, #tpu.memory_space<vmem>>, vector<16xf32>,
    %broadcast_in_dim3A_16 = arith.constant 0.000000e+00 : f32
    %broadcast_in_dim3A_17 = vector.broadcast %broadcast_in_dim3A_16 : f32 to vector<16xf32>
    %swap3A_18 = arith.constant 48 : index
    %swap3A_19 = tpu.vector_load %arg9[%swap3A_18] {strides = array<i32>} : memref<512xf32, #tpu.memory_space<vmem>>, vector<16xf32>,
    %swap3A_20 = vector.shape_cast %swap3A_19 : vector<16xf32> to vector<16xf32>
    %swap3A_21 = vector.shape_cast %broadcast_in_dim3A_17 : vector<16xf32> to vector<16xf32>
    tpu.vector_store %arg9[%swap3A_18], %swap3A_21 {strides = array<i32>} : memref<512xf32, #tpu.memory_space<vmem>>, vector<16xf32>,
    %broadcast_in_dim3A_22 = arith.constant 0.000000e+00 : f32
    %broadcast_in_dim3A_23 = vector.broadcast %broadcast_in_dim3A_22 : f32 to vector<16xf32>
    %swap3A_24 = arith.constant 64 : index
    %swap3A_25 = tpu.vector_load %arg9[%swap3A_24] {strides = array<i32>} : memref<512xf32, #tpu.memory_space<vmem>>, vector<16xf32>,
    %swap3A_26 = vector.shape_cast %swap3A_25 : vector<16xf32> to vector<16xf32>
    %swap3A_27 = vector.shape_cast %broadcast_in_dim3A_23 : vector<16xf32> to vector<16xf32>
    tpu.vector_store %arg9[%swap3A_24], %swap3A_27 {strides = array<i32>} : memref<512xf32, #tpu.memory_space<vmem>>, vector<16xf32>,
    %broadcast_in_dim3A_28 = arith.constant 0.000000e+00 : f32
    %broadcast_in_dim3A_29 = vector.broadcast %broadcast_in_dim3A_28 : f32 to vector<16xf32>
    %swap3A_30 = arith.constant 80 : index
    %swap3A_31 = tpu.vector_load %arg9[%swap3A_30] {strides = array<i32>} : memref<512xf32, #tpu.memory_space<vmem>>, vector<16xf32>,
    %swap3A_32 = vector.shape_cast %swap3A_31 : vector<16xf32> to vector<16xf32>
    %swap3A_33 = vector.shape_cast %broadcast_in_dim3A_29 : vector<16xf32> to vector<16xf32>
    tpu.vector_store %arg9[%swap3A_30], %swap3A_33 {strides = array<i32>} : memref<512xf32, #tpu.memory_space<vmem>>, vector<16xf32>,
    %broadcast_in_dim3A_34 = arith.constant 0.000000e+00 : f32
    %broadcast_in_dim3A_35 = vector.broadcast %broadcast_in_dim3A_34 : f32 to vector<16xf32>
    %swap3A_36 = arith.constant 96 : index
    %swap3A_37 = tpu.vector_load %arg9[%swap3A_36] {strides = array<i32>} : memref<512xf32, #tpu.memory_space<vmem>>, vector<16xf32>,
    %swap3A_38 = vector.shape_cast %swap3A_37 : vector<16xf32> to vector<16xf32>
    %swap3A_39 = vector.shape_cast %broadcast_in_dim3A_35 : vector<16xf32> to vector<16xf32>
    tpu.vector_store %arg9[%swap3A_36], %swap3A_39 {strides = array<i32>} : memref<512xf32, #tpu.memory_space<vmem>>, vector<16xf32>,
    %broadcast_in_dim3A_40 = arith.constant 0.000000e+00 : f32
    %broadcast_in_dim3A_41 = vector.broadcast %broadcast_in_dim3A_40 : f32 to vector<16xf32>
    %swap3A_42 = arith.constant 112 : index
    %swap3A_43 = tpu.vector_load %arg9[%swap3A_42] {strides = array<i32>} : memref<512xf32, #tpu.memory_space<vmem>>, vector<16xf32>,
    %swap3A_44 = vector.shape_cast %swap3A_43 : vector<16xf32> to vector<16xf32>
    %swap3A_45 = vector.shape_cast %broadcast_in_dim3A_41 : vector<16xf32> to vector<16xf32>
    tpu.vector_store %arg9[%swap3A_42], %swap3A_45 {strides = array<i32>} : memref<512xf32, #tpu.memory_space<vmem>>, vector<16xf32>,
    %broadcast_in_dim3A_46 = arith.constant 0.000000e+00 : f32
    %broadcast_in_dim3A_47 = vector.broadcast %broadcast_in_dim3A_46 : f32 to vector<16xf32>
    %swap3A_48 = arith.constant 128 : index
    %swap3A_49 = tpu.vector_load %arg9[%swap3A_48] {strides = array<i32>} : memref<512xf32, #tpu.memory_space<vmem>>, vector<16xf32>,
    %swap3A_50 = vector.shape_cast %swap3A_49 : vector<16xf32> to vector<16xf32>
    %swap3A_51 = vector.shape_cast %broadcast_in_dim3A_47 : vector<16xf32> to vector<16xf32>
    tpu.vector_store %arg9[%swap3A_48], %swap3A_51 {strides = array<i32>} : memref<512xf32, #tpu.memory_space<vmem>>, vector<16xf32>,
    %broadcast_in_dim3A_52 = arith.constant 0.000000e+00 : f32
    %broadcast_in_dim3A_53 = vector.broadcast %broadcast_in_dim3A_52 : f32 to vector<16xf32>
    %swap3A_54 = arith.constant 144 : index
    %swap3A_55 = tpu.vector_load %arg9[%swap3A_54] {strides = array<i32>} : memref<512xf32, #tpu.memory_space<vmem>>, vector<16xf32>,
    %swap3A_56 = vector.shape_cast %swap3A_55 : vector<16xf32> to vector<16xf32>
    %swap3A_57 = vector.shape_cast %broadcast_in_dim3A_53 : vector<16xf32> to vector<16xf32>
    tpu.vector_store %arg9[%swap3A_54], %swap3A_57 {strides = array<i32>} : memref<512xf32, #tpu.memory_space<vmem>>, vector<16xf32>,
    %broadcast_in_dim3A_58 = arith.constant 0.000000e+00 : f32
    %broadcast_in_dim3A_59 = vector.broadcast %broadcast_in_dim3A_58 : f32 to vector<16xf32>
    %swap3A_60 = arith.constant 160 : index
    %swap3A_61 = tpu.vector_load %arg9[%swap3A_60] {strides = array<i32>} : memref<512xf32, #tpu.memory_space<vmem>>, vector<16xf32>,
    %swap3A_62 = vector.shape_cast %swap3A_61 : vector<16xf32> to vector<16xf32>
    %swap3A_63 = vector.shape_cast %broadcast_in_dim3A_59 : vector<16xf32> to vector<16xf32>
    tpu.vector_store %arg9[%swap3A_60], %swap3A_63 {strides = array<i32>} : memref<512xf32, #tpu.memory_space<vmem>>, vector<16xf32>,
    %broadcast_in_dim3A_64 = arith.constant 0.000000e+00 : f32
    %broadcast_in_dim3A_65 = vector.broadcast %broadcast_in_dim3A_64 : f32 to vector<16xf32>
    %swap3A_66 = arith.constant 176 : index
    %swap3A_67 = tpu.vector_load %arg9[%swap3A_66] {strides = array<i32>} : memref<512xf32, #tpu.memory_space<vmem>>, vector<16xf32>,
    %swap3A_68 = vector.shape_cast %swap3A_67 : vector<16xf32> to vector<16xf32>
    %swap3A_69 = vector.shape_cast %broadcast_in_dim3A_65 : vector<16xf32> to vector<16xf32>
    tpu.vector_store %arg9[%swap3A_66], %swap3A_69 {strides = array<i32>} : memref<512xf32, #tpu.memory_space<vmem>>, vector<16xf32>,
    %broadcast_in_dim3A_70 = arith.constant 0.000000e+00 : f32
    %broadcast_in_dim3A_71 = vector.broadcast %broadcast_in_dim3A_70 : f32 to vector<16xf32>
    %swap3A_72 = arith.constant 192 : index
    %swap3A_73 = tpu.vector_load %arg9[%swap3A_72] {strides = array<i32>} : memref<512xf32, #tpu.memory_space<vmem>>, vector<16xf32>,
    %swap3A_74 = vector.shape_cast %swap3A_73 : vector<16xf32> to vector<16xf32>
    %swap3A_75 = vector.shape_cast %broadcast_in_dim3A_71 : vector<16xf32> to vector<16xf32>
    tpu.vector_store %arg9[%swap3A_72], %swap3A_75 {strides = array<i32>} : memref<512xf32, #tpu.memory_space<vmem>>, vector<16xf32>,
    %broadcast_in_dim3A_76 = arith.constant 0.000000e+00 : f32
    %broadcast_in_dim3A_77 = vector.broadcast %broadcast_in_dim3A_76 : f32 to vector<16xf32>
    %swap3A_78 = arith.constant 208 : index
    %swap3A_79 = tpu.vector_load %arg9[%swap3A_78] {strides = array<i32>} : memref<512xf32, #tpu.memory_space<vmem>>, vector<16xf32>,
    %swap3A_80 = vector.shape_cast %swap3A_79 : vector<16xf32> to vector<16xf32>
    %swap3A_81 = vector.shape_cast %broadcast_in_dim3A_77 : vector<16xf32> to vector<16xf32>
    tpu.vector_store %arg9[%swap3A_78], %swap3A_81 {strides = array<i32>} : memref<512xf32, #tpu.memory_space<vmem>>, vector<16xf32>,
    %broadcast_in_dim3A_82 = arith.constant 0.000000e+00 : f32
    %broadcast_in_dim3A_83 = vector.broadcast %broadcast_in_dim3A_82 : f32 to vector<16xf32>
    %swap3A_84 = arith.constant 224 : index
    %swap3A_85 = tpu.vector_load %arg9[%swap3A_84] {strides = array<i32>} : memref<512xf32, #tpu.memory_space<vmem>>, vector<16xf32>,
    %swap3A_86 = vector.shape_cast %swap3A_85 : vector<16xf32> to vector<16xf32>
    %swap3A_87 = vector.shape_cast %broadcast_in_dim3A_83 : vector<16xf32> to vector<16xf32>
    tpu.vector_store %arg9[%swap3A_84], %swap3A_87 {strides = array<i32>} : memref<512xf32, #tpu.memory_space<vmem>>, vector<16xf32>,
    %broadcast_in_dim3A_88 = arith.constant 0.000000e+00 : f32
    %broadcast_in_dim3A_89 = vector.broadcast %broadcast_in_dim3A_88 : f32 to vector<16xf32>
    %swap3A_90 = arith.constant 240 : index
    %swap3A_91 = tpu.vector_load %arg9[%swap3A_90] {strides = array<i32>} : memref<512xf32, #tpu.memory_space<vmem>>, vector<16xf32>,
    %swap3A_92 = vector.shape_cast %swap3A_91 : vector<16xf32> to vector<16xf32>
    %swap3A_93 = vector.shape_cast %broadcast_in_dim3A_89 : vector<16xf32> to vector<16xf32>
    tpu.vector_store %arg9[%swap3A_90], %swap3A_93 {strides = array<i32>} : memref<512xf32, #tpu.memory_space<vmem>>, vector<16xf32>,
    %broadcast_in_dim3A_94 = arith.constant 0.000000e+00 : f32
    %broadcast_in_dim3A_95 = vector.broadcast %broadcast_in_dim3A_94 : f32 to vector<16xf32>
    %swap3A_96 = arith.constant 256 : index
    %swap3A_97 = tpu.vector_load %arg9[%swap3A_96] {strides = array<i32>} : memref<512xf32, #tpu.memory_space<vmem>>, vector<16xf32>,
    %swap3A_98 = vector.shape_cast %swap3A_97 : vector<16xf32> to vector<16xf32>
    %swap3A_99 = vector.shape_cast %broadcast_in_dim3A_95 : vector<16xf32> to vector<16xf32>
    tpu.vector_store %arg9[%swap3A_96], %swap3A_99 {strides = array<i32>} : memref<512xf32, #tpu.memory_space<vmem>>, vector<16xf32>,
    %broadcast_in_dim3A_100 = arith.constant 0.000000e+00 : f32
    %broadcast_in_dim3A_101 = vector.broadcast %broadcast_in_dim3A_100 : f32 to vector<16xf32>
    %swap3A_102 = arith.constant 272 : index
    %swap3A_103 = tpu.vector_load %arg9[%swap3A_102] {strides = array<i32>} : memref<512xf32, #tpu.memory_space<vmem>>, vector<16xf32>,
    %swap3A_104 = vector.shape_cast %swap3A_103 : vector<16xf32> to vector<16xf32>
    %swap3A_105 = vector.shape_cast %broadcast_in_dim3A_101 : vector<16xf32> to vector<16xf32>
    tpu.vector_store %arg9[%swap3A_102], %swap3A_105 {strides = array<i32>} : memref<512xf32, #tpu.memory_space<vmem>>, vector<16xf32>,
    %broadcast_in_dim3A_106 = arith.constant 0.000000e+00 : f32
    %broadcast_in_dim3A_107 = vector.broadcast %broadcast_in_dim3A_106 : f32 to vector<16xf32>
    %swap3A_108 = arith.constant 288 : index
    %swap3A_109 = tpu.vector_load %arg9[%swap3A_108] {strides = array<i32>} : memref<512xf32, #tpu.memory_space<vmem>>, vector<16xf32>,
    %swap3A_110 = vector.shape_cast %swap3A_109 : vector<16xf32> to vector<16xf32>
    %swap3A_111 = vector.shape_cast %broadcast_in_dim3A_107 : vector<16xf32> to vector<16xf32>
    tpu.vector_store %arg9[%swap3A_108], %swap3A_111 {strides = array<i32>} : memref<512xf32, #tpu.memory_space<vmem>>, vector<16xf32>,
    %broadcast_in_dim3A_112 = arith.constant 0.000000e+00 : f32
    %broadcast_in_dim3A_113 = vector.broadcast %broadcast_in_dim3A_112 : f32 to vector<16xf32>
    %swap3A_114 = arith.constant 304 : index
    %swap3A_115 = tpu.vector_load %arg9[%swap3A_114] {strides = array<i32>} : memref<512xf32, #tpu.memory_space<vmem>>, vector<16xf32>,
    %swap3A_116 = vector.shape_cast %swap3A_115 : vector<16xf32> to vector<16xf32>
    %swap3A_117 = vector.shape_cast %broadcast_in_dim3A_113 : vector<16xf32> to vector<16xf32>
    tpu.vector_store %arg9[%swap3A_114], %swap3A_117 {strides = array<i32>} : memref<512xf32, #tpu.memory_space<vmem>>, vector<16xf32>,
    %broadcast_in_dim3A_118 = arith.constant 0.000000e+00 : f32
    %broadcast_in_dim3A_119 = vector.broadcast %broadcast_in_dim3A_118 : f32 to vector<16xf32>
    %swap3A_120 = arith.constant 320 : index
    %swap3A_121 = tpu.vector_load %arg9[%swap3A_120] {strides = array<i32>} : memref<512xf32, #tpu.memory_space<vmem>>, vector<16xf32>,
    %swap3A_122 = vector.shape_cast %swap3A_121 : vector<16xf32> to vector<16xf32>
    %swap3A_123 = vector.shape_cast %broadcast_in_dim3A_119 : vector<16xf32> to vector<16xf32>
    tpu.vector_store %arg9[%swap3A_120], %swap3A_123 {strides = array<i32>} : memref<512xf32, #tpu.memory_space<vmem>>, vector<16xf32>,
    %broadcast_in_dim3A_124 = arith.constant 0.000000e+00 : f32
    %broadcast_in_dim3A_125 = vector.broadcast %broadcast_in_dim3A_124 : f32 to vector<16xf32>
    %swap3A_126 = arith.constant 336 : index
    %swap3A_127 = tpu.vector_load %arg9[%swap3A_126] {strides = array<i32>} : memref<512xf32, #tpu.memory_space<vmem>>, vector<16xf32>,
    %swap3A_128 = vector.shape_cast %swap3A_127 : vector<16xf32> to vector<16xf32>
    %swap3A_129 = vector.shape_cast %broadcast_in_dim3A_125 : vector<16xf32> to vector<16xf32>
    tpu.vector_store %arg9[%swap3A_126], %swap3A_129 {strides = array<i32>} : memref<512xf32, #tpu.memory_space<vmem>>, vector<16xf32>,
    %broadcast_in_dim3A_130 = arith.constant 0.000000e+00 : f32
    %broadcast_in_dim3A_131 = vector.broadcast %broadcast_in_dim3A_130 : f32 to vector<16xf32>
    %swap3A_132 = arith.constant 352 : index
    %swap3A_133 = tpu.vector_load %arg9[%swap3A_132] {strides = array<i32>} : memref<512xf32, #tpu.memory_space<vmem>>, vector<16xf32>,
    %swap3A_134 = vector.shape_cast %swap3A_133 : vector<16xf32> to vector<16xf32>
    %swap3A_135 = vector.shape_cast %broadcast_in_dim3A_131 : vector<16xf32> to vector<16xf32>
    tpu.vector_store %arg9[%swap3A_132], %swap3A_135 {strides = array<i32>} : memref<512xf32, #tpu.memory_space<vmem>>, vector<16xf32>,
    %broadcast_in_dim3A_136 = arith.constant 0.000000e+00 : f32
    %broadcast_in_dim3A_137 = vector.broadcast %broadcast_in_dim3A_136 : f32 to vector<16xf32>
    %swap3A_138 = arith.constant 368 : index
    %swap3A_139 = tpu.vector_load %arg9[%swap3A_138] {strides = array<i32>} : memref<512xf32, #tpu.memory_space<vmem>>, vector<16xf32>,
    %swap3A_140 = vector.shape_cast %swap3A_139 : vector<16xf32> to vector<16xf32>
    %swap3A_141 = vector.shape_cast %broadcast_in_dim3A_137 : vector<16xf32> to vector<16xf32>
    tpu.vector_store %arg9[%swap3A_138], %swap3A_141 {strides = array<i32>} : memref<512xf32, #tpu.memory_space<vmem>>, vector<16xf32>,
    %broadcast_in_dim3A_142 = arith.constant 0.000000e+00 : f32
    %broadcast_in_dim3A_143 = vector.broadcast %broadcast_in_dim3A_142 : f32 to vector<16xf32>
    %swap3A_144 = arith.constant 384 : index
    %swap3A_145 = tpu.vector_load %arg9[%swap3A_144] {strides = array<i32>} : memref<512xf32, #tpu.memory_space<vmem>>, vector<16xf32>,
    %swap3A_146 = vector.shape_cast %swap3A_145 : vector<16xf32> to vector<16xf32>
    %swap3A_147 = vector.shape_cast %broadcast_in_dim3A_143 : vector<16xf32> to vector<16xf32>
    tpu.vector_store %arg9[%swap3A_144], %swap3A_147 {strides = array<i32>} : memref<512xf32, #tpu.memory_space<vmem>>, vector<16xf32>,
    %broadcast_in_dim3A_148 = arith.constant 0.000000e+00 : f32
    %broadcast_in_dim3A_149 = vector.broadcast %broadcast_in_dim3A_148 : f32 to vector<16xf32>
    %swap3A_150 = arith.constant 400 : index
    %swap3A_151 = tpu.vector_load %arg9[%swap3A_150] {strides = array<i32>} : memref<512xf32, #tpu.memory_space<vmem>>, vector<16xf32>,
    %swap3A_152 = vector.shape_cast %swap3A_151 : vector<16xf32> to vector<16xf32>
    %swap3A_153 = vector.shape_cast %broadcast_in_dim3A_149 : vector<16xf32> to vector<16xf32>
    tpu.vector_store %arg9[%swap3A_150], %swap3A_153 {strides = array<i32>} : memref<512xf32, #tpu.memory_space<vmem>>, vector<16xf32>,
    %broadcast_in_dim3A_154 = arith.constant 0.000000e+00 : f32
    %broadcast_in_dim3A_155 = vector.broadcast %broadcast_in_dim3A_154 : f32 to vector<16xf32>
    %swap3A_156 = arith.constant 416 : index
    %swap3A_157 = tpu.vector_load %arg9[%swap3A_156] {strides = array<i32>} : memref<512xf32, #tpu.memory_space<vmem>>, vector<16xf32>,
    %swap3A_158 = vector.shape_cast %swap3A_157 : vector<16xf32> to vector<16xf32>
    %swap3A_159 = vector.shape_cast %broadcast_in_dim3A_155 : vector<16xf32> to vector<16xf32>
    tpu.vector_store %arg9[%swap3A_156], %swap3A_159 {strides = array<i32>} : memref<512xf32, #tpu.memory_space<vmem>>, vector<16xf32>,
    %broadcast_in_dim3A_160 = arith.constant 0.000000e+00 : f32
    %broadcast_in_dim3A_161 = vector.broadcast %broadcast_in_dim3A_160 : f32 to vector<16xf32>
    %swap3A_162 = arith.constant 432 : index
    %swap3A_163 = tpu.vector_load %arg9[%swap3A_162] {strides = array<i32>} : memref<512xf32, #tpu.memory_space<vmem>>, vector<16xf32>,
    %swap3A_164 = vector.shape_cast %swap3A_163 : vector<16xf32> to vector<16xf32>
    %swap3A_165 = vector.shape_cast %broadcast_in_dim3A_161 : vector<16xf32> to vector<16xf32>
    tpu.vector_store %arg9[%swap3A_162], %swap3A_165 {strides = array<i32>} : memref<512xf32, #tpu.memory_space<vmem>>, vector<16xf32>,
    %broadcast_in_dim3A_166 = arith.constant 0.000000e+00 : f32
    %broadcast_in_dim3A_167 = vector.broadcast %broadcast_in_dim3A_166 : f32 to vector<16xf32>
    %swap3A_168 = arith.constant 448 : index
    %swap3A_169 = tpu.vector_load %arg9[%swap3A_168] {strides = array<i32>} : memref<512xf32, #tpu.memory_space<vmem>>, vector<16xf32>,
    %swap3A_170 = vector.shape_cast %swap3A_169 : vector<16xf32> to vector<16xf32>
    %swap3A_171 = vector.shape_cast %broadcast_in_dim3A_167 : vector<16xf32> to vector<16xf32>
    tpu.vector_store %arg9[%swap3A_168], %swap3A_171 {strides = array<i32>} : memref<512xf32, #tpu.memory_space<vmem>>, vector<16xf32>,
    %broadcast_in_dim3A_172 = arith.constant 0.000000e+00 : f32
    %broadcast_in_dim3A_173 = vector.broadcast %broadcast_in_dim3A_172 : f32 to vector<16xf32>
    %swap3A_174 = arith.constant 464 : index
    %swap3A_175 = tpu.vector_load %arg9[%swap3A_174] {strides = array<i32>} : memref<512xf32, #tpu.memory_space<vmem>>, vector<16xf32>,
    %swap3A_176 = vector.shape_cast %swap3A_175 : vector<16xf32> to vector<16xf32>
    %swap3A_177 = vector.shape_cast %broadcast_in_dim3A_173 : vector<16xf32> to vector<16xf32>
    tpu.vector_store %arg9[%swap3A_174], %swap3A_177 {strides = array<i32>} : memref<512xf32, #tpu.memory_space<vmem>>, vector<16xf32>,
    %broadcast_in_dim3A_178 = arith.constant 0.000000e+00 : f32
    %broadcast_in_dim3A_179 = vector.broadcast %broadcast_in_dim3A_178 : f32 to vector<16xf32>
    %swap3A_180 = arith.constant 480 : index
    %swap3A_181 = tpu.vector_load %arg9[%swap3A_180] {strides = array<i32>} : memref<512xf32, #tpu.memory_space<vmem>>, vector<16xf32>,
    %swap3A_182 = vector.shape_cast %swap3A_181 : vector<16xf32> to vector<16xf32>
    %swap3A_183 = vector.shape_cast %broadcast_in_dim3A_179 : vector<16xf32> to vector<16xf32>
    tpu.vector_store %arg9[%swap3A_180], %swap3A_183 {strides = array<i32>} : memref<512xf32, #tpu.memory_space<vmem>>, vector<16xf32>,
    %broadcast_in_dim3A_184 = arith.constant 0.000000e+00 : f32
    %broadcast_in_dim3A_185 = vector.broadcast %broadcast_in_dim3A_184 : f32 to vector<16xf32>
    %swap3A_186 = arith.constant 496 : index
    %swap3A_187 = tpu.vector_load %arg9[%swap3A_186] {strides = array<i32>} : memref<512xf32, #tpu.memory_space<vmem>>, vector<16xf32>,
    %swap3A_188 = vector.shape_cast %swap3A_187 : vector<16xf32> to vector<16xf32>
    %swap3A_189 = vector.shape_cast %broadcast_in_dim3A_185 : vector<16xf32> to vector<16xf32>
    tpu.vector_store %arg9[%swap3A_186], %swap3A_189 {strides = array<i32>} : memref<512xf32, #tpu.memory_space<vmem>>, vector<16xf32>,
    %mul3A = arith.constant 512 : i32
    %mul3A_190 = arith.muli %arg1, %mul3A : i32
    "tpu.region"() ({
      %run_scoped3A = tpu.sem_alloc : memref<!tpu.dma_semaphore, #tpu.memory_space<semaphore_mem>>
      %dma_start3A = arith.constant 0 : i32
      %dma_start3A_208 = tpu.memref_slice %arg9[%dma_start3A] : memref<512xf32, #tpu.memory_space<vmem>> -> memref<512xf32, #tpu.memory_space<vmem>>
      %dma_start3A_209 = tpu.memref_slice %arg10[%mul3A_190] : memref<8192xf32, #tpu.memory_space<vmem_shared>> -> memref<512xf32, #tpu.memory_space<vmem_shared>>
      %dma_start3A_210 = tpu.memref_slice %arg10[%mul3A_190] : memref<8192xf32, #tpu.memory_space<vmem_shared>> -> memref<512xf32, #tpu.memory_space<vmem_shared>>
      %dma_start3A_211 = arith.constant 0 : i32
      %dma_start3A_212 = tpu.memref_slice %arg9[%dma_start3A_211] : memref<512xf32, #tpu.memory_space<vmem>> -> memref<512xf32, #tpu.memory_space<vmem>>
      tpu.enqueue_dma source(%dma_start3A_212 : memref<512xf32, #tpu.memory_space<vmem>>) target(%dma_start3A_210 : memref<512xf32, #tpu.memory_space<vmem_shared>>) target_semaphore(%run_scoped3A : memref<!tpu.dma_semaphore, #tpu.memory_space<semaphore_mem>>)
      %dma_wait3A = arith.constant 0 : i32
      %dma_wait3A_213 = tpu.memref_slice %arg9[%dma_wait3A] : memref<512xf32, #tpu.memory_space<vmem>> -> memref<512xf32, #tpu.memory_space<vmem>>
      %dma_wait3A_214 = tpu.memref_slice %arg10[%mul3A_190] : memref<8192xf32, #tpu.memory_space<vmem_shared>> -> memref<512xf32, #tpu.memory_space<vmem_shared>>
      %dma_wait3A_215 = tpu.memref_slice %arg10[%mul3A_190] : memref<8192xf32, #tpu.memory_space<vmem_shared>> -> memref<512xf32, #tpu.memory_space<vmem_shared>>
      %dma_wait3A_216 = arith.constant 0 : i32
      %dma_wait3A_217 = tpu.memref_slice %arg9[%dma_wait3A_216] : memref<512xf32, #tpu.memory_space<vmem>> -> memref<512xf32, #tpu.memory_space<vmem>>
      tpu.wait_dma2 semaphore(%run_scoped3A : memref<!tpu.dma_semaphore, #tpu.memory_space<semaphore_mem>>) src(%dma_wait3A_217 : memref<512xf32, #tpu.memory_space<vmem>>) dst(%dma_wait3A_215 : memref<512xf32, #tpu.memory_space<vmem_shared>>)
      tpu.yield
    }) : () -> ()
    %barrier3A = arith.constant 0 : index
    tpu.barrier barrier_id(%barrier3A)
    %mul3A_191 = arith.constant 16 : i32
    %mul3A_192 = arith.muli %arg0, %mul3A_191 : i32
    %add3A = arith.addi %mul3A_192, %arg1 : i32
    %mul3A_193 = arith.constant 10112 : i32
    %mul3A_194 = arith.muli %add3A, %mul3A_193 : i32
    %scan3A = arith.constant 0 : i32
    %scan3A_195 = arith.constant 0 : i32
    %scan3A_196 = arith.constant 79 : i32
    %scan3A_197 = arith.addi %scan3A_195, %scan3A_196 : i32
    %scan3A_198 = arith.constant 1 : i32
    scf.for %scan3A_208 = %scan3A_195 to %scan3A_197 step %scan3A_198  : i32 {
      %mul3A_209 = arith.constant 128 : i32
      %mul3A_210 = arith.muli %scan3A_208, %mul3A_209 : i32
      %add3A_211 = arith.addi %mul3A_194, %mul3A_210 : i32
      "tpu.region"() ({
        %run_scoped3A = tpu.sem_alloc : memref<!tpu.dma_semaphore, #tpu.memory_space<semaphore_mem>>
        %dma_start3A_214 = tpu.memref_slice %arg3[%add3A_211] : memref<323584xi32, #tpu.memory_space<hbm>> -> memref<128xi32, #tpu.memory_space<hbm>>
        %dma_start3A_215 = tpu.memref_slice %arg3[%add3A_211] : memref<323584xi32, #tpu.memory_space<hbm>> -> memref<128xi32, #tpu.memory_space<hbm>>
        tpu.enqueue_dma source(%dma_start3A_215 : memref<128xi32, #tpu.memory_space<hbm>>) target(%arg6 : memref<128xi32, #tpu.memory_space<vmem>>) target_semaphore(%run_scoped3A : memref<!tpu.dma_semaphore, #tpu.memory_space<semaphore_mem>>)
        %dma_wait3A_216 = tpu.memref_slice %arg3[%add3A_211] : memref<323584xi32, #tpu.memory_space<hbm>> -> memref<128xi32, #tpu.memory_space<hbm>>
        %dma_wait3A_217 = tpu.memref_slice %arg3[%add3A_211] : memref<323584xi32, #tpu.memory_space<hbm>> -> memref<128xi32, #tpu.memory_space<hbm>>
        tpu.wait_dma2 semaphore(%run_scoped3A : memref<!tpu.dma_semaphore, #tpu.memory_space<semaphore_mem>>) src(%dma_wait3A_217 : memref<128xi32, #tpu.memory_space<hbm>>) dst(%arg6 : memref<128xi32, #tpu.memory_space<vmem>>)
        tpu.yield
      }) : () -> ()
      "tpu.region"() ({
        %run_scoped3A = tpu.sem_alloc : memref<!tpu.dma_semaphore, #tpu.memory_space<semaphore_mem>>
        %dma_start3A_214 = tpu.memref_slice %arg4[%add3A_211] : memref<323584xi32, #tpu.memory_space<hbm>> -> memref<128xi32, #tpu.memory_space<hbm>>
        %dma_start3A_215 = tpu.memref_slice %arg4[%add3A_211] : memref<323584xi32, #tpu.memory_space<hbm>> -> memref<128xi32, #tpu.memory_space<hbm>>
        tpu.enqueue_dma source(%dma_start3A_215 : memref<128xi32, #tpu.memory_space<hbm>>) target(%arg7 : memref<128xi32, #tpu.memory_space<vmem>>) target_semaphore(%run_scoped3A : memref<!tpu.dma_semaphore, #tpu.memory_space<semaphore_mem>>)
        %dma_wait3A_216 = tpu.memref_slice %arg4[%add3A_211] : memref<323584xi32, #tpu.memory_space<hbm>> -> memref<128xi32, #tpu.memory_space<hbm>>
        %dma_wait3A_217 = tpu.memref_slice %arg4[%add3A_211] : memref<323584xi32, #tpu.memory_space<hbm>> -> memref<128xi32, #tpu.memory_space<hbm>>
        tpu.wait_dma2 semaphore(%run_scoped3A : memref<!tpu.dma_semaphore, #tpu.memory_space<semaphore_mem>>) src(%dma_wait3A_217 : memref<128xi32, #tpu.memory_space<hbm>>) dst(%arg7 : memref<128xi32, #tpu.memory_space<vmem>>)
        tpu.yield
      }) : () -> ()
      %dma_start3A = arith.constant 0 : i32
      %dma_start3A_212 = tpu.memref_slice %arg2[%dma_start3A] : memref<8000xf32, #tpu.memory_space<hbm>> -> memref<8000xf32, #tpu.memory_space<hbm>>
      tpu.enqueue_indirect_dma source(%dma_start3A_212 : memref<8000xf32, #tpu.memory_space<hbm>>) target(%arg8 : memref<128xf32, #tpu.memory_space<vmem>>) offsets(%arg6 : memref<128xi32, #tpu.memory_space<vmem>>) semaphore(%arg11 : memref<!tpu.dma_semaphore, #tpu.memory_space<semaphore_mem>>)
      %dma_wait3A = arith.constant 0 : i32
      %dma_wait3A_213 = tpu.memref_slice %arg2[%dma_wait3A] : memref<8000xf32, #tpu.memory_space<hbm>> -> memref<8000xf32, #tpu.memory_space<hbm>>
      tpu.wait_indirect_dma semaphore(%arg11 : memref<!tpu.dma_semaphore, #tpu.memory_space<semaphore_mem>>) src(%dma_wait3A_213 : memref<8000xf32, #tpu.memory_space<hbm>>) dst(%arg8 : memref<128xf32, #tpu.memory_space<vmem>>)
      "tpu.region"() ({
        %run_scoped3A = tpu.sem_alloc : memref<!tpu.dma_semaphore, #tpu.memory_space<semaphore_mem>>
        %dma_start3A_214 = arith.constant 0 : i32
        %dma_start3A_215 = tpu.memref_slice %arg10[%dma_start3A_214] : memref<8192xf32, #tpu.memory_space<vmem_shared>> -> memref<8192xf32, #tpu.memory_space<vmem_shared>>
        tpu.enqueue_indirect_dma source(%arg8 : memref<128xf32, #tpu.memory_space<vmem>>) target(%dma_start3A_215 : memref<8192xf32, #tpu.memory_space<vmem_shared>>) offsets(%arg7 : memref<128xi32, #tpu.memory_space<vmem>>) semaphore(%run_scoped3A : memref<!tpu.dma_semaphore, #tpu.memory_space<semaphore_mem>>) {add = true}
        %dma_wait3A_216 = arith.constant 0 : i32
        %dma_wait3A_217 = tpu.memref_slice %arg10[%dma_wait3A_216] : memref<8192xf32, #tpu.memory_space<vmem_shared>> -> memref<8192xf32, #tpu.memory_space<vmem_shared>>
        tpu.wait_indirect_dma semaphore(%run_scoped3A : memref<!tpu.dma_semaphore, #tpu.memory_space<semaphore_mem>>) src(%arg8 : memref<128xf32, #tpu.memory_space<vmem>>) dst(%dma_wait3A_217 : memref<8192xf32, #tpu.memory_space<vmem_shared>>)
        tpu.yield
      }) : () -> ()
    }
    %scan3A_199 = arith.constant 79 : i32
    %barrier3A_200 = arith.constant 0 : index
    tpu.barrier barrier_id(%barrier3A_200)
    %mul3A_201 = arith.constant 512 : i32
    %mul3A_202 = arith.muli %arg1, %mul3A_201 : i32
    "tpu.region"() ({
      %run_scoped3A = tpu.sem_alloc : memref<!tpu.dma_semaphore, #tpu.memory_space<semaphore_mem>>
      %dma_start3A = arith.constant 0 : i32
      %dma_start3A_208 = tpu.memref_slice %arg9[%dma_start3A] : memref<512xf32, #tpu.memory_space<vmem>> -> memref<512xf32, #tpu.memory_space<vmem>>
      %dma_start3A_209 = tpu.memref_slice %arg10[%mul3A_202] : memref<8192xf32, #tpu.memory_space<vmem_shared>> -> memref<512xf32, #tpu.memory_space<vmem_shared>>
      %dma_start3A_210 = arith.constant 0 : i32
      %dma_start3A_211 = tpu.memref_slice %arg9[%dma_start3A_210] : memref<512xf32, #tpu.memory_space<vmem>> -> memref<512xf32, #tpu.memory_space<vmem>>
      %dma_start3A_212 = tpu.memref_slice %arg10[%mul3A_202] : memref<8192xf32, #tpu.memory_space<vmem_shared>> -> memref<512xf32, #tpu.memory_space<vmem_shared>>
      tpu.enqueue_dma source(%dma_start3A_212 : memref<512xf32, #tpu.memory_space<vmem_shared>>) target(%dma_start3A_211 : memref<512xf32, #tpu.memory_space<vmem>>) target_semaphore(%run_scoped3A : memref<!tpu.dma_semaphore, #tpu.memory_space<semaphore_mem>>)
      %dma_wait3A = arith.constant 0 : i32
      %dma_wait3A_213 = tpu.memref_slice %arg9[%dma_wait3A] : memref<512xf32, #tpu.memory_space<vmem>> -> memref<512xf32, #tpu.memory_space<vmem>>
      %dma_wait3A_214 = tpu.memref_slice %arg10[%mul3A_202] : memref<8192xf32, #tpu.memory_space<vmem_shared>> -> memref<512xf32, #tpu.memory_space<vmem_shared>>
      %dma_wait3A_215 = arith.constant 0 : i32
      %dma_wait3A_216 = tpu.memref_slice %arg9[%dma_wait3A_215] : memref<512xf32, #tpu.memory_space<vmem>> -> memref<512xf32, #tpu.memory_space<vmem>>
      %dma_wait3A_217 = tpu.memref_slice %arg10[%mul3A_202] : memref<8192xf32, #tpu.memory_space<vmem_shared>> -> memref<512xf32, #tpu.memory_space<vmem_shared>>
      tpu.wait_dma2 semaphore(%run_scoped3A : memref<!tpu.dma_semaphore, #tpu.memory_space<semaphore_mem>>) src(%dma_wait3A_217 : memref<512xf32, #tpu.memory_space<vmem_shared>>) dst(%dma_wait3A_216 : memref<512xf32, #tpu.memory_space<vmem>>)
      tpu.yield
    }) : () -> ()
    %mul3A_203 = arith.constant 8192 : i32
    %mul3A_204 = arith.muli %arg0, %mul3A_203 : i32
    %mul3A_205 = arith.constant 512 : i32
    %mul3A_206 = arith.muli %arg1, %mul3A_205 : i32
    %add3A_207 = arith.addi %mul3A_204, %mul3A_206 : i32
    "tpu.region"() ({
      %run_scoped3A = tpu.sem_alloc : memref<!tpu.dma_semaphore, #tpu.memory_space<semaphore_mem>>
      %dma_start3A = arith.constant 0 : i32
      %dma_start3A_208 = tpu.memref_slice %arg9[%dma_start3A] : memref<512xf32, #tpu.memory_space<vmem>> -> memref<512xf32, #tpu.memory_space<vmem>>
      %dma_start3A_209 = tpu.memref_slice %arg5[%add3A_207] : memref<16384xf32, #tpu.memory_space<hbm>> -> memref<512xf32, #tpu.memory_space<hbm>>
      %dma_start3A_210 = tpu.memref_slice %arg5[%add3A_207] : memref<16384xf32, #tpu.memory_space<hbm>> -> memref<512xf32, #tpu.memory_space<hbm>>
      %dma_start3A_211 = arith.constant 0 : i32
      %dma_start3A_212 = tpu.memref_slice %arg9[%dma_start3A_211] : memref<512xf32, #tpu.memory_space<vmem>> -> memref<512xf32, #tpu.memory_space<vmem>>
      tpu.enqueue_dma source(%dma_start3A_212 : memref<512xf32, #tpu.memory_space<vmem>>) target(%dma_start3A_210 : memref<512xf32, #tpu.memory_space<hbm>>) target_semaphore(%run_scoped3A : memref<!tpu.dma_semaphore, #tpu.memory_space<semaphore_mem>>)
      %dma_wait3A = arith.constant 0 : i32
      %dma_wait3A_213 = tpu.memref_slice %arg9[%dma_wait3A] : memref<512xf32, #tpu.memory_space<vmem>> -> memref<512xf32, #tpu.memory_space<vmem>>
      %dma_wait3A_214 = tpu.memref_slice %arg5[%add3A_207] : memref<16384xf32, #tpu.memory_space<hbm>> -> memref<512xf32, #tpu.memory_space<hbm>>
      %dma_wait3A_215 = tpu.memref_slice %arg5[%add3A_207] : memref<16384xf32, #tpu.memory_space<hbm>> -> memref<512xf32, #tpu.memory_space<hbm>>
      %dma_wait3A_216 = arith.constant 0 : i32
      %dma_wait3A_217 = tpu.memref_slice %arg9[%dma_wait3A_216] : memref<512xf32, #tpu.memory_space<vmem>> -> memref<512xf32, #tpu.memory_space<vmem>>
      tpu.wait_dma2 semaphore(%run_scoped3A : memref<!tpu.dma_semaphore, #tpu.memory_space<semaphore_mem>>) src(%dma_wait3A_217 : memref<512xf32, #tpu.memory_space<vmem>>) dst(%dma_wait3A_215 : memref<512xf32, #tpu.memory_space<hbm>>)
      tpu.yield
    }) : () -> ()
    return
  }
}

#map = affine_map<(d0, d1) -> (0, 0)>
#map1 = affine_map<(d0, d1) -> (0)>
module attributes {stable_mosaic.version = 14 : i64} {
  func.func @k(%arg0: i32, %arg1: i32, %arg2: memref<8192x128xf32, #tpu.memory_space<hbm>>, %arg3: memref<8192xi32, #tpu.memory_space<hbm>>, %arg4: memref<6408x128xf32, #tpu.memory_space<hbm>>, %arg5: memref<128xi32, #tpu.memory_space<vmem>>, %arg6: memref<128x128xf32, #tpu.memory_space<vmem>>, %arg7: memref<!tpu.dma_semaphore, #tpu.memory_space<semaphore_mem>>) attributes {dimension_semantics = [#tpu.dimension_semantics<core_parallel>, #tpu.dimension_semantics<subcore_parallel>], iteration_bounds = array<i64: 2, 16>, scalar_prefetch = 0 : i64, scratch_operands = 3 : i64, tpu.core_type = #tpu.core_type<sc_vector_subcore>, window_params = [{transform_indices = #map}, {transform_indices = #map1}, {transform_indices = #map}]} {
    %mul3A = arith.constant 16 : i32
    %mul3A_0 = arith.muli %arg0, %mul3A : i32
    %add3A = arith.addi %mul3A_0, %arg1 : i32
    %mul3A_1 = arith.constant 256 : i32
    %mul3A_2 = arith.muli %add3A, %mul3A_1 : i32
    %scan3A = arith.constant 0 : i32
    %scan3A_3 = arith.constant 0 : i32
    %scan3A_4 = arith.constant 2 : i32
    %scan3A_5 = arith.addi %scan3A_3, %scan3A_4 : i32
    %scan3A_6 = arith.constant 1 : i32
    scf.for %scan3A_8 = %scan3A_3 to %scan3A_5 step %scan3A_6  : i32 {
      %mul3A_9 = arith.constant 128 : i32
      %mul3A_10 = arith.muli %scan3A_8, %mul3A_9 : i32
      %add3A_11 = arith.addi %mul3A_2, %mul3A_10 : i32
      "tpu.region"() ({
        %run_scoped3A = tpu.sem_alloc : memref<!tpu.dma_semaphore, #tpu.memory_space<semaphore_mem>>
        %dma_start3A_16 = tpu.memref_slice %arg3[%add3A_11] : memref<8192xi32, #tpu.memory_space<hbm>> -> memref<128xi32, #tpu.memory_space<hbm>>
        %dma_start3A_17 = tpu.memref_slice %arg3[%add3A_11] : memref<8192xi32, #tpu.memory_space<hbm>> -> memref<128xi32, #tpu.memory_space<hbm>>
        tpu.enqueue_dma source(%dma_start3A_17 : memref<128xi32, #tpu.memory_space<hbm>>) target(%arg5 : memref<128xi32, #tpu.memory_space<vmem>>) target_semaphore(%run_scoped3A : memref<!tpu.dma_semaphore, #tpu.memory_space<semaphore_mem>>)
        %dma_wait3A_18 = tpu.memref_slice %arg3[%add3A_11] : memref<8192xi32, #tpu.memory_space<hbm>> -> memref<128xi32, #tpu.memory_space<hbm>>
        %dma_wait3A_19 = tpu.memref_slice %arg3[%add3A_11] : memref<8192xi32, #tpu.memory_space<hbm>> -> memref<128xi32, #tpu.memory_space<hbm>>
        tpu.wait_dma2 semaphore(%run_scoped3A : memref<!tpu.dma_semaphore, #tpu.memory_space<semaphore_mem>>) src(%dma_wait3A_19 : memref<128xi32, #tpu.memory_space<hbm>>) dst(%arg5 : memref<128xi32, #tpu.memory_space<vmem>>)
        tpu.yield
      }) : () -> ()
      "tpu.region"() ({
        %run_scoped3A = tpu.sem_alloc : memref<!tpu.dma_semaphore, #tpu.memory_space<semaphore_mem>>
        %dma_start3A_16 = arith.constant 0 : i32
        %dma_start3A_17 = tpu.memref_slice %arg2[%add3A_11, %dma_start3A_16] : memref<8192x128xf32, #tpu.memory_space<hbm>> -> memref<128x128xf32, #tpu.memory_space<hbm>>
        %dma_start3A_18 = arith.constant 0 : i32
        %dma_start3A_19 = tpu.memref_slice %arg2[%add3A_11, %dma_start3A_18] : memref<8192x128xf32, #tpu.memory_space<hbm>> -> memref<128x128xf32, #tpu.memory_space<hbm>>
        tpu.enqueue_dma source(%dma_start3A_19 : memref<128x128xf32, #tpu.memory_space<hbm>>) target(%arg6 : memref<128x128xf32, #tpu.memory_space<vmem>>) target_semaphore(%run_scoped3A : memref<!tpu.dma_semaphore, #tpu.memory_space<semaphore_mem>>)
        %dma_wait3A_20 = arith.constant 0 : i32
        %dma_wait3A_21 = tpu.memref_slice %arg2[%add3A_11, %dma_wait3A_20] : memref<8192x128xf32, #tpu.memory_space<hbm>> -> memref<128x128xf32, #tpu.memory_space<hbm>>
        %dma_wait3A_22 = arith.constant 0 : i32
        %dma_wait3A_23 = tpu.memref_slice %arg2[%add3A_11, %dma_wait3A_22] : memref<8192x128xf32, #tpu.memory_space<hbm>> -> memref<128x128xf32, #tpu.memory_space<hbm>>
        tpu.wait_dma2 semaphore(%run_scoped3A : memref<!tpu.dma_semaphore, #tpu.memory_space<semaphore_mem>>) src(%dma_wait3A_23 : memref<128x128xf32, #tpu.memory_space<hbm>>) dst(%arg6 : memref<128x128xf32, #tpu.memory_space<vmem>>)
        tpu.yield
      }) : () -> ()
      %dma_start3A = arith.constant 0 : i32
      %dma_start3A_12 = arith.constant 0 : i32
      %dma_start3A_13 = tpu.memref_slice %arg4[%dma_start3A, %dma_start3A_12] : memref<6408x128xf32, #tpu.memory_space<hbm>> -> memref<6408x128xf32, #tpu.memory_space<hbm>>
      tpu.enqueue_indirect_dma source(%arg6 : memref<128x128xf32, #tpu.memory_space<vmem>>) target(%dma_start3A_13 : memref<6408x128xf32, #tpu.memory_space<hbm>>) offsets(%arg5 : memref<128xi32, #tpu.memory_space<vmem>>) semaphore(%arg7 : memref<!tpu.dma_semaphore, #tpu.memory_space<semaphore_mem>>)
      %dma_wait3A = arith.constant 0 : i32
      %dma_wait3A_14 = arith.constant 0 : i32
      %dma_wait3A_15 = tpu.memref_slice %arg4[%dma_wait3A, %dma_wait3A_14] : memref<6408x128xf32, #tpu.memory_space<hbm>> -> memref<6408x128xf32, #tpu.memory_space<hbm>>
      tpu.wait_indirect_dma semaphore(%arg7 : memref<!tpu.dma_semaphore, #tpu.memory_space<semaphore_mem>>) src(%arg6 : memref<128x128xf32, #tpu.memory_space<vmem>>) dst(%dma_wait3A_15 : memref<6408x128xf32, #tpu.memory_space<hbm>>)
    }
    %scan3A_7 = arith.constant 2 : i32
    return
  }
}

module attributes {stable_mosaic.version = 14 : i64} {
  func.func @body(%arg0: i32, %arg1: memref<2x10000x128xf32, #tpu.memory_space<vmem>>, %arg2: memref<10000x128xf32, #tpu.memory_space<vmem>>, %arg3: memref<10000x1xf32, #tpu.memory_space<vmem>>, %arg4: memref<1x128xf32, #tpu.memory_space<vmem>>, %arg5: memref<1x128xf32, #tpu.memory_space<vmem>>, %arg6: memref<1x128xf32, #tpu.memory_space<vmem>>, %arg7: memref<1x1xf32, #tpu.memory_space<vmem>>, %arg8: memref<128x1xf32, #tpu.memory_space<vmem>>, %arg9: memref<10000x128xf32, #tpu.memory_space<vmem>>, %arg10: memref<10000x1xf32, #tpu.memory_space<vmem>>) attributes {dimension_semantics = [#tpu.dimension_semantics<arbitrary>], iteration_bounds = array<i64: 1>, scalar_prefetch = 0 : i64, scratch_operands = 0 : i64, tpu.core_type = #tpu.core_type<tc>, window_params = [{transform_indices = @transform_0, window_bounds = array<i64: 2, 10000, 128>}, {pipeline_mode = #tpu.pipeline_mode<synchronous>, transform_indices = @transform_1, window_bounds = array<i64: 10000, 128>}, {pipeline_mode = #tpu.pipeline_mode<synchronous>, transform_indices = @transform_2, window_bounds = array<i64: 10000, 1>}, {pipeline_mode = #tpu.pipeline_mode<synchronous>, transform_indices = @transform_3, window_bounds = array<i64: 1, 128>}, {pipeline_mode = #tpu.pipeline_mode<synchronous>, transform_indices = @transform_4, window_bounds = array<i64: 1, 128>}, {pipeline_mode = #tpu.pipeline_mode<synchronous>, transform_indices = @transform_5, window_bounds = array<i64: 1, 128>}, {pipeline_mode = #tpu.pipeline_mode<synchronous>, transform_indices = @transform_6, window_bounds = array<i64: 1, 1>}, {pipeline_mode = #tpu.pipeline_mode<synchronous>, transform_indices = @transform_7, window_bounds = array<i64: 128, 1>}, {pipeline_mode = #tpu.pipeline_mode<synchronous>, transform_indices = @transform_8, window_bounds = array<i64: 10000, 128>}, {pipeline_mode = #tpu.pipeline_mode<synchronous>, transform_indices = @transform_9, window_bounds = array<i64: 10000, 1>}]} {
    %get3A = arith.constant 0 : index
    %get3A_0 = arith.constant 0 : index
    %get3A_1 = arith.constant 0 : index
    %get3A_2 = vector.load %arg1[%get3A, %get3A_0, %get3A_1] : memref<2x10000x128xf32, #tpu.memory_space<vmem>>, vector<1x10000x128xf32>
    %get3A_3 = vector.shape_cast %get3A_2 : vector<1x10000x128xf32> to vector<10000x128xf32>
    %get3A_4 = arith.constant 1 : index
    %get3A_5 = arith.constant 0 : index
    %get3A_6 = arith.constant 0 : index
    %get3A_7 = vector.load %arg1[%get3A_4, %get3A_5, %get3A_6] : memref<2x10000x128xf32, #tpu.memory_space<vmem>>, vector<1x10000x128xf32>
    %get3A_8 = vector.shape_cast %get3A_7 : vector<1x10000x128xf32> to vector<10000x128xf32>
    %add3A = arith.addf %get3A_3, %get3A_8 : vector<10000x128xf32>
    %get3A_9 = arith.constant 0 : index
    %get3A_10 = arith.constant 0 : index
    %get3A_11 = vector.load %arg2[%get3A_9, %get3A_10] : memref<10000x128xf32, #tpu.memory_space<vmem>>, vector<10000x128xf32>
    %add3A_12 = arith.addf %add3A, %get3A_11 : vector<10000x128xf32>
    %get3A_13 = arith.constant 0 : index
    %get3A_14 = arith.constant 0 : index
    %get3A_15 = vector.load %arg3[%get3A_13, %get3A_14] : memref<10000x1xf32, #tpu.memory_space<vmem>>, vector<10000x1xf32>
    %mul3A = vector.broadcast %get3A_15 : vector<10000x1xf32> to vector<10000x128xf32>
    %mul3A_16 = arith.mulf %add3A_12, %mul3A : vector<10000x128xf32>
    %get3A_17 = arith.constant 0 : index
    %get3A_18 = arith.constant 0 : index
    %get3A_19 = vector.load %arg4[%get3A_17, %get3A_18] : memref<1x128xf32, #tpu.memory_space<vmem>>, vector<1x128xf32>
    %add3A_20 = vector.broadcast %get3A_19 : vector<1x128xf32> to vector<10000x128xf32>
    %add3A_21 = arith.addf %mul3A_16, %add3A_20 : vector<10000x128xf32>
    %reduce_sum3A = arith.constant dense<0.000000e+00> : vector<128xf32>
    %reduce_sum3A_22 = vector.multi_reduction <add>, %add3A_21, %reduce_sum3A [0] : vector<10000x128xf32> to vector<128xf32>
    %broadcast_in_dim3A = vector.shape_cast %reduce_sum3A_22 : vector<128xf32> to vector<1x128xf32>
    %div3A = arith.constant 1.000000e+04 : f32
    %div3A_23 = vector.broadcast %div3A : f32 to vector<1x128xf32>
    %div3A_24 = arith.divf %broadcast_in_dim3A, %div3A_23 : vector<1x128xf32>
    %sub3A = vector.broadcast %div3A_24 : vector<1x128xf32> to vector<10000x128xf32>
    %sub3A_25 = arith.subf %add3A_21, %sub3A : vector<10000x128xf32>
    %mul3A_26 = arith.mulf %sub3A_25, %sub3A_25 : vector<10000x128xf32>
    %reduce_sum3A_27 = arith.constant dense<0.000000e+00> : vector<128xf32>
    %reduce_sum3A_28 = vector.multi_reduction <add>, %mul3A_26, %reduce_sum3A_27 [0] : vector<10000x128xf32> to vector<128xf32>
    %broadcast_in_dim3A_29 = vector.shape_cast %reduce_sum3A_28 : vector<128xf32> to vector<1x128xf32>
    %div3A_30 = arith.constant 1.000000e+04 : f32
    %div3A_31 = vector.broadcast %div3A_30 : f32 to vector<1x128xf32>
    %div3A_32 = arith.divf %broadcast_in_dim3A_29, %div3A_31 : vector<1x128xf32>
    %get3A_33 = arith.constant 0 : index
    %get3A_34 = arith.constant 0 : index
    %get3A_35 = vector.load %arg5[%get3A_33, %get3A_34] : memref<1x128xf32, #tpu.memory_space<vmem>>, vector<1x128xf32>
    %mul3A_36 = vector.broadcast %get3A_35 : vector<1x128xf32> to vector<10000x128xf32>
    %mul3A_37 = arith.mulf %mul3A_36, %sub3A_25 : vector<10000x128xf32>
    %add3A_38 = arith.constant 9.99999974E-6 : f32
    %add3A_39 = vector.broadcast %add3A_38 : f32 to vector<1x128xf32>
    %add3A_40 = arith.addf %div3A_32, %add3A_39 : vector<1x128xf32>
    %rsqrt3A = math.rsqrt %add3A_40 : vector<1x128xf32>
    %mul3A_41 = vector.broadcast %rsqrt3A : vector<1x128xf32> to vector<10000x128xf32>
    %mul3A_42 = arith.mulf %mul3A_37, %mul3A_41 : vector<10000x128xf32>
    %get3A_43 = arith.constant 0 : index
    %get3A_44 = arith.constant 0 : index
    %get3A_45 = vector.load %arg6[%get3A_43, %get3A_44] : memref<1x128xf32, #tpu.memory_space<vmem>>, vector<1x128xf32>
    %add3A_46 = vector.broadcast %get3A_45 : vector<1x128xf32> to vector<10000x128xf32>
    %add3A_47 = arith.addf %mul3A_42, %add3A_46 : vector<10000x128xf32>
    %ge3A = arith.constant 0.000000e+00 : f32
    %ge3A_48 = vector.broadcast %ge3A : f32 to vector<10000x128xf32>
    %ge3A_49 = arith.cmpf oge, %add3A_47, %ge3A_48 : vector<10000x128xf32>
    %get3A_50 = arith.constant 0 : index
    %get3A_51 = arith.constant 0 : index
    %get3A_52 = vector.load %arg7[%get3A_50, %get3A_51] : memref<1x1xf32, #tpu.memory_space<vmem>>, vector<1x1xf32>
    %mul3A_53 = vector.broadcast %get3A_52 : vector<1x1xf32> to vector<10000x128xf32>
    %mul3A_54 = arith.mulf %mul3A_53, %add3A_47 : vector<10000x128xf32>
    %select_n3A = arith.select %ge3A_49, %add3A_47, %mul3A_54 : vector<10000x128xi1>, vector<10000x128xf32>
    %swap3A = arith.constant 0 : index
    %swap3A_55 = arith.constant 0 : index
    %swap3A_56 = vector.load %arg9[%swap3A, %swap3A_55] : memref<10000x128xf32, #tpu.memory_space<vmem>>, vector<10000x128xf32>
    tpu.vector_store %arg9[%swap3A, %swap3A_55], %select_n3A {strides = array<i32>} : memref<10000x128xf32, #tpu.memory_space<vmem>>, vector<10000x128xf32>,
    %get3A_57 = arith.constant 0 : index
    %get3A_58 = arith.constant 0 : index
    %get3A_59 = vector.load %arg8[%get3A_57, %get3A_58] : memref<128x1xf32, #tpu.memory_space<vmem>>, vector<128x1xf32>
    %dot_general3A = arith.constant dense<0.000000e+00> : vector<10000x1xf32>
    %dot_general3A_60 = tpu.matmul %select_n3A, %get3A_59, %dot_general3A {dimension_numbers = #tpu.dot_dimension_numbers<[1], [0], [0], [1], [0, 0, 1, 1], [], []>, transpose_lhs_hint = false} : vector<10000x128xf32>, vector<128x1xf32>, vector<10000x1xf32> -> vector<10000x1xf32>
    %get3A_61 = arith.constant 0 : index
    %get3A_62 = arith.constant 0 : index
    %get3A_63 = vector.load %arg3[%get3A_61, %get3A_62] : memref<10000x1xf32, #tpu.memory_space<vmem>>, vector<10000x1xf32>
    %mul3A_64 = arith.mulf %dot_general3A_60, %get3A_63 : vector<10000x1xf32>
    %swap3A_65 = arith.constant 0 : index
    %swap3A_66 = arith.constant 0 : index
    %swap3A_67 = vector.load %arg10[%swap3A_65, %swap3A_66] : memref<10000x1xf32, #tpu.memory_space<vmem>>, vector<10000x1xf32>
    tpu.vector_store %arg10[%swap3A_65, %swap3A_66], %mul3A_64 {strides = array<i32>} : memref<10000x1xf32, #tpu.memory_space<vmem>>, vector<10000x1xf32>,
    return
  }
  func.func @transform_0(%arg0: i32) -> (i32, i32, i32) {
    %c0_i32 = arith.constant 0 : i32
    %c0_i32_0 = arith.constant 0 : i32
    %c0_i32_1 = arith.constant 0 : i32
    %c0_i32_2 = arith.constant 0 : i32
    return %c0_i32, %c0_i32_0, %c0_i32_1 : i32, i32, i32
  }
  func.func @transform_1(%arg0: i32) -> (i32, i32) {
    %c0_i32 = arith.constant 0 : i32
    %c0_i32_0 = arith.constant 0 : i32
    %c0_i32_1 = arith.constant 0 : i32
    return %c0_i32, %c0_i32_0 : i32, i32
  }
  func.func @transform_2(%arg0: i32) -> (i32, i32) {
    %c0_i32 = arith.constant 0 : i32
    %c0_i32_0 = arith.constant 0 : i32
    %c0_i32_1 = arith.constant 0 : i32
    return %c0_i32, %c0_i32_0 : i32, i32
  }
  func.func @transform_3(%arg0: i32) -> (i32, i32) {
    %c0_i32 = arith.constant 0 : i32
    %c0_i32_0 = arith.constant 0 : i32
    %c0_i32_1 = arith.constant 0 : i32
    return %c0_i32, %c0_i32_0 : i32, i32
  }
  func.func @transform_4(%arg0: i32) -> (i32, i32) {
    %c0_i32 = arith.constant 0 : i32
    %c0_i32_0 = arith.constant 0 : i32
    %c0_i32_1 = arith.constant 0 : i32
    return %c0_i32, %c0_i32_0 : i32, i32
  }
  func.func @transform_5(%arg0: i32) -> (i32, i32) {
    %c0_i32 = arith.constant 0 : i32
    %c0_i32_0 = arith.constant 0 : i32
    %c0_i32_1 = arith.constant 0 : i32
    return %c0_i32, %c0_i32_0 : i32, i32
  }
  func.func @transform_6(%arg0: i32) -> (i32, i32) {
    %c0_i32 = arith.constant 0 : i32
    %c0_i32_0 = arith.constant 0 : i32
    %c0_i32_1 = arith.constant 0 : i32
    return %c0_i32, %c0_i32_0 : i32, i32
  }
  func.func @transform_7(%arg0: i32) -> (i32, i32) {
    %c0_i32 = arith.constant 0 : i32
    %c0_i32_0 = arith.constant 0 : i32
    %c0_i32_1 = arith.constant 0 : i32
    return %c0_i32, %c0_i32_0 : i32, i32
  }
  func.func @transform_8(%arg0: i32) -> (i32, i32) {
    %c0_i32 = arith.constant 0 : i32
    %c0_i32_0 = arith.constant 0 : i32
    %c0_i32_1 = arith.constant 0 : i32
    return %c0_i32, %c0_i32_0 : i32, i32
  }
  func.func @transform_9(%arg0: i32) -> (i32, i32) {
    %c0_i32 = arith.constant 0 : i32
    %c0_i32_0 = arith.constant 0 : i32
    %c0_i32_1 = arith.constant 0 : i32
    return %c0_i32, %c0_i32_0 : i32, i32
  }
}

module attributes {stable_mosaic.version = 14 : i64} {
  func.func @body(%arg0: i32, %arg1: memref<10000x128xf32, #tpu.memory_space<vmem>>, %arg2: memref<128x128xf32, #tpu.memory_space<vmem>>, %arg3: memref<10000x2xf32, #tpu.memory_space<vmem>>, %arg4: memref<10000x128xf32, #tpu.memory_space<vmem>>, %arg5: memref<10000x1xf32, #tpu.memory_space<vmem>>) attributes {dimension_semantics = [#tpu.dimension_semantics<arbitrary>], iteration_bounds = array<i64: 1>, scalar_prefetch = 0 : i64, scratch_operands = 0 : i64, tpu.core_type = #tpu.core_type<tc>, window_params = [{pipeline_mode = #tpu.pipeline_mode<synchronous>, transform_indices = @transform_0, window_bounds = array<i64: 10000, 128>}, {pipeline_mode = #tpu.pipeline_mode<synchronous>, transform_indices = @transform_1, window_bounds = array<i64: 128, 128>}, {transform_indices = @transform_2, window_bounds = array<i64: 10000, 2>}, {pipeline_mode = #tpu.pipeline_mode<synchronous>, transform_indices = @transform_3, window_bounds = array<i64: 10000, 128>}, {pipeline_mode = #tpu.pipeline_mode<synchronous>, transform_indices = @transform_4, window_bounds = array<i64: 10000, 1>}]} {
    %get3A = arith.constant 0 : index
    %get3A_0 = arith.constant 0 : index
    %get3A_1 = vector.load %arg3[%get3A, %get3A_0] : memref<10000x2xf32, #tpu.memory_space<vmem>>, vector<10000x2xf32>
    %slice3A = vector.extract_strided_slice %get3A_1 {offsets = [0, 0], sizes = [10000, 1], strides = [1, 1]} : vector<10000x2xf32> to vector<10000x1xf32>
    %slice3A_2 = vector.extract_strided_slice %get3A_1 {offsets = [0, 1], sizes = [10000, 1], strides = [1, 1]} : vector<10000x2xf32> to vector<10000x1xf32>
    %add3A = arith.addf %slice3A, %slice3A_2 : vector<10000x1xf32>
    %add3A_3 = arith.constant 1.000000e+00 : f32
    %add3A_4 = vector.broadcast %add3A_3 : f32 to vector<10000x1xf32>
    %add3A_5 = arith.addf %add3A, %add3A_4 : vector<10000x1xf32>
    %rsqrt3A = math.rsqrt %add3A_5 : vector<10000x1xf32>
    %get3A_6 = arith.constant 0 : index
    %get3A_7 = arith.constant 0 : index
    %get3A_8 = vector.load %arg1[%get3A_6, %get3A_7] : memref<10000x128xf32, #tpu.memory_space<vmem>>, vector<10000x128xf32>
    %get3A_9 = arith.constant 0 : index
    %get3A_10 = arith.constant 0 : index
    %get3A_11 = vector.load %arg2[%get3A_9, %get3A_10] : memref<128x128xf32, #tpu.memory_space<vmem>>, vector<128x128xf32>
    %dot_general3A = arith.constant dense<0.000000e+00> : vector<10000x128xf32>
    %dot_general3A_12 = tpu.matmul %get3A_8, %get3A_11, %dot_general3A {dimension_numbers = #tpu.dot_dimension_numbers<[1], [0], [0], [1], [0, 0, 1, 1], [], []>, precision = #tpu.contract_precision<fp32>, transpose_lhs_hint = false} : vector<10000x128xf32>, vector<128x128xf32>, vector<10000x128xf32> -> vector<10000x128xf32>
    %mul3A = vector.broadcast %rsqrt3A : vector<10000x1xf32> to vector<10000x128xf32>
    %mul3A_13 = arith.mulf %dot_general3A_12, %mul3A : vector<10000x128xf32>
    %swap3A = arith.constant 0 : index
    %swap3A_14 = arith.constant 0 : index
    %swap3A_15 = vector.load %arg4[%swap3A, %swap3A_14] : memref<10000x128xf32, #tpu.memory_space<vmem>>, vector<10000x128xf32>
    tpu.vector_store %arg4[%swap3A, %swap3A_14], %mul3A_13 {strides = array<i32>} : memref<10000x128xf32, #tpu.memory_space<vmem>>, vector<10000x128xf32>,
    %swap3A_16 = arith.constant 0 : index
    %swap3A_17 = arith.constant 0 : index
    %swap3A_18 = vector.load %arg5[%swap3A_16, %swap3A_17] : memref<10000x1xf32, #tpu.memory_space<vmem>>, vector<10000x1xf32>
    tpu.vector_store %arg5[%swap3A_16, %swap3A_17], %rsqrt3A {strides = array<i32>} : memref<10000x1xf32, #tpu.memory_space<vmem>>, vector<10000x1xf32>,
    return
  }
  func.func @transform_0(%arg0: i32) -> (i32, i32) {
    %c0_i32 = arith.constant 0 : i32
    %c0_i32_0 = arith.constant 0 : i32
    %c0_i32_1 = arith.constant 0 : i32
    return %c0_i32, %c0_i32_0 : i32, i32
  }
  func.func @transform_1(%arg0: i32) -> (i32, i32) {
    %c0_i32 = arith.constant 0 : i32
    %c0_i32_0 = arith.constant 0 : i32
    %c0_i32_1 = arith.constant 0 : i32
    return %c0_i32, %c0_i32_0 : i32, i32
  }
  func.func @transform_2(%arg0: i32) -> (i32, i32) {
    %c0_i32 = arith.constant 0 : i32
    %c0_i32_0 = arith.constant 0 : i32
    %c0_i32_1 = arith.constant 0 : i32
    return %c0_i32, %c0_i32_0 : i32, i32
  }
  func.func @transform_3(%arg0: i32) -> (i32, i32) {
    %c0_i32 = arith.constant 0 : i32
    %c0_i32_0 = arith.constant 0 : i32
    %c0_i32_1 = arith.constant 0 : i32
    return %c0_i32, %c0_i32_0 : i32, i32
  }
  func.func @transform_4(%arg0: i32) -> (i32, i32) {
    %c0_i32 = arith.constant 0 : i32
    %c0_i32_0 = arith.constant 0 : i32
    %c0_i32_1 = arith.constant 0 : i32
    return %c0_i32, %c0_i32_0 : i32, i32
  }
}

module attributes {stable_mosaic.version = 14 : i64} {
  func.func @body(%arg0: i32, %arg1: memref<256x2xf32, #tpu.memory_space<vmem>>, %arg2: memref<256x1xf32, #tpu.memory_space<vmem>>, %arg3: memref<256x1xf32, #tpu.memory_space<vmem>>, %arg4: memref<2x10112xf32, #tpu.memory_space<vmem>>, %arg5: memref<1x10000xf32, #tpu.memory_space<vmem>>, %arg6: memref<1x10000xf32, #tpu.memory_space<vmem>>, %arg7: memref<1x1xf32, #tpu.memory_space<vmem>>, %arg8: memref<256x128xf32, #tpu.memory_space<vmem>>, %arg9: memref<256x128xf32, #tpu.memory_space<vmem>>, %arg10: memref<256x1xi32, #tpu.memory_space<vmem>>, %arg11: memref<256x1xi32, #tpu.memory_space<vmem>>) attributes {dimension_semantics = [#tpu.dimension_semantics<arbitrary>], iteration_bounds = array<i64: 40>, scalar_prefetch = 0 : i64, scratch_operands = 0 : i64, tpu.core_type = #tpu.core_type<tc>, window_params = [{transform_indices = @transform_0, window_bounds = array<i64: 256, 2>}, {transform_indices = @transform_1, window_bounds = array<i64: 256, 1>}, {transform_indices = @transform_2, window_bounds = array<i64: 256, 1>}, {pipeline_mode = #tpu.pipeline_mode<synchronous>, transform_indices = @transform_3, window_bounds = array<i64: 2, 10112>}, {pipeline_mode = #tpu.pipeline_mode<synchronous>, transform_indices = @transform_4, window_bounds = array<i64: 1, 10000>}, {pipeline_mode = #tpu.pipeline_mode<synchronous>, transform_indices = @transform_5, window_bounds = array<i64: 1, 10000>}, {pipeline_mode = #tpu.pipeline_mode<synchronous>, transform_indices = @transform_6, window_bounds = array<i64: 1, 1>}, {transform_indices = @transform_7, window_bounds = array<i64: 256, 128>}, {transform_indices = @transform_8, window_bounds = array<i64: 256, 128>}, {transform_indices = @transform_9, window_bounds = array<i64: 256, 1>}, {transform_indices = @transform_10, window_bounds = array<i64: 256, 1>}]} {
    %get3A = arith.constant 0 : index
    %get3A_0 = arith.constant 0 : index
    %get3A_1 = vector.load %arg1[%get3A, %get3A_0] : memref<256x2xf32, #tpu.memory_space<vmem>>, vector<256x1xf32>
    %get3A_2 = arith.constant 0 : index
    %get3A_3 = arith.constant 1 : index
    %get3A_4 = vector.load %arg1[%get3A_2, %get3A_3] : memref<256x2xf32, #tpu.memory_space<vmem>>, vector<256x1xf32>
    %add3A = arith.addf %get3A_1, %get3A_4 : vector<256x1xf32>
    %get3A_5 = arith.constant 0 : index
    %get3A_6 = arith.constant 0 : index
    %get3A_7 = vector.load %arg2[%get3A_5, %get3A_6] : memref<256x1xf32, #tpu.memory_space<vmem>>, vector<256x1xf32>
    %add3A_8 = arith.addf %add3A, %get3A_7 : vector<256x1xf32>
    %get3A_9 = arith.constant 0 : index
    %get3A_10 = arith.constant 0 : index
    %get3A_11 = vector.load %arg3[%get3A_9, %get3A_10] : memref<256x1xf32, #tpu.memory_space<vmem>>, vector<256x1xf32>
    %mul3A = arith.mulf %add3A_8, %get3A_11 : vector<256x1xf32>
    %get3A_12 = arith.constant 0 : index
    %get3A_13 = arith.constant 0 : index
    %get3A_14 = vector.load %arg7[%get3A_12, %get3A_13] : memref<1x1xf32, #tpu.memory_space<vmem>>, vector<1x1xf32>
    %add3A_15 = vector.broadcast %get3A_14 : vector<1x1xf32> to vector<256x1xf32>
    %add3A_16 = arith.addf %mul3A, %add3A_15 : vector<256x1xf32>
    %get3A_17 = arith.constant 0 : index
    %get3A_18 = arith.constant 0 : index
    %get3A_19 = vector.load %arg4[%get3A_17, %get3A_18] : memref<2x10112xf32, #tpu.memory_space<vmem>>, vector<1x10000xf32>
    %get3A_20 = arith.constant 1 : index
    %get3A_21 = arith.constant 0 : index
    %get3A_22 = vector.load %arg4[%get3A_20, %get3A_21] : memref<2x10112xf32, #tpu.memory_space<vmem>>, vector<1x10000xf32>
    %add3A_23 = arith.addf %get3A_19, %get3A_22 : vector<1x10000xf32>
    %get3A_24 = arith.constant 0 : index
    %get3A_25 = arith.constant 0 : index
    %get3A_26 = vector.load %arg5[%get3A_24, %get3A_25] : memref<1x10000xf32, #tpu.memory_space<vmem>>, vector<1x10000xf32>
    %add3A_27 = arith.addf %add3A_23, %get3A_26 : vector<1x10000xf32>
    %get3A_28 = arith.constant 0 : index
    %get3A_29 = arith.constant 0 : index
    %get3A_30 = vector.load %arg6[%get3A_28, %get3A_29] : memref<1x10000xf32, #tpu.memory_space<vmem>>, vector<1x10000xf32>
    %mul3A_31 = arith.mulf %add3A_27, %get3A_30 : vector<1x10000xf32>
    %get3A_32 = arith.constant 0 : index
    %get3A_33 = arith.constant 0 : index
    %get3A_34 = vector.load %arg7[%get3A_32, %get3A_33] : memref<1x1xf32, #tpu.memory_space<vmem>>, vector<1x1xf32>
    %add3A_35 = vector.broadcast %get3A_34 : vector<1x1xf32> to vector<1x10000xf32>
    %add3A_36 = arith.addf %mul3A_31, %add3A_35 : vector<1x10000xf32>
    %gt3A = vector.broadcast %add3A_36 : vector<1x10000xf32> to vector<256x10000xf32>
    %gt3A_37 = vector.broadcast %add3A_16 : vector<256x1xf32> to vector<256x10000xf32>
    %gt3A_38 = arith.cmpf ogt, %gt3A, %gt3A_37 : vector<256x10000xf32>
    %eq3A = vector.broadcast %add3A_36 : vector<1x10000xf32> to vector<256x10000xf32>
    %eq3A_39 = vector.broadcast %add3A_16 : vector<256x1xf32> to vector<256x10000xf32>
    %eq3A_40 = arith.cmpf oeq, %eq3A, %eq3A_39 : vector<256x10000xf32>
    %iota3A = tpu.iota {dimensions = array<i32: 1>} : vector<1x10000xi32>
    %mul3A_41 = arith.constant 256 : i32
    %mul3A_42 = arith.muli %arg0, %mul3A_41 : i32
    %iota3A_43 = tpu.iota {dimensions = array<i32: 0>} : vector<256x1xi32>
    %add3A_44 = vector.broadcast %mul3A_42 : i32 to vector<256x1xi32>
    %add3A_45 = arith.addi %add3A_44, %iota3A_43 : vector<256x1xi32>
    %lt3A = vector.broadcast %iota3A : vector<1x10000xi32> to vector<256x10000xi32>
    %lt3A_46 = vector.broadcast %add3A_45 : vector<256x1xi32> to vector<256x10000xi32>
    %lt3A_47 = arith.cmpi slt, %lt3A, %lt3A_46 : vector<256x10000xi32>
    %and3A = arith.andi %eq3A_40, %lt3A_47 : vector<256x10000xi1>
    %or3A = arith.ori %gt3A_38, %and3A : vector<256x10000xi1>
    %convert_element_type3A = arith.extui %or3A : vector<256x10000xi1> to vector<256x10000xi32>
    %reduce_sum3A = arith.constant dense<0> : vector<256xi32>
    %reduce_sum3A_48 = vector.multi_reduction <add>, %convert_element_type3A, %reduce_sum3A [1] : vector<256x10000xi32> to vector<256xi32>
    %broadcast_in_dim3A = vector.shape_cast %reduce_sum3A_48 : vector<256xi32> to vector<256x1xi32>
    %lt3A_49 = arith.constant 8000 : i32
    %lt3A_50 = vector.broadcast %lt3A_49 : i32 to vector<256x1xi32>
    %lt3A_51 = arith.cmpi slt, %broadcast_in_dim3A, %lt3A_50 : vector<256x1xi32>
    %jit3A = arith.constant -1 : i32
    %broadcast_in_dim3A_52 = vector.broadcast %jit3A : i32 to vector<256x1xi32>
    %select_n3A = arith.select %lt3A_51, %broadcast_in_dim3A, %broadcast_in_dim3A_52 : vector<256x1xi1>, vector<256x1xi32>
    %swap3A = arith.constant 0 : index
    %swap3A_53 = arith.constant 0 : index
    %swap3A_54 = vector.load %arg10[%swap3A, %swap3A_53] : memref<256x1xi32, #tpu.memory_space<vmem>>, vector<256x1xi32>
    tpu.vector_store %arg10[%swap3A, %swap3A_53], %select_n3A {strides = array<i32>} : memref<256x1xi32, #tpu.memory_space<vmem>>, vector<256x1xi32>,
    %jit3A_55 = arith.constant 8000 : i32
    %broadcast_in_dim3A_56 = vector.broadcast %jit3A_55 : i32 to vector<256x1xi32>
    %select_n3A_57 = arith.select %lt3A_51, %broadcast_in_dim3A, %broadcast_in_dim3A_56 : vector<256x1xi1>, vector<256x1xi32>
    %swap3A_58 = arith.constant 0 : index
    %swap3A_59 = arith.constant 0 : index
    %swap3A_60 = vector.load %arg11[%swap3A_58, %swap3A_59] : memref<256x1xi32, #tpu.memory_space<vmem>>, vector<256x1xi32>
    tpu.vector_store %arg11[%swap3A_58, %swap3A_59], %select_n3A_57 {strides = array<i32>} : memref<256x1xi32, #tpu.memory_space<vmem>>, vector<256x1xi32>,
    %tanh3A = math.tanh %add3A_16 : vector<256x1xf32>
    %jit3A_61 = arith.constant 0.000000e+00 : f32
    %broadcast_in_dim3A_62 = vector.broadcast %jit3A_61 : f32 to vector<256x1xf32>
    %select_n3A_63 = arith.select %lt3A_51, %tanh3A, %broadcast_in_dim3A_62 : vector<256x1xi1>, vector<256x1xf32>
    %get3A_64 = arith.constant 0 : index
    %get3A_65 = arith.constant 0 : index
    %get3A_66 = vector.load %arg8[%get3A_64, %get3A_65] : memref<256x128xf32, #tpu.memory_space<vmem>>, vector<256x128xf32>
    %mul3A_67 = vector.broadcast %select_n3A_63 : vector<256x1xf32> to vector<256x128xf32>
    %mul3A_68 = arith.mulf %get3A_66, %mul3A_67 : vector<256x128xf32>
    %swap3A_69 = arith.constant 0 : index
    %swap3A_70 = arith.constant 0 : index
    %swap3A_71 = vector.load %arg9[%swap3A_69, %swap3A_70] : memref<256x128xf32, #tpu.memory_space<vmem>>, vector<256x128xf32>
    tpu.vector_store %arg9[%swap3A_69, %swap3A_70], %mul3A_68 {strides = array<i32>} : memref<256x128xf32, #tpu.memory_space<vmem>>, vector<256x128xf32>,
    return
  }
  func.func @transform_0(%arg0: i32) -> (i32, i32) {
    %c0_i32 = arith.constant 0 : i32
    %c0_i32_0 = arith.constant 0 : i32
    return %arg0, %c0_i32 : i32, i32
  }
  func.func @transform_1(%arg0: i32) -> (i32, i32) {
    %c0_i32 = arith.constant 0 : i32
    %c0_i32_0 = arith.constant 0 : i32
    return %arg0, %c0_i32 : i32, i32
  }
  func.func @transform_2(%arg0: i32) -> (i32, i32) {
    %c0_i32 = arith.constant 0 : i32
    %c0_i32_0 = arith.constant 0 : i32
    return %arg0, %c0_i32 : i32, i32
  }
  func.func @transform_3(%arg0: i32) -> (i32, i32) {
    %c0_i32 = arith.constant 0 : i32
    %c0_i32_0 = arith.constant 0 : i32
    %c0_i32_1 = arith.constant 0 : i32
    return %c0_i32, %c0_i32_0 : i32, i32
  }
  func.func @transform_4(%arg0: i32) -> (i32, i32) {
    %c0_i32 = arith.constant 0 : i32
    %c0_i32_0 = arith.constant 0 : i32
    %c0_i32_1 = arith.constant 0 : i32
    return %c0_i32, %c0_i32_0 : i32, i32
  }
  func.func @transform_5(%arg0: i32) -> (i32, i32) {
    %c0_i32 = arith.constant 0 : i32
    %c0_i32_0 = arith.constant 0 : i32
    %c0_i32_1 = arith.constant 0 : i32
    return %c0_i32, %c0_i32_0 : i32, i32
  }
  func.func @transform_6(%arg0: i32) -> (i32, i32) {
    %c0_i32 = arith.constant 0 : i32
    %c0_i32_0 = arith.constant 0 : i32
    %c0_i32_1 = arith.constant 0 : i32
    return %c0_i32, %c0_i32_0 : i32, i32
  }
  func.func @transform_7(%arg0: i32) -> (i32, i32) {
    %c0_i32 = arith.constant 0 : i32
    %c0_i32_0 = arith.constant 0 : i32
    return %arg0, %c0_i32 : i32, i32
  }
  func.func @transform_8(%arg0: i32) -> (i32, i32) {
    %c0_i32 = arith.constant 0 : i32
    %c0_i32_0 = arith.constant 0 : i32
    return %arg0, %c0_i32 : i32, i32
  }
  func.func @transform_9(%arg0: i32) -> (i32, i32) {
    %c0_i32 = arith.constant 0 : i32
    %c0_i32_0 = arith.constant 0 : i32
    return %arg0, %c0_i32 : i32, i32
  }
  func.func @transform_10(%arg0: i32) -> (i32, i32) {
    %c0_i32 = arith.constant 0 : i32
    %c0_i32_0 = arith.constant 0 : i32
    return %arg0, %c0_i32 : i32, i32
  }
}

module attributes {stable_mosaic.version = 14 : i64} {
  func.func @body(%arg0: i32, %arg1: memref<8000x128xf32, #tpu.memory_space<vmem>>, %arg2: memref<128x128xf32, #tpu.memory_space<vmem>>, %arg3: memref<8000x2xf32, #tpu.memory_space<vmem>>, %arg4: memref<8000x128xf32, #tpu.memory_space<vmem>>, %arg5: memref<8000x1xf32, #tpu.memory_space<vmem>>) attributes {dimension_semantics = [#tpu.dimension_semantics<arbitrary>], iteration_bounds = array<i64: 1>, scalar_prefetch = 0 : i64, scratch_operands = 0 : i64, tpu.core_type = #tpu.core_type<tc>, window_params = [{pipeline_mode = #tpu.pipeline_mode<synchronous>, transform_indices = @transform_0, window_bounds = array<i64: 8000, 128>}, {pipeline_mode = #tpu.pipeline_mode<synchronous>, transform_indices = @transform_1, window_bounds = array<i64: 128, 128>}, {transform_indices = @transform_2, window_bounds = array<i64: 8000, 2>}, {pipeline_mode = #tpu.pipeline_mode<synchronous>, transform_indices = @transform_3, window_bounds = array<i64: 8000, 128>}, {pipeline_mode = #tpu.pipeline_mode<synchronous>, transform_indices = @transform_4, window_bounds = array<i64: 8000, 1>}]} {
    %get3A = arith.constant 0 : index
    %get3A_0 = arith.constant 0 : index
    %get3A_1 = vector.load %arg3[%get3A, %get3A_0] : memref<8000x2xf32, #tpu.memory_space<vmem>>, vector<8000x2xf32>
    %slice3A = vector.extract_strided_slice %get3A_1 {offsets = [0, 0], sizes = [8000, 1], strides = [1, 1]} : vector<8000x2xf32> to vector<8000x1xf32>
    %slice3A_2 = vector.extract_strided_slice %get3A_1 {offsets = [0, 1], sizes = [8000, 1], strides = [1, 1]} : vector<8000x2xf32> to vector<8000x1xf32>
    %add3A = arith.addf %slice3A, %slice3A_2 : vector<8000x1xf32>
    %add3A_3 = arith.constant 1.000000e+00 : f32
    %add3A_4 = vector.broadcast %add3A_3 : f32 to vector<8000x1xf32>
    %add3A_5 = arith.addf %add3A, %add3A_4 : vector<8000x1xf32>
    %rsqrt3A = math.rsqrt %add3A_5 : vector<8000x1xf32>
    %get3A_6 = arith.constant 0 : index
    %get3A_7 = arith.constant 0 : index
    %get3A_8 = vector.load %arg1[%get3A_6, %get3A_7] : memref<8000x128xf32, #tpu.memory_space<vmem>>, vector<8000x128xf32>
    %get3A_9 = arith.constant 0 : index
    %get3A_10 = arith.constant 0 : index
    %get3A_11 = vector.load %arg2[%get3A_9, %get3A_10] : memref<128x128xf32, #tpu.memory_space<vmem>>, vector<128x128xf32>
    %dot_general3A = arith.constant dense<0.000000e+00> : vector<8000x128xf32>
    %dot_general3A_12 = tpu.matmul %get3A_8, %get3A_11, %dot_general3A {dimension_numbers = #tpu.dot_dimension_numbers<[1], [0], [0], [1], [0, 0, 1, 1], [], []>, precision = #tpu.contract_precision<fp32>, transpose_lhs_hint = false} : vector<8000x128xf32>, vector<128x128xf32>, vector<8000x128xf32> -> vector<8000x128xf32>
    %mul3A = vector.broadcast %rsqrt3A : vector<8000x1xf32> to vector<8000x128xf32>
    %mul3A_13 = arith.mulf %dot_general3A_12, %mul3A : vector<8000x128xf32>
    %swap3A = arith.constant 0 : index
    %swap3A_14 = arith.constant 0 : index
    %swap3A_15 = vector.load %arg4[%swap3A, %swap3A_14] : memref<8000x128xf32, #tpu.memory_space<vmem>>, vector<8000x128xf32>
    tpu.vector_store %arg4[%swap3A, %swap3A_14], %mul3A_13 {strides = array<i32>} : memref<8000x128xf32, #tpu.memory_space<vmem>>, vector<8000x128xf32>,
    %swap3A_16 = arith.constant 0 : index
    %swap3A_17 = arith.constant 0 : index
    %swap3A_18 = vector.load %arg5[%swap3A_16, %swap3A_17] : memref<8000x1xf32, #tpu.memory_space<vmem>>, vector<8000x1xf32>
    tpu.vector_store %arg5[%swap3A_16, %swap3A_17], %rsqrt3A {strides = array<i32>} : memref<8000x1xf32, #tpu.memory_space<vmem>>, vector<8000x1xf32>,
    return
  }
  func.func @transform_0(%arg0: i32) -> (i32, i32) {
    %c0_i32 = arith.constant 0 : i32
    %c0_i32_0 = arith.constant 0 : i32
    %c0_i32_1 = arith.constant 0 : i32
    return %c0_i32, %c0_i32_0 : i32, i32
  }
  func.func @transform_1(%arg0: i32) -> (i32, i32) {
    %c0_i32 = arith.constant 0 : i32
    %c0_i32_0 = arith.constant 0 : i32
    %c0_i32_1 = arith.constant 0 : i32
    return %c0_i32, %c0_i32_0 : i32, i32
  }
  func.func @transform_2(%arg0: i32) -> (i32, i32) {
    %c0_i32 = arith.constant 0 : i32
    %c0_i32_0 = arith.constant 0 : i32
    %c0_i32_1 = arith.constant 0 : i32
    return %c0_i32, %c0_i32_0 : i32, i32
  }
  func.func @transform_3(%arg0: i32) -> (i32, i32) {
    %c0_i32 = arith.constant 0 : i32
    %c0_i32_0 = arith.constant 0 : i32
    %c0_i32_1 = arith.constant 0 : i32
    return %c0_i32, %c0_i32_0 : i32, i32
  }
  func.func @transform_4(%arg0: i32) -> (i32, i32) {
    %c0_i32 = arith.constant 0 : i32
    %c0_i32_0 = arith.constant 0 : i32
    %c0_i32_1 = arith.constant 0 : i32
    return %c0_i32, %c0_i32_0 : i32, i32
  }
}

module attributes {stable_mosaic.version = 14 : i64} {
  func.func @body(%arg0: i32, %arg1: memref<2x8000x128xf32, #tpu.memory_space<vmem>>, %arg2: memref<8000x128xf32, #tpu.memory_space<vmem>>, %arg3: memref<8000x1xf32, #tpu.memory_space<vmem>>, %arg4: memref<1x128xf32, #tpu.memory_space<vmem>>, %arg5: memref<1x128xf32, #tpu.memory_space<vmem>>, %arg6: memref<1x128xf32, #tpu.memory_space<vmem>>, %arg7: memref<1x1xf32, #tpu.memory_space<vmem>>, %arg8: memref<128x1xf32, #tpu.memory_space<vmem>>, %arg9: memref<8000x128xf32, #tpu.memory_space<vmem>>, %arg10: memref<8000x1xf32, #tpu.memory_space<vmem>>) attributes {dimension_semantics = [#tpu.dimension_semantics<arbitrary>], iteration_bounds = array<i64: 1>, scalar_prefetch = 0 : i64, scratch_operands = 0 : i64, tpu.core_type = #tpu.core_type<tc>, window_params = [{transform_indices = @transform_0, window_bounds = array<i64: 2, 8000, 128>}, {pipeline_mode = #tpu.pipeline_mode<synchronous>, transform_indices = @transform_1, window_bounds = array<i64: 8000, 128>}, {pipeline_mode = #tpu.pipeline_mode<synchronous>, transform_indices = @transform_2, window_bounds = array<i64: 8000, 1>}, {pipeline_mode = #tpu.pipeline_mode<synchronous>, transform_indices = @transform_3, window_bounds = array<i64: 1, 128>}, {pipeline_mode = #tpu.pipeline_mode<synchronous>, transform_indices = @transform_4, window_bounds = array<i64: 1, 128>}, {pipeline_mode = #tpu.pipeline_mode<synchronous>, transform_indices = @transform_5, window_bounds = array<i64: 1, 128>}, {pipeline_mode = #tpu.pipeline_mode<synchronous>, transform_indices = @transform_6, window_bounds = array<i64: 1, 1>}, {pipeline_mode = #tpu.pipeline_mode<synchronous>, transform_indices = @transform_7, window_bounds = array<i64: 128, 1>}, {pipeline_mode = #tpu.pipeline_mode<synchronous>, transform_indices = @transform_8, window_bounds = array<i64: 8000, 128>}, {pipeline_mode = #tpu.pipeline_mode<synchronous>, transform_indices = @transform_9, window_bounds = array<i64: 8000, 1>}]} {
    %get3A = arith.constant 0 : index
    %get3A_0 = arith.constant 0 : index
    %get3A_1 = arith.constant 0 : index
    %get3A_2 = vector.load %arg1[%get3A, %get3A_0, %get3A_1] : memref<2x8000x128xf32, #tpu.memory_space<vmem>>, vector<1x8000x128xf32>
    %get3A_3 = vector.shape_cast %get3A_2 : vector<1x8000x128xf32> to vector<8000x128xf32>
    %get3A_4 = arith.constant 1 : index
    %get3A_5 = arith.constant 0 : index
    %get3A_6 = arith.constant 0 : index
    %get3A_7 = vector.load %arg1[%get3A_4, %get3A_5, %get3A_6] : memref<2x8000x128xf32, #tpu.memory_space<vmem>>, vector<1x8000x128xf32>
    %get3A_8 = vector.shape_cast %get3A_7 : vector<1x8000x128xf32> to vector<8000x128xf32>
    %add3A = arith.addf %get3A_3, %get3A_8 : vector<8000x128xf32>
    %get3A_9 = arith.constant 0 : index
    %get3A_10 = arith.constant 0 : index
    %get3A_11 = vector.load %arg2[%get3A_9, %get3A_10] : memref<8000x128xf32, #tpu.memory_space<vmem>>, vector<8000x128xf32>
    %add3A_12 = arith.addf %add3A, %get3A_11 : vector<8000x128xf32>
    %get3A_13 = arith.constant 0 : index
    %get3A_14 = arith.constant 0 : index
    %get3A_15 = vector.load %arg3[%get3A_13, %get3A_14] : memref<8000x1xf32, #tpu.memory_space<vmem>>, vector<8000x1xf32>
    %mul3A = vector.broadcast %get3A_15 : vector<8000x1xf32> to vector<8000x128xf32>
    %mul3A_16 = arith.mulf %add3A_12, %mul3A : vector<8000x128xf32>
    %get3A_17 = arith.constant 0 : index
    %get3A_18 = arith.constant 0 : index
    %get3A_19 = vector.load %arg4[%get3A_17, %get3A_18] : memref<1x128xf32, #tpu.memory_space<vmem>>, vector<1x128xf32>
    %add3A_20 = vector.broadcast %get3A_19 : vector<1x128xf32> to vector<8000x128xf32>
    %add3A_21 = arith.addf %mul3A_16, %add3A_20 : vector<8000x128xf32>
    %reduce_sum3A = arith.constant dense<0.000000e+00> : vector<128xf32>
    %reduce_sum3A_22 = vector.multi_reduction <add>, %add3A_21, %reduce_sum3A [0] : vector<8000x128xf32> to vector<128xf32>
    %broadcast_in_dim3A = vector.shape_cast %reduce_sum3A_22 : vector<128xf32> to vector<1x128xf32>
    %div3A = arith.constant 8.000000e+03 : f32
    %div3A_23 = vector.broadcast %div3A : f32 to vector<1x128xf32>
    %div3A_24 = arith.divf %broadcast_in_dim3A, %div3A_23 : vector<1x128xf32>
    %sub3A = vector.broadcast %div3A_24 : vector<1x128xf32> to vector<8000x128xf32>
    %sub3A_25 = arith.subf %add3A_21, %sub3A : vector<8000x128xf32>
    %mul3A_26 = arith.mulf %sub3A_25, %sub3A_25 : vector<8000x128xf32>
    %reduce_sum3A_27 = arith.constant dense<0.000000e+00> : vector<128xf32>
    %reduce_sum3A_28 = vector.multi_reduction <add>, %mul3A_26, %reduce_sum3A_27 [0] : vector<8000x128xf32> to vector<128xf32>
    %broadcast_in_dim3A_29 = vector.shape_cast %reduce_sum3A_28 : vector<128xf32> to vector<1x128xf32>
    %div3A_30 = arith.constant 8.000000e+03 : f32
    %div3A_31 = vector.broadcast %div3A_30 : f32 to vector<1x128xf32>
    %div3A_32 = arith.divf %broadcast_in_dim3A_29, %div3A_31 : vector<1x128xf32>
    %get3A_33 = arith.constant 0 : index
    %get3A_34 = arith.constant 0 : index
    %get3A_35 = vector.load %arg5[%get3A_33, %get3A_34] : memref<1x128xf32, #tpu.memory_space<vmem>>, vector<1x128xf32>
    %mul3A_36 = vector.broadcast %get3A_35 : vector<1x128xf32> to vector<8000x128xf32>
    %mul3A_37 = arith.mulf %mul3A_36, %sub3A_25 : vector<8000x128xf32>
    %add3A_38 = arith.constant 9.99999974E-6 : f32
    %add3A_39 = vector.broadcast %add3A_38 : f32 to vector<1x128xf32>
    %add3A_40 = arith.addf %div3A_32, %add3A_39 : vector<1x128xf32>
    %rsqrt3A = math.rsqrt %add3A_40 : vector<1x128xf32>
    %mul3A_41 = vector.broadcast %rsqrt3A : vector<1x128xf32> to vector<8000x128xf32>
    %mul3A_42 = arith.mulf %mul3A_37, %mul3A_41 : vector<8000x128xf32>
    %get3A_43 = arith.constant 0 : index
    %get3A_44 = arith.constant 0 : index
    %get3A_45 = vector.load %arg6[%get3A_43, %get3A_44] : memref<1x128xf32, #tpu.memory_space<vmem>>, vector<1x128xf32>
    %add3A_46 = vector.broadcast %get3A_45 : vector<1x128xf32> to vector<8000x128xf32>
    %add3A_47 = arith.addf %mul3A_42, %add3A_46 : vector<8000x128xf32>
    %ge3A = arith.constant 0.000000e+00 : f32
    %ge3A_48 = vector.broadcast %ge3A : f32 to vector<8000x128xf32>
    %ge3A_49 = arith.cmpf oge, %add3A_47, %ge3A_48 : vector<8000x128xf32>
    %get3A_50 = arith.constant 0 : index
    %get3A_51 = arith.constant 0 : index
    %get3A_52 = vector.load %arg7[%get3A_50, %get3A_51] : memref<1x1xf32, #tpu.memory_space<vmem>>, vector<1x1xf32>
    %mul3A_53 = vector.broadcast %get3A_52 : vector<1x1xf32> to vector<8000x128xf32>
    %mul3A_54 = arith.mulf %mul3A_53, %add3A_47 : vector<8000x128xf32>
    %select_n3A = arith.select %ge3A_49, %add3A_47, %mul3A_54 : vector<8000x128xi1>, vector<8000x128xf32>
    %swap3A = arith.constant 0 : index
    %swap3A_55 = arith.constant 0 : index
    %swap3A_56 = vector.load %arg9[%swap3A, %swap3A_55] : memref<8000x128xf32, #tpu.memory_space<vmem>>, vector<8000x128xf32>
    tpu.vector_store %arg9[%swap3A, %swap3A_55], %select_n3A {strides = array<i32>} : memref<8000x128xf32, #tpu.memory_space<vmem>>, vector<8000x128xf32>,
    %get3A_57 = arith.constant 0 : index
    %get3A_58 = arith.constant 0 : index
    %get3A_59 = vector.load %arg8[%get3A_57, %get3A_58] : memref<128x1xf32, #tpu.memory_space<vmem>>, vector<128x1xf32>
    %dot_general3A = arith.constant dense<0.000000e+00> : vector<8000x1xf32>
    %dot_general3A_60 = tpu.matmul %select_n3A, %get3A_59, %dot_general3A {dimension_numbers = #tpu.dot_dimension_numbers<[1], [0], [0], [1], [0, 0, 1, 1], [], []>, transpose_lhs_hint = false} : vector<8000x128xf32>, vector<128x1xf32>, vector<8000x1xf32> -> vector<8000x1xf32>
    %get3A_61 = arith.constant 0 : index
    %get3A_62 = arith.constant 0 : index
    %get3A_63 = vector.load %arg3[%get3A_61, %get3A_62] : memref<8000x1xf32, #tpu.memory_space<vmem>>, vector<8000x1xf32>
    %mul3A_64 = arith.mulf %dot_general3A_60, %get3A_63 : vector<8000x1xf32>
    %swap3A_65 = arith.constant 0 : index
    %swap3A_66 = arith.constant 0 : index
    %swap3A_67 = vector.load %arg10[%swap3A_65, %swap3A_66] : memref<8000x1xf32, #tpu.memory_space<vmem>>, vector<8000x1xf32>
    tpu.vector_store %arg10[%swap3A_65, %swap3A_66], %mul3A_64 {strides = array<i32>} : memref<8000x1xf32, #tpu.memory_space<vmem>>, vector<8000x1xf32>,
    return
  }
  func.func @transform_0(%arg0: i32) -> (i32, i32, i32) {
    %c0_i32 = arith.constant 0 : i32
    %c0_i32_0 = arith.constant 0 : i32
    %c0_i32_1 = arith.constant 0 : i32
    %c0_i32_2 = arith.constant 0 : i32
    return %c0_i32, %c0_i32_0, %c0_i32_1 : i32, i32, i32
  }
  func.func @transform_1(%arg0: i32) -> (i32, i32) {
    %c0_i32 = arith.constant 0 : i32
    %c0_i32_0 = arith.constant 0 : i32
    %c0_i32_1 = arith.constant 0 : i32
    return %c0_i32, %c0_i32_0 : i32, i32
  }
  func.func @transform_2(%arg0: i32) -> (i32, i32) {
    %c0_i32 = arith.constant 0 : i32
    %c0_i32_0 = arith.constant 0 : i32
    %c0_i32_1 = arith.constant 0 : i32
    return %c0_i32, %c0_i32_0 : i32, i32
  }
  func.func @transform_3(%arg0: i32) -> (i32, i32) {
    %c0_i32 = arith.constant 0 : i32
    %c0_i32_0 = arith.constant 0 : i32
    %c0_i32_1 = arith.constant 0 : i32
    return %c0_i32, %c0_i32_0 : i32, i32
  }
  func.func @transform_4(%arg0: i32) -> (i32, i32) {
    %c0_i32 = arith.constant 0 : i32
    %c0_i32_0 = arith.constant 0 : i32
    %c0_i32_1 = arith.constant 0 : i32
    return %c0_i32, %c0_i32_0 : i32, i32
  }
  func.func @transform_5(%arg0: i32) -> (i32, i32) {
    %c0_i32 = arith.constant 0 : i32
    %c0_i32_0 = arith.constant 0 : i32
    %c0_i32_1 = arith.constant 0 : i32
    return %c0_i32, %c0_i32_0 : i32, i32
  }
  func.func @transform_6(%arg0: i32) -> (i32, i32) {
    %c0_i32 = arith.constant 0 : i32
    %c0_i32_0 = arith.constant 0 : i32
    %c0_i32_1 = arith.constant 0 : i32
    return %c0_i32, %c0_i32_0 : i32, i32
  }
  func.func @transform_7(%arg0: i32) -> (i32, i32) {
    %c0_i32 = arith.constant 0 : i32
    %c0_i32_0 = arith.constant 0 : i32
    %c0_i32_1 = arith.constant 0 : i32
    return %c0_i32, %c0_i32_0 : i32, i32
  }
  func.func @transform_8(%arg0: i32) -> (i32, i32) {
    %c0_i32 = arith.constant 0 : i32
    %c0_i32_0 = arith.constant 0 : i32
    %c0_i32_1 = arith.constant 0 : i32
    return %c0_i32, %c0_i32_0 : i32, i32
  }
  func.func @transform_9(%arg0: i32) -> (i32, i32) {
    %c0_i32 = arith.constant 0 : i32
    %c0_i32_0 = arith.constant 0 : i32
    %c0_i32_1 = arith.constant 0 : i32
    return %c0_i32, %c0_i32_0 : i32, i32
  }
}

module attributes {stable_mosaic.version = 14 : i64} {
  func.func @body(%arg0: i32, %arg1: memref<256x2xf32, #tpu.memory_space<vmem>>, %arg2: memref<256x1xf32, #tpu.memory_space<vmem>>, %arg3: memref<256x1xf32, #tpu.memory_space<vmem>>, %arg4: memref<2x8192xf32, #tpu.memory_space<vmem>>, %arg5: memref<1x8000xf32, #tpu.memory_space<vmem>>, %arg6: memref<1x8000xf32, #tpu.memory_space<vmem>>, %arg7: memref<1x1xf32, #tpu.memory_space<vmem>>, %arg8: memref<256x128xf32, #tpu.memory_space<vmem>>, %arg9: memref<256x128xf32, #tpu.memory_space<vmem>>, %arg10: memref<256x1xi32, #tpu.memory_space<vmem>>, %arg11: memref<256x1xi32, #tpu.memory_space<vmem>>) attributes {dimension_semantics = [#tpu.dimension_semantics<arbitrary>], iteration_bounds = array<i64: 32>, scalar_prefetch = 0 : i64, scratch_operands = 0 : i64, tpu.core_type = #tpu.core_type<tc>, window_params = [{transform_indices = @transform_0, window_bounds = array<i64: 256, 2>}, {transform_indices = @transform_1, window_bounds = array<i64: 256, 1>}, {transform_indices = @transform_2, window_bounds = array<i64: 256, 1>}, {pipeline_mode = #tpu.pipeline_mode<synchronous>, transform_indices = @transform_3, window_bounds = array<i64: 2, 8192>}, {pipeline_mode = #tpu.pipeline_mode<synchronous>, transform_indices = @transform_4, window_bounds = array<i64: 1, 8000>}, {pipeline_mode = #tpu.pipeline_mode<synchronous>, transform_indices = @transform_5, window_bounds = array<i64: 1, 8000>}, {pipeline_mode = #tpu.pipeline_mode<synchronous>, transform_indices = @transform_6, window_bounds = array<i64: 1, 1>}, {transform_indices = @transform_7, window_bounds = array<i64: 256, 128>}, {transform_indices = @transform_8, window_bounds = array<i64: 256, 128>}, {transform_indices = @transform_9, window_bounds = array<i64: 256, 1>}, {transform_indices = @transform_10, window_bounds = array<i64: 256, 1>}]} {
    %get3A = arith.constant 0 : index
    %get3A_0 = arith.constant 0 : index
    %get3A_1 = vector.load %arg1[%get3A, %get3A_0] : memref<256x2xf32, #tpu.memory_space<vmem>>, vector<256x1xf32>
    %get3A_2 = arith.constant 0 : index
    %get3A_3 = arith.constant 1 : index
    %get3A_4 = vector.load %arg1[%get3A_2, %get3A_3] : memref<256x2xf32, #tpu.memory_space<vmem>>, vector<256x1xf32>
    %add3A = arith.addf %get3A_1, %get3A_4 : vector<256x1xf32>
    %get3A_5 = arith.constant 0 : index
    %get3A_6 = arith.constant 0 : index
    %get3A_7 = vector.load %arg2[%get3A_5, %get3A_6] : memref<256x1xf32, #tpu.memory_space<vmem>>, vector<256x1xf32>
    %add3A_8 = arith.addf %add3A, %get3A_7 : vector<256x1xf32>
    %get3A_9 = arith.constant 0 : index
    %get3A_10 = arith.constant 0 : index
    %get3A_11 = vector.load %arg3[%get3A_9, %get3A_10] : memref<256x1xf32, #tpu.memory_space<vmem>>, vector<256x1xf32>
    %mul3A = arith.mulf %add3A_8, %get3A_11 : vector<256x1xf32>
    %get3A_12 = arith.constant 0 : index
    %get3A_13 = arith.constant 0 : index
    %get3A_14 = vector.load %arg7[%get3A_12, %get3A_13] : memref<1x1xf32, #tpu.memory_space<vmem>>, vector<1x1xf32>
    %add3A_15 = vector.broadcast %get3A_14 : vector<1x1xf32> to vector<256x1xf32>
    %add3A_16 = arith.addf %mul3A, %add3A_15 : vector<256x1xf32>
    %get3A_17 = arith.constant 0 : index
    %get3A_18 = arith.constant 0 : index
    %get3A_19 = vector.load %arg4[%get3A_17, %get3A_18] : memref<2x8192xf32, #tpu.memory_space<vmem>>, vector<1x8000xf32>
    %get3A_20 = arith.constant 1 : index
    %get3A_21 = arith.constant 0 : index
    %get3A_22 = vector.load %arg4[%get3A_20, %get3A_21] : memref<2x8192xf32, #tpu.memory_space<vmem>>, vector<1x8000xf32>
    %add3A_23 = arith.addf %get3A_19, %get3A_22 : vector<1x8000xf32>
    %get3A_24 = arith.constant 0 : index
    %get3A_25 = arith.constant 0 : index
    %get3A_26 = vector.load %arg5[%get3A_24, %get3A_25] : memref<1x8000xf32, #tpu.memory_space<vmem>>, vector<1x8000xf32>
    %add3A_27 = arith.addf %add3A_23, %get3A_26 : vector<1x8000xf32>
    %get3A_28 = arith.constant 0 : index
    %get3A_29 = arith.constant 0 : index
    %get3A_30 = vector.load %arg6[%get3A_28, %get3A_29] : memref<1x8000xf32, #tpu.memory_space<vmem>>, vector<1x8000xf32>
    %mul3A_31 = arith.mulf %add3A_27, %get3A_30 : vector<1x8000xf32>
    %get3A_32 = arith.constant 0 : index
    %get3A_33 = arith.constant 0 : index
    %get3A_34 = vector.load %arg7[%get3A_32, %get3A_33] : memref<1x1xf32, #tpu.memory_space<vmem>>, vector<1x1xf32>
    %add3A_35 = vector.broadcast %get3A_34 : vector<1x1xf32> to vector<1x8000xf32>
    %add3A_36 = arith.addf %mul3A_31, %add3A_35 : vector<1x8000xf32>
    %gt3A = vector.broadcast %add3A_36 : vector<1x8000xf32> to vector<256x8000xf32>
    %gt3A_37 = vector.broadcast %add3A_16 : vector<256x1xf32> to vector<256x8000xf32>
    %gt3A_38 = arith.cmpf ogt, %gt3A, %gt3A_37 : vector<256x8000xf32>
    %eq3A = vector.broadcast %add3A_36 : vector<1x8000xf32> to vector<256x8000xf32>
    %eq3A_39 = vector.broadcast %add3A_16 : vector<256x1xf32> to vector<256x8000xf32>
    %eq3A_40 = arith.cmpf oeq, %eq3A, %eq3A_39 : vector<256x8000xf32>
    %iota3A = tpu.iota {dimensions = array<i32: 1>} : vector<1x8000xi32>
    %mul3A_41 = arith.constant 256 : i32
    %mul3A_42 = arith.muli %arg0, %mul3A_41 : i32
    %iota3A_43 = tpu.iota {dimensions = array<i32: 0>} : vector<256x1xi32>
    %add3A_44 = vector.broadcast %mul3A_42 : i32 to vector<256x1xi32>
    %add3A_45 = arith.addi %add3A_44, %iota3A_43 : vector<256x1xi32>
    %lt3A = vector.broadcast %iota3A : vector<1x8000xi32> to vector<256x8000xi32>
    %lt3A_46 = vector.broadcast %add3A_45 : vector<256x1xi32> to vector<256x8000xi32>
    %lt3A_47 = arith.cmpi slt, %lt3A, %lt3A_46 : vector<256x8000xi32>
    %and3A = arith.andi %eq3A_40, %lt3A_47 : vector<256x8000xi1>
    %or3A = arith.ori %gt3A_38, %and3A : vector<256x8000xi1>
    %convert_element_type3A = arith.extui %or3A : vector<256x8000xi1> to vector<256x8000xi32>
    %reduce_sum3A = arith.constant dense<0> : vector<256xi32>
    %reduce_sum3A_48 = vector.multi_reduction <add>, %convert_element_type3A, %reduce_sum3A [1] : vector<256x8000xi32> to vector<256xi32>
    %broadcast_in_dim3A = vector.shape_cast %reduce_sum3A_48 : vector<256xi32> to vector<256x1xi32>
    %lt3A_49 = arith.constant 6400 : i32
    %lt3A_50 = vector.broadcast %lt3A_49 : i32 to vector<256x1xi32>
    %lt3A_51 = arith.cmpi slt, %broadcast_in_dim3A, %lt3A_50 : vector<256x1xi32>
    %jit3A = arith.constant -1 : i32
    %broadcast_in_dim3A_52 = vector.broadcast %jit3A : i32 to vector<256x1xi32>
    %select_n3A = arith.select %lt3A_51, %broadcast_in_dim3A, %broadcast_in_dim3A_52 : vector<256x1xi1>, vector<256x1xi32>
    %swap3A = arith.constant 0 : index
    %swap3A_53 = arith.constant 0 : index
    %swap3A_54 = vector.load %arg10[%swap3A, %swap3A_53] : memref<256x1xi32, #tpu.memory_space<vmem>>, vector<256x1xi32>
    tpu.vector_store %arg10[%swap3A, %swap3A_53], %select_n3A {strides = array<i32>} : memref<256x1xi32, #tpu.memory_space<vmem>>, vector<256x1xi32>,
    %jit3A_55 = arith.constant 6400 : i32
    %broadcast_in_dim3A_56 = vector.broadcast %jit3A_55 : i32 to vector<256x1xi32>
    %select_n3A_57 = arith.select %lt3A_51, %broadcast_in_dim3A, %broadcast_in_dim3A_56 : vector<256x1xi1>, vector<256x1xi32>
    %swap3A_58 = arith.constant 0 : index
    %swap3A_59 = arith.constant 0 : index
    %swap3A_60 = vector.load %arg11[%swap3A_58, %swap3A_59] : memref<256x1xi32, #tpu.memory_space<vmem>>, vector<256x1xi32>
    tpu.vector_store %arg11[%swap3A_58, %swap3A_59], %select_n3A_57 {strides = array<i32>} : memref<256x1xi32, #tpu.memory_space<vmem>>, vector<256x1xi32>,
    %tanh3A = math.tanh %add3A_16 : vector<256x1xf32>
    %jit3A_61 = arith.constant 0.000000e+00 : f32
    %broadcast_in_dim3A_62 = vector.broadcast %jit3A_61 : f32 to vector<256x1xf32>
    %select_n3A_63 = arith.select %lt3A_51, %tanh3A, %broadcast_in_dim3A_62 : vector<256x1xi1>, vector<256x1xf32>
    %get3A_64 = arith.constant 0 : index
    %get3A_65 = arith.constant 0 : index
    %get3A_66 = vector.load %arg8[%get3A_64, %get3A_65] : memref<256x128xf32, #tpu.memory_space<vmem>>, vector<256x128xf32>
    %mul3A_67 = vector.broadcast %select_n3A_63 : vector<256x1xf32> to vector<256x128xf32>
    %mul3A_68 = arith.mulf %get3A_66, %mul3A_67 : vector<256x128xf32>
    %swap3A_69 = arith.constant 0 : index
    %swap3A_70 = arith.constant 0 : index
    %swap3A_71 = vector.load %arg9[%swap3A_69, %swap3A_70] : memref<256x128xf32, #tpu.memory_space<vmem>>, vector<256x128xf32>
    tpu.vector_store %arg9[%swap3A_69, %swap3A_70], %mul3A_68 {strides = array<i32>} : memref<256x128xf32, #tpu.memory_space<vmem>>, vector<256x128xf32>,
    return
  }
  func.func @transform_0(%arg0: i32) -> (i32, i32) {
    %c0_i32 = arith.constant 0 : i32
    %c0_i32_0 = arith.constant 0 : i32
    return %arg0, %c0_i32 : i32, i32
  }
  func.func @transform_1(%arg0: i32) -> (i32, i32) {
    %c0_i32 = arith.constant 0 : i32
    %c0_i32_0 = arith.constant 0 : i32
    return %arg0, %c0_i32 : i32, i32
  }
  func.func @transform_2(%arg0: i32) -> (i32, i32) {
    %c0_i32 = arith.constant 0 : i32
    %c0_i32_0 = arith.constant 0 : i32
    return %arg0, %c0_i32 : i32, i32
  }
  func.func @transform_3(%arg0: i32) -> (i32, i32) {
    %c0_i32 = arith.constant 0 : i32
    %c0_i32_0 = arith.constant 0 : i32
    %c0_i32_1 = arith.constant 0 : i32
    return %c0_i32, %c0_i32_0 : i32, i32
  }
  func.func @transform_4(%arg0: i32) -> (i32, i32) {
    %c0_i32 = arith.constant 0 : i32
    %c0_i32_0 = arith.constant 0 : i32
    %c0_i32_1 = arith.constant 0 : i32
    return %c0_i32, %c0_i32_0 : i32, i32
  }
  func.func @transform_5(%arg0: i32) -> (i32, i32) {
    %c0_i32 = arith.constant 0 : i32
    %c0_i32_0 = arith.constant 0 : i32
    %c0_i32_1 = arith.constant 0 : i32
    return %c0_i32, %c0_i32_0 : i32, i32
  }
  func.func @transform_6(%arg0: i32) -> (i32, i32) {
    %c0_i32 = arith.constant 0 : i32
    %c0_i32_0 = arith.constant 0 : i32
    %c0_i32_1 = arith.constant 0 : i32
    return %c0_i32, %c0_i32_0 : i32, i32
  }
  func.func @transform_7(%arg0: i32) -> (i32, i32) {
    %c0_i32 = arith.constant 0 : i32
    %c0_i32_0 = arith.constant 0 : i32
    return %arg0, %c0_i32 : i32, i32
  }
  func.func @transform_8(%arg0: i32) -> (i32, i32) {
    %c0_i32 = arith.constant 0 : i32
    %c0_i32_0 = arith.constant 0 : i32
    return %arg0, %c0_i32 : i32, i32
  }
  func.func @transform_9(%arg0: i32) -> (i32, i32) {
    %c0_i32 = arith.constant 0 : i32
    %c0_i32_0 = arith.constant 0 : i32
    return %arg0, %c0_i32 : i32, i32
  }
  func.func @transform_10(%arg0: i32) -> (i32, i32) {
    %c0_i32 = arith.constant 0 : i32
    %c0_i32_0 = arith.constant 0 : i32
    return %arg0, %c0_i32 : i32, i32
  }
}

module attributes {stable_mosaic.version = 14 : i64} {
  func.func @body(%arg0: i32, %arg1: memref<6408x128xf32, #tpu.memory_space<vmem>>, %arg2: memref<1x128xf32, #tpu.memory_space<vmem>>) attributes {dimension_semantics = [#tpu.dimension_semantics<arbitrary>], iteration_bounds = array<i64: 1>, scalar_prefetch = 0 : i64, scratch_operands = 0 : i64, tpu.core_type = #tpu.core_type<tc>, window_params = [{pipeline_mode = #tpu.pipeline_mode<synchronous>, transform_indices = @transform_0, window_bounds = array<i64: 6408, 128>}, {pipeline_mode = #tpu.pipeline_mode<synchronous>, transform_indices = @transform_1, window_bounds = array<i64: 1, 128>}]} {
    %get3A = arith.constant 0 : index
    %get3A_0 = arith.constant 0 : index
    %get3A_1 = vector.load %arg1[%get3A, %get3A_0] : memref<6408x128xf32, #tpu.memory_space<vmem>>, vector<6400x128xf32>
    %reduce_sum3A = arith.constant dense<0.000000e+00> : vector<128xf32>
    %reduce_sum3A_2 = vector.multi_reduction <add>, %get3A_1, %reduce_sum3A [0] : vector<6400x128xf32> to vector<128xf32>
    %broadcast_in_dim3A = vector.shape_cast %reduce_sum3A_2 : vector<128xf32> to vector<1x128xf32>
    %div3A = arith.constant 6.400000e+03 : f32
    %div3A_3 = vector.broadcast %div3A : f32 to vector<1x128xf32>
    %div3A_4 = arith.divf %broadcast_in_dim3A, %div3A_3 : vector<1x128xf32>
    %swap3A = arith.constant 0 : index
    %swap3A_5 = arith.constant 0 : index
    %swap3A_6 = vector.load %arg2[%swap3A, %swap3A_5] : memref<1x128xf32, #tpu.memory_space<vmem>>, vector<1x128xf32>
    tpu.vector_store %arg2[%swap3A, %swap3A_5], %div3A_4 {strides = array<i32>} : memref<1x128xf32, #tpu.memory_space<vmem>>, vector<1x128xf32>,
    return
  }
  func.func @transform_0(%arg0: i32) -> (i32, i32) {
    %c0_i32 = arith.constant 0 : i32
    %c0_i32_0 = arith.constant 0 : i32
    %c0_i32_1 = arith.constant 0 : i32
    return %c0_i32, %c0_i32_0 : i32, i32
  }
  func.func @transform_1(%arg0: i32) -> (i32, i32) {
    %c0_i32 = arith.constant 0 : i32
    %c0_i32_0 = arith.constant 0 : i32
    %c0_i32_1 = arith.constant 0 : i32
    return %c0_i32, %c0_i32_0 : i32, i32
  }
}

</mosaic_0001>

<sc_bundles>
// kernel: kernel.16.cloned.1.call-start
scs
__scs_entry_jumppad:
0x0: {  	(pc) =	sbr.rel $0x88, $3  }
0x1: {  	(tag) =	ssettag $0x0;
	lr =	simm.s32 $0x1  }
0x2: {  	[smem:$0x3F91] =	sst lr;
	_ =	strace $0xD0000000  }
0x3: {  	_ = 	snop  }
0x4: {  	_ = 	snop  }
0x5: {  	_ = 	snop  }
0x6: {  	_ = 	snop  }
0x7: {  	_ = 	snop  }
__scs_overlays_trampoline_lowered:
0x8: {  	[smem:$0x3FA0] =	sst s0  }
0x9: {  	[smem:$0x3FA1] =	sst s1  }
0xa: {  	[smem:$0x3FA2] =	sst s2  }
0xb: {  	[smem:$0x3FA3] =	sst s3  }
0xc: {  	[smem:$0x3FA4] =	sst s4  }
0xd: {  	[smem:$0x3FA5] =	sst s5  }
0xe: {  	[smem:$0x3FA6] =	sst s6  }
0xf: {  	[smem:$0x3FA7] =	sst s7  }
0x10: {  	[smem:$0x3FA8] =	sst s8  }
0x11: {  	[smem:$0x3FA9] =	sst s9;
	s0 =	simm.s32 @!p0 $0x0  }
0x12: {  	s1 =	sld [smem:$0x3F8F];
	s0 =	simm.s32 @p0 $0x1  }
0x13: {  	[smem:$0x3FAA] =	sst s0;
	s0 =	simm.s32 @!p1 $0x0  }
0x14: {  	s2 =	sld [smem:$0x3F8E];
	s0 =	simm.s32 @p1 $0x1  }
0x15: {  	[smem:$0x3FAB] =	sst s0;
	s0 =	simm.s32 @!p2 $0x0  }
0x16: {  	s3 =	sld [smem:$0x3FDB];
	s0 =	simm.s32 @p2 $0x1  }
0x17: {  	s4 =	simm.s32 $0x1BF5;
	[smem:$0x3FAD] =	sst s0  }
0x18: {  	s0 =	sld [smem:$0x3F90];
	_ =	swait.ge [sflag:s4], $0x0  }
0x19: {  	s7 =	sld [smem:$0x3F91]  }
0x1a: {  	s8 =	sadd.s32 $0xFFFFE003, lr  }
0x1b: {  	s9 =	sadd.s32 $0xFFFFFEF7, lr;
	s5 =	simm.s32 $0xFFFFFFFF;
	p2 =	slt.u32 s8, $0xFFFFF086  }
0x1c: {  	p1 =	slt.u32 s9, $0xF7A;
	s5 =	simm.s32 @!p2 $0x0  }
0x1d: {  	s5 =	simm.s32 @p1 $0x1;
	p0 =	seq.s32 s7, s2  }
0x1e: {  	s7 =	smul.u32 @!p0 $0xF7A, s2;
	p2 =	seq.s32 @!p0 s5, $0x0  }
0x1f: {  	s9 =	smul.u32 $0xF7A, s1;
	s8 =	simm.s32 @!p0 $0x1BF5;
	p2 =	por !p2, p0  }
0x20: {  	[sflag:s8] =	ssyncset.s32 @!p0 $0xFFFFF086;
	s6 =	sadd.s32 @!p0 s3, s7;
	s7 =	simm.s32 @!p0 $0x108  }
0x21: {  	s3 =	sadd.s32 s3, s9;
	s6 =	sadd.s32 @!p0 $0x88, s6;
	s7 =	simm.s32 @p2 $0x1082  }
0x22: {  	[simem:s7], [sflag:s8] =	dma.local @!p0 [hbm:s6], $0xF7A  }
0x23: {  	s9 =	sor.u32 $0xD0000000, s2;
	s6 =	simm.s32 $0x108;
	_ =	swait.ge @!p0 [sflag:s8], $0x0  }
0x24: {  	s3 =	sadd.s32 $0x88, s3;
	s6 =	simm.s32 @!p1 $0x1082;
	[sflag:s4] =	ssyncset.s32 $0xFFFFF086  }
0x25: {  	[simem:s6], [sflag:s4] =	dma.local [hbm:s3], $0xF7A  }
0x26: {  	[smem:$0x3F91] =	sst s1;
	(tag) =	ssettag s2;
	_ =	strace s9  }
0x27: {  	s1 =	sld [smem:$0x3FA1]  }
0x28: {  	s2 =	sld [smem:$0x3FA2]  }
0x29: {  	s4 =	sld [smem:$0x3FA4]  }
0x2a: {  	p0 =	seq.s32 s5, $0x0;
	s5 =	sld [smem:$0x3FA5]  }
0x2b: {  	s6 =	sld [smem:$0x3FA6]  }
0x2c: {  	s7 =	sld [smem:$0x3FA7]  }
0x2d: {  	s3 =	simm.s32 $0x108;
	s8 =	sld [smem:$0x3FA8]  }
0x2e: {  	s3 =	simm.s32 @!p0 $0x1082;
	s9 =	sld [smem:$0x3FA9]  }
0x2f: {  	lr =	sadd.s32 s0, s3;
	s0 =	sld [smem:$0x3FA0]  }
0x30: {  	s3 =	sld [smem:$0x3FA3]  }
0x31: {  	[smem:$0x3FAC] =	sst s10  }
0x32: {  	s10 =	sld [smem:$0x3FAA];
	_ =	sdelay $0x3  }
0x33: {  	p0 =	seq.s32 s10, $0x1;
	s10 =	sld [smem:$0x3FAC];
	_ =	sdelay $0x3  }
0x34: {  	[smem:$0x3FAC] =	sst s10  }
0x35: {  	s10 =	sld [smem:$0x3FAB];
	_ =	sdelay $0x3  }
0x36: {  	p1 =	seq.s32 s10, $0x1;
	s10 =	sld [smem:$0x3FAC];
	_ =	sdelay $0x3  }
0x37: {  	[smem:$0x3FAC] =	sst s10  }
0x38: {  	s10 =	sld [smem:$0x3FAD]  }
0x39: {  	_ = 	snop;
	(pc) =	sbr.ind lr, $3  }
0x3a: {  	_ = 	snop  }
0x3b: {  	_ = 	snop  }
0x3c: {  	p2 =	seq.s32 s10, $0x1;
	s10 =	sld [smem:$0x3FAC]  }
0x3d: {  	_ =	shalt  }
0x3e: {  	_ =	shalt  }
0x3f: {  	_ =	shalt  }
0x40: {  	_ =	shalt  }
0x41: {  	_ =	shalt  }
0x42: {  	_ =	shalt  }
0x43: {  	_ =	shalt  }
0x44: {  	_ =	shalt  }
0x45: {  	_ =	shalt  }
0x46: {  	_ =	shalt  }
0x47: {  	_ =	shalt  }
0x48: {  	_ =	shalt  }
0x49: {  	_ =	shalt  }
0x4a: {  	_ =	shalt  }
0x4b: {  	_ =	shalt  }
0x4c: {  	_ =	shalt  }
0x4d: {  	_ =	shalt  }
0x4e: {  	_ =	shalt  }
0x4f: {  	_ =	shalt  }
0x50: {  	_ =	shalt  }
0x51: {  	_ =	shalt  }
0x52: {  	_ =	shalt  }
0x53: {  	_ =	shalt  }
0x54: {  	_ =	shalt  }
0x55: {  	_ =	shalt  }
0x56: {  	_ =	shalt  }
0x57: {  	_ =	shalt  }
0x58: {  	_ =	shalt  }
0x59: {  	_ =	shalt  }
0x5a: {  	_ =	shalt  }
0x5b: {  	_ =	shalt  }
0x5c: {  	_ =	shalt  }
0x5d: {  	_ =	shalt  }
0x5e: {  	_ =	shalt  }
0x5f: {  	_ =	shalt  }
0x60: {  	_ =	shalt  }
0x61: {  	_ =	shalt  }
0x62: {  	_ =	shalt  }
0x63: {  	_ =	shalt  }
0x64: {  	_ =	shalt  }
0x65: {  	_ =	shalt  }
0x66: {  	_ =	shalt  }
0x67: {  	_ =	shalt  }
0x68: {  	_ =	shalt  }
0x69: {  	_ =	shalt  }
0x6a: {  	_ =	shalt  }
0x6b: {  	_ =	shalt  }
0x6c: {  	_ =	shalt  }
0x6d: {  	_ =	shalt  }
0x6e: {  	_ =	shalt  }
0x6f: {  	_ =	shalt  }
0x70: {  	_ =	shalt  }
0x71: {  	_ =	shalt  }
0x72: {  	_ =	shalt  }
0x73: {  	_ =	shalt  }
0x74: {  	_ =	shalt  }
0x75: {  	_ =	shalt  }
0x76: {  	_ =	shalt  }
0x77: {  	_ =	shalt  }
0x78: {  	_ =	shalt  }
0x79: {  	_ =	shalt  }
0x7a: {  	_ =	shalt  }
0x7b: {  	_ =	shalt  }
0x7c: {  	_ =	shalt  }
0x7d: {  	_ =	shalt  }
0x7e: {  	_ =	shalt  }
0x7f: {  	_ =	shalt  }
0x80: {  	_ =	shalt  }
0x81: {  	_ =	shalt  }
0x82: {  	_ =	shalt  }
0x83: {  	_ =	shalt  }
0x84: {  	_ =	shalt  }
0x85: {  	_ =	shalt  }
0x86: {  	_ =	shalt  }
0x87: {  	_ =	shalt  }
.Lfunc_end0:
.L_simem_size_0:
called_computation_lowered:
.L_overlay_start_0:
0x88: {  	s2 =	sld [smem:$0x3FD9]  }
0x89: {  	s3 =	sld [smem:$0x3FFE];
	_ =	sdelay $0x1  }
0x8a: {  	s1 =	srdreg.scid  }
0x8b: {  	s0 =	sand.u32 $0x1, s1  }
0x8c: {  	s14 =	sshll.u32 s0, $0xA;
	s2 =	sadd.s32 s3, s2  }
0x8d: {  	s2 =	sadd.s32 s2, s14  }
0x8e: {  	[smem:$0x3FB8] =	sst s2  }
0x8f: {  	_ = 	snop  }
0x90: {  	s2 =	sld [smem:$0x3FD0];
	_ =	sdelay $0x2  }
0x91: {  	s15 =	simm.s32 $0xA;
	s4 =	simm.s32 $0x10  }
0x92: {  	[smem:s4], [sflag:s15] =	dma.local [hbm:s2], $0x1  }
0x93: {  	_ =	swait.eq [sflag:s15], $0x1  }
0x94: {  	[sflag:s15] =	ssyncset.done $0x0  }
0x95: {  	[sflag:s15] =	ssyncadd.s32 $0xFFFFFFFF  }
0x96: {  	s16 =	sld [smem:$0x10];
	(tm) =	ssettm $0x1  }
0x97: {  	s17 =	sld [smem:$0x3FFB];
	_ =	sdelay $0x3  }
0x98: {  	_ =	strace s17  }
0x99: {  	s3 =	sld [smem:$0x3FFC];
	_ =	sdelay $0x3  }
0x9a: {  	_ =	strace s3  }
0x9b: {  	s3 =	sld [smem:$0x3FFD];
	_ =	sdelay $0x3  }
0x9c: {  	_ =	strace s3  }
0x9d: {  	_ =	strace $0x8FFFFFFF  }
0x9e: {  	s18 =	sld [smem:$0x3FDB];
	_ =	sdelay $0x1  }
0x9f: {  	s19 =	simm.s32 $_scs_section_size  }
0xa0: {  	s5 =	simm.s32 $_size__tile_overlayer_lowered;
	s6 =	simm.s32 $_tile_overlayer_lowered  }
0xa1: {  	s22 =	simm.s32 $0x1BFF;
	s21 =	sshll.u32 s6, $0x1;
	s3 =	sadd.s32 s19, s18  }
0xa2: {  	s7 =	simm.s32 $0x0;
	s20 =	sshll.u32 s5, $0x1;
	s5 =	sadd.s32 s21, s3  }
0xa3: {  	[timem:s7], [sflag:s22] =	dma.local [hbm:s5], s20  }
0xa4: {  	_ =	swait.ge [sflag:s22], s20  }
0xa5: {  	s4 =	ssub.s32 $0x0, s20;
	[sflag:s22] =	ssyncset.done $0x0  }
0xa6: {  	[sflag:s22] =	ssyncadd.s32 s4;
	_ =	sdelay $0x1  }
0xa7: {  	s23 =	simm.s32 $0x1B8B  }
0xa8: {  	_ =	swait.ge [sflag:s23], $0x1  }
0xa9: {  	[sflag:s23] =	ssyncset.done $0x0  }
0xaa: {  	s25 =	simm.s32 $0x1B8E;
	s24 =	sld [smem:$0x3FFE];
	[sflag:s23] =	ssyncadd.s32 $0xFFFFFFFF  }
0xab: {  	s26 =	simm.s32 $execute0_lowered;
	[smem:$0x3FD2] =	sst s25  }
0xac: {  	s5 =	sshll.u32 s26, $0x1;
	_ =	strace $0x80000046;
	[dreg:$0x1] =	wrdreg $0xFFFFFFFF  }
0xad: {  	s28 =	simm.s32 $_size_execute0_lowered;
	s3 =	sadd.s32 s3, s5;
	[dreg:$0x0] =	wrdreg $0x0  }
0xae: {  	s5 =	sshll.u32 s28, $0x1;
	[dreg:$0x2] =	wrdreg s3  }
0xaf: {  	[dreg:$0x3] =	wrdreg s5  }
0xb0: {  	[dreg:$0x4] =	wrdreg $0xC0  }
0xb1: {  	_ =	task [dreg:s7], $0x5FFFF  }
0xb2: {  	[dreg:$0x1] =	wrdreg $0xFFFFFFFF  }
0xb3: {  	[dreg:$0x0] =	wrdreg $0x60  }
0xb4: {  	[dreg:$0x2] =	wrdreg s16  }
0xb5: {  	[dreg:$0x3] =	wrdreg s24  }
0xb6: {  	[dreg:$0x4] =	wrdreg $0x3800  }
0xb7: {  	[dreg:$0x5] =	wrdreg $0x9  }
0xb8: {  	_ =	task.clear_ibuf [dreg:s7], $0x6FFFF;
	_ =	strace $0x90000046  }
0xb9: {  	s29 =	simm.s32 $0x9;
	_ =	strace $0x80000048  }
0xba: {  	_ =	swait.ge [sflag:s29], $0x1  }
0xbb: {  	[sflag:s29] =	ssyncadd.s32 $0xFFFFFFFF  }
0xbc: {  	_ =	strace $0x90000048  }
0xbd: {  	_ =	sfence  }
0xbe: {  	s30 =	sld [smem:$0x0];
	_ =	sdelay $0x2  }
0xbf: {  	s31 =	sshll.u32 s1, $0xD;
	s1 =	sshrl.u32 s1, $0x2  }
0xc0: {  	s3 =	sand.u32 $0x4000, s31;
	s1 =	sadd.s32 s1, s30  }
0xc1: {  	s0 =	sor.u32 s3, s0;
	s1 =	sshll.u32 s1, $0x11  }
0xc2: {  	s0 =	sor.u32 s1, s0  }
0xc3: {  	s0 =	sadd.s32 $0x8F2B, s0  }
0xc4: {  	[sflag:s0] =	ssyncadd.remote.s32 $0x1  }
0xc5: {  	_ =	sfence.sel $0xFFFF  }
0xc6: {  	[dreg:$0x0] =	wrdreg $0xFFFFFFFF;
	(pc) =	sbr.abs _section_cstart, $3  }
0xc7: {  	[dreg:$0x1] =	wrdreg $0xFFFFFFFF  }
0xc8: {  	_ =	task.clear_ibuf [dreg:s7], $0x2FFFF;
	_ =	strace $0x9FFFFFFF  }
0xc9: {  	(tm) =	ssettm $0x7FFFFFFF  }
tec
execute0_lowered:
.L_overlay_start_1:
0x0: {  	(tag) =	ssettag $0x1  }
0x1: {  	s6 =	rddreg [dreg:$0x0]  }
0x2: {  	s4 =	rddreg [dreg:$0x1];
	s0 =	stileid.u32  }
0x3: {  	s1 =	srdreg.scid;
	s7 =	smul.u32 $0x278, s0  }
0x4: {  	s2 =	rddreg [dreg:$0x2];
	s5 =	sand.u32 $0x1, s1;
	s30 =	smul.u32 $0x4F0, s0  }
0x5: {  	s3 =	simm.s32 $0x0;
	s1 =	rddreg [dreg:$0x3];
	s8 =	smul.u32 $0x2780, s5  }
0x6: {  	[smem:$0x7FF] =	sst s3;
	s9 =	ssub.s32 $0x2, s5;
	s11 =	smul.u32 $0x4F00, s5  }
0x7: {  	_ =	strace $0x80000047;
	s10 =	sshrl.u32 s9, $0x1;
	s8 =	sadd.s32 s7, s8  }
0x8: {  	s29 =	ssub.s32 s9, s10;
	s31 =	sadd.s32 s11, s6;
	s9 =	simm.s32 $0x1  }
0x9: {  	s10 =	simm.s32 $0x80;
	s11 =	simm.s32 $0x0;
	s8 =	sshrl.u32 s8, $0x3  }
0xa: {  	s6 =	smax.u32 s29, $0x1;
	s28 =	sadd.s32 s8, s4;
	s4 =	sadd.s32 s7, s2  }
0xb: {  	v0 =	vimm.f32 $1.000000000e+00;
	v1 =	vimm.f32 $0.0e+00;
	s7 =	sadd.s32 s30, s31;
	s8 =	simm.s32 $0x100;
	s5 =	sadd.s32 $0x2C00, s28  }
.LBB2_1:
0xc: {  	[tilespmem:$0x80] =	vst v0  }
0xd: {  	[tilespmem:$0x90] =	vst v0  }
0xe: {  	[tilespmem:$0xA0] =	vst v0  }
0xf: {  	[tilespmem:$0xB0] =	vst v0  }
0x10: {  	[tilespmem:$0xC0] =	vst v0  }
0x11: {  	[tilespmem:$0xD0] =	vst v0  }
0x12: {  	[tilespmem:$0xE0] =	vst v0  }
0x13: {  	[tilespmem:$0xF0] =	vst v0  }
0x14: {  	[tilespmem:$0x100] =	vst v1  }
0x15: {  	[tilespmem:$0x110] =	vst v1  }
0x16: {  	[tilespmem:$0x120] =	vst v1  }
0x17: {  	[tilespmem:$0x130] =	vst v1  }
0x18: {  	[tilespmem:$0x140] =	vst v1  }
0x19: {  	[tilespmem:$0x150] =	vst v1  }
0x1a: {  	[tilespmem:$0x160] =	vst v1  }
0x1b: {  	[tilespmem:$0x170] =	vst v1  }
0x1c: {  	[tilespmem:$0x180] =	vst v1  }
0x1d: {  	[tilespmem:$0x190] =	vst v1  }
0x1e: {  	[tilespmem:$0x1A0] =	vst v1  }
0x1f: {  	[tilespmem:$0x1B0] =	vst v1  }
0x20: {  	[tilespmem:$0x1C0] =	vst v1  }
0x21: {  	[tilespmem:$0x1D0] =	vst v1  }
0x22: {  	[tilespmem:$0x1E0] =	vst v1  }
0x23: {  	[tilespmem:$0x1F0] =	vst v1  }
0x24: {  	[tilespmem:$0x200] =	vst v1  }
0x25: {  	[tilespmem:$0x210] =	vst v1  }
0x26: {  	[tilespmem:$0x220] =	vst v1  }
0x27: {  	[tilespmem:$0x230] =	vst v1  }
0x28: {  	[tilespmem:$0x240] =	vst v1  }
0x29: {  	[tilespmem:$0x250] =	vst v1  }
0x2a: {  	[tilespmem:$0x260] =	vst v1  }
0x2b: {  	[tilespmem:$0x270] =	vst v1  }
0x2c: {  	[tilespmem:$0x280] =	vst v1  }
0x2d: {  	[tilespmem:$0x290] =	vst v1  }
0x2e: {  	[tilespmem:$0x2A0] =	vst v1  }
0x2f: {  	[tilespmem:$0x2B0] =	vst v1  }
0x30: {  	[tilespmem:$0x2C0] =	vst v1  }
0x31: {  	[tilespmem:$0x2D0] =	vst v1  }
0x32: {  	[tilespmem:$0x2E0] =	vst v1  }
0x33: {  	[tilespmem:$0x2F0] =	vst v1  }
0x34: {  	[tilespmem:$0x300] =	vst v1  }
0x35: {  	[tilespmem:$0x310] =	vst v1  }
0x36: {  	[tilespmem:$0x320] =	vst v1  }
0x37: {  	[tilespmem:$0x330] =	vst v1  }
0x38: {  	[tilespmem:$0x340] =	vst v1  }
0x39: {  	[tilespmem:$0x350] =	vst v1  }
0x3a: {  	[tilespmem:$0x360] =	vst v1  }
0x3b: {  	[tilespmem:$0x370] =	vst v1  }
0x3c: {  	[spmem:s4] =	stream.linear.scatter [tilespmem:s8], [sflag:$0x1], $0x278, $0x38;
	[tilespmem:$0x5F8] =	vst v63  }
0x3d: {  	_ =	swait.ge [sflag:s9], $0x278  }
0x3e: {  	[sflag:s9] =	ssyncset.done $0x0  }
0x3f: {  	[sflag:s9] =	ssyncadd.s32 $0xFFFFFD88  }
0x40: {  	s12 =	sadd.s32 $0x0, s7;
	[bflag:$0x0] =	sbarrier.arrive $0xFFFF  }
0x41: {  	[tilespmem:s3], [sflag:$0x1] =	stream.linear.gather [hbm4b:s12+s3], $0x80, $0x38;
	[tilespmem:$0x5F8] =	vst v63  }
0x42: {  	_ =	swait.ge [sflag:s9], $0x80  }
0x43: {  	[sflag:s9] =	ssyncset.done $0x0  }
0x44: {  	[sflag:s9] =	ssyncadd.s32 $0xFFFFFF80  }
0x45: {  	[spmem:s2] =	stream.indirect.scatter.add.f32 [tilespmem:s10], [sflag:$0x1], $0x1, s3, s10, $0xb8;
	[tilespmem:$0x5F8] =	vst v63  }
0x46: {  	_ =	swait.ge [sflag:s9], $0x80  }
0x47: {  	s13 =	simm.s32 $0x20;
	s12 =	simm.s32 $0x10;
	[sflag:s9] =	ssyncset.done $0x0  }
.LBB2_2:
0x48: {  	s14 =	sadd.s32 s12, s7  }
0x49: {  	[sflag:s9] =	ssyncadd.s32 $0xFFFFFF80;
	s12 =	smov.u32 s13;
	s15 =	sadd.s32 $0x10, s13  }
0x4a: {  	[tilespmem:s3], [sflag:$0x1] =	stream.linear.gather [hbm4b:s14+s3], $0x80, $0x38;
	[tilespmem:$0x5F8] =	vst v63  }
0x4b: {  	p0 =	sne.s32 s13, $0x4E0;
	_ =	swait.ge [sflag:s9], $0x80  }
.Ltmp0:
0x4c: {  	[sflag:s9] =	ssyncset.done $0x0;
	(pc) =	sbr.rel @p0 .LBB2_2-.Ltmp0, $4  }
0x4d: {  	[sflag:s9] =	ssyncadd.s32 $0xFFFFFF80  }
0x4e: {  	[spmem:s2] =	stream.indirect.scatter.add.f32 [tilespmem:s10], [sflag:$0x1], $0x1, s3, s10, $0xb8;
	[tilespmem:$0x5F8] =	vst v63  }
0x4f: {  	_ =	swait.ge [sflag:s9], $0x80  }
0x50: {  	s13 =	smov.u32 s15;
	[sflag:s9] =	ssyncset.done $0x0  }
0x51: {  	s12 =	sadd.s32 s12, s7;
	[sflag:s9] =	ssyncadd.s32 $0xFFFFFF80  }
0x52: {  	[tilespmem:s3], [sflag:$0x1] =	stream.linear.gather [hbm4b:s12+s3], $0x80, $0x38;
	[tilespmem:$0x5F8] =	vst v63  }
0x53: {  	_ =	swait.ge [sflag:s9], $0x80  }
0x54: {  	[sflag:s9] =	ssyncset.done $0x0  }
0x55: {  	[sflag:s9] =	ssyncadd.s32 $0xFFFFFF80  }
0x56: {  	[spmem:s2] =	stream.indirect.scatter.add.f32 [tilespmem:s10], [sflag:$0x1], $0x1, s3, s10, $0xb8;
	[tilespmem:$0x5F8] =	vst v63  }
0x57: {  	_ =	swait.ge [sflag:s9], $0x80  }
0x58: {  	[sflag:s9] =	ssyncset.done $0x0  }
0x59: {  	[sflag:s9] =	ssyncadd.s32 $0xFFFFFF80  }
0x5a: {  	[bflag:$0x0] =	sbarrier.arrive $0xFFFF  }
0x5b: {  	[tilespmem:s8], [sflag:$0x1] =	stream.linear.gather [spmem:s4], $0x278, $0x38;
	[tilespmem:$0x5F8] =	vst v63  }
0x5c: {  	s11 =	sadd.s32 $0x1, s11;
	_ =	swait.ge [sflag:s9], $0x278  }
0x5d: {  	p0 =	sne.s32 s11, s6;
	[sflag:s9] =	ssyncset.done $0x0  }
.Ltmp1:
0x5e: {  	[sflag:s9] =	ssyncadd.s32 $0xFFFFFD88;
	(pc) =	sbr.rel @p0 .LBB2_1-.Ltmp1, $4  }
0x5f: {  	[hbm4b:s5+s3] =	stream.linear.scatter [tilespmem:s8], [sflag:$0x1], $0x278, $0x38;
	[tilespmem:$0x5F8] =	vst v63  }
0x60: {  	_ =	swait.ge [sflag:s9], $0x278  }
0x61: {  	[sflag:s9] =	ssyncset.done $0x0  }
0x62: {  	[sflag:s9] =	ssyncadd.s32 $0xFFFFFD88  }
0x63: {  	_ =	sfence.sel $0x180000  }
0x64: {  	[bflag:$0x0] =	sbarrier.arrive $0xFFFF  }
0x65: {  	p0 =	sne.s32 s0, $0x0;
	_ =	strace $0x90000047  }
0x66: {  	s0 =	sadd.s32 @!p0 $0x100000, s1;
	[bflag:$0x2] =	sbarrier.arrive $0xFFFF  }
0x67: {  	[sflag:s0] =	ssyncadd.tile.s32 @!p0 $0x1;
	_ =	shalt  }
.Lfunc_end2:
_tile_overlayer_lowered:
.L_overlay_start_2:
0x68: {  	(tag) =	ssettag $0x2  }
0x69: {  	s0 =	rddreg [dreg:$0x0];
	s2 =	stileid.u32  }
0x6a: {  	s1 =	rddreg [dreg:$0x1];
	p0 =	sne.s32 s2, $0x0  }
0x6b: {  	s3 =	rddreg [dreg:$0x2];
	[bflag:$0x3] =	sbarrier.arrive $0xFFFF;
	s2 =	simm.s32 @!p0 $0x1C01  }
0x6c: {  	[timem:s3], [sflag:s2] =	dma.local @!p0 [hbm:s0], s1  }
0x6d: {  	s0 =	simm.s32 @!p0 $0x1  }
0x6e: {  	_ =	swait.ge @!p0 [sflag:s0], s1  }
0x6f: {  	s1 =	ssub.s32 @!p0 $0x0, s1;
	[sflag:s0] =	ssyncset.done @!p0 $0x0  }
0x70: {  	[sflag:s0] =	ssyncadd.s32 @!p0 s1  }
0x71: {  	[bflag:$0x3] =	sbarrier.arrive $0xFFFF  }
0x72: {  	_ =	shalt  }

// kernel: kernel.19.cloned.1.call-start
scs
__scs_entry_jumppad:
0x0: {  	(pc) =	sbr.rel $0x88, $3  }
0x1: {  	(tag) =	ssettag $0x0;
	lr =	simm.s32 $0x1  }
0x2: {  	[smem:$0x3F91] =	sst lr;
	_ =	strace $0xD0000000  }
0x3: {  	_ = 	snop  }
0x4: {  	_ = 	snop  }
0x5: {  	_ = 	snop  }
0x6: {  	_ = 	snop  }
0x7: {  	_ = 	snop  }
__scs_overlays_trampoline_lowered:
0x8: {  	[smem:$0x3FA0] =	sst s0  }
0x9: {  	[smem:$0x3FA1] =	sst s1  }
0xa: {  	[smem:$0x3FA2] =	sst s2  }
0xb: {  	[smem:$0x3FA3] =	sst s3  }
0xc: {  	[smem:$0x3FA4] =	sst s4  }
0xd: {  	[smem:$0x3FA5] =	sst s5  }
0xe: {  	[smem:$0x3FA6] =	sst s6  }
0xf: {  	[smem:$0x3FA7] =	sst s7  }
0x10: {  	[smem:$0x3FA8] =	sst s8  }
0x11: {  	[smem:$0x3FA9] =	sst s9;
	s0 =	simm.s32 @!p0 $0x0  }
0x12: {  	s1 =	sld [smem:$0x3F8F];
	s0 =	simm.s32 @p0 $0x1  }
0x13: {  	[smem:$0x3FAA] =	sst s0;
	s0 =	simm.s32 @!p1 $0x0  }
0x14: {  	s2 =	sld [smem:$0x3F8E];
	s0 =	simm.s32 @p1 $0x1  }
0x15: {  	[smem:$0x3FAB] =	sst s0;
	s0 =	simm.s32 @!p2 $0x0  }
0x16: {  	s3 =	sld [smem:$0x3FDB];
	s0 =	simm.s32 @p2 $0x1  }
0x17: {  	s4 =	simm.s32 $0x1BF5;
	[smem:$0x3FAD] =	sst s0  }
0x18: {  	s0 =	sld [smem:$0x3F90];
	_ =	swait.ge [sflag:s4], $0x0  }
0x19: {  	s7 =	sld [smem:$0x3F91]  }
0x1a: {  	s8 =	sadd.s32 $0xFFFFE003, lr  }
0x1b: {  	s9 =	sadd.s32 $0xFFFFFEF7, lr;
	s5 =	simm.s32 $0xFFFFFFFF;
	p2 =	slt.u32 s8, $0xFFFFF086  }
0x1c: {  	p1 =	slt.u32 s9, $0xF7A;
	s5 =	simm.s32 @!p2 $0x0  }
0x1d: {  	s5 =	simm.s32 @p1 $0x1;
	p0 =	seq.s32 s7, s2  }
0x1e: {  	s7 =	smul.u32 @!p0 $0xF7A, s2;
	p2 =	seq.s32 @!p0 s5, $0x0  }
0x1f: {  	s9 =	smul.u32 $0xF7A, s1;
	s8 =	simm.s32 @!p0 $0x1BF5;
	p2 =	por !p2, p0  }
0x20: {  	[sflag:s8] =	ssyncset.s32 @!p0 $0xFFFFF086;
	s6 =	sadd.s32 @!p0 s3, s7;
	s7 =	simm.s32 @!p0 $0x108  }
0x21: {  	s3 =	sadd.s32 s3, s9;
	s6 =	sadd.s32 @!p0 $0x88, s6;
	s7 =	simm.s32 @p2 $0x1082  }
0x22: {  	[simem:s7], [sflag:s8] =	dma.local @!p0 [hbm:s6], $0xF7A  }
0x23: {  	s9 =	sor.u32 $0xD0000000, s2;
	s6 =	simm.s32 $0x108;
	_ =	swait.ge @!p0 [sflag:s8], $0x0  }
0x24: {  	s3 =	sadd.s32 $0x88, s3;
	s6 =	simm.s32 @!p1 $0x1082;
	[sflag:s4] =	ssyncset.s32 $0xFFFFF086  }
0x25: {  	[simem:s6], [sflag:s4] =	dma.local [hbm:s3], $0xF7A  }
0x26: {  	[smem:$0x3F91] =	sst s1;
	(tag) =	ssettag s2;
	_ =	strace s9  }
0x27: {  	s1 =	sld [smem:$0x3FA1]  }
0x28: {  	s2 =	sld [smem:$0x3FA2]  }
0x29: {  	s4 =	sld [smem:$0x3FA4]  }
0x2a: {  	p0 =	seq.s32 s5, $0x0;
	s5 =	sld [smem:$0x3FA5]  }
0x2b: {  	s6 =	sld [smem:$0x3FA6]  }
0x2c: {  	s7 =	sld [smem:$0x3FA7]  }
0x2d: {  	s3 =	simm.s32 $0x108;
	s8 =	sld [smem:$0x3FA8]  }
0x2e: {  	s3 =	simm.s32 @!p0 $0x1082;
	s9 =	sld [smem:$0x3FA9]  }
0x2f: {  	lr =	sadd.s32 s0, s3;
	s0 =	sld [smem:$0x3FA0]  }
0x30: {  	s3 =	sld [smem:$0x3FA3]  }
0x31: {  	[smem:$0x3FAC] =	sst s10  }
0x32: {  	s10 =	sld [smem:$0x3FAA];
	_ =	sdelay $0x3  }
0x33: {  	p0 =	seq.s32 s10, $0x1;
	s10 =	sld [smem:$0x3FAC];
	_ =	sdelay $0x3  }
0x34: {  	[smem:$0x3FAC] =	sst s10  }
0x35: {  	s10 =	sld [smem:$0x3FAB];
	_ =	sdelay $0x3  }
0x36: {  	p1 =	seq.s32 s10, $0x1;
	s10 =	sld [smem:$0x3FAC];
	_ =	sdelay $0x3  }
0x37: {  	[smem:$0x3FAC] =	sst s10  }
0x38: {  	s10 =	sld [smem:$0x3FAD]  }
0x39: {  	_ = 	snop;
	(pc) =	sbr.ind lr, $3  }
0x3a: {  	_ = 	snop  }
0x3b: {  	_ = 	snop  }
0x3c: {  	p2 =	seq.s32 s10, $0x1;
	s10 =	sld [smem:$0x3FAC]  }
0x3d: {  	_ =	shalt  }
0x3e: {  	_ =	shalt  }
0x3f: {  	_ =	shalt  }
0x40: {  	_ =	shalt  }
0x41: {  	_ =	shalt  }
0x42: {  	_ =	shalt  }
0x43: {  	_ =	shalt  }
0x44: {  	_ =	shalt  }
0x45: {  	_ =	shalt  }
0x46: {  	_ =	shalt  }
0x47: {  	_ =	shalt  }
0x48: {  	_ =	shalt  }
0x49: {  	_ =	shalt  }
0x4a: {  	_ =	shalt  }
0x4b: {  	_ =	shalt  }
0x4c: {  	_ =	shalt  }
0x4d: {  	_ =	shalt  }
0x4e: {  	_ =	shalt  }
0x4f: {  	_ =	shalt  }
0x50: {  	_ =	shalt  }
0x51: {  	_ =	shalt  }
0x52: {  	_ =	shalt  }
0x53: {  	_ =	shalt  }
0x54: {  	_ =	shalt  }
0x55: {  	_ =	shalt  }
0x56: {  	_ =	shalt  }
0x57: {  	_ =	shalt  }
0x58: {  	_ =	shalt  }
0x59: {  	_ =	shalt  }
0x5a: {  	_ =	shalt  }
0x5b: {  	_ =	shalt  }
0x5c: {  	_ =	shalt  }
0x5d: {  	_ =	shalt  }
0x5e: {  	_ =	shalt  }
0x5f: {  	_ =	shalt  }
0x60: {  	_ =	shalt  }
0x61: {  	_ =	shalt  }
0x62: {  	_ =	shalt  }
0x63: {  	_ =	shalt  }
0x64: {  	_ =	shalt  }
0x65: {  	_ =	shalt  }
0x66: {  	_ =	shalt  }
0x67: {  	_ =	shalt  }
0x68: {  	_ =	shalt  }
0x69: {  	_ =	shalt  }
0x6a: {  	_ =	shalt  }
0x6b: {  	_ =	shalt  }
0x6c: {  	_ =	shalt  }
0x6d: {  	_ =	shalt  }
0x6e: {  	_ =	shalt  }
0x6f: {  	_ =	shalt  }
0x70: {  	_ =	shalt  }
0x71: {  	_ =	shalt  }
0x72: {  	_ =	shalt  }
0x73: {  	_ =	shalt  }
0x74: {  	_ =	shalt  }
0x75: {  	_ =	shalt  }
0x76: {  	_ =	shalt  }
0x77: {  	_ =	shalt  }
0x78: {  	_ =	shalt  }
0x79: {  	_ =	shalt  }
0x7a: {  	_ =	shalt  }
0x7b: {  	_ =	shalt  }
0x7c: {  	_ =	shalt  }
0x7d: {  	_ =	shalt  }
0x7e: {  	_ =	shalt  }
0x7f: {  	_ =	shalt  }
0x80: {  	_ =	shalt  }
0x81: {  	_ =	shalt  }
0x82: {  	_ =	shalt  }
0x83: {  	_ =	shalt  }
0x84: {  	_ =	shalt  }
0x85: {  	_ =	shalt  }
0x86: {  	_ =	shalt  }
0x87: {  	_ =	shalt  }
.Lfunc_end0:
.L_simem_size_0:
called_computation.1_lowered:
.L_overlay_start_0:
0x88: {  	s2 =	sld [smem:$0x3FD9]  }
0x89: {  	s3 =	sld [smem:$0x3FFE];
	_ =	sdelay $0x1  }
0x8a: {  	s1 =	srdreg.scid  }
0x8b: {  	s0 =	sand.u32 $0x1, s1  }
0x8c: {  	s14 =	sshll.u32 s0, $0xA;
	s2 =	sadd.s32 s3, s2  }
0x8d: {  	s2 =	sadd.s32 s2, s14  }
0x8e: {  	[smem:$0x3FB8] =	sst s2  }
0x8f: {  	_ = 	snop  }
0x90: {  	s2 =	sld [smem:$0x3FD0];
	_ =	sdelay $0x2  }
0x91: {  	s15 =	simm.s32 $0xA;
	s4 =	simm.s32 $0x10  }
0x92: {  	[smem:s4], [sflag:s15] =	dma.local [hbm:s2], $0x1  }
0x93: {  	_ =	swait.eq [sflag:s15], $0x1  }
0x94: {  	[sflag:s15] =	ssyncset.done $0x0  }
0x95: {  	[sflag:s15] =	ssyncadd.s32 $0xFFFFFFFF  }
0x96: {  	s16 =	sld [smem:$0x10];
	(tm) =	ssettm $0x1  }
0x97: {  	s17 =	sld [smem:$0x3FFB];
	_ =	sdelay $0x3  }
0x98: {  	_ =	strace s17  }
0x99: {  	s3 =	sld [smem:$0x3FFC];
	_ =	sdelay $0x3  }
0x9a: {  	_ =	strace s3  }
0x9b: {  	s3 =	sld [smem:$0x3FFD];
	_ =	sdelay $0x3  }
0x9c: {  	_ =	strace s3  }
0x9d: {  	_ =	strace $0x8FFFFFFF  }
0x9e: {  	s18 =	sld [smem:$0x3FDB];
	_ =	sdelay $0x1  }
0x9f: {  	s19 =	simm.s32 $_scs_section_size  }
0xa0: {  	s5 =	simm.s32 $_size__tile_overlayer_lowered;
	s6 =	simm.s32 $_tile_overlayer_lowered  }
0xa1: {  	s22 =	simm.s32 $0x1BFF;
	s21 =	sshll.u32 s6, $0x1;
	s3 =	sadd.s32 s19, s18  }
0xa2: {  	s7 =	simm.s32 $0x0;
	s20 =	sshll.u32 s5, $0x1;
	s5 =	sadd.s32 s21, s3  }
0xa3: {  	[timem:s7], [sflag:s22] =	dma.local [hbm:s5], s20  }
0xa4: {  	_ =	swait.ge [sflag:s22], s20  }
0xa5: {  	s4 =	ssub.s32 $0x0, s20;
	[sflag:s22] =	ssyncset.done $0x0  }
0xa6: {  	[sflag:s22] =	ssyncadd.s32 s4;
	_ =	sdelay $0x1  }
0xa7: {  	s23 =	simm.s32 $0x1B8B  }
0xa8: {  	_ =	swait.ge [sflag:s23], $0x1  }
0xa9: {  	[sflag:s23] =	ssyncset.done $0x0  }
0xaa: {  	s25 =	simm.s32 $0x1B8E;
	s24 =	sld [smem:$0x3FFE];
	[sflag:s23] =	ssyncadd.s32 $0xFFFFFFFF  }
0xab: {  	s26 =	simm.s32 $execute0_lowered;
	[smem:$0x3FD2] =	sst s25  }
0xac: {  	s5 =	sshll.u32 s26, $0x1;
	_ =	strace $0x80000049;
	[dreg:$0x1] =	wrdreg $0xFFFFFFFF  }
0xad: {  	s28 =	simm.s32 $_size_execute0_lowered;
	s3 =	sadd.s32 s3, s5;
	[dreg:$0x0] =	wrdreg $0x0  }
0xae: {  	s5 =	sshll.u32 s28, $0x1;
	[dreg:$0x2] =	wrdreg s3  }
0xaf: {  	[dreg:$0x3] =	wrdreg s5  }
0xb0: {  	[dreg:$0x4] =	wrdreg $0xC0  }
0xb1: {  	_ =	task [dreg:s7], $0x5FFFF  }
0xb2: {  	[dreg:$0x1] =	wrdreg $0xFFFFFFFF  }
0xb3: {  	[dreg:$0x0] =	wrdreg $0x60  }
0xb4: {  	[dreg:$0x2] =	wrdreg s24  }
0xb5: {  	[dreg:$0x3] =	wrdreg s16  }
0xb6: {  	[dreg:$0x4] =	wrdreg $0x41000  }
0xb7: {  	[dreg:$0x5] =	wrdreg $0x9  }
0xb8: {  	_ =	task.clear_ibuf [dreg:s7], $0x6FFFF;
	_ =	strace $0x90000049  }
0xb9: {  	s29 =	simm.s32 $0x9;
	_ =	strace $0x8000004B  }
0xba: {  	_ =	swait.ge [sflag:s29], $0x1  }
0xbb: {  	[sflag:s29] =	ssyncadd.s32 $0xFFFFFFFF  }
0xbc: {  	_ =	strace $0x9000004B  }
0xbd: {  	_ =	sfence  }
0xbe: {  	s30 =	sld [smem:$0x0];
	_ =	sdelay $0x2  }
0xbf: {  	s31 =	sshll.u32 s1, $0xD;
	s1 =	sshrl.u32 s1, $0x2  }
0xc0: {  	s3 =	sand.u32 $0x4000, s31;
	s1 =	sadd.s32 s1, s30  }
0xc1: {  	s0 =	sor.u32 s3, s0;
	s1 =	sshll.u32 s1, $0x11  }
0xc2: {  	s0 =	sor.u32 s1, s0  }
0xc3: {  	s0 =	sadd.s32 $0x8F2B, s0  }
0xc4: {  	[sflag:s0] =	ssyncadd.remote.s32 $0x1  }
0xc5: {  	_ =	sfence.sel $0xFFFF  }
0xc6: {  	[dreg:$0x0] =	wrdreg $0xFFFFFFFF;
	(pc) =	sbr.abs _section_cstart, $3  }
0xc7: {  	[dreg:$0x1] =	wrdreg $0xFFFFFFFF  }
0xc8: {  	_ =	task.clear_ibuf [dreg:s7], $0x2FFFF;
	_ =	strace $0x9FFFFFFF  }
0xc9: {  	(tm) =	ssettm $0x7FFFFFFF  }
tec
execute0_lowered:
.L_overlay_start_1:
0x0: {  	(tag) =	ssettag $0x1  }
0x1: {  	s6 =	rddreg [dreg:$0x0]  }
0x2: {  	s9 =	rddreg [dreg:$0x1];
	s0 =	srdreg.scid  }
0x3: {  	s2 =	rddreg [dreg:$0x2];
	s1 =	stileid.u32;
	s3 =	simm.s32 $0x0  }
0x4: {  	s19 =	simm.s32 $0x1;
	s20 =	simm.s32 $0x0;
	s8 =	smul.u32 $0x13C00, s1  }
0x5: {  	s7 =	sand.u32 $0x1, s0;
	s0 =	rddreg [dreg:$0x3];
	s12 =	smul.u32 $0x4F000, s1  }
0x6: {  	[smem:$0x7FF] =	sst s3;
	s4 =	sadd.s32 $0xD400, s6;
	s5 =	smul.u32 $0x13C000, s7  }
0x7: {  	s13 =	sshll.u32 s1, $0x6;
	s10 =	smul.u32 $0x4F00, s7;
	s29 =	ssub.s32 $0x2, s7  }
0x8: {  	s16 =	smul.u32 $0x4F0, s1;
	_ =	strace $0x8000004A;
	s7 =	sshrl.u32 s29, $0x1  }
0x9: {  	s12 =	sshrl.u32 s12, $0x2;
	s5 =	sadd.s32 s8, s5;
	s11 =	sadd.s32 s10, s6  }
0xa: {  	s14 =	ssub.s32 s29, s7;
	s12 =	sadd.s32 s12, s2;
	s9 =	sadd.s32 s10, s9  }
0xb: {  	s8 =	sshrl.u32 s5, $0x3;
	s5 =	sadd.s32 $0x2C00, s6;
	s30 =	sadd.s32 $0x4000, s12  }
0xc: {  	s15 =	sadd.s32 $0x8000, s12;
	s17 =	sadd.s32 $0xC000, s12;
	s18 =	sadd.s32 $0x10000, s12  }
0xd: {  	s31 =	sadd.s32 s16, s11;
	s9 =	sadd.s32 s16, s9;
	s11 =	sshrl.u32 s12, $0x3  }
0xe: {  	s12 =	simm.s32 $0x2;
	s8 =	sadd.s32 s8, s6;
	s6 =	sor.u32 $0x1C02, s13  }
0xf: {  	s10 =	sadd.s32 $0x3600, s31;
	s13 =	sshrl.u32 s30, $0x3;
	s16 =	sshrl.u32 s18, $0x3  }
0x10: {  	s18 =	simm.s32 $0x100;
	s7 =	sadd.s32 $0x5B800, s8;
	s8 =	smax.u32 s14, $0x1  }
0x11: {  	s14 =	sshrl.u32 s15, $0x3;
	s15 =	sshrl.u32 s17, $0x3;
	s17 =	simm.s32 $0x80  }
.LBB2_1:
0x12: {  	[spmem:s11], [sflag:s6] =	dma.local [hbm:s5], $0x800  }
0x13: {  	_ =	swait.ge [sflag:s12], $0x800  }
0x14: {  	[sflag:s12] =	ssyncset.done $0x0  }
0x15: {  	[sflag:s12] =	ssyncadd.s32 $0xFFFFF800  }
0x16: {  	[spmem:s13], [sflag:s6] =	dma.local [hbm:s5], $0x800  }
0x17: {  	_ =	swait.ge [sflag:s12], $0x800  }
0x18: {  	[sflag:s12] =	ssyncset.done $0x0  }
0x19: {  	[sflag:s12] =	ssyncadd.s32 $0xFFFFF800  }
0x1a: {  	[spmem:s14], [sflag:s6] =	dma.local [hbm:s5], $0x800  }
0x1b: {  	_ =	swait.ge [sflag:s12], $0x800  }
0x1c: {  	[sflag:s12] =	ssyncset.done $0x0  }
0x1d: {  	[sflag:s12] =	ssyncadd.s32 $0xFFFFF800  }
0x1e: {  	[spmem:s15], [sflag:s6] =	dma.local [hbm:s5], $0x800  }
0x1f: {  	_ =	swait.ge [sflag:s12], $0x800  }
0x20: {  	[sflag:s12] =	ssyncset.done $0x0  }
0x21: {  	[sflag:s12] =	ssyncadd.s32 $0xFFFFF800  }
0x22: {  	[spmem:s16], [sflag:s6] =	dma.local [hbm:s5], $0x780  }
0x23: {  	_ =	swait.ge [sflag:s12], $0x780  }
0x24: {  	[sflag:s12] =	ssyncset.done $0x0  }
0x25: {  	[sflag:s12] =	ssyncadd.s32 $0xFFFFF880  }
0x26: {  	s21 =	sadd.s32 $0x0, s10;
	[bflag:$0x0] =	sbarrier.arrive $0xFFFF  }
0x27: {  	[tilespmem:s3], [sflag:$0x2] =	stream.linear.gather [hbm4b:s21+s3], $0x80, $0x38;
	[tilespmem:$0x17D00] =	vst v63  }
0x28: {  	_ =	swait.ge [sflag:s12], $0x80  }
0x29: {  	[sflag:s12] =	ssyncset.done $0x0  }
0x2a: {  	s31 =	sadd.s32 $0x0, s9;
	[sflag:s12] =	ssyncadd.s32 $0xFFFFFF80  }
0x2b: {  	[tilespmem:s17], [sflag:$0x2] =	stream.linear.gather [hbm4b:s31+s3], $0x80, $0x38;
	[tilespmem:$0x17D00] =	vst v63  }
0x2c: {  	_ =	swait.ge [sflag:s12], $0x80  }
0x2d: {  	[sflag:s12] =	ssyncset.done $0x0  }
0x2e: {  	[sflag:s12] =	ssyncadd.s32 $0xFFFFFF80  }
0x2f: {  	[tilespmem:s18], [sflag:$0x1] =	stream.indirect.gather [hbm4b:s4+s17], $0x80, s3, s17, $0xb8;
	[tilespmem:$0x17D00] =	vst v63  }
0x30: {  	_ =	swait.ge [sflag:s19], $0x4000  }
0x31: {  	[sflag:s19] =	ssyncset.done $0x0  }
0x32: {  	[sflag:s19] =	ssyncadd.s32 $0xFFFFC000  }
0x33: {  	[spmem:s2] =	stream.indirect.scatter.add.f32 [tilespmem:s18], [sflag:$0x2], $0x80, s17, s17, $0xb8;
	[tilespmem:$0x17D00] =	vst v63  }
0x34: {  	_ =	swait.ge [sflag:s12], $0x4000  }
0x35: {  	s22 =	simm.s32 $0x20;
	s21 =	simm.s32 $0x10;
	[sflag:s12] =	ssyncset.done $0x0  }
.LBB2_2:
0x36: {  	s23 =	sadd.s32 s21, s10  }
0x37: {  	[sflag:s12] =	ssyncadd.s32 $0xFFFFC000;
	s24 =	smov.u32 s22;
	s25 =	sadd.s32 $0x10, s22  }
0x38: {  	[tilespmem:s3], [sflag:$0x2] =	stream.linear.gather [hbm4b:s23+s3], $0x80, $0x38;
	[tilespmem:$0x17D00] =	vst v63  }
0x39: {  	p0 =	sne.s32 s22, $0x4E0;
	_ =	swait.ge [sflag:s12], $0x80  }
0x3a: {  	[sflag:s12] =	ssyncset.done $0x0  }
0x3b: {  	s22 =	sadd.s32 s21, s9;
	s21 =	smov.u32 s24;
	[sflag:s12] =	ssyncadd.s32 $0xFFFFFF80  }
0x3c: {  	[tilespmem:s17], [sflag:$0x2] =	stream.linear.gather [hbm4b:s22+s3], $0x80, $0x38;
	[tilespmem:$0x17D00] =	vst v63  }
0x3d: {  	_ =	swait.ge [sflag:s12], $0x80  }
0x3e: {  	[sflag:s12] =	ssyncset.done $0x0  }
0x3f: {  	[sflag:s12] =	ssyncadd.s32 $0xFFFFFF80  }
0x40: {  	[tilespmem:s18], [sflag:$0x1] =	stream.indirect.gather [hbm4b:s4+s17], $0x80, s3, s17, $0xb8;
	[tilespmem:$0x17D00] =	vst v63  }
0x41: {  	_ =	swait.ge [sflag:s19], $0x4000  }
.Ltmp0:
0x42: {  	[sflag:s19] =	ssyncset.done $0x0;
	(pc) =	sbr.rel @p0 .LBB2_2-.Ltmp0, $4  }
0x43: {  	[sflag:s19] =	ssyncadd.s32 $0xFFFFC000  }
0x44: {  	[spmem:s2] =	stream.indirect.scatter.add.f32 [tilespmem:s18], [sflag:$0x2], $0x80, s17, s17, $0xb8;
	[tilespmem:$0x17D00] =	vst v63  }
0x45: {  	_ =	swait.ge [sflag:s12], $0x4000  }
0x46: {  	s22 =	smov.u32 s25;
	[sflag:s12] =	ssyncset.done $0x0  }
0x47: {  	s22 =	sadd.s32 s21, s10;
	[sflag:s12] =	ssyncadd.s32 $0xFFFFC000  }
0x48: {  	[tilespmem:s3], [sflag:$0x2] =	stream.linear.gather [hbm4b:s22+s3], $0x80, $0x38;
	[tilespmem:$0x17D00] =	vst v63  }
0x49: {  	_ =	swait.ge [sflag:s12], $0x80  }
0x4a: {  	[sflag:s12] =	ssyncset.done $0x0  }
0x4b: {  	s31 =	sadd.s32 s21, s9;
	[sflag:s12] =	ssyncadd.s32 $0xFFFFFF80  }
0x4c: {  	[tilespmem:s17], [sflag:$0x2] =	stream.linear.gather [hbm4b:s31+s3], $0x80, $0x38;
	[tilespmem:$0x17D00] =	vst v63  }
0x4d: {  	_ =	swait.ge [sflag:s12], $0x80  }
0x4e: {  	[sflag:s12] =	ssyncset.done $0x0  }
0x4f: {  	[sflag:s12] =	ssyncadd.s32 $0xFFFFFF80  }
0x50: {  	[tilespmem:s18], [sflag:$0x1] =	stream.indirect.gather [hbm4b:s4+s17], $0x80, s3, s17, $0xb8;
	[tilespmem:$0x17D00] =	vst v63  }
0x51: {  	_ =	swait.ge [sflag:s19], $0x4000  }
0x52: {  	[sflag:s19] =	ssyncset.done $0x0  }
0x53: {  	[sflag:s19] =	ssyncadd.s32 $0xFFFFC000  }
0x54: {  	[spmem:s2] =	stream.indirect.scatter.add.f32 [tilespmem:s18], [sflag:$0x2], $0x80, s17, s17, $0xb8;
	[tilespmem:$0x17D00] =	vst v63  }
0x55: {  	_ =	swait.ge [sflag:s12], $0x4000  }
0x56: {  	s20 =	sadd.s32 $0x1, s20;
	[sflag:s12] =	ssyncset.done $0x0  }
0x57: {  	p0 =	sne.s32 s20, s8;
	[sflag:s12] =	ssyncadd.s32 $0xFFFFC000  }
.Ltmp1:
0x58: {  	[bflag:$0x0] =	sbarrier.arrive $0xFFFF;
	(pc) =	sbr.rel @p0 .LBB2_1-.Ltmp1, $4  }
0x59: {  	[hbm:s7], [sflag:s6] =	dma.local [spmem:s11], $0x2780  }
0x5a: {  	_ =	swait.ge [sflag:s12], $0x2780  }
0x5b: {  	[sflag:s12] =	ssyncset.done $0x0  }
0x5c: {  	[sflag:s12] =	ssyncadd.s32 $0xFFFFD880  }
0x5d: {  	_ =	sfence.sel $0x180000  }
0x5e: {  	[bflag:$0x0] =	sbarrier.arrive $0xFFFF  }
0x5f: {  	p0 =	sne.s32 s1, $0x0;
	_ =	strace $0x9000004A  }
0x60: {  	s0 =	sadd.s32 @!p0 $0x100000, s0;
	[bflag:$0x2] =	sbarrier.arrive $0xFFFF  }
0x61: {  	[sflag:s0] =	ssyncadd.tile.s32 @!p0 $0x1;
	_ =	shalt  }
.Lfunc_end2:
_tile_overlayer_lowered:
.L_overlay_start_2:
0x62: {  	(tag) =	ssettag $0x2  }
0x63: {  	s0 =	rddreg [dreg:$0x0];
	s2 =	stileid.u32  }
0x64: {  	s1 =	rddreg [dreg:$0x1];
	p0 =	sne.s32 s2, $0x0  }
0x65: {  	s3 =	rddreg [dreg:$0x2];
	[bflag:$0x3] =	sbarrier.arrive $0xFFFF;
	s2 =	simm.s32 @!p0 $0x1C02  }
0x66: {  	[timem:s3], [sflag:s2] =	dma.local @!p0 [hbm:s0], s1  }
0x67: {  	s0 =	simm.s32 @!p0 $0x2  }
0x68: {  	_ =	swait.ge @!p0 [sflag:s0], s1  }
0x69: {  	s1 =	ssub.s32 @!p0 $0x0, s1;
	[sflag:s0] =	ssyncset.done @!p0 $0x0  }
0x6a: {  	[sflag:s0] =	ssyncadd.s32 @!p0 s1  }
0x6b: {  	[bflag:$0x3] =	sbarrier.arrive $0xFFFF  }
0x6c: {  	_ =	shalt  }

// kernel: kernel.22.cloned.1.call-start
scs
__scs_entry_jumppad:
0x0: {  	(pc) =	sbr.rel $0x88, $3  }
0x1: {  	(tag) =	ssettag $0x0;
	lr =	simm.s32 $0x1  }
0x2: {  	[smem:$0x3F91] =	sst lr;
	_ =	strace $0xD0000000  }
0x3: {  	_ = 	snop  }
0x4: {  	_ = 	snop  }
0x5: {  	_ = 	snop  }
0x6: {  	_ = 	snop  }
0x7: {  	_ = 	snop  }
__scs_overlays_trampoline_lowered:
0x8: {  	[smem:$0x3FA0] =	sst s0  }
0x9: {  	[smem:$0x3FA1] =	sst s1  }
0xa: {  	[smem:$0x3FA2] =	sst s2  }
0xb: {  	[smem:$0x3FA3] =	sst s3  }
0xc: {  	[smem:$0x3FA4] =	sst s4  }
0xd: {  	[smem:$0x3FA5] =	sst s5  }
0xe: {  	[smem:$0x3FA6] =	sst s6  }
0xf: {  	[smem:$0x3FA7] =	sst s7  }
0x10: {  	[smem:$0x3FA8] =	sst s8  }
0x11: {  	[smem:$0x3FA9] =	sst s9;
	s0 =	simm.s32 @!p0 $0x0  }
0x12: {  	s1 =	sld [smem:$0x3F8F];
	s0 =	simm.s32 @p0 $0x1  }
0x13: {  	[smem:$0x3FAA] =	sst s0;
	s0 =	simm.s32 @!p1 $0x0  }
0x14: {  	s2 =	sld [smem:$0x3F8E];
	s0 =	simm.s32 @p1 $0x1  }
0x15: {  	[smem:$0x3FAB] =	sst s0;
	s0 =	simm.s32 @!p2 $0x0  }
0x16: {  	s3 =	sld [smem:$0x3FDB];
	s0 =	simm.s32 @p2 $0x1  }
0x17: {  	s4 =	simm.s32 $0x1BF5;
	[smem:$0x3FAD] =	sst s0  }
0x18: {  	s0 =	sld [smem:$0x3F90];
	_ =	swait.ge [sflag:s4], $0x0  }
0x19: {  	s7 =	sld [smem:$0x3F91]  }
0x1a: {  	s8 =	sadd.s32 $0xFFFFE003, lr  }
0x1b: {  	s9 =	sadd.s32 $0xFFFFFEF7, lr;
	s5 =	simm.s32 $0xFFFFFFFF;
	p2 =	slt.u32 s8, $0xFFFFF086  }
0x1c: {  	p1 =	slt.u32 s9, $0xF7A;
	s5 =	simm.s32 @!p2 $0x0  }
0x1d: {  	s5 =	simm.s32 @p1 $0x1;
	p0 =	seq.s32 s7, s2  }
0x1e: {  	s7 =	smul.u32 @!p0 $0xF7A, s2;
	p2 =	seq.s32 @!p0 s5, $0x0  }
0x1f: {  	s9 =	smul.u32 $0xF7A, s1;
	s8 =	simm.s32 @!p0 $0x1BF5;
	p2 =	por !p2, p0  }
0x20: {  	[sflag:s8] =	ssyncset.s32 @!p0 $0xFFFFF086;
	s6 =	sadd.s32 @!p0 s3, s7;
	s7 =	simm.s32 @!p0 $0x108  }
0x21: {  	s3 =	sadd.s32 s3, s9;
	s6 =	sadd.s32 @!p0 $0x88, s6;
	s7 =	simm.s32 @p2 $0x1082  }
0x22: {  	[simem:s7], [sflag:s8] =	dma.local @!p0 [hbm:s6], $0xF7A  }
0x23: {  	s9 =	sor.u32 $0xD0000000, s2;
	s6 =	simm.s32 $0x108;
	_ =	swait.ge @!p0 [sflag:s8], $0x0  }
0x24: {  	s3 =	sadd.s32 $0x88, s3;
	s6 =	simm.s32 @!p1 $0x1082;
	[sflag:s4] =	ssyncset.s32 $0xFFFFF086  }
0x25: {  	[simem:s6], [sflag:s4] =	dma.local [hbm:s3], $0xF7A  }
0x26: {  	[smem:$0x3F91] =	sst s1;
	(tag) =	ssettag s2;
	_ =	strace s9  }
0x27: {  	s1 =	sld [smem:$0x3FA1]  }
0x28: {  	s2 =	sld [smem:$0x3FA2]  }
0x29: {  	s4 =	sld [smem:$0x3FA4]  }
0x2a: {  	p0 =	seq.s32 s5, $0x0;
	s5 =	sld [smem:$0x3FA5]  }
0x2b: {  	s6 =	sld [smem:$0x3FA6]  }
0x2c: {  	s7 =	sld [smem:$0x3FA7]  }
0x2d: {  	s3 =	simm.s32 $0x108;
	s8 =	sld [smem:$0x3FA8]  }
0x2e: {  	s3 =	simm.s32 @!p0 $0x1082;
	s9 =	sld [smem:$0x3FA9]  }
0x2f: {  	lr =	sadd.s32 s0, s3;
	s0 =	sld [smem:$0x3FA0]  }
0x30: {  	s3 =	sld [smem:$0x3FA3]  }
0x31: {  	[smem:$0x3FAC] =	sst s10  }
0x32: {  	s10 =	sld [smem:$0x3FAA];
	_ =	sdelay $0x3  }
0x33: {  	p0 =	seq.s32 s10, $0x1;
	s10 =	sld [smem:$0x3FAC];
	_ =	sdelay $0x3  }
0x34: {  	[smem:$0x3FAC] =	sst s10  }
0x35: {  	s10 =	sld [smem:$0x3FAB];
	_ =	sdelay $0x3  }
0x36: {  	p1 =	seq.s32 s10, $0x1;
	s10 =	sld [smem:$0x3FAC];
	_ =	sdelay $0x3  }
0x37: {  	[smem:$0x3FAC] =	sst s10  }
0x38: {  	s10 =	sld [smem:$0x3FAD]  }
0x39: {  	_ = 	snop;
	(pc) =	sbr.ind lr, $3  }
0x3a: {  	_ = 	snop  }
0x3b: {  	_ = 	snop  }
0x3c: {  	p2 =	seq.s32 s10, $0x1;
	s10 =	sld [smem:$0x3FAC]  }
0x3d: {  	_ =	shalt  }
0x3e: {  	_ =	shalt  }
0x3f: {  	_ =	shalt  }
0x40: {  	_ =	shalt  }
0x41: {  	_ =	shalt  }
0x42: {  	_ =	shalt  }
0x43: {  	_ =	shalt  }
0x44: {  	_ =	shalt  }
0x45: {  	_ =	shalt  }
0x46: {  	_ =	shalt  }
0x47: {  	_ =	shalt  }
0x48: {  	_ =	shalt  }
0x49: {  	_ =	shalt  }
0x4a: {  	_ =	shalt  }
0x4b: {  	_ =	shalt  }
0x4c: {  	_ =	shalt  }
0x4d: {  	_ =	shalt  }
0x4e: {  	_ =	shalt  }
0x4f: {  	_ =	shalt  }
0x50: {  	_ =	shalt  }
0x51: {  	_ =	shalt  }
0x52: {  	_ =	shalt  }
0x53: {  	_ =	shalt  }
0x54: {  	_ =	shalt  }
0x55: {  	_ =	shalt  }
0x56: {  	_ =	shalt  }
0x57: {  	_ =	shalt  }
0x58: {  	_ =	shalt  }
0x59: {  	_ =	shalt  }
0x5a: {  	_ =	shalt  }
0x5b: {  	_ =	shalt  }
0x5c: {  	_ =	shalt  }
0x5d: {  	_ =	shalt  }
0x5e: {  	_ =	shalt  }
0x5f: {  	_ =	shalt  }
0x60: {  	_ =	shalt  }
0x61: {  	_ =	shalt  }
0x62: {  	_ =	shalt  }
0x63: {  	_ =	shalt  }
0x64: {  	_ =	shalt  }
0x65: {  	_ =	shalt  }
0x66: {  	_ =	shalt  }
0x67: {  	_ =	shalt  }
0x68: {  	_ =	shalt  }
0x69: {  	_ =	shalt  }
0x6a: {  	_ =	shalt  }
0x6b: {  	_ =	shalt  }
0x6c: {  	_ =	shalt  }
0x6d: {  	_ =	shalt  }
0x6e: {  	_ =	shalt  }
0x6f: {  	_ =	shalt  }
0x70: {  	_ =	shalt  }
0x71: {  	_ =	shalt  }
0x72: {  	_ =	shalt  }
0x73: {  	_ =	shalt  }
0x74: {  	_ =	shalt  }
0x75: {  	_ =	shalt  }
0x76: {  	_ =	shalt  }
0x77: {  	_ =	shalt  }
0x78: {  	_ =	shalt  }
0x79: {  	_ =	shalt  }
0x7a: {  	_ =	shalt  }
0x7b: {  	_ =	shalt  }
0x7c: {  	_ =	shalt  }
0x7d: {  	_ =	shalt  }
0x7e: {  	_ =	shalt  }
0x7f: {  	_ =	shalt  }
0x80: {  	_ =	shalt  }
0x81: {  	_ =	shalt  }
0x82: {  	_ =	shalt  }
0x83: {  	_ =	shalt  }
0x84: {  	_ =	shalt  }
0x85: {  	_ =	shalt  }
0x86: {  	_ =	shalt  }
0x87: {  	_ =	shalt  }
.Lfunc_end0:
.L_simem_size_0:
called_computation.2_lowered:
.L_overlay_start_0:
0x88: {  	s2 =	sld [smem:$0x3FD9]  }
0x89: {  	s3 =	sld [smem:$0x3FFE];
	_ =	sdelay $0x1  }
0x8a: {  	s1 =	srdreg.scid  }
0x8b: {  	s0 =	sand.u32 $0x1, s1  }
0x8c: {  	s14 =	sshll.u32 s0, $0xA;
	s2 =	sadd.s32 s3, s2  }
0x8d: {  	s2 =	sadd.s32 s2, s14  }
0x8e: {  	[smem:$0x3FB8] =	sst s2  }
0x8f: {  	_ = 	snop  }
0x90: {  	s2 =	sld [smem:$0x3FD0];
	_ =	sdelay $0x2  }
0x91: {  	s15 =	simm.s32 $0xA;
	s4 =	simm.s32 $0x10  }
0x92: {  	[smem:s4], [sflag:s15] =	dma.local [hbm:s2], $0x1  }
0x93: {  	_ =	swait.eq [sflag:s15], $0x1  }
0x94: {  	[sflag:s15] =	ssyncset.done $0x0  }
0x95: {  	[sflag:s15] =	ssyncadd.s32 $0xFFFFFFFF  }
0x96: {  	s16 =	sld [smem:$0x10];
	(tm) =	ssettm $0x1  }
0x97: {  	s17 =	sld [smem:$0x3FFB];
	_ =	sdelay $0x3  }
0x98: {  	_ =	strace s17  }
0x99: {  	s3 =	sld [smem:$0x3FFC];
	_ =	sdelay $0x3  }
0x9a: {  	_ =	strace s3  }
0x9b: {  	s3 =	sld [smem:$0x3FFD];
	_ =	sdelay $0x3  }
0x9c: {  	_ =	strace s3  }
0x9d: {  	_ =	strace $0x8FFFFFFF  }
0x9e: {  	s18 =	sld [smem:$0x3FDB];
	_ =	sdelay $0x1  }
0x9f: {  	s19 =	simm.s32 $_scs_section_size  }
0xa0: {  	s5 =	simm.s32 $_size__tile_overlayer_lowered;
	s6 =	simm.s32 $_tile_overlayer_lowered  }
0xa1: {  	s22 =	simm.s32 $0x1BFF;
	s21 =	sshll.u32 s6, $0x1;
	s3 =	sadd.s32 s19, s18  }
0xa2: {  	s7 =	simm.s32 $0x0;
	s20 =	sshll.u32 s5, $0x1;
	s5 =	sadd.s32 s21, s3  }
0xa3: {  	[timem:s7], [sflag:s22] =	dma.local [hbm:s5], s20  }
0xa4: {  	_ =	swait.ge [sflag:s22], s20  }
0xa5: {  	s4 =	ssub.s32 $0x0, s20;
	[sflag:s22] =	ssyncset.done $0x0  }
0xa6: {  	[sflag:s22] =	ssyncadd.s32 s4;
	_ =	sdelay $0x1  }
0xa7: {  	s23 =	simm.s32 $0x1B8B  }
0xa8: {  	_ =	swait.ge [sflag:s23], $0x1  }
0xa9: {  	[sflag:s23] =	ssyncset.done $0x0  }
0xaa: {  	s25 =	simm.s32 $0x1B8E;
	s24 =	sld [smem:$0x3FFE];
	[sflag:s23] =	ssyncadd.s32 $0xFFFFFFFF  }
0xab: {  	s26 =	simm.s32 $execute0_lowered;
	[smem:$0x3FD2] =	sst s25  }
0xac: {  	s5 =	sshll.u32 s26, $0x1;
	_ =	strace $0x8000004C;
	[dreg:$0x1] =	wrdreg $0xFFFFFFFF  }
0xad: {  	s28 =	simm.s32 $_size_execute0_lowered;
	s3 =	sadd.s32 s3, s5;
	[dreg:$0x0] =	wrdreg $0x0  }
0xae: {  	s5 =	sshll.u32 s28, $0x1;
	[dreg:$0x2] =	wrdreg s3  }
0xaf: {  	[dreg:$0x3] =	wrdreg s5  }
0xb0: {  	[dreg:$0x4] =	wrdreg $0xC0  }
0xb1: {  	_ =	task [dreg:s7], $0x5FFFF  }
0xb2: {  	[dreg:$0x1] =	wrdreg $0xFFFFFFFF  }
0xb3: {  	[dreg:$0x0] =	wrdreg $0x60  }
0xb4: {  	[dreg:$0x2] =	wrdreg s24  }
0xb5: {  	[dreg:$0x3] =	wrdreg s16  }
0xb6: {  	[dreg:$0x4] =	wrdreg $0x4000  }
0xb7: {  	[dreg:$0x5] =	wrdreg $0x9  }
0xb8: {  	_ =	task.clear_ibuf [dreg:s7], $0x6FFFF;
	_ =	strace $0x9000004C  }
0xb9: {  	s29 =	simm.s32 $0x9;
	_ =	strace $0x8000004E  }
0xba: {  	_ =	swait.ge [sflag:s29], $0x1  }
0xbb: {  	[sflag:s29] =	ssyncadd.s32 $0xFFFFFFFF  }
0xbc: {  	_ =	strace $0x9000004E  }
0xbd: {  	_ =	sfence  }
0xbe: {  	s30 =	sld [smem:$0x0];
	_ =	sdelay $0x2  }
0xbf: {  	s31 =	sshll.u32 s1, $0xD;
	s1 =	sshrl.u32 s1, $0x2  }
0xc0: {  	s3 =	sand.u32 $0x4000, s31;
	s1 =	sadd.s32 s1, s30  }
0xc1: {  	s0 =	sor.u32 s3, s0;
	s1 =	sshll.u32 s1, $0x11  }
0xc2: {  	s0 =	sor.u32 s1, s0  }
0xc3: {  	s0 =	sadd.s32 $0x8F2B, s0  }
0xc4: {  	[sflag:s0] =	ssyncadd.remote.s32 $0x1  }
0xc5: {  	_ =	sfence.sel $0xFFFF  }
0xc6: {  	[dreg:$0x0] =	wrdreg $0xFFFFFFFF;
	(pc) =	sbr.abs _section_cstart, $3  }
0xc7: {  	[dreg:$0x1] =	wrdreg $0xFFFFFFFF  }
0xc8: {  	_ =	task.clear_ibuf [dreg:s7], $0x2FFFF;
	_ =	strace $0x9FFFFFFF  }
0xc9: {  	(tm) =	ssettm $0x7FFFFFFF  }
tec
execute0_lowered:
.L_overlay_start_1:
0x0: {  	(tag) =	ssettag $0x1  }
0x1: {  	s5 =	rddreg [dreg:$0x0]  }
0x2: {  	s7 =	rddreg [dreg:$0x1];
	s0 =	srdreg.scid  }
0x3: {  	s2 =	rddreg [dreg:$0x2];
	s1 =	stileid.u32  }
0x4: {  	s3 =	simm.s32 $0x0;
	s14 =	simm.s32 $0x1;
	s9 =	smul.u32 $0x278, s1  }
0x5: {  	s6 =	sand.u32 $0x1, s0;
	s0 =	rddreg [dreg:$0x3];
	s13 =	smul.u32 $0x4F0, s1  }
0x6: {  	s15 =	simm.s32 $0x0;
	[smem:$0x7FF] =	sst s3;
	s8 =	smul.u32 $0x4F00, s6  }
0x7: {  	s4 =	sadd.s32 $0x5B800, s5;
	s10 =	smul.u32 $0x2780, s6;
	s6 =	ssub.s32 $0x2, s6  }
0x8: {  	_ =	strace $0x8000004D;
	s12 =	sshrl.u32 s6, $0x1;
	s11 =	sadd.s32 s8, s5  }
0x9: {  	s10 =	sadd.s32 s9, s10;
	s12 =	ssub.s32 s6, s12;
	s8 =	sadd.s32 s8, s7  }
0xa: {  	s10 =	sshrl.u32 s10, $0x3;
	s31 =	sadd.s32 s13, s11;
	s7 =	smax.u32 s12, $0x1  }
0xb: {  	s8 =	sadd.s32 s13, s8;
	s11 =	simm.s32 $0x2;
	s12 =	simm.s32 $0x80  }
0xc: {  	s13 =	simm.s32 $0x100;
	s10 =	sadd.s32 s10, s5;
	s5 =	sadd.s32 s9, s2  }
0xd: {  	v0 =	vimm.f32 $0.0e+00;
	s9 =	sadd.s32 $0x3600, s31;
	s6 =	sadd.s32 $0x5BE00, s10;
	s10 =	simm.s32 $0x180  }
.LBB2_1:
0xe: {  	[tilespmem:$0x180] =	vst v0  }
0xf: {  	[tilespmem:$0x190] =	vst v0  }
0x10: {  	[tilespmem:$0x1A0] =	vst v0  }
0x11: {  	[tilespmem:$0x1B0] =	vst v0  }
0x12: {  	[tilespmem:$0x1C0] =	vst v0  }
0x13: {  	[tilespmem:$0x1D0] =	vst v0  }
0x14: {  	[tilespmem:$0x1E0] =	vst v0  }
0x15: {  	[tilespmem:$0x1F0] =	vst v0  }
0x16: {  	[tilespmem:$0x200] =	vst v0  }
0x17: {  	[tilespmem:$0x210] =	vst v0  }
0x18: {  	[tilespmem:$0x220] =	vst v0  }
0x19: {  	[tilespmem:$0x230] =	vst v0  }
0x1a: {  	[tilespmem:$0x240] =	vst v0  }
0x1b: {  	[tilespmem:$0x250] =	vst v0  }
0x1c: {  	[tilespmem:$0x260] =	vst v0  }
0x1d: {  	[tilespmem:$0x270] =	vst v0  }
0x1e: {  	[tilespmem:$0x280] =	vst v0  }
0x1f: {  	[tilespmem:$0x290] =	vst v0  }
0x20: {  	[tilespmem:$0x2A0] =	vst v0  }
0x21: {  	[tilespmem:$0x2B0] =	vst v0  }
0x22: {  	[tilespmem:$0x2C0] =	vst v0  }
0x23: {  	[tilespmem:$0x2D0] =	vst v0  }
0x24: {  	[tilespmem:$0x2E0] =	vst v0  }
0x25: {  	[tilespmem:$0x2F0] =	vst v0  }
0x26: {  	[tilespmem:$0x300] =	vst v0  }
0x27: {  	[tilespmem:$0x310] =	vst v0  }
0x28: {  	[tilespmem:$0x320] =	vst v0  }
0x29: {  	[tilespmem:$0x330] =	vst v0  }
0x2a: {  	[tilespmem:$0x340] =	vst v0  }
0x2b: {  	[tilespmem:$0x350] =	vst v0  }
0x2c: {  	[tilespmem:$0x360] =	vst v0  }
0x2d: {  	[tilespmem:$0x370] =	vst v0  }
0x2e: {  	[tilespmem:$0x380] =	vst v0  }
0x2f: {  	[tilespmem:$0x390] =	vst v0  }
0x30: {  	[tilespmem:$0x3A0] =	vst v0  }
0x31: {  	[tilespmem:$0x3B0] =	vst v0  }
0x32: {  	[tilespmem:$0x3C0] =	vst v0  }
0x33: {  	[tilespmem:$0x3D0] =	vst v0  }
0x34: {  	[tilespmem:$0x3E0] =	vst v0  }
0x35: {  	[tilespmem:$0x3F0] =	vst v0  }
0x36: {  	[spmem:s5] =	stream.linear.scatter [tilespmem:s10], [sflag:$0x2], $0x278, $0x38;
	[tilespmem:$0x678] =	vst v63  }
0x37: {  	_ =	swait.ge [sflag:s11], $0x278  }
0x38: {  	[sflag:s11] =	ssyncset.done $0x0  }
0x39: {  	[sflag:s11] =	ssyncadd.s32 $0xFFFFFD88  }
0x3a: {  	s16 =	sadd.s32 $0x0, s9;
	[bflag:$0x0] =	sbarrier.arrive $0xFFFF  }
0x3b: {  	[tilespmem:s3], [sflag:$0x2] =	stream.linear.gather [hbm4b:s16+s3], $0x80, $0x38;
	[tilespmem:$0x678] =	vst v63  }
0x3c: {  	_ =	swait.ge [sflag:s11], $0x80  }
0x3d: {  	[sflag:s11] =	ssyncset.done $0x0  }
0x3e: {  	s31 =	sadd.s32 $0x0, s8;
	[sflag:s11] =	ssyncadd.s32 $0xFFFFFF80  }
0x3f: {  	[tilespmem:s12], [sflag:$0x2] =	stream.linear.gather [hbm4b:s31+s3], $0x80, $0x38;
	[tilespmem:$0x678] =	vst v63  }
0x40: {  	_ =	swait.ge [sflag:s11], $0x80  }
0x41: {  	[sflag:s11] =	ssyncset.done $0x0  }
0x42: {  	[sflag:s11] =	ssyncadd.s32 $0xFFFFFF80  }
0x43: {  	[tilespmem:s13], [sflag:$0x1] =	stream.indirect.gather [hbm4b:s4+s12], $0x1, s3, s12, $0xb8;
	[tilespmem:$0x678] =	vst v63  }
0x44: {  	_ =	swait.ge [sflag:s14], $0x80  }
0x45: {  	[sflag:s14] =	ssyncset.done $0x0  }
0x46: {  	[sflag:s14] =	ssyncadd.s32 $0xFFFFFF80  }
0x47: {  	[spmem:s2] =	stream.indirect.scatter.add.f32 [tilespmem:s13], [sflag:$0x2], $0x1, s12, s12, $0xb8;
	[tilespmem:$0x678] =	vst v63  }
0x48: {  	_ =	swait.ge [sflag:s11], $0x80  }
0x49: {  	s17 =	simm.s32 $0x20;
	s16 =	simm.s32 $0x10;
	[sflag:s11] =	ssyncset.done $0x0  }
.LBB2_2:
0x4a: {  	s18 =	sadd.s32 s16, s9  }
0x4b: {  	[sflag:s11] =	ssyncadd.s32 $0xFFFFFF80;
	s19 =	smov.u32 s17;
	s20 =	sadd.s32 $0x10, s17  }
0x4c: {  	[tilespmem:s3], [sflag:$0x2] =	stream.linear.gather [hbm4b:s18+s3], $0x80, $0x38;
	[tilespmem:$0x678] =	vst v63  }
0x4d: {  	p0 =	sne.s32 s17, $0x4E0;
	_ =	swait.ge [sflag:s11], $0x80  }
0x4e: {  	[sflag:s11] =	ssyncset.done $0x0  }
0x4f: {  	s17 =	sadd.s32 s16, s8;
	s16 =	smov.u32 s19;
	[sflag:s11] =	ssyncadd.s32 $0xFFFFFF80  }
0x50: {  	[tilespmem:s12], [sflag:$0x2] =	stream.linear.gather [hbm4b:s17+s3], $0x80, $0x38;
	[tilespmem:$0x678] =	vst v63  }
0x51: {  	_ =	swait.ge [sflag:s11], $0x80  }
0x52: {  	[sflag:s11] =	ssyncset.done $0x0  }
0x53: {  	[sflag:s11] =	ssyncadd.s32 $0xFFFFFF80  }
0x54: {  	[tilespmem:s13], [sflag:$0x1] =	stream.indirect.gather [hbm4b:s4+s12], $0x1, s3, s12, $0xb8;
	[tilespmem:$0x678] =	vst v63  }
0x55: {  	_ =	swait.ge [sflag:s14], $0x80  }
.Ltmp0:
0x56: {  	[sflag:s14] =	ssyncset.done $0x0;
	(pc) =	sbr.rel @p0 .LBB2_2-.Ltmp0, $4  }
0x57: {  	[sflag:s14] =	ssyncadd.s32 $0xFFFFFF80  }
0x58: {  	[spmem:s2] =	stream.indirect.scatter.add.f32 [tilespmem:s13], [sflag:$0x2], $0x1, s12, s12, $0xb8;
	[tilespmem:$0x678] =	vst v63  }
0x59: {  	_ =	swait.ge [sflag:s11], $0x80  }
0x5a: {  	s17 =	smov.u32 s20;
	[sflag:s11] =	ssyncset.done $0x0  }
0x5b: {  	s17 =	sadd.s32 s16, s9;
	[sflag:s11] =	ssyncadd.s32 $0xFFFFFF80  }
0x5c: {  	[tilespmem:s3], [sflag:$0x2] =	stream.linear.gather [hbm4b:s17+s3], $0x80, $0x38;
	[tilespmem:$0x678] =	vst v63  }
0x5d: {  	_ =	swait.ge [sflag:s11], $0x80  }
0x5e: {  	[sflag:s11] =	ssyncset.done $0x0  }
0x5f: {  	s31 =	sadd.s32 s16, s8;
	[sflag:s11] =	ssyncadd.s32 $0xFFFFFF80  }
0x60: {  	[tilespmem:s12], [sflag:$0x2] =	stream.linear.gather [hbm4b:s31+s3], $0x80, $0x38;
	[tilespmem:$0x678] =	vst v63  }
0x61: {  	_ =	swait.ge [sflag:s11], $0x80  }
0x62: {  	[sflag:s11] =	ssyncset.done $0x0  }
0x63: {  	[sflag:s11] =	ssyncadd.s32 $0xFFFFFF80  }
0x64: {  	[tilespmem:s13], [sflag:$0x1] =	stream.indirect.gather [hbm4b:s4+s12], $0x1, s3, s12, $0xb8;
	[tilespmem:$0x678] =	vst v63  }
0x65: {  	_ =	swait.ge [sflag:s14], $0x80  }
0x66: {  	[sflag:s14] =	ssyncset.done $0x0  }
0x67: {  	[sflag:s14] =	ssyncadd.s32 $0xFFFFFF80  }
0x68: {  	[spmem:s2] =	stream.indirect.scatter.add.f32 [tilespmem:s13], [sflag:$0x2], $0x1, s12, s12, $0xb8;
	[tilespmem:$0x678] =	vst v63  }
0x69: {  	_ =	swait.ge [sflag:s11], $0x80  }
0x6a: {  	[sflag:s11] =	ssyncset.done $0x0  }
0x6b: {  	[sflag:s11] =	ssyncadd.s32 $0xFFFFFF80  }
0x6c: {  	[bflag:$0x0] =	sbarrier.arrive $0xFFFF  }
0x6d: {  	[tilespmem:s10], [sflag:$0x2] =	stream.linear.gather [spmem:s5], $0x278, $0x38;
	[tilespmem:$0x678] =	vst v63  }
0x6e: {  	s15 =	sadd.s32 $0x1, s15;
	_ =	swait.ge [sflag:s11], $0x278  }
0x6f: {  	p0 =	sne.s32 s15, s7;
	[sflag:s11] =	ssyncset.done $0x0  }
.Ltmp1:
0x70: {  	[sflag:s11] =	ssyncadd.s32 $0xFFFFFD88;
	(pc) =	sbr.rel @p0 .LBB2_1-.Ltmp1, $4  }
0x71: {  	[hbm4b:s6+s3] =	stream.linear.scatter [tilespmem:s10], [sflag:$0x2], $0x278, $0x38;
	[tilespmem:$0x678] =	vst v63  }
0x72: {  	_ =	swait.ge [sflag:s11], $0x278  }
0x73: {  	[sflag:s11] =	ssyncset.done $0x0  }
0x74: {  	[sflag:s11] =	ssyncadd.s32 $0xFFFFFD88  }
0x75: {  	_ =	sfence.sel $0x180000  }
0x76: {  	[bflag:$0x0] =	sbarrier.arrive $0xFFFF  }
0x77: {  	p0 =	sne.s32 s1, $0x0;
	_ =	strace $0x9000004D  }
0x78: {  	s0 =	sadd.s32 @!p0 $0x100000, s0;
	[bflag:$0x2] =	sbarrier.arrive $0xFFFF  }
0x79: {  	[sflag:s0] =	ssyncadd.tile.s32 @!p0 $0x1;
	_ =	shalt  }
.Lfunc_end2:
_tile_overlayer_lowered:
.L_overlay_start_2:
0x7a: {  	(tag) =	ssettag $0x2  }
0x7b: {  	s0 =	rddreg [dreg:$0x0];
	s2 =	stileid.u32  }
0x7c: {  	s1 =	rddreg [dreg:$0x1];
	p0 =	sne.s32 s2, $0x0  }
0x7d: {  	s3 =	rddreg [dreg:$0x2];
	[bflag:$0x3] =	sbarrier.arrive $0xFFFF;
	s2 =	simm.s32 @!p0 $0x1C02  }
0x7e: {  	[timem:s3], [sflag:s2] =	dma.local @!p0 [hbm:s0], s1  }
0x7f: {  	s0 =	simm.s32 @!p0 $0x2  }
0x80: {  	_ =	swait.ge @!p0 [sflag:s0], s1  }
0x81: {  	s1 =	ssub.s32 @!p0 $0x0, s1;
	[sflag:s0] =	ssyncset.done @!p0 $0x0  }
0x82: {  	[sflag:s0] =	ssyncadd.s32 @!p0 s1  }
0x83: {  	[bflag:$0x3] =	sbarrier.arrive $0xFFFF  }
0x84: {  	_ =	shalt  }

// kernel: kernel.25.cloned.1.call-start
scs
__scs_entry_jumppad:
0x0: {  	(pc) =	sbr.rel $0x88, $3  }
0x1: {  	(tag) =	ssettag $0x0;
	lr =	simm.s32 $0x1  }
0x2: {  	[smem:$0x3F91] =	sst lr;
	_ =	strace $0xD0000000  }
0x3: {  	_ = 	snop  }
0x4: {  	_ = 	snop  }
0x5: {  	_ = 	snop  }
0x6: {  	_ = 	snop  }
0x7: {  	_ = 	snop  }
__scs_overlays_trampoline_lowered:
0x8: {  	[smem:$0x3FA0] =	sst s0  }
0x9: {  	[smem:$0x3FA1] =	sst s1  }
0xa: {  	[smem:$0x3FA2] =	sst s2  }
0xb: {  	[smem:$0x3FA3] =	sst s3  }
0xc: {  	[smem:$0x3FA4] =	sst s4  }
0xd: {  	[smem:$0x3FA5] =	sst s5  }
0xe: {  	[smem:$0x3FA6] =	sst s6  }
0xf: {  	[smem:$0x3FA7] =	sst s7  }
0x10: {  	[smem:$0x3FA8] =	sst s8  }
0x11: {  	[smem:$0x3FA9] =	sst s9;
	s0 =	simm.s32 @!p0 $0x0  }
0x12: {  	s1 =	sld [smem:$0x3F8F];
	s0 =	simm.s32 @p0 $0x1  }
0x13: {  	[smem:$0x3FAA] =	sst s0;
	s0 =	simm.s32 @!p1 $0x0  }
0x14: {  	s2 =	sld [smem:$0x3F8E];
	s0 =	simm.s32 @p1 $0x1  }
0x15: {  	[smem:$0x3FAB] =	sst s0;
	s0 =	simm.s32 @!p2 $0x0  }
0x16: {  	s3 =	sld [smem:$0x3FDB];
	s0 =	simm.s32 @p2 $0x1  }
0x17: {  	s4 =	simm.s32 $0x1BF5;
	[smem:$0x3FAD] =	sst s0  }
0x18: {  	s0 =	sld [smem:$0x3F90];
	_ =	swait.ge [sflag:s4], $0x0  }
0x19: {  	s7 =	sld [smem:$0x3F91]  }
0x1a: {  	s8 =	sadd.s32 $0xFFFFE003, lr  }
0x1b: {  	s9 =	sadd.s32 $0xFFFFFEF7, lr;
	s5 =	simm.s32 $0xFFFFFFFF;
	p2 =	slt.u32 s8, $0xFFFFF086  }
0x1c: {  	p1 =	slt.u32 s9, $0xF7A;
	s5 =	simm.s32 @!p2 $0x0  }
0x1d: {  	s5 =	simm.s32 @p1 $0x1;
	p0 =	seq.s32 s7, s2  }
0x1e: {  	s7 =	smul.u32 @!p0 $0xF7A, s2;
	p2 =	seq.s32 @!p0 s5, $0x0  }
0x1f: {  	s9 =	smul.u32 $0xF7A, s1;
	s8 =	simm.s32 @!p0 $0x1BF5;
	p2 =	por !p2, p0  }
0x20: {  	[sflag:s8] =	ssyncset.s32 @!p0 $0xFFFFF086;
	s6 =	sadd.s32 @!p0 s3, s7;
	s7 =	simm.s32 @!p0 $0x108  }
0x21: {  	s3 =	sadd.s32 s3, s9;
	s6 =	sadd.s32 @!p0 $0x88, s6;
	s7 =	simm.s32 @p2 $0x1082  }
0x22: {  	[simem:s7], [sflag:s8] =	dma.local @!p0 [hbm:s6], $0xF7A  }
0x23: {  	s9 =	sor.u32 $0xD0000000, s2;
	s6 =	simm.s32 $0x108;
	_ =	swait.ge @!p0 [sflag:s8], $0x0  }
0x24: {  	s3 =	sadd.s32 $0x88, s3;
	s6 =	simm.s32 @!p1 $0x1082;
	[sflag:s4] =	ssyncset.s32 $0xFFFFF086  }
0x25: {  	[simem:s6], [sflag:s4] =	dma.local [hbm:s3], $0xF7A  }
0x26: {  	[smem:$0x3F91] =	sst s1;
	(tag) =	ssettag s2;
	_ =	strace s9  }
0x27: {  	s1 =	sld [smem:$0x3FA1]  }
0x28: {  	s2 =	sld [smem:$0x3FA2]  }
0x29: {  	s4 =	sld [smem:$0x3FA4]  }
0x2a: {  	p0 =	seq.s32 s5, $0x0;
	s5 =	sld [smem:$0x3FA5]  }
0x2b: {  	s6 =	sld [smem:$0x3FA6]  }
0x2c: {  	s7 =	sld [smem:$0x3FA7]  }
0x2d: {  	s3 =	simm.s32 $0x108;
	s8 =	sld [smem:$0x3FA8]  }
0x2e: {  	s3 =	simm.s32 @!p0 $0x1082;
	s9 =	sld [smem:$0x3FA9]  }
0x2f: {  	lr =	sadd.s32 s0, s3;
	s0 =	sld [smem:$0x3FA0]  }
0x30: {  	s3 =	sld [smem:$0x3FA3]  }
0x31: {  	[smem:$0x3FAC] =	sst s10  }
0x32: {  	s10 =	sld [smem:$0x3FAA];
	_ =	sdelay $0x3  }
0x33: {  	p0 =	seq.s32 s10, $0x1;
	s10 =	sld [smem:$0x3FAC];
	_ =	sdelay $0x3  }
0x34: {  	[smem:$0x3FAC] =	sst s10  }
0x35: {  	s10 =	sld [smem:$0x3FAB];
	_ =	sdelay $0x3  }
0x36: {  	p1 =	seq.s32 s10, $0x1;
	s10 =	sld [smem:$0x3FAC];
	_ =	sdelay $0x3  }
0x37: {  	[smem:$0x3FAC] =	sst s10  }
0x38: {  	s10 =	sld [smem:$0x3FAD]  }
0x39: {  	_ = 	snop;
	(pc) =	sbr.ind lr, $3  }
0x3a: {  	_ = 	snop  }
0x3b: {  	_ = 	snop  }
0x3c: {  	p2 =	seq.s32 s10, $0x1;
	s10 =	sld [smem:$0x3FAC]  }
0x3d: {  	_ =	shalt  }
0x3e: {  	_ =	shalt  }
0x3f: {  	_ =	shalt  }
0x40: {  	_ =	shalt  }
0x41: {  	_ =	shalt  }
0x42: {  	_ =	shalt  }
0x43: {  	_ =	shalt  }
0x44: {  	_ =	shalt  }
0x45: {  	_ =	shalt  }
0x46: {  	_ =	shalt  }
0x47: {  	_ =	shalt  }
0x48: {  	_ =	shalt  }
0x49: {  	_ =	shalt  }
0x4a: {  	_ =	shalt  }
0x4b: {  	_ =	shalt  }
0x4c: {  	_ =	shalt  }
0x4d: {  	_ =	shalt  }
0x4e: {  	_ =	shalt  }
0x4f: {  	_ =	shalt  }
0x50: {  	_ =	shalt  }
0x51: {  	_ =	shalt  }
0x52: {  	_ =	shalt  }
0x53: {  	_ =	shalt  }
0x54: {  	_ =	shalt  }
0x55: {  	_ =	shalt  }
0x56: {  	_ =	shalt  }
0x57: {  	_ =	shalt  }
0x58: {  	_ =	shalt  }
0x59: {  	_ =	shalt  }
0x5a: {  	_ =	shalt  }
0x5b: {  	_ =	shalt  }
0x5c: {  	_ =	shalt  }
0x5d: {  	_ =	shalt  }
0x5e: {  	_ =	shalt  }
0x5f: {  	_ =	shalt  }
0x60: {  	_ =	shalt  }
0x61: {  	_ =	shalt  }
0x62: {  	_ =	shalt  }
0x63: {  	_ =	shalt  }
0x64: {  	_ =	shalt  }
0x65: {  	_ =	shalt  }
0x66: {  	_ =	shalt  }
0x67: {  	_ =	shalt  }
0x68: {  	_ =	shalt  }
0x69: {  	_ =	shalt  }
0x6a: {  	_ =	shalt  }
0x6b: {  	_ =	shalt  }
0x6c: {  	_ =	shalt  }
0x6d: {  	_ =	shalt  }
0x6e: {  	_ =	shalt  }
0x6f: {  	_ =	shalt  }
0x70: {  	_ =	shalt  }
0x71: {  	_ =	shalt  }
0x72: {  	_ =	shalt  }
0x73: {  	_ =	shalt  }
0x74: {  	_ =	shalt  }
0x75: {  	_ =	shalt  }
0x76: {  	_ =	shalt  }
0x77: {  	_ =	shalt  }
0x78: {  	_ =	shalt  }
0x79: {  	_ =	shalt  }
0x7a: {  	_ =	shalt  }
0x7b: {  	_ =	shalt  }
0x7c: {  	_ =	shalt  }
0x7d: {  	_ =	shalt  }
0x7e: {  	_ =	shalt  }
0x7f: {  	_ =	shalt  }
0x80: {  	_ =	shalt  }
0x81: {  	_ =	shalt  }
0x82: {  	_ =	shalt  }
0x83: {  	_ =	shalt  }
0x84: {  	_ =	shalt  }
0x85: {  	_ =	shalt  }
0x86: {  	_ =	shalt  }
0x87: {  	_ =	shalt  }
.Lfunc_end0:
.L_simem_size_0:
called_computation.3_lowered:
.L_overlay_start_0:
0x88: {  	s2 =	sld [smem:$0x3FD9]  }
0x89: {  	s3 =	sld [smem:$0x3FFE];
	_ =	sdelay $0x1  }
0x8a: {  	s1 =	srdreg.scid  }
0x8b: {  	s0 =	sand.u32 $0x1, s1  }
0x8c: {  	s14 =	sshll.u32 s0, $0xA;
	s2 =	sadd.s32 s3, s2  }
0x8d: {  	s2 =	sadd.s32 s2, s14  }
0x8e: {  	[smem:$0x3FB8] =	sst s2  }
0x8f: {  	_ = 	snop  }
0x90: {  	s2 =	sld [smem:$0x3FD0];
	_ =	sdelay $0x2  }
0x91: {  	s15 =	simm.s32 $0xA;
	s4 =	simm.s32 $0x10  }
0x92: {  	[smem:s4], [sflag:s15] =	dma.local [hbm:s2], $0x1  }
0x93: {  	_ =	swait.eq [sflag:s15], $0x1  }
0x94: {  	[sflag:s15] =	ssyncset.done $0x0  }
0x95: {  	[sflag:s15] =	ssyncadd.s32 $0xFFFFFFFF  }
0x96: {  	s16 =	sld [smem:$0x10];
	(tm) =	ssettm $0x1  }
0x97: {  	s17 =	sld [smem:$0x3FFB];
	_ =	sdelay $0x3  }
0x98: {  	_ =	strace s17  }
0x99: {  	s3 =	sld [smem:$0x3FFC];
	_ =	sdelay $0x3  }
0x9a: {  	_ =	strace s3  }
0x9b: {  	s3 =	sld [smem:$0x3FFD];
	_ =	sdelay $0x3  }
0x9c: {  	_ =	strace s3  }
0x9d: {  	_ =	strace $0x8FFFFFFF  }
0x9e: {  	s18 =	sld [smem:$0x3FDB];
	_ =	sdelay $0x1  }
0x9f: {  	s19 =	simm.s32 $_scs_section_size  }
0xa0: {  	s5 =	simm.s32 $_size__tile_overlayer_lowered;
	s6 =	simm.s32 $_tile_overlayer_lowered  }
0xa1: {  	s22 =	simm.s32 $0x1BFF;
	s21 =	sshll.u32 s6, $0x1;
	s3 =	sadd.s32 s19, s18  }
0xa2: {  	s7 =	simm.s32 $0x0;
	s20 =	sshll.u32 s5, $0x1;
	s5 =	sadd.s32 s21, s3  }
0xa3: {  	[timem:s7], [sflag:s22] =	dma.local [hbm:s5], s20  }
0xa4: {  	_ =	swait.ge [sflag:s22], s20  }
0xa5: {  	s4 =	ssub.s32 $0x0, s20;
	[sflag:s22] =	ssyncset.done $0x0  }
0xa6: {  	[sflag:s22] =	ssyncadd.s32 s4;
	_ =	sdelay $0x1  }
0xa7: {  	s23 =	simm.s32 $0x1B8B  }
0xa8: {  	_ =	swait.ge [sflag:s23], $0x1  }
0xa9: {  	[sflag:s23] =	ssyncset.done $0x0  }
0xaa: {  	s25 =	simm.s32 $0x1B8E;
	s24 =	sld [smem:$0x3FFE];
	[sflag:s23] =	ssyncadd.s32 $0xFFFFFFFF  }
0xab: {  	s26 =	simm.s32 $execute0_lowered;
	[smem:$0x3FD2] =	sst s25  }
0xac: {  	s5 =	sshll.u32 s26, $0x1;
	_ =	strace $0x8000004F;
	[dreg:$0x1] =	wrdreg $0xFFFFFFFF  }
0xad: {  	s28 =	simm.s32 $_size_execute0_lowered;
	s3 =	sadd.s32 s3, s5;
	[dreg:$0x0] =	wrdreg $0x0  }
0xae: {  	s5 =	sshll.u32 s28, $0x1;
	[dreg:$0x2] =	wrdreg s3  }
0xaf: {  	[dreg:$0x3] =	wrdreg s5  }
0xb0: {  	[dreg:$0x4] =	wrdreg $0xC0  }
0xb1: {  	_ =	task [dreg:s7], $0x5FFFF  }
0xb2: {  	[dreg:$0x1] =	wrdreg $0xFFFFFFFF  }
0xb3: {  	[dreg:$0x0] =	wrdreg $0x60  }
0xb4: {  	[dreg:$0x2] =	wrdreg s24  }
0xb5: {  	[dreg:$0x3] =	wrdreg s16  }
0xb6: {  	[dreg:$0x4] =	wrdreg $0x45800  }
0xb7: {  	[dreg:$0x5] =	wrdreg $0x9  }
0xb8: {  	_ =	task.clear_ibuf [dreg:s7], $0x6FFFF;
	_ =	strace $0x9000004F  }
0xb9: {  	s29 =	simm.s32 $0x9;
	_ =	strace $0x80000051  }
0xba: {  	_ =	swait.ge [sflag:s29], $0x1  }
0xbb: {  	[sflag:s29] =	ssyncadd.s32 $0xFFFFFFFF  }
0xbc: {  	_ =	strace $0x90000051  }
0xbd: {  	_ =	sfence  }
0xbe: {  	s30 =	sld [smem:$0x0];
	_ =	sdelay $0x2  }
0xbf: {  	s31 =	sshll.u32 s1, $0xD;
	s1 =	sshrl.u32 s1, $0x2  }
0xc0: {  	s3 =	sand.u32 $0x4000, s31;
	s1 =	sadd.s32 s1, s30  }
0xc1: {  	s0 =	sor.u32 s3, s0;
	s1 =	sshll.u32 s1, $0x11  }
0xc2: {  	s0 =	sor.u32 s1, s0  }
0xc3: {  	s0 =	sadd.s32 $0x8F2B, s0  }
0xc4: {  	[sflag:s0] =	ssyncadd.remote.s32 $0x1  }
0xc5: {  	_ =	sfence.sel $0xFFFF  }
0xc6: {  	[dreg:$0x0] =	wrdreg $0xFFFFFFFF;
	(pc) =	sbr.abs _section_cstart, $3  }
0xc7: {  	[dreg:$0x1] =	wrdreg $0xFFFFFFFF  }
0xc8: {  	_ =	task.clear_ibuf [dreg:s7], $0x2FFFF;
	_ =	strace $0x9FFFFFFF  }
0xc9: {  	(tm) =	ssettm $0x7FFFFFFF  }
tec
execute0_lowered:
.L_overlay_start_1:
0x0: {  	(tag) =	ssettag $0x1  }
0x1: {  	s0 =	rddreg [dreg:$0x0]  }
0x2: {  	s3 =	rddreg [dreg:$0x1]  }
0x3: {  	s1 =	rddreg [dreg:$0x2];
	s4 =	srdreg.scid  }
0x4: {  	s2 =	simm.s32 $0x0;
	s17 =	stileid.u32;
	s28 =	simm.s32 $0x200  }
0x5: {  	s29 =	simm.s32 $0x280;
	s30 =	simm.s32 $0x4300;
	s31 =	simm.s32 $0x0  }
0x6: {  	s6 =	sand.u32 $0x1, s4;
	[smem:$0x7FF] =	sst s2;
	s14 =	sadd.s32 $0xD400, s0  }
0x7: {  	s13 =	sadd.s32 $0x3D400, s0;
	s4 =	sadd.s32 $0x3DA00, s0;
	s5 =	sadd.s32 $0x3E800, s0  }
0x8: {  	s8 =	sshll.u32 s17, $0x9;
	s7 =	smul.u32 $0x4F00, s6;
	_ =	strace $0x80000050  }
0x9: {  	s9 =	sshll.u32 s6, $0xD;
	s10 =	ssub.s32 $0x2, s6;
	s6 =	sshll.u32 s6, $0x4  }
0xa: {  	s9 =	sor.u32 s8, s9;
	s11 =	sshrl.u32 s10, $0x1;
	s12 =	sor.u32 s17, s6  }
0xb: {  	s6 =	sadd.s32 s8, s1;
	s17 =	smul.u32 $0x4F0, s17;
	s15 =	sadd.s32 s7, s0  }
0xc: {  	s9 =	sshrl.u32 s9, $0x3;
	s16 =	ssub.s32 s10, s11;
	s18 =	smul.u32 $0x180, s12  }
0xd: {  	s19 =	smul.u32 $0x1800, s12;
	s0 =	sadd.s32 s9, s0;
	s20 =	smax.u32 s16, $0x1  }
0xe: {  	s26 =	sadd.s32 s7, s3;
	s0 =	sadd.s32 $0x3E000, s0;
	[dreg:$0x5] =	wrdreg s20  }
0xf: {  	s21 =	sshrl.u32 s18, $0x3;
	s22 =	sadd.s32 $0x80, s18;
	s10 =	sadd.s32 s14, s19  }
0x10: {  	s16 =	sadd.s32 $0x100, s18;
	s18 =	sadd.s32 s17, s15;
	s17 =	sadd.s32 s17, s26  }
0x11: {  	s19 =	simm.s32 $0x4380;
	s20 =	simm.s32 $0x3;
	s26 =	simm.s32 $0x2  }
0x12: {  	[dreg:$0x4] =	wrdreg s0;
	s9 =	sadd.s32 s13, s21;
	s23 =	sshrl.u32 s22, $0x3  }
0x13: {  	s12 =	sshll.u32 s22, $0x4;
	s24 =	sshrl.u32 s16, $0x3;
	s25 =	sshll.u32 s16, $0x4  }
0x14: {  	s15 =	sadd.s32 $0x67C00, s18;
	s16 =	sadd.s32 $0x5DE00, s18;
	s18 =	sadd.s32 $0x3600, s18  }
0x15: {  	s21 =	simm.s32 $0x80;
	s22 =	simm.s32 $0x300;
	s11 =	sadd.s32 s13, s23  }
0x16: {  	s12 =	sadd.s32 s14, s12;
	s13 =	sadd.s32 s13, s24;
	s14 =	sadd.s32 s14, s25  }
0x17: {  	v0 =	vimm.f32 $1.000000000e+00;
	v1 =	vimm.f32 $0.0e+00;
	s23 =	simm.s32 $0x1;
	s24 =	simm.s32 $0x100;
	s25 =	simm.s32 $0x180  }
.LBB2_1:
0x18: {  	[tilespmem:$0x4300] =	vst v0  }
0x19: {  	[tilespmem:$0x4310] =	vst v0  }
0x1a: {  	[tilespmem:$0x4320] =	vst v0  }
0x1b: {  	[tilespmem:$0x4330] =	vst v0  }
0x1c: {  	[tilespmem:$0x4340] =	vst v0  }
0x1d: {  	[tilespmem:$0x4350] =	vst v0  }
0x1e: {  	[tilespmem:$0x4360] =	vst v0  }
0x1f: {  	[tilespmem:$0x4370] =	vst v0  }
0x20: {  	[tilespmem:$0x4380] =	vst v1  }
0x21: {  	[tilespmem:$0x4390] =	vst v1  }
0x22: {  	[tilespmem:$0x43A0] =	vst v1  }
0x23: {  	[tilespmem:$0x43B0] =	vst v1  }
0x24: {  	[tilespmem:$0x43C0] =	vst v1  }
0x25: {  	[tilespmem:$0x43D0] =	vst v1  }
0x26: {  	[tilespmem:$0x43E0] =	vst v1  }
0x27: {  	[tilespmem:$0x43F0] =	vst v1  }
0x28: {  	[tilespmem:$0x4400] =	vst v1  }
0x29: {  	[tilespmem:$0x4410] =	vst v1  }
0x2a: {  	[tilespmem:$0x4420] =	vst v1  }
0x2b: {  	[tilespmem:$0x4430] =	vst v1  }
0x2c: {  	[tilespmem:$0x4440] =	vst v1  }
0x2d: {  	[tilespmem:$0x4450] =	vst v1  }
0x2e: {  	[tilespmem:$0x4460] =	vst v1  }
0x2f: {  	[tilespmem:$0x4470] =	vst v1  }
0x30: {  	[tilespmem:$0x4480] =	vst v1  }
0x31: {  	[tilespmem:$0x4490] =	vst v1  }
0x32: {  	[tilespmem:$0x44A0] =	vst v1  }
0x33: {  	[tilespmem:$0x44B0] =	vst v1  }
0x34: {  	[tilespmem:$0x44C0] =	vst v1  }
0x35: {  	[tilespmem:$0x44D0] =	vst v1  }
0x36: {  	[tilespmem:$0x44E0] =	vst v1  }
0x37: {  	[tilespmem:$0x44F0] =	vst v1  }
0x38: {  	[tilespmem:$0x4500] =	vst v1  }
0x39: {  	[tilespmem:$0x4510] =	vst v1  }
0x3a: {  	[tilespmem:$0x4520] =	vst v1  }
0x3b: {  	[tilespmem:$0x4530] =	vst v1  }
0x3c: {  	[tilespmem:$0x4540] =	vst v1  }
0x3d: {  	[tilespmem:$0x4550] =	vst v1  }
0x3e: {  	[tilespmem:$0x4560] =	vst v1  }
0x3f: {  	[tilespmem:$0x4570] =	vst v1  }
0x40: {  	[spmem:s6] =	stream.linear.scatter [tilespmem:s19], [sflag:$0x3], $0x200, $0x38;
	[tilespmem:$0x4780] =	vst v63  }
0x41: {  	_ =	swait.ge [sflag:s20], $0x200  }
0x42: {  	[sflag:s20] =	ssyncset.done $0x0  }
0x43: {  	[sflag:s20] =	ssyncadd.s32 $0xFFFFFE00  }
0x44: {  	[bflag:$0x0] =	sbarrier.arrive $0xFFFF  }
0x45: {  	[tilespmem:s21], [sflag:$0x3] =	stream.linear.gather [hbm4b:s9+s2], $0x80, $0x38;
	[tilespmem:$0x4780] =	vst v63  }
0x46: {  	_ =	swait.ge [sflag:s20], $0x80  }
0x47: {  	[sflag:s20] =	ssyncset.done $0x0  }
0x48: {  	[sflag:s20] =	ssyncadd.s32 $0xFFFFFF80  }
0x49: {  	[tilespmem:s22], [sflag:$0x3] =	stream.linear.gather [hbm4b:s10+s2], $0x4000, $0x38;
	[tilespmem:$0x4780] =	vst v63  }
0x4a: {  	_ =	swait.ge [sflag:s20], $0x4000  }
0x4b: {  	[sflag:s20] =	ssyncset.done $0x0  }
0x4c: {  	[sflag:s20] =	ssyncadd.s32 $0xFFFFC000  }
0x4d: {  	[hbm4b:s5+s21] =	stream.indirect.scatter [tilespmem:s22], [sflag:$0x1], $0x80, s21, s21, $0xb8;
	[tilespmem:$0x4780] =	vst v63  }
0x4e: {  	_ =	swait.ge [sflag:s23], $0x4000  }
0x4f: {  	[sflag:s23] =	ssyncset.done $0x0  }
0x50: {  	[sflag:s23] =	ssyncadd.s32 $0xFFFFC000  }
0x51: {  	[tilespmem:s21], [sflag:$0x3] =	stream.linear.gather [hbm4b:s11+s2], $0x80, $0x38;
	[tilespmem:$0x4780] =	vst v63  }
0x52: {  	_ =	swait.ge [sflag:s20], $0x80  }
0x53: {  	[sflag:s20] =	ssyncset.done $0x0  }
0x54: {  	[sflag:s20] =	ssyncadd.s32 $0xFFFFFF80  }
0x55: {  	[tilespmem:s22], [sflag:$0x3] =	stream.linear.gather [hbm4b:s12+s2], $0x4000, $0x38;
	[tilespmem:$0x4780] =	vst v63  }
0x56: {  	_ =	swait.ge [sflag:s20], $0x4000  }
0x57: {  	[sflag:s20] =	ssyncset.done $0x0  }
0x58: {  	[sflag:s20] =	ssyncadd.s32 $0xFFFFC000  }
0x59: {  	[hbm4b:s5+s21] =	stream.indirect.scatter [tilespmem:s22], [sflag:$0x1], $0x80, s21, s21, $0xb8;
	[tilespmem:$0x4780] =	vst v63  }
0x5a: {  	_ =	swait.ge [sflag:s23], $0x4000  }
0x5b: {  	[sflag:s23] =	ssyncset.done $0x0  }
0x5c: {  	[sflag:s23] =	ssyncadd.s32 $0xFFFFC000  }
0x5d: {  	[tilespmem:s21], [sflag:$0x3] =	stream.linear.gather [hbm4b:s13+s2], $0x80, $0x38;
	[tilespmem:$0x4780] =	vst v63  }
0x5e: {  	_ =	swait.ge [sflag:s20], $0x80  }
0x5f: {  	[sflag:s20] =	ssyncset.done $0x0  }
0x60: {  	[sflag:s20] =	ssyncadd.s32 $0xFFFFFF80  }
0x61: {  	[tilespmem:s22], [sflag:$0x3] =	stream.linear.gather [hbm4b:s14+s2], $0x4000, $0x38;
	[tilespmem:$0x4780] =	vst v63  }
0x62: {  	_ =	swait.ge [sflag:s20], $0x4000  }
0x63: {  	[sflag:s20] =	ssyncset.done $0x0  }
0x64: {  	[sflag:s20] =	ssyncadd.s32 $0xFFFFC000  }
0x65: {  	[hbm4b:s5+s21] =	stream.indirect.scatter [tilespmem:s22], [sflag:$0x1], $0x80, s21, s21, $0xb8;
	[tilespmem:$0x4780] =	vst v63  }
0x66: {  	_ =	swait.ge [sflag:s23], $0x4000  }
0x67: {  	[sflag:s23] =	ssyncset.done $0x0  }
0x68: {  	s0 =	sadd.s32 $0x0, s18;
	[sflag:s23] =	ssyncadd.s32 $0xFFFFC000  }
0x69: {  	[tilespmem:s2], [sflag:$0x3] =	stream.linear.gather [hbm4b:s0+s2], $0x80, $0x38;
	[tilespmem:$0x4780] =	vst v63  }
0x6a: {  	_ =	swait.ge [sflag:s20], $0x80  }
0x6b: {  	[sflag:s20] =	ssyncset.done $0x0  }
0x6c: {  	s8 =	sadd.s32 $0x0, s17;
	[sflag:s20] =	ssyncadd.s32 $0xFFFFFF80  }
0x6d: {  	[tilespmem:s21], [sflag:$0x3] =	stream.linear.gather [hbm4b:s8+s2], $0x80, $0x38;
	[tilespmem:$0x4780] =	vst v63  }
0x6e: {  	_ =	swait.ge [sflag:s20], $0x80  }
0x6f: {  	[sflag:s20] =	ssyncset.done $0x0  }
0x70: {  	[sflag:s20] =	ssyncadd.s32 $0xFFFFFF80  }
0x71: {  	[tilespmem:s24], [sflag:$0x1] =	stream.indirect.gather [hbm4b:s4+s21], $0x1, s2, s21, $0xb8;
	[tilespmem:$0x4780] =	vst v63  }
0x72: {  	_ =	swait.ge [sflag:s23], $0x80  }
0x73: {  	[sflag:s23] =	ssyncset.done $0x0  }
0x74: {  	[sflag:s23] =	ssyncadd.s32 $0xFFFFFF80  }
0x75: {  	[tilespmem:s25], [sflag:$0x2] =	stream.indirect.gather [hbm4b:s4+s21], $0x1, s21, s21, $0xb8;
	[tilespmem:$0x4780] =	vst v63  }
0x76: {  	_ =	swait.ge [sflag:s26], $0x80  }
0x77: {  	[sflag:s26] =	ssyncset.done $0x0  }
0x78: {  	[sflag:s26] =	ssyncadd.s32 $0xFFFFFF80  }
0x79: {  	v4 =	vld [tilespmem:$0x1B0]  }
0x7a: {  	v2 =	vld [tilespmem:$0x130]  }
0x7b: {  	v3 =	vld [tilespmem:$0x160]  }
0x7c: {  	v5 =	vld [tilespmem:$0x1C0]  }
0x7d: {  	s3 =	simm.s32 $0x10;
	s0 =	simm.s32 $0x0;
	v6 =	vld [tilespmem:$0x140]  }
.LBB2_2:
0x7e: {  	p0 =	sne.s32 s3, $0x4E0;
	v7 =	vld [tilespmem:$0x100];
	s7 =	smov.u32 s3;
	s3 =	sadd.s32 $0x10, s3  }
0x7f: {  	v8 =	vld [tilespmem:$0x180]  }
0x80: {  	v9 =	vld [tilespmem:$0x1F0]  }
0x81: {  	v10 =	vld [tilespmem:$0x170]  }
0x82: {  	v11 =	vld [tilespmem:$0x1E0]  }
0x83: {  	v13 =	vor.u32 v6, v5;
	v12 =	vld [tilespmem:$0x190]  }
0x84: {  	vm0 =	vgt.s32 v13, $0xFFFFFFFF;
	v14 =	vld [tilespmem:$0x110]  }
0x85: {  	v13 =	vor.u32 v7, v8;
	v6 =	vnsel vm0, $0x0, v6;
	v5 =	vnsel vm0, $0x1F40, v5;
	v15 =	vld [tilespmem:$0x150]  }
0x86: {  	vm0 =	vgt.s32 v13, $0xFFFFFFFF;
	[tilespmem:$0x2C0] =	vst v5;
	v5 =	vld [tilespmem:$0x1D0];
	v13 =	vor.u32 v10, v9  }
0x87: {  	v7 =	vnsel vm0, $0x0, v7;
	v8 =	vnsel vm0, $0x1F40, v8;
	v16 =	vld [tilespmem:$0x120];
	[tilespmem:$0x240] =	vst v6;
	vm0 =	vgt.s32 v13, $0xFFFFFFFF  }
0x88: {  	[tilespmem:$0x280] =	vst v8;
	v6 =	vnsel vm0, $0x0, v10;
	v8 =	vnsel vm0, $0x1F40, v9  }
0x89: {  	v13 =	vor.u32 v2, v4;
	v9 =	vor.u32 v14, v12;
	v10 =	vld [tilespmem:$0x1A0];
	[tilespmem:$0x270] =	vst v6  }
0x8a: {  	vm1 =	vgt.s32 v13, $0xFFFFFFFF;
	v6 =	vor.u32 v3, v11;
	vm0 =	vgt.s32 v9, $0xFFFFFFFF;
	[tilespmem:$0x2F0] =	vst v8  }
0x8b: {  	v2 =	vnsel vm1, $0x0, v2;
	v4 =	vnsel vm1, $0x1F40, v4;
	[tilespmem:$0x200] =	vst v7;
	v7 =	vor.u32 v15, v5  }
0x8c: {  	vm2 =	vgt.s32 v6, $0xFFFFFFFF;
	v8 =	vnsel vm0, $0x0, v14;
	[tilespmem:$0x2B0] =	vst v4;
	vm1 =	vgt.s32 v7, $0xFFFFFFFF  }
0x8d: {  	v3 =	vnsel vm2, $0x0, v3;
	[tilespmem:$0x210] =	vst v8;
	v4 =	vnsel vm1, $0x0, v15;
	v5 =	vnsel vm1, $0x1F40, v5  }
0x8e: {  	v6 =	vnsel vm0, $0x1F40, v12;
	v7 =	vor.u32 v16, v10;
	[tilespmem:$0x260] =	vst v3;
	v3 =	vnsel vm2, $0x1F40, v11  }
0x8f: {  	[tilespmem:$0x290] =	vst v6;
	vm0 =	vgt.s32 v7, $0xFFFFFFFF  }
0x90: {  	v6 =	vnsel vm0, $0x0, v16;
	v7 =	vnsel vm0, $0x1F40, v10;
	[tilespmem:$0x2E0] =	vst v3  }
0x91: {  	[tilespmem:$0x2A0] =	vst v7  }
0x92: {  	[tilespmem:$0x220] =	vst v6  }
0x93: {  	[tilespmem:$0x2D0] =	vst v5  }
0x94: {  	[tilespmem:$0x230] =	vst v2  }
0x95: {  	s8 =	sadd.s32 s0, s16;
	[tilespmem:$0x250] =	vst v4  }
0x96: {  	[hbm4b:s8+s2] =	stream.linear.scatter [tilespmem:s28], [sflag:$0x3], $0x80, $0x38;
	[tilespmem:$0x4780] =	vst v63  }
0x97: {  	_ =	swait.ge [sflag:s20], $0x80  }
0x98: {  	[sflag:s20] =	ssyncset.done $0x0  }
0x99: {  	s8 =	sadd.s32 s0, s15;
	s0 =	smov.u32 s7;
	[sflag:s20] =	ssyncadd.s32 $0xFFFFFF80  }
0x9a: {  	[hbm4b:s8+s2] =	stream.linear.scatter [tilespmem:s29], [sflag:$0x3], $0x80, $0x38;
	[tilespmem:$0x4780] =	vst v63  }
0x9b: {  	_ =	swait.ge [sflag:s20], $0x80  }
0x9c: {  	[sflag:s20] =	ssyncset.done $0x0  }
0x9d: {  	[sflag:s20] =	ssyncadd.s32 $0xFFFFFF80  }
0x9e: {  	[spmem:s1] =	stream.indirect.scatter.add.f32 [tilespmem:s30], [sflag:$0x3], $0x1, s29, s21, $0xb8;
	[tilespmem:$0x4780] =	vst v63  }
0x9f: {  	_ =	swait.ge [sflag:s20], $0x80  }
0xa0: {  	[sflag:s20] =	ssyncset.done $0x0  }
0xa1: {  	s7 =	sadd.s32 s0, s18;
	[sflag:s20] =	ssyncadd.s32 $0xFFFFFF80  }
0xa2: {  	[tilespmem:s2], [sflag:$0x3] =	stream.linear.gather [hbm4b:s7+s2], $0x80, $0x38;
	[tilespmem:$0x4780] =	vst v63  }
0xa3: {  	_ =	swait.ge [sflag:s20], $0x80  }
0xa4: {  	[sflag:s20] =	ssyncset.done $0x0  }
0xa5: {  	s7 =	sadd.s32 s0, s17;
	[sflag:s20] =	ssyncadd.s32 $0xFFFFFF80  }
0xa6: {  	[tilespmem:s21], [sflag:$0x3] =	stream.linear.gather [hbm4b:s7+s2], $0x80, $0x38;
	[tilespmem:$0x4780] =	vst v63  }
0xa7: {  	_ =	swait.ge [sflag:s20], $0x80  }
0xa8: {  	[sflag:s20] =	ssyncset.done $0x0  }
0xa9: {  	[sflag:s20] =	ssyncadd.s32 $0xFFFFFF80  }
0xaa: {  	[tilespmem:s24], [sflag:$0x1] =	stream.indirect.gather [hbm4b:s4+s21], $0x1, s2, s21, $0xb8;
	[tilespmem:$0x4780] =	vst v63  }
0xab: {  	_ =	swait.ge [sflag:s23], $0x80  }
0xac: {  	[sflag:s23] =	ssyncset.done $0x0  }
0xad: {  	[sflag:s23] =	ssyncadd.s32 $0xFFFFFF80  }
0xae: {  	[tilespmem:s25], [sflag:$0x2] =	stream.indirect.gather [hbm4b:s4+s21], $0x1, s21, s21, $0xb8;
	[tilespmem:$0x4780] =	vst v63  }
0xaf: {  	_ =	swait.ge [sflag:s26], $0x80  }
0xb0: {  	[sflag:s26] =	ssyncset.done $0x0  }
0xb1: {  	[sflag:s26] =	ssyncadd.s32 $0xFFFFFF80  }
.Ltmp0:
0xb2: {  	v4 =	vld [tilespmem:$0x1B0];
	(pc) =	sbr.rel @p0 .LBB2_2-.Ltmp0, $4  }
0xb3: {  	v2 =	vld [tilespmem:$0x130]  }
0xb4: {  	v3 =	vld [tilespmem:$0x160]  }
0xb5: {  	v5 =	vld [tilespmem:$0x1C0]  }
0xb6: {  	v6 =	vld [tilespmem:$0x140]  }
0xb7: {  	v7 =	vld [tilespmem:$0x100]  }
0xb8: {  	v8 =	vld [tilespmem:$0x180]  }
0xb9: {  	v9 =	vld [tilespmem:$0x1F0]  }
0xba: {  	v10 =	vld [tilespmem:$0x170];
	v54 =	vor.u32 v2, v4  }
0xbb: {  	vm12 =	vgt.s32 v54, $0xFFFFFFFF  }
0xbc: {  	v12 =	vld [tilespmem:$0x190];
	v59 =	vnsel vm12, $0x1F40, v4;
	v11 =	vor.u32 v6, v5  }
0xbd: {  	v46 =	vld [tilespmem:$0x110];
	v2 =	vnsel vm12, $0x0, v2;
	[tilespmem:$0x2B0] =	vst v59;
	vm0 =	vgt.s32 v11, $0xFFFFFFFF  }
0xbe: {  	v14 =	vld [tilespmem:$0x1E0];
	[tilespmem:$0x230] =	vst v2;
	v13 =	vor.u32 v7, v8;
	v47 =	vnsel vm0, $0x1F40, v5  }
0xbf: {  	v55 =	vld [tilespmem:$0x150];
	v49 =	vor.u32 v10, v9;
	v48 =	vnsel vm0, $0x0, v6;
	vm11 =	vgt.s32 v13, $0xFFFFFFFF;
	[tilespmem:$0x2C0] =	vst v47  }
0xc0: {  	v57 =	vld [tilespmem:$0x1D0];
	vm1 =	vgt.s32 v49, $0xFFFFFFFF;
	v8 =	vnsel vm11, $0x1F40, v8;
	[tilespmem:$0x240] =	vst v48  }
0xc1: {  	v50 =	vld [tilespmem:$0x120];
	v51 =	vnsel vm1, $0x0, v10;
	[tilespmem:$0x280] =	vst v8  }
0xc2: {  	v53 =	vld [tilespmem:$0x1A0];
	v56 =	vor.u32 v46, v12;
	v52 =	vnsel vm1, $0x1F40, v9;
	[tilespmem:$0x270] =	vst v51  }
0xc3: {  	v58 =	vor.u32 v3, v14;
	vm13 =	vgt.s32 v56, $0xFFFFFFFF;
	v7 =	vnsel vm11, $0x0, v7;
	[tilespmem:$0x2F0] =	vst v52  }
0xc4: {  	vm2 =	vgt.s32 v58, $0xFFFFFFFF;
	v60 =	vnsel vm13, $0x0, v46;
	[tilespmem:$0x200] =	vst v7  }
0xc5: {  	v63 =	vor.u32 v55, v57;
	v3 =	vnsel vm2, $0x0, v3;
	[tilespmem:$0x210] =	vst v60  }
0xc6: {  	vm15 =	vgt.s32 v63, $0xFFFFFFFF;
	v61 =	vnsel vm13, $0x1F40, v12;
	[tilespmem:$0x260] =	vst v3  }
0xc7: {  	v62 =	vor.u32 v50, v53;
	v4 =	vnsel vm15, $0x1F40, v57;
	[tilespmem:$0x290] =	vst v61  }
0xc8: {  	vm14 =	vgt.s32 v62, $0xFFFFFFFF;
	v3 =	vnsel vm2, $0x1F40, v14;
	[tilespmem:$0x2D0] =	vst v4  }
0xc9: {  	v7 =	vnsel vm14, $0x1F40, v53;
	[tilespmem:$0x2E0] =	vst v3  }
0xca: {  	v3 =	vnsel vm14, $0x0, v50;
	[tilespmem:$0x2A0] =	vst v7  }
0xcb: {  	[tilespmem:$0x220] =	vst v3;
	v3 =	vnsel vm15, $0x0, v55  }
0xcc: {  	s3 =	sadd.s32 s0, s16;
	[tilespmem:$0x250] =	vst v3  }
0xcd: {  	[hbm4b:s3+s2] =	stream.linear.scatter [tilespmem:s28], [sflag:$0x3], $0x80, $0x38;
	[tilespmem:$0x4780] =	vst v63  }
0xce: {  	_ =	swait.ge [sflag:s20], $0x80  }
0xcf: {  	[sflag:s20] =	ssyncset.done $0x0  }
0xd0: {  	s3 =	sadd.s32 s0, s15;
	[sflag:s20] =	ssyncadd.s32 $0xFFFFFF80  }
0xd1: {  	[hbm4b:s3+s2] =	stream.linear.scatter [tilespmem:s29], [sflag:$0x3], $0x80, $0x38;
	[tilespmem:$0x4780] =	vst v63  }
0xd2: {  	_ =	swait.ge [sflag:s20], $0x80  }
0xd3: {  	[sflag:s20] =	ssyncset.done $0x0  }
0xd4: {  	[sflag:s20] =	ssyncadd.s32 $0xFFFFFF80  }
0xd5: {  	[spmem:s1] =	stream.indirect.scatter.add.f32 [tilespmem:s30], [sflag:$0x3], $0x1, s29, s21, $0xb8;
	[tilespmem:$0x4780] =	vst v63  }
0xd6: {  	_ =	swait.ge [sflag:s20], $0x80  }
0xd7: {  	[sflag:s20] =	ssyncset.done $0x0  }
0xd8: {  	[sflag:s20] =	ssyncadd.s32 $0xFFFFFF80  }
0xd9: {  	[bflag:$0x0] =	sbarrier.arrive $0xFFFF  }
0xda: {  	[tilespmem:s19], [sflag:$0x3] =	stream.linear.gather [spmem:s6], $0x200, $0x38;
	[tilespmem:$0x4780] =	vst v63  }
0xdb: {  	_ =	swait.ge [sflag:s20], $0x200  }
0xdc: {  	[sflag:s20] =	ssyncset.done $0x0  }
0xdd: {  	s7 =	rddreg [dreg:$0x4];
	[sflag:s20] =	ssyncadd.s32 $0xFFFFFE00  }
0xde: {  	[hbm4b:s7+s2] =	stream.linear.scatter [tilespmem:s19], [sflag:$0x3], $0x200, $0x38;
	[tilespmem:$0x4780] =	vst v63  }
0xdf: {  	_ =	swait.ge [sflag:s20], $0x200  }
0xe0: {  	s31 =	sadd.s32 $0x1, s31;
	s8 =	rddreg [dreg:$0x5]  }
0xe1: {  	p0 =	sne.s32 s31, s8  }
.Ltmp1:
0xe2: {  	_ = 	snop;
	(pc) =	sbr.rel @p0 .LBB2_1-.Ltmp1, $3  }
0xe3: {  	_ =	sdelay $0x1  }
0xe4: {  	[sflag:s20] =	ssyncset.done $0x0  }
0xe5: {  	[sflag:s20] =	ssyncadd.s32 $0xFFFFFE00  }
0xe6: {  	_ =	sfence.sel $0x180000  }
0xe7: {  	[bflag:$0x0] =	sbarrier.arrive $0xFFFF  }
0xe8: {  	_ =	strace $0x90000050  }
0xe9: {  	s0 =	stileid.u32;
	[bflag:$0x2] =	sbarrier.arrive $0xFFFF  }
0xea: {  	p0 =	sne.s32 s0, $0x0;
	s0 =	rddreg [dreg:$0x3]  }
0xeb: {  	s0 =	sadd.s32 @!p0 $0x100000, s0  }
0xec: {  	[sflag:s0] =	ssyncadd.tile.s32 @!p0 $0x1;
	_ =	shalt  }
.Lfunc_end2:
_tile_overlayer_lowered:
.L_overlay_start_2:
0xed: {  	(tag) =	ssettag $0x2  }
0xee: {  	s0 =	rddreg [dreg:$0x0];
	s2 =	stileid.u32  }
0xef: {  	s1 =	rddreg [dreg:$0x1];
	p0 =	sne.s32 s2, $0x0  }
0xf0: {  	s3 =	rddreg [dreg:$0x2];
	[bflag:$0x3] =	sbarrier.arrive $0xFFFF;
	s2 =	simm.s32 @!p0 $0x1C03  }
0xf1: {  	[timem:s3], [sflag:s2] =	dma.local @!p0 [hbm:s0], s1  }
0xf2: {  	s0 =	simm.s32 @!p0 $0x3  }
0xf3: {  	_ =	swait.ge @!p0 [sflag:s0], s1  }
0xf4: {  	s1 =	ssub.s32 @!p0 $0x0, s1;
	[sflag:s0] =	ssyncset.done @!p0 $0x0  }
0xf5: {  	[sflag:s0] =	ssyncadd.s32 @!p0 s1  }
0xf6: {  	[bflag:$0x3] =	sbarrier.arrive $0xFFFF  }
0xf7: {  	_ =	shalt  }

// kernel: kernel.28.cloned.1.call-start
scs
__scs_entry_jumppad:
0x0: {  	(pc) =	sbr.rel $0x88, $3  }
0x1: {  	(tag) =	ssettag $0x0;
	lr =	simm.s32 $0x1  }
0x2: {  	[smem:$0x3F91] =	sst lr;
	_ =	strace $0xD0000000  }
0x3: {  	_ = 	snop  }
0x4: {  	_ = 	snop  }
0x5: {  	_ = 	snop  }
0x6: {  	_ = 	snop  }
0x7: {  	_ = 	snop  }
__scs_overlays_trampoline_lowered:
0x8: {  	[smem:$0x3FA0] =	sst s0  }
0x9: {  	[smem:$0x3FA1] =	sst s1  }
0xa: {  	[smem:$0x3FA2] =	sst s2  }
0xb: {  	[smem:$0x3FA3] =	sst s3  }
0xc: {  	[smem:$0x3FA4] =	sst s4  }
0xd: {  	[smem:$0x3FA5] =	sst s5  }
0xe: {  	[smem:$0x3FA6] =	sst s6  }
0xf: {  	[smem:$0x3FA7] =	sst s7  }
0x10: {  	[smem:$0x3FA8] =	sst s8  }
0x11: {  	[smem:$0x3FA9] =	sst s9;
	s0 =	simm.s32 @!p0 $0x0  }
0x12: {  	s1 =	sld [smem:$0x3F8F];
	s0 =	simm.s32 @p0 $0x1  }
0x13: {  	[smem:$0x3FAA] =	sst s0;
	s0 =	simm.s32 @!p1 $0x0  }
0x14: {  	s2 =	sld [smem:$0x3F8E];
	s0 =	simm.s32 @p1 $0x1  }
0x15: {  	[smem:$0x3FAB] =	sst s0;
	s0 =	simm.s32 @!p2 $0x0  }
0x16: {  	s3 =	sld [smem:$0x3FDB];
	s0 =	simm.s32 @p2 $0x1  }
0x17: {  	s4 =	simm.s32 $0x1BF5;
	[smem:$0x3FAD] =	sst s0  }
0x18: {  	s0 =	sld [smem:$0x3F90];
	_ =	swait.ge [sflag:s4], $0x0  }
0x19: {  	s7 =	sld [smem:$0x3F91]  }
0x1a: {  	s8 =	sadd.s32 $0xFFFFE003, lr  }
0x1b: {  	s9 =	sadd.s32 $0xFFFFFEF7, lr;
	s5 =	simm.s32 $0xFFFFFFFF;
	p2 =	slt.u32 s8, $0xFFFFF086  }
0x1c: {  	p1 =	slt.u32 s9, $0xF7A;
	s5 =	simm.s32 @!p2 $0x0  }
0x1d: {  	s5 =	simm.s32 @p1 $0x1;
	p0 =	seq.s32 s7, s2  }
0x1e: {  	s7 =	smul.u32 @!p0 $0xF7A, s2;
	p2 =	seq.s32 @!p0 s5, $0x0  }
0x1f: {  	s9 =	smul.u32 $0xF7A, s1;
	s8 =	simm.s32 @!p0 $0x1BF5;
	p2 =	por !p2, p0  }
0x20: {  	[sflag:s8] =	ssyncset.s32 @!p0 $0xFFFFF086;
	s6 =	sadd.s32 @!p0 s3, s7;
	s7 =	simm.s32 @!p0 $0x108  }
0x21: {  	s3 =	sadd.s32 s3, s9;
	s6 =	sadd.s32 @!p0 $0x88, s6;
	s7 =	simm.s32 @p2 $0x1082  }
0x22: {  	[simem:s7], [sflag:s8] =	dma.local @!p0 [hbm:s6], $0xF7A  }
0x23: {  	s9 =	sor.u32 $0xD0000000, s2;
	s6 =	simm.s32 $0x108;
	_ =	swait.ge @!p0 [sflag:s8], $0x0  }
0x24: {  	s3 =	sadd.s32 $0x88, s3;
	s6 =	simm.s32 @!p1 $0x1082;
	[sflag:s4] =	ssyncset.s32 $0xFFFFF086  }
0x25: {  	[simem:s6], [sflag:s4] =	dma.local [hbm:s3], $0xF7A  }
0x26: {  	[smem:$0x3F91] =	sst s1;
	(tag) =	ssettag s2;
	_ =	strace s9  }
0x27: {  	s1 =	sld [smem:$0x3FA1]  }
0x28: {  	s2 =	sld [smem:$0x3FA2]  }
0x29: {  	s4 =	sld [smem:$0x3FA4]  }
0x2a: {  	p0 =	seq.s32 s5, $0x0;
	s5 =	sld [smem:$0x3FA5]  }
0x2b: {  	s6 =	sld [smem:$0x3FA6]  }
0x2c: {  	s7 =	sld [smem:$0x3FA7]  }
0x2d: {  	s3 =	simm.s32 $0x108;
	s8 =	sld [smem:$0x3FA8]  }
0x2e: {  	s3 =	simm.s32 @!p0 $0x1082;
	s9 =	sld [smem:$0x3FA9]  }
0x2f: {  	lr =	sadd.s32 s0, s3;
	s0 =	sld [smem:$0x3FA0]  }
0x30: {  	s3 =	sld [smem:$0x3FA3]  }
0x31: {  	[smem:$0x3FAC] =	sst s10  }
0x32: {  	s10 =	sld [smem:$0x3FAA];
	_ =	sdelay $0x3  }
0x33: {  	p0 =	seq.s32 s10, $0x1;
	s10 =	sld [smem:$0x3FAC];
	_ =	sdelay $0x3  }
0x34: {  	[smem:$0x3FAC] =	sst s10  }
0x35: {  	s10 =	sld [smem:$0x3FAB];
	_ =	sdelay $0x3  }
0x36: {  	p1 =	seq.s32 s10, $0x1;
	s10 =	sld [smem:$0x3FAC];
	_ =	sdelay $0x3  }
0x37: {  	[smem:$0x3FAC] =	sst s10  }
0x38: {  	s10 =	sld [smem:$0x3FAD]  }
0x39: {  	_ = 	snop;
	(pc) =	sbr.ind lr, $3  }
0x3a: {  	_ = 	snop  }
0x3b: {  	_ = 	snop  }
0x3c: {  	p2 =	seq.s32 s10, $0x1;
	s10 =	sld [smem:$0x3FAC]  }
0x3d: {  	_ =	shalt  }
0x3e: {  	_ =	shalt  }
0x3f: {  	_ =	shalt  }
0x40: {  	_ =	shalt  }
0x41: {  	_ =	shalt  }
0x42: {  	_ =	shalt  }
0x43: {  	_ =	shalt  }
0x44: {  	_ =	shalt  }
0x45: {  	_ =	shalt  }
0x46: {  	_ =	shalt  }
0x47: {  	_ =	shalt  }
0x48: {  	_ =	shalt  }
0x49: {  	_ =	shalt  }
0x4a: {  	_ =	shalt  }
0x4b: {  	_ =	shalt  }
0x4c: {  	_ =	shalt  }
0x4d: {  	_ =	shalt  }
0x4e: {  	_ =	shalt  }
0x4f: {  	_ =	shalt  }
0x50: {  	_ =	shalt  }
0x51: {  	_ =	shalt  }
0x52: {  	_ =	shalt  }
0x53: {  	_ =	shalt  }
0x54: {  	_ =	shalt  }
0x55: {  	_ =	shalt  }
0x56: {  	_ =	shalt  }
0x57: {  	_ =	shalt  }
0x58: {  	_ =	shalt  }
0x59: {  	_ =	shalt  }
0x5a: {  	_ =	shalt  }
0x5b: {  	_ =	shalt  }
0x5c: {  	_ =	shalt  }
0x5d: {  	_ =	shalt  }
0x5e: {  	_ =	shalt  }
0x5f: {  	_ =	shalt  }
0x60: {  	_ =	shalt  }
0x61: {  	_ =	shalt  }
0x62: {  	_ =	shalt  }
0x63: {  	_ =	shalt  }
0x64: {  	_ =	shalt  }
0x65: {  	_ =	shalt  }
0x66: {  	_ =	shalt  }
0x67: {  	_ =	shalt  }
0x68: {  	_ =	shalt  }
0x69: {  	_ =	shalt  }
0x6a: {  	_ =	shalt  }
0x6b: {  	_ =	shalt  }
0x6c: {  	_ =	shalt  }
0x6d: {  	_ =	shalt  }
0x6e: {  	_ =	shalt  }
0x6f: {  	_ =	shalt  }
0x70: {  	_ =	shalt  }
0x71: {  	_ =	shalt  }
0x72: {  	_ =	shalt  }
0x73: {  	_ =	shalt  }
0x74: {  	_ =	shalt  }
0x75: {  	_ =	shalt  }
0x76: {  	_ =	shalt  }
0x77: {  	_ =	shalt  }
0x78: {  	_ =	shalt  }
0x79: {  	_ =	shalt  }
0x7a: {  	_ =	shalt  }
0x7b: {  	_ =	shalt  }
0x7c: {  	_ =	shalt  }
0x7d: {  	_ =	shalt  }
0x7e: {  	_ =	shalt  }
0x7f: {  	_ =	shalt  }
0x80: {  	_ =	shalt  }
0x81: {  	_ =	shalt  }
0x82: {  	_ =	shalt  }
0x83: {  	_ =	shalt  }
0x84: {  	_ =	shalt  }
0x85: {  	_ =	shalt  }
0x86: {  	_ =	shalt  }
0x87: {  	_ =	shalt  }
.Lfunc_end0:
.L_simem_size_0:
called_computation.4_lowered:
.L_overlay_start_0:
0x88: {  	s2 =	sld [smem:$0x3FD9]  }
0x89: {  	s3 =	sld [smem:$0x3FFE];
	_ =	sdelay $0x1  }
0x8a: {  	s1 =	srdreg.scid  }
0x8b: {  	s0 =	sand.u32 $0x1, s1  }
0x8c: {  	s16 =	sshll.u32 s0, $0xA;
	s2 =	sadd.s32 s3, s2  }
0x8d: {  	s2 =	sadd.s32 s2, s16  }
0x8e: {  	[smem:$0x3FB8] =	sst s2  }
0x8f: {  	_ = 	snop  }
0x90: {  	(tm) =	ssettm $0x1  }
0x91: {  	s17 =	sld [smem:$0x3FFB];
	_ =	sdelay $0x3  }
0x92: {  	_ =	strace s17  }
0x93: {  	s2 =	sld [smem:$0x3FFC];
	_ =	sdelay $0x3  }
0x94: {  	_ =	strace s2  }
0x95: {  	s2 =	sld [smem:$0x3FFD];
	_ =	sdelay $0x3  }
0x96: {  	_ =	strace s2  }
0x97: {  	_ =	strace $0x8FFFFFFF  }
0x98: {  	s18 =	sld [smem:$0x3FDB];
	_ =	sdelay $0x1  }
0x99: {  	s19 =	simm.s32 $_scs_section_size  }
0x9a: {  	s4 =	simm.s32 $_size__tile_overlayer_lowered;
	s5 =	simm.s32 $_tile_overlayer_lowered  }
0x9b: {  	s22 =	simm.s32 $0x1BFF;
	s21 =	sshll.u32 s5, $0x1;
	s2 =	sadd.s32 s19, s18  }
0x9c: {  	s6 =	simm.s32 $0x0;
	s20 =	sshll.u32 s4, $0x1;
	s4 =	sadd.s32 s21, s2  }
0x9d: {  	[timem:s6], [sflag:s22] =	dma.local [hbm:s4], s20  }
0x9e: {  	_ =	swait.ge [sflag:s22], s20  }
0x9f: {  	s3 =	ssub.s32 $0x0, s20;
	[sflag:s22] =	ssyncset.done $0x0  }
0xa0: {  	[sflag:s22] =	ssyncadd.s32 s3;
	_ =	sdelay $0x1  }
0xa1: {  	s23 =	simm.s32 $0x1B8B  }
0xa2: {  	_ =	swait.ge [sflag:s23], $0x1  }
0xa3: {  	[sflag:s23] =	ssyncset.done $0x0  }
0xa4: {  	s25 =	simm.s32 $0x1B8E;
	s24 =	sld [smem:$0x3FFE];
	[sflag:s23] =	ssyncadd.s32 $0xFFFFFFFF  }
0xa5: {  	s26 =	simm.s32 $execute0_lowered;
	[smem:$0x3FD2] =	sst s25  }
0xa6: {  	s4 =	sshll.u32 s26, $0x1;
	_ =	strace $0x80000052;
	[dreg:$0x1] =	wrdreg $0xFFFFFFFF  }
0xa7: {  	s28 =	simm.s32 $_size_execute0_lowered;
	s2 =	sadd.s32 s2, s4;
	[dreg:$0x0] =	wrdreg $0x0  }
0xa8: {  	s4 =	sshll.u32 s28, $0x1;
	[dreg:$0x2] =	wrdreg s2  }
0xa9: {  	[dreg:$0x3] =	wrdreg s4  }
0xaa: {  	[dreg:$0x4] =	wrdreg $0xC0  }
0xab: {  	_ =	task [dreg:s6], $0x5FFFF  }
0xac: {  	[dreg:$0x1] =	wrdreg $0xFFFFFFFF  }
0xad: {  	[dreg:$0x0] =	wrdreg $0x60  }
0xae: {  	[dreg:$0x2] =	wrdreg s24  }
0xaf: {  	[dreg:$0x3] =	wrdreg $0x41000  }
0xb0: {  	[dreg:$0x4] =	wrdreg $0x9  }
0xb1: {  	_ =	task.clear_ibuf [dreg:s6], $0x5FFFF;
	_ =	strace $0x90000052  }
0xb2: {  	s29 =	simm.s32 $0x9;
	_ =	strace $0x80000054  }
0xb3: {  	_ =	swait.ge [sflag:s29], $0x1  }
0xb4: {  	[sflag:s29] =	ssyncadd.s32 $0xFFFFFFFF  }
0xb5: {  	_ =	strace $0x90000054  }
0xb6: {  	_ =	sfence  }
0xb7: {  	s30 =	sld [smem:$0x0];
	_ =	sdelay $0x2  }
0xb8: {  	s31 =	sshll.u32 s1, $0xD;
	s1 =	sshrl.u32 s1, $0x2  }
0xb9: {  	s3 =	sand.u32 $0x4000, s31;
	s1 =	sadd.s32 s1, s30  }
0xba: {  	s0 =	sor.u32 s3, s0;
	s1 =	sshll.u32 s1, $0x11  }
0xbb: {  	s0 =	sor.u32 s1, s0  }
0xbc: {  	s0 =	sadd.s32 $0x8F2B, s0  }
0xbd: {  	[sflag:s0] =	ssyncadd.remote.s32 $0x1  }
0xbe: {  	_ =	sfence.sel $0xFFFF  }
0xbf: {  	[dreg:$0x0] =	wrdreg $0xFFFFFFFF;
	(pc) =	sbr.abs _section_cstart, $3  }
0xc0: {  	[dreg:$0x1] =	wrdreg $0xFFFFFFFF  }
0xc1: {  	_ =	task.clear_ibuf [dreg:s6], $0x2FFFF;
	_ =	strace $0x9FFFFFFF  }
0xc2: {  	(tm) =	ssettm $0x7FFFFFFF  }
0xc3: {  	_ =	shalt  }
tec
execute0_lowered:
.L_overlay_start_1:
0x0: {  	(tag) =	ssettag $0x1  }
0x1: {  	s6 =	rddreg [dreg:$0x0]  }
0x2: {  	s1 =	rddreg [dreg:$0x1];
	s3 =	srdreg.scid  }
0x3: {  	s0 =	rddreg [dreg:$0x2];
	s2 =	simm.s32 $0x0;
	s16 =	simm.s32 $0x80  }
0x4: {  	s17 =	simm.s32 $0x100;
	s18 =	simm.s32 $0x1;
	s19 =	simm.s32 $0x0  }
0x5: {  	s7 =	sand.u32 $0x1, s3;
	[smem:$0x7FF] =	sst s2;
	s4 =	sadd.s32 $0x3400, s6  }
0x6: {  	s5 =	sadd.s32 $0x2C00, s6;
	s3 =	smul.u32 $0x4F00, s7;
	s10 =	ssub.s32 $0x2, s7  }
0x7: {  	_ =	strace $0x80000053;
	s7 =	sshll.u32 s7, $0x11;
	s30 =	sshrl.u32 s10, $0x1  }
0x8: {  	s8 =	sadd.s32 s3, s6;
	s3 =	stileid.u32;
	s10 =	ssub.s32 s10, s30  }
0x9: {  	s9 =	sshll.u32 s3, $0xD;
	s11 =	sshll.u32 s3, $0x10;
	s31 =	sshll.u32 s3, $0x6  }
0xa: {  	s12 =	smul.u32 $0x4F0, s3;
	s9 =	sadd.s32 s9, s6;
	s11 =	sadd.s32 s11, s1  }
0xb: {  	s6 =	sor.u32 $0x1C02, s31;
	s13 =	sadd.s32 $0x4000, s11;
	s14 =	sadd.s32 $0x8000, s11  }
0xc: {  	s7 =	sadd.s32 s7, s9;
	s15 =	sadd.s32 $0xC000, s11;
	s12 =	sadd.s32 s12, s8  }
0xd: {  	s8 =	smax.u32 s10, $0x1;
	s11 =	sshrl.u32 s11, $0x3;
	s7 =	sadd.s32 $0x71A00, s7  }
0xe: {  	s9 =	sadd.s32 $0x67C00, s12;
	s10 =	sadd.s32 $0x5DE00, s12;
	s12 =	simm.s32 $0x2  }
0xf: {  	s13 =	sshrl.u32 s13, $0x3;
	s14 =	sshrl.u32 s14, $0x3;
	s15 =	sshrl.u32 s15, $0x3  }
.LBB2_1:
0x10: {  	[spmem:s11], [sflag:s6] =	dma.local [hbm:s5], $0x800  }
0x11: {  	_ =	swait.ge [sflag:s12], $0x800  }
0x12: {  	[sflag:s12] =	ssyncset.done $0x0  }
0x13: {  	[sflag:s12] =	ssyncadd.s32 $0xFFFFF800  }
0x14: {  	[spmem:s13], [sflag:s6] =	dma.local [hbm:s5], $0x800  }
0x15: {  	_ =	swait.ge [sflag:s12], $0x800  }
0x16: {  	[sflag:s12] =	ssyncset.done $0x0  }
0x17: {  	[sflag:s12] =	ssyncadd.s32 $0xFFFFF800  }
0x18: {  	[spmem:s14], [sflag:s6] =	dma.local [hbm:s5], $0x800  }
0x19: {  	_ =	swait.ge [sflag:s12], $0x800  }
0x1a: {  	[sflag:s12] =	ssyncset.done $0x0  }
0x1b: {  	[sflag:s12] =	ssyncadd.s32 $0xFFFFF800  }
0x1c: {  	[spmem:s15], [sflag:s6] =	dma.local [hbm:s5], $0x800  }
0x1d: {  	_ =	swait.ge [sflag:s12], $0x800  }
0x1e: {  	[sflag:s12] =	ssyncset.done $0x0  }
0x1f: {  	[sflag:s12] =	ssyncadd.s32 $0xFFFFF800  }
0x20: {  	s20 =	sadd.s32 $0x0, s10;
	[bflag:$0x0] =	sbarrier.arrive $0xFFFF  }
0x21: {  	[tilespmem:s2], [sflag:$0x2] =	stream.linear.gather [hbm4b:s20+s2], $0x80, $0x38;
	[tilespmem:$0x14100] =	vst v63  }
0x22: {  	_ =	swait.ge [sflag:s12], $0x80  }
0x23: {  	[sflag:s12] =	ssyncset.done $0x0  }
0x24: {  	s31 =	sadd.s32 $0x0, s9;
	[sflag:s12] =	ssyncadd.s32 $0xFFFFFF80  }
0x25: {  	[tilespmem:s16], [sflag:$0x2] =	stream.linear.gather [hbm4b:s31+s2], $0x80, $0x38;
	[tilespmem:$0x14100] =	vst v63  }
0x26: {  	_ =	swait.ge [sflag:s12], $0x80  }
0x27: {  	[sflag:s12] =	ssyncset.done $0x0  }
0x28: {  	[sflag:s12] =	ssyncadd.s32 $0xFFFFFF80  }
0x29: {  	[tilespmem:s17], [sflag:$0x1] =	stream.indirect.gather [hbm4b:s4+s16], $0x80, s2, s16, $0xb8;
	[tilespmem:$0x14100] =	vst v63  }
0x2a: {  	_ =	swait.ge [sflag:s18], $0x4000  }
0x2b: {  	[sflag:s18] =	ssyncset.done $0x0  }
0x2c: {  	[sflag:s18] =	ssyncadd.s32 $0xFFFFC000  }
0x2d: {  	[spmem:s1] =	stream.indirect.scatter.add.f32 [tilespmem:s17], [sflag:$0x2], $0x80, s16, s16, $0xb8;
	[tilespmem:$0x14100] =	vst v63  }
0x2e: {  	_ =	swait.ge [sflag:s12], $0x4000  }
0x2f: {  	s21 =	simm.s32 $0x20;
	s20 =	simm.s32 $0x10;
	[sflag:s12] =	ssyncset.done $0x0  }
.LBB2_2:
0x30: {  	s22 =	sadd.s32 s20, s10  }
0x31: {  	[sflag:s12] =	ssyncadd.s32 $0xFFFFC000;
	s23 =	smov.u32 s21;
	s24 =	sadd.s32 $0x10, s21  }
0x32: {  	[tilespmem:s2], [sflag:$0x2] =	stream.linear.gather [hbm4b:s22+s2], $0x80, $0x38;
	[tilespmem:$0x14100] =	vst v63  }
0x33: {  	p0 =	sne.s32 s21, $0x4E0;
	_ =	swait.ge [sflag:s12], $0x80  }
0x34: {  	[sflag:s12] =	ssyncset.done $0x0  }
0x35: {  	s21 =	sadd.s32 s20, s9;
	s20 =	smov.u32 s23;
	[sflag:s12] =	ssyncadd.s32 $0xFFFFFF80  }
0x36: {  	[tilespmem:s16], [sflag:$0x2] =	stream.linear.gather [hbm4b:s21+s2], $0x80, $0x38;
	[tilespmem:$0x14100] =	vst v63  }
0x37: {  	_ =	swait.ge [sflag:s12], $0x80  }
0x38: {  	[sflag:s12] =	ssyncset.done $0x0  }
0x39: {  	[sflag:s12] =	ssyncadd.s32 $0xFFFFFF80  }
0x3a: {  	[tilespmem:s17], [sflag:$0x1] =	stream.indirect.gather [hbm4b:s4+s16], $0x80, s2, s16, $0xb8;
	[tilespmem:$0x14100] =	vst v63  }
0x3b: {  	_ =	swait.ge [sflag:s18], $0x4000  }
.Ltmp0:
0x3c: {  	[sflag:s18] =	ssyncset.done $0x0;
	(pc) =	sbr.rel @p0 .LBB2_2-.Ltmp0, $4  }
0x3d: {  	[sflag:s18] =	ssyncadd.s32 $0xFFFFC000  }
0x3e: {  	[spmem:s1] =	stream.indirect.scatter.add.f32 [tilespmem:s17], [sflag:$0x2], $0x80, s16, s16, $0xb8;
	[tilespmem:$0x14100] =	vst v63  }
0x3f: {  	_ =	swait.ge [sflag:s12], $0x4000  }
0x40: {  	s21 =	smov.u32 s24;
	[sflag:s12] =	ssyncset.done $0x0  }
0x41: {  	s21 =	sadd.s32 s20, s10;
	[sflag:s12] =	ssyncadd.s32 $0xFFFFC000  }
0x42: {  	[tilespmem:s2], [sflag:$0x2] =	stream.linear.gather [hbm4b:s21+s2], $0x80, $0x38;
	[tilespmem:$0x14100] =	vst v63  }
0x43: {  	_ =	swait.ge [sflag:s12], $0x80  }
0x44: {  	[sflag:s12] =	ssyncset.done $0x0  }
0x45: {  	s31 =	sadd.s32 s20, s9;
	[sflag:s12] =	ssyncadd.s32 $0xFFFFFF80  }
0x46: {  	[tilespmem:s16], [sflag:$0x2] =	stream.linear.gather [hbm4b:s31+s2], $0x80, $0x38;
	[tilespmem:$0x14100] =	vst v63  }
0x47: {  	_ =	swait.ge [sflag:s12], $0x80  }
0x48: {  	[sflag:s12] =	ssyncset.done $0x0  }
0x49: {  	[sflag:s12] =	ssyncadd.s32 $0xFFFFFF80  }
0x4a: {  	[tilespmem:s17], [sflag:$0x1] =	stream.indirect.gather [hbm4b:s4+s16], $0x80, s2, s16, $0xb8;
	[tilespmem:$0x14100] =	vst v63  }
0x4b: {  	_ =	swait.ge [sflag:s18], $0x4000  }
0x4c: {  	[sflag:s18] =	ssyncset.done $0x0  }
0x4d: {  	[sflag:s18] =	ssyncadd.s32 $0xFFFFC000  }
0x4e: {  	[spmem:s1] =	stream.indirect.scatter.add.f32 [tilespmem:s17], [sflag:$0x2], $0x80, s16, s16, $0xb8;
	[tilespmem:$0x14100] =	vst v63  }
0x4f: {  	_ =	swait.ge [sflag:s12], $0x4000  }
0x50: {  	s19 =	sadd.s32 $0x1, s19;
	[sflag:s12] =	ssyncset.done $0x0  }
0x51: {  	p0 =	sne.s32 s19, s8;
	[sflag:s12] =	ssyncadd.s32 $0xFFFFC000  }
.Ltmp1:
0x52: {  	[bflag:$0x0] =	sbarrier.arrive $0xFFFF;
	(pc) =	sbr.rel @p0 .LBB2_1-.Ltmp1, $4  }
0x53: {  	[hbm:s7], [sflag:s6] =	dma.local [spmem:s11], $0x2000  }
0x54: {  	_ =	swait.ge [sflag:s12], $0x2000  }
0x55: {  	[sflag:s12] =	ssyncset.done $0x0  }
0x56: {  	[sflag:s12] =	ssyncadd.s32 $0xFFFFE000  }
0x57: {  	_ =	sfence.sel $0x180000  }
0x58: {  	[bflag:$0x0] =	sbarrier.arrive $0xFFFF  }
0x59: {  	p0 =	sne.s32 s3, $0x0;
	_ =	strace $0x90000053  }
0x5a: {  	s0 =	sadd.s32 @!p0 $0x100000, s0;
	[bflag:$0x2] =	sbarrier.arrive $0xFFFF  }
0x5b: {  	[sflag:s0] =	ssyncadd.tile.s32 @!p0 $0x1;
	_ =	shalt  }
.Lfunc_end2:
_tile_overlayer_lowered:
.L_overlay_start_2:
0x5c: {  	(tag) =	ssettag $0x2  }
0x5d: {  	s0 =	rddreg [dreg:$0x0];
	s2 =	stileid.u32  }
0x5e: {  	s1 =	rddreg [dreg:$0x1];
	p0 =	sne.s32 s2, $0x0  }
0x5f: {  	s3 =	rddreg [dreg:$0x2];
	[bflag:$0x3] =	sbarrier.arrive $0xFFFF;
	s2 =	simm.s32 @!p0 $0x1C02  }
0x60: {  	[timem:s3], [sflag:s2] =	dma.local @!p0 [hbm:s0], s1  }
0x61: {  	s0 =	simm.s32 @!p0 $0x2  }
0x62: {  	_ =	swait.ge @!p0 [sflag:s0], s1  }
0x63: {  	s1 =	ssub.s32 @!p0 $0x0, s1;
	[sflag:s0] =	ssyncset.done @!p0 $0x0  }
0x64: {  	[sflag:s0] =	ssyncadd.s32 @!p0 s1  }
0x65: {  	[bflag:$0x3] =	sbarrier.arrive $0xFFFF  }
0x66: {  	_ =	shalt  }

// kernel: kernel.31.cloned.1.call-start
scs
__scs_entry_jumppad:
0x0: {  	(pc) =	sbr.rel $0x88, $3  }
0x1: {  	(tag) =	ssettag $0x0;
	lr =	simm.s32 $0x1  }
0x2: {  	[smem:$0x3F91] =	sst lr;
	_ =	strace $0xD0000000  }
0x3: {  	_ = 	snop  }
0x4: {  	_ = 	snop  }
0x5: {  	_ = 	snop  }
0x6: {  	_ = 	snop  }
0x7: {  	_ = 	snop  }
__scs_overlays_trampoline_lowered:
0x8: {  	[smem:$0x3FA0] =	sst s0  }
0x9: {  	[smem:$0x3FA1] =	sst s1  }
0xa: {  	[smem:$0x3FA2] =	sst s2  }
0xb: {  	[smem:$0x3FA3] =	sst s3  }
0xc: {  	[smem:$0x3FA4] =	sst s4  }
0xd: {  	[smem:$0x3FA5] =	sst s5  }
0xe: {  	[smem:$0x3FA6] =	sst s6  }
0xf: {  	[smem:$0x3FA7] =	sst s7  }
0x10: {  	[smem:$0x3FA8] =	sst s8  }
0x11: {  	[smem:$0x3FA9] =	sst s9;
	s0 =	simm.s32 @!p0 $0x0  }
0x12: {  	s1 =	sld [smem:$0x3F8F];
	s0 =	simm.s32 @p0 $0x1  }
0x13: {  	[smem:$0x3FAA] =	sst s0;
	s0 =	simm.s32 @!p1 $0x0  }
0x14: {  	s2 =	sld [smem:$0x3F8E];
	s0 =	simm.s32 @p1 $0x1  }
0x15: {  	[smem:$0x3FAB] =	sst s0;
	s0 =	simm.s32 @!p2 $0x0  }
0x16: {  	s3 =	sld [smem:$0x3FDB];
	s0 =	simm.s32 @p2 $0x1  }
0x17: {  	s4 =	simm.s32 $0x1BF5;
	[smem:$0x3FAD] =	sst s0  }
0x18: {  	s0 =	sld [smem:$0x3F90];
	_ =	swait.ge [sflag:s4], $0x0  }
0x19: {  	s7 =	sld [smem:$0x3F91]  }
0x1a: {  	s8 =	sadd.s32 $0xFFFFE003, lr  }
0x1b: {  	s9 =	sadd.s32 $0xFFFFFEF7, lr;
	s5 =	simm.s32 $0xFFFFFFFF;
	p2 =	slt.u32 s8, $0xFFFFF086  }
0x1c: {  	p1 =	slt.u32 s9, $0xF7A;
	s5 =	simm.s32 @!p2 $0x0  }
0x1d: {  	s5 =	simm.s32 @p1 $0x1;
	p0 =	seq.s32 s7, s2  }
0x1e: {  	s7 =	smul.u32 @!p0 $0xF7A, s2;
	p2 =	seq.s32 @!p0 s5, $0x0  }
0x1f: {  	s9 =	smul.u32 $0xF7A, s1;
	s8 =	simm.s32 @!p0 $0x1BF5;
	p2 =	por !p2, p0  }
0x20: {  	[sflag:s8] =	ssyncset.s32 @!p0 $0xFFFFF086;
	s6 =	sadd.s32 @!p0 s3, s7;
	s7 =	simm.s32 @!p0 $0x108  }
0x21: {  	s3 =	sadd.s32 s3, s9;
	s6 =	sadd.s32 @!p0 $0x88, s6;
	s7 =	simm.s32 @p2 $0x1082  }
0x22: {  	[simem:s7], [sflag:s8] =	dma.local @!p0 [hbm:s6], $0xF7A  }
0x23: {  	s9 =	sor.u32 $0xD0000000, s2;
	s6 =	simm.s32 $0x108;
	_ =	swait.ge @!p0 [sflag:s8], $0x0  }
0x24: {  	s3 =	sadd.s32 $0x88, s3;
	s6 =	simm.s32 @!p1 $0x1082;
	[sflag:s4] =	ssyncset.s32 $0xFFFFF086  }
0x25: {  	[simem:s6], [sflag:s4] =	dma.local [hbm:s3], $0xF7A  }
0x26: {  	[smem:$0x3F91] =	sst s1;
	(tag) =	ssettag s2;
	_ =	strace s9  }
0x27: {  	s1 =	sld [smem:$0x3FA1]  }
0x28: {  	s2 =	sld [smem:$0x3FA2]  }
0x29: {  	s4 =	sld [smem:$0x3FA4]  }
0x2a: {  	p0 =	seq.s32 s5, $0x0;
	s5 =	sld [smem:$0x3FA5]  }
0x2b: {  	s6 =	sld [smem:$0x3FA6]  }
0x2c: {  	s7 =	sld [smem:$0x3FA7]  }
0x2d: {  	s3 =	simm.s32 $0x108;
	s8 =	sld [smem:$0x3FA8]  }
0x2e: {  	s3 =	simm.s32 @!p0 $0x1082;
	s9 =	sld [smem:$0x3FA9]  }
0x2f: {  	lr =	sadd.s32 s0, s3;
	s0 =	sld [smem:$0x3FA0]  }
0x30: {  	s3 =	sld [smem:$0x3FA3]  }
0x31: {  	[smem:$0x3FAC] =	sst s10  }
0x32: {  	s10 =	sld [smem:$0x3FAA];
	_ =	sdelay $0x3  }
0x33: {  	p0 =	seq.s32 s10, $0x1;
	s10 =	sld [smem:$0x3FAC];
	_ =	sdelay $0x3  }
0x34: {  	[smem:$0x3FAC] =	sst s10  }
0x35: {  	s10 =	sld [smem:$0x3FAB];
	_ =	sdelay $0x3  }
0x36: {  	p1 =	seq.s32 s10, $0x1;
	s10 =	sld [smem:$0x3FAC];
	_ =	sdelay $0x3  }
0x37: {  	[smem:$0x3FAC] =	sst s10  }
0x38: {  	s10 =	sld [smem:$0x3FAD]  }
0x39: {  	_ = 	snop;
	(pc) =	sbr.ind lr, $3  }
0x3a: {  	_ = 	snop  }
0x3b: {  	_ = 	snop  }
0x3c: {  	p2 =	seq.s32 s10, $0x1;
	s10 =	sld [smem:$0x3FAC]  }
0x3d: {  	_ =	shalt  }
0x3e: {  	_ =	shalt  }
0x3f: {  	_ =	shalt  }
0x40: {  	_ =	shalt  }
0x41: {  	_ =	shalt  }
0x42: {  	_ =	shalt  }
0x43: {  	_ =	shalt  }
0x44: {  	_ =	shalt  }
0x45: {  	_ =	shalt  }
0x46: {  	_ =	shalt  }
0x47: {  	_ =	shalt  }
0x48: {  	_ =	shalt  }
0x49: {  	_ =	shalt  }
0x4a: {  	_ =	shalt  }
0x4b: {  	_ =	shalt  }
0x4c: {  	_ =	shalt  }
0x4d: {  	_ =	shalt  }
0x4e: {  	_ =	shalt  }
0x4f: {  	_ =	shalt  }
0x50: {  	_ =	shalt  }
0x51: {  	_ =	shalt  }
0x52: {  	_ =	shalt  }
0x53: {  	_ =	shalt  }
0x54: {  	_ =	shalt  }
0x55: {  	_ =	shalt  }
0x56: {  	_ =	shalt  }
0x57: {  	_ =	shalt  }
0x58: {  	_ =	shalt  }
0x59: {  	_ =	shalt  }
0x5a: {  	_ =	shalt  }
0x5b: {  	_ =	shalt  }
0x5c: {  	_ =	shalt  }
0x5d: {  	_ =	shalt  }
0x5e: {  	_ =	shalt  }
0x5f: {  	_ =	shalt  }
0x60: {  	_ =	shalt  }
0x61: {  	_ =	shalt  }
0x62: {  	_ =	shalt  }
0x63: {  	_ =	shalt  }
0x64: {  	_ =	shalt  }
0x65: {  	_ =	shalt  }
0x66: {  	_ =	shalt  }
0x67: {  	_ =	shalt  }
0x68: {  	_ =	shalt  }
0x69: {  	_ =	shalt  }
0x6a: {  	_ =	shalt  }
0x6b: {  	_ =	shalt  }
0x6c: {  	_ =	shalt  }
0x6d: {  	_ =	shalt  }
0x6e: {  	_ =	shalt  }
0x6f: {  	_ =	shalt  }
0x70: {  	_ =	shalt  }
0x71: {  	_ =	shalt  }
0x72: {  	_ =	shalt  }
0x73: {  	_ =	shalt  }
0x74: {  	_ =	shalt  }
0x75: {  	_ =	shalt  }
0x76: {  	_ =	shalt  }
0x77: {  	_ =	shalt  }
0x78: {  	_ =	shalt  }
0x79: {  	_ =	shalt  }
0x7a: {  	_ =	shalt  }
0x7b: {  	_ =	shalt  }
0x7c: {  	_ =	shalt  }
0x7d: {  	_ =	shalt  }
0x7e: {  	_ =	shalt  }
0x7f: {  	_ =	shalt  }
0x80: {  	_ =	shalt  }
0x81: {  	_ =	shalt  }
0x82: {  	_ =	shalt  }
0x83: {  	_ =	shalt  }
0x84: {  	_ =	shalt  }
0x85: {  	_ =	shalt  }
0x86: {  	_ =	shalt  }
0x87: {  	_ =	shalt  }
.Lfunc_end0:
.L_simem_size_0:
called_computation.5_lowered:
.L_overlay_start_0:
0x88: {  	s2 =	sld [smem:$0x3FD9]  }
0x89: {  	s3 =	sld [smem:$0x3FFE];
	_ =	sdelay $0x1  }
0x8a: {  	s1 =	srdreg.scid  }
0x8b: {  	s0 =	sand.u32 $0x1, s1  }
0x8c: {  	s14 =	sshll.u32 s0, $0xA;
	s2 =	sadd.s32 s3, s2  }
0x8d: {  	s2 =	sadd.s32 s2, s14  }
0x8e: {  	[smem:$0x3FB8] =	sst s2  }
0x8f: {  	_ = 	snop  }
0x90: {  	s2 =	sld [smem:$0x3FD0];
	_ =	sdelay $0x2  }
0x91: {  	s15 =	simm.s32 $0xA;
	s4 =	simm.s32 $0x10  }
0x92: {  	[smem:s4], [sflag:s15] =	dma.local [hbm:s2], $0x1  }
0x93: {  	_ =	swait.eq [sflag:s15], $0x1  }
0x94: {  	[sflag:s15] =	ssyncset.done $0x0  }
0x95: {  	[sflag:s15] =	ssyncadd.s32 $0xFFFFFFFF  }
0x96: {  	s16 =	sld [smem:$0x10];
	(tm) =	ssettm $0x1  }
0x97: {  	s17 =	sld [smem:$0x3FFB];
	_ =	sdelay $0x3  }
0x98: {  	_ =	strace s17  }
0x99: {  	s3 =	sld [smem:$0x3FFC];
	_ =	sdelay $0x3  }
0x9a: {  	_ =	strace s3  }
0x9b: {  	s3 =	sld [smem:$0x3FFD];
	_ =	sdelay $0x3  }
0x9c: {  	_ =	strace s3  }
0x9d: {  	_ =	strace $0x8FFFFFFF  }
0x9e: {  	s18 =	sld [smem:$0x3FDB];
	_ =	sdelay $0x1  }
0x9f: {  	s19 =	simm.s32 $_scs_section_size  }
0xa0: {  	s5 =	simm.s32 $_size__tile_overlayer_lowered;
	s6 =	simm.s32 $_tile_overlayer_lowered  }
0xa1: {  	s22 =	simm.s32 $0x1BFF;
	s21 =	sshll.u32 s6, $0x1;
	s3 =	sadd.s32 s19, s18  }
0xa2: {  	s7 =	simm.s32 $0x0;
	s20 =	sshll.u32 s5, $0x1;
	s5 =	sadd.s32 s21, s3  }
0xa3: {  	[timem:s7], [sflag:s22] =	dma.local [hbm:s5], s20  }
0xa4: {  	_ =	swait.ge [sflag:s22], s20  }
0xa5: {  	s4 =	ssub.s32 $0x0, s20;
	[sflag:s22] =	ssyncset.done $0x0  }
0xa6: {  	[sflag:s22] =	ssyncadd.s32 s4;
	_ =	sdelay $0x1  }
0xa7: {  	s23 =	simm.s32 $0x1B8B  }
0xa8: {  	_ =	swait.ge [sflag:s23], $0x1  }
0xa9: {  	[sflag:s23] =	ssyncset.done $0x0  }
0xaa: {  	s25 =	simm.s32 $0x1B8E;
	s24 =	sld [smem:$0x3FFE];
	[sflag:s23] =	ssyncadd.s32 $0xFFFFFFFF  }
0xab: {  	s26 =	simm.s32 $execute0_lowered;
	[smem:$0x3FD2] =	sst s25  }
0xac: {  	s5 =	sshll.u32 s26, $0x1;
	_ =	strace $0x80000055;
	[dreg:$0x1] =	wrdreg $0xFFFFFFFF  }
0xad: {  	s28 =	simm.s32 $_size_execute0_lowered;
	s3 =	sadd.s32 s3, s5;
	[dreg:$0x0] =	wrdreg $0x0  }
0xae: {  	s5 =	sshll.u32 s28, $0x1;
	[dreg:$0x2] =	wrdreg s3  }
0xaf: {  	[dreg:$0x3] =	wrdreg s5  }
0xb0: {  	[dreg:$0x4] =	wrdreg $0xC0  }
0xb1: {  	_ =	task [dreg:s7], $0x5FFFF  }
0xb2: {  	[dreg:$0x1] =	wrdreg $0xFFFFFFFF  }
0xb3: {  	[dreg:$0x0] =	wrdreg $0x60  }
0xb4: {  	[dreg:$0x2] =	wrdreg s24  }
0xb5: {  	[dreg:$0x3] =	wrdreg s16  }
0xb6: {  	[dreg:$0x4] =	wrdreg $0x3800  }
0xb7: {  	[dreg:$0x5] =	wrdreg $0x9  }
0xb8: {  	_ =	task.clear_ibuf [dreg:s7], $0x6FFFF;
	_ =	strace $0x90000055  }
0xb9: {  	s29 =	simm.s32 $0x9;
	_ =	strace $0x80000057  }
0xba: {  	_ =	swait.ge [sflag:s29], $0x1  }
0xbb: {  	[sflag:s29] =	ssyncadd.s32 $0xFFFFFFFF  }
0xbc: {  	_ =	strace $0x90000057  }
0xbd: {  	_ =	sfence  }
0xbe: {  	s30 =	sld [smem:$0x0];
	_ =	sdelay $0x2  }
0xbf: {  	s31 =	sshll.u32 s1, $0xD;
	s1 =	sshrl.u32 s1, $0x2  }
0xc0: {  	s3 =	sand.u32 $0x4000, s31;
	s1 =	sadd.s32 s1, s30  }
0xc1: {  	s0 =	sor.u32 s3, s0;
	s1 =	sshll.u32 s1, $0x11  }
0xc2: {  	s0 =	sor.u32 s1, s0  }
0xc3: {  	s0 =	sadd.s32 $0x8F2B, s0  }
0xc4: {  	[sflag:s0] =	ssyncadd.remote.s32 $0x1  }
0xc5: {  	_ =	sfence.sel $0xFFFF  }
0xc6: {  	[dreg:$0x0] =	wrdreg $0xFFFFFFFF;
	(pc) =	sbr.abs _section_cstart, $3  }
0xc7: {  	[dreg:$0x1] =	wrdreg $0xFFFFFFFF  }
0xc8: {  	_ =	task.clear_ibuf [dreg:s7], $0x2FFFF;
	_ =	strace $0x9FFFFFFF  }
0xc9: {  	(tm) =	ssettm $0x7FFFFFFF  }
tec
execute0_lowered:
.L_overlay_start_1:
0x0: {  	(tag) =	ssettag $0x1  }
0x1: {  	s5 =	rddreg [dreg:$0x0]  }
0x2: {  	s6 =	rddreg [dreg:$0x1]  }
0x3: {  	s1 =	rddreg [dreg:$0x2]  }
0x4: {  	s0 =	rddreg [dreg:$0x3];
	s2 =	simm.s32 $0x0;
	s3 =	srdreg.scid  }
0x5: {  	s13 =	simm.s32 $0x100;
	s14 =	simm.s32 $0x1;
	s15 =	simm.s32 $0x0  }
0x6: {  	[smem:$0x7FF] =	sst s2;
	s7 =	sand.u32 $0x1, s3;
	s4 =	sadd.s32 $0x22000, s5  }
0x7: {  	s3 =	stileid.u32;
	_ =	strace $0x80000056;
	s8 =	smul.u32 $0x4F00, s7  }
0x8: {  	s9 =	ssub.s32 $0x2, s7;
	s10 =	sshll.u32 s3, $0x9;
	s7 =	sshll.u32 s7, $0xD  }
0x9: {  	s12 =	smul.u32 $0x4F0, s3;
	s11 =	sshrl.u32 s9, $0x1;
	s7 =	sor.u32 s10, s7  }
0xa: {  	s8 =	sadd.s32 s8, s5;
	s9 =	ssub.s32 s9, s11;
	s7 =	sshrl.u32 s7, $0x3  }
0xb: {  	s5 =	sadd.s32 s10, s1;
	s10 =	simm.s32 $0x180;
	s11 =	simm.s32 $0x2  }
0xc: {  	s6 =	sadd.s32 s6, s7;
	s31 =	sadd.s32 s12, s8;
	s7 =	smax.u32 s9, $0x1  }
0xd: {  	v0 =	vimm.f32 $0.0e+00;
	s12 =	simm.s32 $0x80;
	s8 =	sadd.s32 $0x67C00, s31;
	s9 =	sadd.s32 $0x5DE00, s31  }
.LBB2_1:
0xe: {  	[tilespmem:$0x180] =	vst v0  }
0xf: {  	[tilespmem:$0x190] =	vst v0  }
0x10: {  	[tilespmem:$0x1A0] =	vst v0  }
0x11: {  	[tilespmem:$0x1B0] =	vst v0  }
0x12: {  	[tilespmem:$0x1C0] =	vst v0  }
0x13: {  	[tilespmem:$0x1D0] =	vst v0  }
0x14: {  	[tilespmem:$0x1E0] =	vst v0  }
0x15: {  	[tilespmem:$0x1F0] =	vst v0  }
0x16: {  	[tilespmem:$0x200] =	vst v0  }
0x17: {  	[tilespmem:$0x210] =	vst v0  }
0x18: {  	[tilespmem:$0x220] =	vst v0  }
0x19: {  	[tilespmem:$0x230] =	vst v0  }
0x1a: {  	[tilespmem:$0x240] =	vst v0  }
0x1b: {  	[tilespmem:$0x250] =	vst v0  }
0x1c: {  	[tilespmem:$0x260] =	vst v0  }
0x1d: {  	[tilespmem:$0x270] =	vst v0  }
0x1e: {  	[tilespmem:$0x280] =	vst v0  }
0x1f: {  	[tilespmem:$0x290] =	vst v0  }
0x20: {  	[tilespmem:$0x2A0] =	vst v0  }
0x21: {  	[tilespmem:$0x2B0] =	vst v0  }
0x22: {  	[tilespmem:$0x2C0] =	vst v0  }
0x23: {  	[tilespmem:$0x2D0] =	vst v0  }
0x24: {  	[tilespmem:$0x2E0] =	vst v0  }
0x25: {  	[tilespmem:$0x2F0] =	vst v0  }
0x26: {  	[tilespmem:$0x300] =	vst v0  }
0x27: {  	[tilespmem:$0x310] =	vst v0  }
0x28: {  	[tilespmem:$0x320] =	vst v0  }
0x29: {  	[tilespmem:$0x330] =	vst v0  }
0x2a: {  	[tilespmem:$0x340] =	vst v0  }
0x2b: {  	[tilespmem:$0x350] =	vst v0  }
0x2c: {  	[tilespmem:$0x360] =	vst v0  }
0x2d: {  	[tilespmem:$0x370] =	vst v0  }
0x2e: {  	[spmem:s5] =	stream.linear.scatter [tilespmem:s10], [sflag:$0x2], $0x200, $0x38;
	[tilespmem:$0x580] =	vst v63  }
0x2f: {  	_ =	swait.ge [sflag:s11], $0x200  }
0x30: {  	[sflag:s11] =	ssyncset.done $0x0  }
0x31: {  	[sflag:s11] =	ssyncadd.s32 $0xFFFFFE00  }
0x32: {  	s16 =	sadd.s32 $0x0, s9;
	[bflag:$0x0] =	sbarrier.arrive $0xFFFF  }
0x33: {  	[tilespmem:s2], [sflag:$0x2] =	stream.linear.gather [hbm4b:s16+s2], $0x80, $0x38;
	[tilespmem:$0x580] =	vst v63  }
0x34: {  	_ =	swait.ge [sflag:s11], $0x80  }
0x35: {  	[sflag:s11] =	ssyncset.done $0x0  }
0x36: {  	s31 =	sadd.s32 $0x0, s8;
	[sflag:s11] =	ssyncadd.s32 $0xFFFFFF80  }
0x37: {  	[tilespmem:s12], [sflag:$0x2] =	stream.linear.gather [hbm4b:s31+s2], $0x80, $0x38;
	[tilespmem:$0x580] =	vst v63  }
0x38: {  	_ =	swait.ge [sflag:s11], $0x80  }
0x39: {  	[sflag:s11] =	ssyncset.done $0x0  }
0x3a: {  	[sflag:s11] =	ssyncadd.s32 $0xFFFFFF80  }
0x3b: {  	[tilespmem:s13], [sflag:$0x1] =	stream.indirect.gather [hbm4b:s4+s12], $0x1, s2, s12, $0xb8;
	[tilespmem:$0x580] =	vst v63  }
0x3c: {  	_ =	swait.ge [sflag:s14], $0x80  }
0x3d: {  	[sflag:s14] =	ssyncset.done $0x0  }
0x3e: {  	[sflag:s14] =	ssyncadd.s32 $0xFFFFFF80  }
0x3f: {  	[spmem:s1] =	stream.indirect.scatter.add.f32 [tilespmem:s13], [sflag:$0x2], $0x1, s12, s12, $0xb8;
	[tilespmem:$0x580] =	vst v63  }
0x40: {  	_ =	swait.ge [sflag:s11], $0x80  }
0x41: {  	s17 =	simm.s32 $0x20;
	s16 =	simm.s32 $0x10;
	[sflag:s11] =	ssyncset.done $0x0  }
.LBB2_2:
0x42: {  	s18 =	sadd.s32 s16, s9  }
0x43: {  	[sflag:s11] =	ssyncadd.s32 $0xFFFFFF80;
	s19 =	smov.u32 s17;
	s20 =	sadd.s32 $0x10, s17  }
0x44: {  	[tilespmem:s2], [sflag:$0x2] =	stream.linear.gather [hbm4b:s18+s2], $0x80, $0x38;
	[tilespmem:$0x580] =	vst v63  }
0x45: {  	p0 =	sne.s32 s17, $0x4E0;
	_ =	swait.ge [sflag:s11], $0x80  }
0x46: {  	[sflag:s11] =	ssyncset.done $0x0  }
0x47: {  	s17 =	sadd.s32 s16, s8;
	s16 =	smov.u32 s19;
	[sflag:s11] =	ssyncadd.s32 $0xFFFFFF80  }
0x48: {  	[tilespmem:s12], [sflag:$0x2] =	stream.linear.gather [hbm4b:s17+s2], $0x80, $0x38;
	[tilespmem:$0x580] =	vst v63  }
0x49: {  	_ =	swait.ge [sflag:s11], $0x80  }
0x4a: {  	[sflag:s11] =	ssyncset.done $0x0  }
0x4b: {  	[sflag:s11] =	ssyncadd.s32 $0xFFFFFF80  }
0x4c: {  	[tilespmem:s13], [sflag:$0x1] =	stream.indirect.gather [hbm4b:s4+s12], $0x1, s2, s12, $0xb8;
	[tilespmem:$0x580] =	vst v63  }
0x4d: {  	_ =	swait.ge [sflag:s14], $0x80  }
.Ltmp0:
0x4e: {  	[sflag:s14] =	ssyncset.done $0x0;
	(pc) =	sbr.rel @p0 .LBB2_2-.Ltmp0, $4  }
0x4f: {  	[sflag:s14] =	ssyncadd.s32 $0xFFFFFF80  }
0x50: {  	[spmem:s1] =	stream.indirect.scatter.add.f32 [tilespmem:s13], [sflag:$0x2], $0x1, s12, s12, $0xb8;
	[tilespmem:$0x580] =	vst v63  }
0x51: {  	_ =	swait.ge [sflag:s11], $0x80  }
0x52: {  	s17 =	smov.u32 s20;
	[sflag:s11] =	ssyncset.done $0x0  }
0x53: {  	s17 =	sadd.s32 s16, s9;
	[sflag:s11] =	ssyncadd.s32 $0xFFFFFF80  }
0x54: {  	[tilespmem:s2], [sflag:$0x2] =	stream.linear.gather [hbm4b:s17+s2], $0x80, $0x38;
	[tilespmem:$0x580] =	vst v63  }
0x55: {  	_ =	swait.ge [sflag:s11], $0x80  }
0x56: {  	[sflag:s11] =	ssyncset.done $0x0  }
0x57: {  	s31 =	sadd.s32 s16, s8;
	[sflag:s11] =	ssyncadd.s32 $0xFFFFFF80  }
0x58: {  	[tilespmem:s12], [sflag:$0x2] =	stream.linear.gather [hbm4b:s31+s2], $0x80, $0x38;
	[tilespmem:$0x580] =	vst v63  }
0x59: {  	_ =	swait.ge [sflag:s11], $0x80  }
0x5a: {  	[sflag:s11] =	ssyncset.done $0x0  }
0x5b: {  	[sflag:s11] =	ssyncadd.s32 $0xFFFFFF80  }
0x5c: {  	[tilespmem:s13], [sflag:$0x1] =	stream.indirect.gather [hbm4b:s4+s12], $0x1, s2, s12, $0xb8;
	[tilespmem:$0x580] =	vst v63  }
0x5d: {  	_ =	swait.ge [sflag:s14], $0x80  }
0x5e: {  	[sflag:s14] =	ssyncset.done $0x0  }
0x5f: {  	[sflag:s14] =	ssyncadd.s32 $0xFFFFFF80  }
0x60: {  	[spmem:s1] =	stream.indirect.scatter.add.f32 [tilespmem:s13], [sflag:$0x2], $0x1, s12, s12, $0xb8;
	[tilespmem:$0x580] =	vst v63  }
0x61: {  	_ =	swait.ge [sflag:s11], $0x80  }
0x62: {  	[sflag:s11] =	ssyncset.done $0x0  }
0x63: {  	[sflag:s11] =	ssyncadd.s32 $0xFFFFFF80  }
0x64: {  	[bflag:$0x0] =	sbarrier.arrive $0xFFFF  }
0x65: {  	[tilespmem:s10], [sflag:$0x2] =	stream.linear.gather [spmem:s5], $0x200, $0x38;
	[tilespmem:$0x580] =	vst v63  }
0x66: {  	s15 =	sadd.s32 $0x1, s15;
	_ =	swait.ge [sflag:s11], $0x200  }
0x67: {  	p0 =	sne.s32 s15, s7;
	[sflag:s11] =	ssyncset.done $0x0  }
.Ltmp1:
0x68: {  	[sflag:s11] =	ssyncadd.s32 $0xFFFFFE00;
	(pc) =	sbr.rel @p0 .LBB2_1-.Ltmp1, $4  }
0x69: {  	[hbm4b:s6+s2] =	stream.linear.scatter [tilespmem:s10], [sflag:$0x2], $0x200, $0x38;
	[tilespmem:$0x580] =	vst v63  }
0x6a: {  	_ =	swait.ge [sflag:s11], $0x200  }
0x6b: {  	[sflag:s11] =	ssyncset.done $0x0  }
0x6c: {  	[sflag:s11] =	ssyncadd.s32 $0xFFFFFE00  }
0x6d: {  	_ =	sfence.sel $0x180000  }
0x6e: {  	[bflag:$0x0] =	sbarrier.arrive $0xFFFF  }
0x6f: {  	p0 =	sne.s32 s3, $0x0;
	_ =	strace $0x90000056  }
0x70: {  	s0 =	sadd.s32 @!p0 $0x100000, s0;
	[bflag:$0x2] =	sbarrier.arrive $0xFFFF  }
0x71: {  	[sflag:s0] =	ssyncadd.tile.s32 @!p0 $0x1;
	_ =	shalt  }
.Lfunc_end2:
_tile_overlayer_lowered:
.L_overlay_start_2:
0x72: {  	(tag) =	ssettag $0x2  }
0x73: {  	s0 =	rddreg [dreg:$0x0];
	s2 =	stileid.u32  }
0x74: {  	s1 =	rddreg [dreg:$0x1];
	p0 =	sne.s32 s2, $0x0  }
0x75: {  	s3 =	rddreg [dreg:$0x2];
	[bflag:$0x3] =	sbarrier.arrive $0xFFFF;
	s2 =	simm.s32 @!p0 $0x1C02  }
0x76: {  	[timem:s3], [sflag:s2] =	dma.local @!p0 [hbm:s0], s1  }
0x77: {  	s0 =	simm.s32 @!p0 $0x2  }
0x78: {  	_ =	swait.ge @!p0 [sflag:s0], s1  }
0x79: {  	s1 =	ssub.s32 @!p0 $0x0, s1;
	[sflag:s0] =	ssyncset.done @!p0 $0x0  }
0x7a: {  	[sflag:s0] =	ssyncadd.s32 @!p0 s1  }
0x7b: {  	[bflag:$0x3] =	sbarrier.arrive $0xFFFF  }
0x7c: {  	_ =	shalt  }

// kernel: kernel.34.cloned.1.call-start
scs
__scs_entry_jumppad:
0x0: {  	(pc) =	sbr.rel $0x88, $3  }
0x1: {  	(tag) =	ssettag $0x0;
	lr =	simm.s32 $0x1  }
0x2: {  	[smem:$0x3F91] =	sst lr;
	_ =	strace $0xD0000000  }
0x3: {  	_ = 	snop  }
0x4: {  	_ = 	snop  }
0x5: {  	_ = 	snop  }
0x6: {  	_ = 	snop  }
0x7: {  	_ = 	snop  }
__scs_overlays_trampoline_lowered:
0x8: {  	[smem:$0x3FA0] =	sst s0  }
0x9: {  	[smem:$0x3FA1] =	sst s1  }
0xa: {  	[smem:$0x3FA2] =	sst s2  }
0xb: {  	[smem:$0x3FA3] =	sst s3  }
0xc: {  	[smem:$0x3FA4] =	sst s4  }
0xd: {  	[smem:$0x3FA5] =	sst s5  }
0xe: {  	[smem:$0x3FA6] =	sst s6  }
0xf: {  	[smem:$0x3FA7] =	sst s7  }
0x10: {  	[smem:$0x3FA8] =	sst s8  }
0x11: {  	[smem:$0x3FA9] =	sst s9;
	s0 =	simm.s32 @!p0 $0x0  }
0x12: {  	s1 =	sld [smem:$0x3F8F];
	s0 =	simm.s32 @p0 $0x1  }
0x13: {  	[smem:$0x3FAA] =	sst s0;
	s0 =	simm.s32 @!p1 $0x0  }
0x14: {  	s2 =	sld [smem:$0x3F8E];
	s0 =	simm.s32 @p1 $0x1  }
0x15: {  	[smem:$0x3FAB] =	sst s0;
	s0 =	simm.s32 @!p2 $0x0  }
0x16: {  	s3 =	sld [smem:$0x3FDB];
	s0 =	simm.s32 @p2 $0x1  }
0x17: {  	s4 =	simm.s32 $0x1BF5;
	[smem:$0x3FAD] =	sst s0  }
0x18: {  	s0 =	sld [smem:$0x3F90];
	_ =	swait.ge [sflag:s4], $0x0  }
0x19: {  	s7 =	sld [smem:$0x3F91]  }
0x1a: {  	s8 =	sadd.s32 $0xFFFFE003, lr  }
0x1b: {  	s9 =	sadd.s32 $0xFFFFFEF7, lr;
	s5 =	simm.s32 $0xFFFFFFFF;
	p2 =	slt.u32 s8, $0xFFFFF086  }
0x1c: {  	p1 =	slt.u32 s9, $0xF7A;
	s5 =	simm.s32 @!p2 $0x0  }
0x1d: {  	s5 =	simm.s32 @p1 $0x1;
	p0 =	seq.s32 s7, s2  }
0x1e: {  	s7 =	smul.u32 @!p0 $0xF7A, s2;
	p2 =	seq.s32 @!p0 s5, $0x0  }
0x1f: {  	s9 =	smul.u32 $0xF7A, s1;
	s8 =	simm.s32 @!p0 $0x1BF5;
	p2 =	por !p2, p0  }
0x20: {  	[sflag:s8] =	ssyncset.s32 @!p0 $0xFFFFF086;
	s6 =	sadd.s32 @!p0 s3, s7;
	s7 =	simm.s32 @!p0 $0x108  }
0x21: {  	s3 =	sadd.s32 s3, s9;
	s6 =	sadd.s32 @!p0 $0x88, s6;
	s7 =	simm.s32 @p2 $0x1082  }
0x22: {  	[simem:s7], [sflag:s8] =	dma.local @!p0 [hbm:s6], $0xF7A  }
0x23: {  	s9 =	sor.u32 $0xD0000000, s2;
	s6 =	simm.s32 $0x108;
	_ =	swait.ge @!p0 [sflag:s8], $0x0  }
0x24: {  	s3 =	sadd.s32 $0x88, s3;
	s6 =	simm.s32 @!p1 $0x1082;
	[sflag:s4] =	ssyncset.s32 $0xFFFFF086  }
0x25: {  	[simem:s6], [sflag:s4] =	dma.local [hbm:s3], $0xF7A  }
0x26: {  	[smem:$0x3F91] =	sst s1;
	(tag) =	ssettag s2;
	_ =	strace s9  }
0x27: {  	s1 =	sld [smem:$0x3FA1]  }
0x28: {  	s2 =	sld [smem:$0x3FA2]  }
0x29: {  	s4 =	sld [smem:$0x3FA4]  }
0x2a: {  	p0 =	seq.s32 s5, $0x0;
	s5 =	sld [smem:$0x3FA5]  }
0x2b: {  	s6 =	sld [smem:$0x3FA6]  }
0x2c: {  	s7 =	sld [smem:$0x3FA7]  }
0x2d: {  	s3 =	simm.s32 $0x108;
	s8 =	sld [smem:$0x3FA8]  }
0x2e: {  	s3 =	simm.s32 @!p0 $0x1082;
	s9 =	sld [smem:$0x3FA9]  }
0x2f: {  	lr =	sadd.s32 s0, s3;
	s0 =	sld [smem:$0x3FA0]  }
0x30: {  	s3 =	sld [smem:$0x3FA3]  }
0x31: {  	[smem:$0x3FAC] =	sst s10  }
0x32: {  	s10 =	sld [smem:$0x3FAA];
	_ =	sdelay $0x3  }
0x33: {  	p0 =	seq.s32 s10, $0x1;
	s10 =	sld [smem:$0x3FAC];
	_ =	sdelay $0x3  }
0x34: {  	[smem:$0x3FAC] =	sst s10  }
0x35: {  	s10 =	sld [smem:$0x3FAB];
	_ =	sdelay $0x3  }
0x36: {  	p1 =	seq.s32 s10, $0x1;
	s10 =	sld [smem:$0x3FAC];
	_ =	sdelay $0x3  }
0x37: {  	[smem:$0x3FAC] =	sst s10  }
0x38: {  	s10 =	sld [smem:$0x3FAD]  }
0x39: {  	_ = 	snop;
	(pc) =	sbr.ind lr, $3  }
0x3a: {  	_ = 	snop  }
0x3b: {  	_ = 	snop  }
0x3c: {  	p2 =	seq.s32 s10, $0x1;
	s10 =	sld [smem:$0x3FAC]  }
0x3d: {  	_ =	shalt  }
0x3e: {  	_ =	shalt  }
0x3f: {  	_ =	shalt  }
0x40: {  	_ =	shalt  }
0x41: {  	_ =	shalt  }
0x42: {  	_ =	shalt  }
0x43: {  	_ =	shalt  }
0x44: {  	_ =	shalt  }
0x45: {  	_ =	shalt  }
0x46: {  	_ =	shalt  }
0x47: {  	_ =	shalt  }
0x48: {  	_ =	shalt  }
0x49: {  	_ =	shalt  }
0x4a: {  	_ =	shalt  }
0x4b: {  	_ =	shalt  }
0x4c: {  	_ =	shalt  }
0x4d: {  	_ =	shalt  }
0x4e: {  	_ =	shalt  }
0x4f: {  	_ =	shalt  }
0x50: {  	_ =	shalt  }
0x51: {  	_ =	shalt  }
0x52: {  	_ =	shalt  }
0x53: {  	_ =	shalt  }
0x54: {  	_ =	shalt  }
0x55: {  	_ =	shalt  }
0x56: {  	_ =	shalt  }
0x57: {  	_ =	shalt  }
0x58: {  	_ =	shalt  }
0x59: {  	_ =	shalt  }
0x5a: {  	_ =	shalt  }
0x5b: {  	_ =	shalt  }
0x5c: {  	_ =	shalt  }
0x5d: {  	_ =	shalt  }
0x5e: {  	_ =	shalt  }
0x5f: {  	_ =	shalt  }
0x60: {  	_ =	shalt  }
0x61: {  	_ =	shalt  }
0x62: {  	_ =	shalt  }
0x63: {  	_ =	shalt  }
0x64: {  	_ =	shalt  }
0x65: {  	_ =	shalt  }
0x66: {  	_ =	shalt  }
0x67: {  	_ =	shalt  }
0x68: {  	_ =	shalt  }
0x69: {  	_ =	shalt  }
0x6a: {  	_ =	shalt  }
0x6b: {  	_ =	shalt  }
0x6c: {  	_ =	shalt  }
0x6d: {  	_ =	shalt  }
0x6e: {  	_ =	shalt  }
0x6f: {  	_ =	shalt  }
0x70: {  	_ =	shalt  }
0x71: {  	_ =	shalt  }
0x72: {  	_ =	shalt  }
0x73: {  	_ =	shalt  }
0x74: {  	_ =	shalt  }
0x75: {  	_ =	shalt  }
0x76: {  	_ =	shalt  }
0x77: {  	_ =	shalt  }
0x78: {  	_ =	shalt  }
0x79: {  	_ =	shalt  }
0x7a: {  	_ =	shalt  }
0x7b: {  	_ =	shalt  }
0x7c: {  	_ =	shalt  }
0x7d: {  	_ =	shalt  }
0x7e: {  	_ =	shalt  }
0x7f: {  	_ =	shalt  }
0x80: {  	_ =	shalt  }
0x81: {  	_ =	shalt  }
0x82: {  	_ =	shalt  }
0x83: {  	_ =	shalt  }
0x84: {  	_ =	shalt  }
0x85: {  	_ =	shalt  }
0x86: {  	_ =	shalt  }
0x87: {  	_ =	shalt  }
.Lfunc_end0:
.L_simem_size_0:
called_computation.6_lowered:
.L_overlay_start_0:
0x88: {  	s2 =	sld [smem:$0x3FD9]  }
0x89: {  	s3 =	sld [smem:$0x3FFE];
	_ =	sdelay $0x1  }
0x8a: {  	s1 =	srdreg.scid  }
0x8b: {  	s0 =	sand.u32 $0x1, s1  }
0x8c: {  	s14 =	sshll.u32 s0, $0xA;
	s2 =	sadd.s32 s3, s2  }
0x8d: {  	s2 =	sadd.s32 s2, s14  }
0x8e: {  	[smem:$0x3FB8] =	sst s2  }
0x8f: {  	_ = 	snop  }
0x90: {  	s2 =	sld [smem:$0x3FD0];
	_ =	sdelay $0x2  }
0x91: {  	s15 =	simm.s32 $0xA;
	s4 =	simm.s32 $0x10  }
0x92: {  	[smem:s4], [sflag:s15] =	dma.local [hbm:s2], $0x1  }
0x93: {  	_ =	swait.eq [sflag:s15], $0x1  }
0x94: {  	[sflag:s15] =	ssyncset.done $0x0  }
0x95: {  	[sflag:s15] =	ssyncadd.s32 $0xFFFFFFFF  }
0x96: {  	s16 =	sld [smem:$0x10];
	(tm) =	ssettm $0x1  }
0x97: {  	s17 =	sld [smem:$0x3FFB];
	_ =	sdelay $0x3  }
0x98: {  	_ =	strace s17  }
0x99: {  	s3 =	sld [smem:$0x3FFC];
	_ =	sdelay $0x3  }
0x9a: {  	_ =	strace s3  }
0x9b: {  	s3 =	sld [smem:$0x3FFD];
	_ =	sdelay $0x3  }
0x9c: {  	_ =	strace s3  }
0x9d: {  	_ =	strace $0x8FFFFFFF  }
0x9e: {  	s18 =	sld [smem:$0x3FDB];
	_ =	sdelay $0x1  }
0x9f: {  	s19 =	simm.s32 $_scs_section_size  }
0xa0: {  	s5 =	simm.s32 $_size__tile_overlayer_lowered;
	s6 =	simm.s32 $_tile_overlayer_lowered  }
0xa1: {  	s22 =	simm.s32 $0x1BFF;
	s21 =	sshll.u32 s6, $0x1;
	s3 =	sadd.s32 s19, s18  }
0xa2: {  	s7 =	simm.s32 $0x0;
	s20 =	sshll.u32 s5, $0x1;
	s5 =	sadd.s32 s21, s3  }
0xa3: {  	[timem:s7], [sflag:s22] =	dma.local [hbm:s5], s20  }
0xa4: {  	_ =	swait.ge [sflag:s22], s20  }
0xa5: {  	s4 =	ssub.s32 $0x0, s20;
	[sflag:s22] =	ssyncset.done $0x0  }
0xa6: {  	[sflag:s22] =	ssyncadd.s32 s4;
	_ =	sdelay $0x1  }
0xa7: {  	s23 =	simm.s32 $0x1B8B  }
0xa8: {  	_ =	swait.ge [sflag:s23], $0x1  }
0xa9: {  	[sflag:s23] =	ssyncset.done $0x0  }
0xaa: {  	s25 =	simm.s32 $0x1B8E;
	s24 =	sld [smem:$0x3FFE];
	[sflag:s23] =	ssyncadd.s32 $0xFFFFFFFF  }
0xab: {  	s26 =	simm.s32 $execute0_lowered;
	[smem:$0x3FD2] =	sst s25  }
0xac: {  	s5 =	sshll.u32 s26, $0x1;
	_ =	strace $0x80000058;
	[dreg:$0x1] =	wrdreg $0xFFFFFFFF  }
0xad: {  	s28 =	simm.s32 $_size_execute0_lowered;
	s3 =	sadd.s32 s3, s5;
	[dreg:$0x0] =	wrdreg $0x0  }
0xae: {  	s5 =	sshll.u32 s28, $0x1;
	[dreg:$0x2] =	wrdreg s3  }
0xaf: {  	[dreg:$0x3] =	wrdreg s5  }
0xb0: {  	[dreg:$0x4] =	wrdreg $0xC0  }
0xb1: {  	_ =	task [dreg:s7], $0x5FFFF  }
0xb2: {  	[dreg:$0x1] =	wrdreg $0xFFFFFFFF  }
0xb3: {  	[dreg:$0x0] =	wrdreg $0x60  }
0xb4: {  	[dreg:$0x2] =	wrdreg s24  }
0xb5: {  	[dreg:$0x3] =	wrdreg s16  }
0xb6: {  	[dreg:$0x4] =	wrdreg $0x9  }
0xb7: {  	_ =	task.clear_ibuf [dreg:s7], $0x5FFFF;
	_ =	strace $0x90000058  }
0xb8: {  	s29 =	simm.s32 $0x9;
	_ =	strace $0x8000005A  }
0xb9: {  	_ =	swait.ge [sflag:s29], $0x1  }
0xba: {  	[sflag:s29] =	ssyncadd.s32 $0xFFFFFFFF  }
0xbb: {  	_ =	strace $0x9000005A  }
0xbc: {  	_ =	sfence  }
0xbd: {  	s30 =	sld [smem:$0x0];
	_ =	sdelay $0x2  }
0xbe: {  	s31 =	sshll.u32 s1, $0xD;
	s1 =	sshrl.u32 s1, $0x2  }
0xbf: {  	s3 =	sand.u32 $0x4000, s31;
	s1 =	sadd.s32 s1, s30  }
0xc0: {  	s0 =	sor.u32 s3, s0;
	s1 =	sshll.u32 s1, $0x11  }
0xc1: {  	s0 =	sor.u32 s1, s0  }
0xc2: {  	s0 =	sadd.s32 $0x8F2B, s0  }
0xc3: {  	[sflag:s0] =	ssyncadd.remote.s32 $0x1  }
0xc4: {  	_ =	sfence.sel $0xFFFF  }
0xc5: {  	[dreg:$0x0] =	wrdreg $0xFFFFFFFF;
	(pc) =	sbr.abs _section_cstart, $3  }
0xc6: {  	[dreg:$0x1] =	wrdreg $0xFFFFFFFF  }
0xc7: {  	_ =	task.clear_ibuf [dreg:s7], $0x2FFFF;
	_ =	strace $0x9FFFFFFF  }
0xc8: {  	(tm) =	ssettm $0x7FFFFFFF  }
0xc9: {  	_ =	shalt  }
tec
execute0_lowered:
.L_overlay_start_1:
0x0: {  	(tag) =	ssettag $0x1  }
0x1: {  	s1 =	srdreg.scid  }
0x2: {  	s7 =	rddreg [dreg:$0x0];
	s0 =	stileid.u32;
	s10 =	sand.u32 $0x1, s1  }
0x3: {  	s9 =	rddreg [dreg:$0x1];
	s4 =	sshll.u32 s0, $0x8;
	s3 =	sshll.u32 s10, $0xC  }
0x4: {  	s2 =	simm.s32 $0x0;
	s1 =	rddreg [dreg:$0x2];
	s11 =	sor.u32 s4, s3  }
0x5: {  	[smem:$0x7FF] =	sst s2;
	s3 =	sshrl.u32 s11, $0x3  }
0x6: {  	_ =	strace $0x80000059;
	s4 =	simm.s32 $0x2;
	s3 =	sadd.s32 s9, s3  }
0x7: {  	[tilespmem:s2], [sflag:$0x2] =	stream.linear.gather [hbm4b:s3+s2], $0x80, $0x38;
	[tilespmem:$0x4080] =	vst v63  }
0x8: {  	_ =	swait.ge [sflag:s4], $0x80  }
0x9: {  	s12 =	sadd.s32 $0x2C00, s7;
	s5 =	sshll.u32 s11, $0x4;
	[sflag:s4] =	ssyncset.done $0x0  }
0xa: {  	s6 =	simm.s32 $0x80;
	s5 =	sadd.s32 s12, s5;
	[sflag:s4] =	ssyncadd.s32 $0xFFFFFF80  }
0xb: {  	[tilespmem:s6], [sflag:$0x2] =	stream.linear.gather [hbm4b:s5+s2], $0x4000, $0x38;
	[tilespmem:$0x4080] =	vst v63  }
0xc: {  	_ =	swait.ge [sflag:s4], $0x4000  }
0xd: {  	[sflag:s4] =	ssyncset.done $0x0  }
0xe: {  	s8 =	sadd.s32 $0x22C00, s7;
	s7 =	simm.s32 $0x1;
	[sflag:s4] =	ssyncadd.s32 $0xFFFFC000  }
0xf: {  	[hbm4b:s8+s6] =	stream.indirect.scatter [tilespmem:s6], [sflag:$0x1], $0x80, s2, s6, $0xb8;
	[tilespmem:$0x4080] =	vst v63  }
0x10: {  	s11 =	sor.u32 $0x80, s11;
	_ =	swait.ge [sflag:s7], $0x4000  }
0x11: {  	s13 =	sshrl.u32 s11, $0x3;
	[sflag:s7] =	ssyncset.done $0x0  }
0x12: {  	s30 =	ssub.s32 $0x2, s10;
	s9 =	sadd.s32 s9, s13;
	[sflag:s7] =	ssyncadd.s32 $0xFFFFC000  }
0x13: {  	[tilespmem:s2], [sflag:$0x2] =	stream.linear.gather [hbm4b:s9+s2], $0x80, $0x38;
	[tilespmem:$0x4080] =	vst v63  }
0x14: {  	s31 =	sshrl.u32 s30, $0x1;
	s11 =	sshll.u32 s11, $0x4;
	_ =	swait.ge [sflag:s4], $0x80  }
0x15: {  	s10 =	sadd.s32 s12, s11;
	s11 =	ssub.s32 s30, s31;
	[sflag:s4] =	ssyncset.done $0x0  }
0x16: {  	s11 =	smax.u32 s11, $0x1;
	[sflag:s4] =	ssyncadd.s32 $0xFFFFFF80  }
0x17: {  	[tilespmem:s6], [sflag:$0x2] =	stream.linear.gather [hbm4b:s10+s2], $0x4000, $0x38;
	[tilespmem:$0x4080] =	vst v63  }
0x18: {  	p0 =	sne.s32 s11, $0x1;
	_ =	swait.ge [sflag:s4], $0x4000  }
.Ltmp0:
0x19: {  	[sflag:s4] =	ssyncset.done $0x0;
	(pc) =	sbr.rel @!p0 .LBB2_2-.Ltmp0, $4  }
0x1a: {  	[sflag:s4] =	ssyncadd.s32 $0xFFFFC000  }
0x1b: {  	[hbm4b:s8+s6] =	stream.indirect.scatter [tilespmem:s6], [sflag:$0x1], $0x80, s2, s6, $0xb8;
	[tilespmem:$0x4080] =	vst v63  }
0x1c: {  	_ =	swait.ge [sflag:s7], $0x4000  }
0x1d: {  	s11 =	sadd.s32 $0xFFFFFFFF, s11;
	[sflag:s7] =	ssyncset.done $0x0  }
.LBB2_1:
0x1e: {  	p0 =	sne.s32 s11, $0x1;
	s11 =	sadd.s32 $0xFFFFFFFF, s11;
	[sflag:s7] =	ssyncadd.s32 $0xFFFFC000  }
0x1f: {  	[tilespmem:s2], [sflag:$0x2] =	stream.linear.gather [hbm4b:s3+s2], $0x80, $0x38;
	[tilespmem:$0x4080] =	vst v63  }
0x20: {  	_ =	swait.ge [sflag:s4], $0x80  }
0x21: {  	[sflag:s4] =	ssyncset.done $0x0  }
0x22: {  	[sflag:s4] =	ssyncadd.s32 $0xFFFFFF80  }
0x23: {  	[tilespmem:s6], [sflag:$0x2] =	stream.linear.gather [hbm4b:s5+s2], $0x4000, $0x38;
	[tilespmem:$0x4080] =	vst v63  }
0x24: {  	_ =	swait.ge [sflag:s4], $0x4000  }
0x25: {  	[sflag:s4] =	ssyncset.done $0x0  }
0x26: {  	[sflag:s4] =	ssyncadd.s32 $0xFFFFC000  }
0x27: {  	[hbm4b:s8+s6] =	stream.indirect.scatter [tilespmem:s6], [sflag:$0x1], $0x80, s2, s6, $0xb8;
	[tilespmem:$0x4080] =	vst v63  }
0x28: {  	_ =	swait.ge [sflag:s7], $0x4000  }
0x29: {  	[sflag:s7] =	ssyncset.done $0x0  }
0x2a: {  	[sflag:s7] =	ssyncadd.s32 $0xFFFFC000  }
0x2b: {  	[tilespmem:s2], [sflag:$0x2] =	stream.linear.gather [hbm4b:s9+s2], $0x80, $0x38;
	[tilespmem:$0x4080] =	vst v63  }
0x2c: {  	_ =	swait.ge [sflag:s4], $0x80  }
0x2d: {  	[sflag:s4] =	ssyncset.done $0x0  }
0x2e: {  	[sflag:s4] =	ssyncadd.s32 $0xFFFFFF80  }
0x2f: {  	[tilespmem:s6], [sflag:$0x2] =	stream.linear.gather [hbm4b:s10+s2], $0x4000, $0x38;
	[tilespmem:$0x4080] =	vst v63  }
0x30: {  	_ =	swait.ge [sflag:s4], $0x4000  }
.Ltmp1:
0x31: {  	[sflag:s4] =	ssyncset.done $0x0;
	(pc) =	sbr.rel @p0 .LBB2_1-.Ltmp1, $4  }
0x32: {  	[sflag:s4] =	ssyncadd.s32 $0xFFFFC000  }
0x33: {  	[hbm4b:s8+s6] =	stream.indirect.scatter [tilespmem:s6], [sflag:$0x1], $0x80, s2, s6, $0xb8;
	[tilespmem:$0x4080] =	vst v63  }
0x34: {  	_ =	swait.ge [sflag:s7], $0x4000  }
0x35: {  	[sflag:s7] =	ssyncset.done $0x0  }
.LBB2_2:
0x36: {  	[sflag:s7] =	ssyncadd.s32 $0xFFFFC000  }
0x37: {  	_ =	sfence.sel $0x180000  }
0x38: {  	[bflag:$0x0] =	sbarrier.arrive $0xFFFF  }
0x39: {  	p0 =	sne.s32 s0, $0x0;
	_ =	strace $0x90000059  }
0x3a: {  	s0 =	sadd.s32 @!p0 $0x100000, s1;
	[bflag:$0x2] =	sbarrier.arrive $0xFFFF  }
0x3b: {  	[sflag:s0] =	ssyncadd.tile.s32 @!p0 $0x1;
	_ =	shalt  }
.Lfunc_end2:
_tile_overlayer_lowered:
.L_overlay_start_2:
0x3c: {  	(tag) =	ssettag $0x2  }
0x3d: {  	s0 =	rddreg [dreg:$0x0];
	s2 =	stileid.u32  }
0x3e: {  	s1 =	rddreg [dreg:$0x1];
	p0 =	sne.s32 s2, $0x0  }
0x3f: {  	s3 =	rddreg [dreg:$0x2];
	[bflag:$0x3] =	sbarrier.arrive $0xFFFF;
	s2 =	simm.s32 @!p0 $0x1C02  }
0x40: {  	[timem:s3], [sflag:s2] =	dma.local @!p0 [hbm:s0], s1  }
0x41: {  	s0 =	simm.s32 @!p0 $0x2  }
0x42: {  	_ =	swait.ge @!p0 [sflag:s0], s1  }
0x43: {  	s1 =	ssub.s32 @!p0 $0x0, s1;
	[sflag:s0] =	ssyncset.done @!p0 $0x0  }
0x44: {  	[sflag:s0] =	ssyncadd.s32 @!p0 s1  }
0x45: {  	[bflag:$0x3] =	sbarrier.arrive $0xFFFF  }
0x46: {  	_ =	shalt  }

</sc_bundles>
